<compile_context>
chip_gen: v7x
topology: tpu7x:2x2x1
jax: 0.10.2.dev20260603
libtpu: 0.0.44.dev20260713+nightly
codegen_flags: <defaults>
</compile_context>

<pallas_src>
import functools

import jax
import jax.numpy as jnp
from jax import lax
from jax.experimental import pallas as pl
from jax.experimental.pallas import tpu as pltpu
from jax.experimental.pallas import tpu_sc as plsc

_NEG_INF = float("-inf")
_BIG_I32 = 1 << 30



def _maxima_body(x0_ref, x1_ref, x2_ref, x3_ref, rm_ref, t_ref, hm_ref,
                 bm_ref, mc_ref):
    for q, xq in enumerate((x0_ref, x1_ref, x2_ref, x3_ref)):
        for gq in range(16):
            g = q * 16 + gq
            blk = xq[0, 0, gq * 128:(gq + 1) * 128, :]
            hm_ref[0, g * 128:(g + 1) * 128, :] = blk
            mc_ref[:, g:g + 1] = jnp.max(blk, axis=1, keepdims=True)
            bm_ref[g:g + 1, :] = jnp.max(blk, axis=0, keepdims=True)
    rm_ref[0, :, :] = jnp.transpose(mc_ref[:, :], (1, 0))

    bm = bm_ref[:, :]
    cnt0 = jnp.sum(jnp.where(bm >= 0.0, 1.0, 0.0))
    t = jnp.where(cnt0 >= 100.0, jnp.int32(0), jnp.int32(-2147483647 - 1))
    for b in range(30, 16, -1):
        cand = t | jnp.int32(1 << b)
        fbits = jnp.where(cand >= 0, cand, cand ^ jnp.int32(0x7FFFFFFF))
        tf = lax.bitcast_convert_type(fbits, jnp.float32)
        cnt = jnp.sum(jnp.where(bm >= tf, 1.0, 0.0))
        t = jnp.where(cnt >= 100.0, cand, t)
    fbits = jnp.where(t >= 0, t, t ^ jnp.int32(0x7FFFFFFF))
    tf = lax.bitcast_convert_type(fbits, jnp.float32)
    t_ref[0, 0:1, :] = jnp.full((1, 128), 1.0, jnp.float32) * tf


def _run_maxima(x):
    n = x.shape[0]
    return pl.pallas_call(
        _maxima_body,
        grid=(n,),
        in_specs=[pl.BlockSpec((1, 1, 2048, 128), lambda i, q=q: (i, q, 0, 0))
                  for q in range(4)],
        out_specs=[
            pl.BlockSpec((1, 64, 128), lambda i: (i, 0, 0)),
            pl.BlockSpec((1, 1, 128), lambda i: (i, 0, 0)),
            pl.BlockSpec((1, 8192, 128), lambda i: (i, 0, 0)),
        ],
        out_shape=[
            jax.ShapeDtypeStruct((n, 64, 128), jnp.float32),
            jax.ShapeDtypeStruct((n, 1, 128), jnp.float32),
            jax.ShapeDtypeStruct((n, 8192, 128), jnp.float32),
        ],
        scratch_shapes=[pltpu.VMEM((64, 128), jnp.float32),
                        pltpu.VMEM((128, 64), jnp.float32)],
    )(x, x, x, x)



_NBLK = 8192
_BCAP = 512
_CCAP = 1024
_CHUNK = 128


def _splat_i32(s):
    return jnp.full((16,), s, dtype=jnp.int32)


def _mask_count(m):
    pc = plsc.all_reduce_population_count(m)
    return lax.convert_element_type(jnp.max(pc.astype(jnp.float32)), jnp.int32)


def _max_i32(v):
    return lax.convert_element_type(jnp.max(v.astype(jnp.float32)), jnp.int32)


def _splat_f32(s):
    return jnp.full((16,), s, dtype=jnp.float32)


def _sc_body(mx_hbm, t_hbm, tab_hbm, sc_out, kp_out,
             mx_v, t_v, bid_v, gidx_v, gbuf_v, sval_v, sflat_v,
             cval_v, cflat_v, rval_v, rflat_v, okp_v, sem):
    w = lax.axis_index("s") * 2 + lax.axis_index("c")

    @pl.when(w < 16)
    def _():
        img = w
        iota = lax.iota(jnp.int32, 16)

        pltpu.sync_copy(mx_hbm.at[img], mx_v)
        pltpu.sync_copy(t_hbm, t_v)
        tv16 = t_v[pl.ds(0, 16)]
        tsc = jnp.max(jnp.where(iota == img, tv16, _NEG_INF))
        tvec = _splat_f32(0.0) + tsc

        def init_slots(j, _):
            sval_v[pl.ds(j * 16, 16)] = _splat_f32(_NEG_INF)
            return 0
        lax.fori_loop(0, (_BCAP * 16 + 16) // 16, init_slots, 0)

        def init_cands(j, _):
            cval_v[pl.ds(j * 16, 16)] = _splat_f32(_NEG_INF)
            cflat_v[pl.ds(j * 16, 16)] = _splat_i32(_BIG_I32)
            return 0
        lax.fori_loop(0, (_CCAP + 16) // 16, init_cands, 0)

        for j in range(8):
            rval_v[pl.ds(j * 16, 16)] = _splat_f32(0.0)
            rflat_v[pl.ds(j * 16, 16)] = _splat_i32(0)

        def collect(j, cnt):
            v = mx_v[pl.ds(j * 16, 16)]
            m = (v >= tvec) & (_splat_i32(cnt) < _BCAP - 16)
            plsc.store_compressed(bid_v.at[pl.ds(cnt, 16)], j * 16 + iota, mask=m)
            return cnt + _mask_count(m)

        cnt = lax.fori_loop(0, _NBLK // 16, collect, jnp.int32(0))

        def rid_fn(j, _):
            b = bid_v[pl.ds(j * 16, 16)]
            ok = (j * 16 + iota) < _splat_i32(cnt)
            gidx_v[pl.ds(j * 16, 16)] = jnp.where(ok, b, 0) + img * _NBLK
            return 0
        lax.fori_loop(0, _BCAP // 16, rid_fn, 0)

        for c in range(_BCAP // _CHUNK):
            @pl.when(cnt > c * _CHUNK)
            def _():
                pltpu.async_copy(
                    tab_hbm.at[gidx_v.at[pl.ds(c * _CHUNK, _CHUNK)]],
                    gbuf_v, sem).wait()

                def row_fn(r, _):
                    gpos = c * _CHUNK + r
                    brow = plsc.load_gather(bid_v, [iota * 0 + gpos])
                    valid_r = gpos < cnt
                    fb = brow * 128
                    offv = _splat_i32(0)
                    for s in range(8):
                        v = gbuf_v[r, pl.ds(s * 16, 16)]
                        m = (v >= tvec) & jnp.full((16,), valid_r)
                        pc = plsc.all_reduce_population_count(m)
                        m = m & ((offv + pc) <= 16)
                        adv = jnp.where((offv + pc) <= 16, pc, 0)
                        off_s = _max_i32(offv)
                        base = gpos * 16 + off_s
                        plsc.store_compressed(
                            sval_v.at[pl.ds(base, 16)], v, mask=m)
                        plsc.store_compressed(
                            sflat_v.at[pl.ds(base, 16)],
                            fb + s * 16 + iota, mask=m)
                        offv = offv + adv
                    return 0
                lax.fori_loop(0, _CHUNK, row_fn, 0)

        rows_used = jnp.minimum(cnt, _BCAP)

        def compact(q, ccnt):
            v = sval_v[pl.ds(q * 16, 16)]
            f = sflat_v[pl.ds(q * 16, 16)]
            m = (v > _splat_f32(_NEG_INF)) & (_splat_i32(ccnt) < _CCAP - 16)
            plsc.store_compressed(cval_v.at[pl.ds(ccnt, 16)], v, mask=m)
            plsc.store_compressed(cflat_v.at[pl.ds(ccnt, 16)], f, mask=m)
            return ccnt + _mask_count(m)

        ccnt = lax.fori_loop(0, rows_used, compact, jnp.int32(0))
        nvec = (ccnt + 15) >> 4

        def select(it, _):
            def p1(j, vm):
                return jnp.maximum(vm, cval_v[pl.ds(j * 16, 16)])
            vm = lax.fori_loop(0, nvec, p1, _splat_f32(_NEG_INF))
            m = jnp.max(vm)

            def p2(j, fm):
                v = cval_v[pl.ds(j * 16, 16)]
                f = cflat_v[pl.ds(j * 16, 16)]
                ff = f.astype(jnp.float32)
                return jnp.minimum(fm, jnp.where(v == _splat_f32(m), ff,
                                                 float(_BIG_I32)))
            fm = lax.fori_loop(0, nvec, p2, _splat_f32(float(_BIG_I32)))
            fsel = lax.convert_element_type(jnp.min(fm), jnp.int32)

            jw = (it >> 4) * 16
            lane = it & 15
            rv = rval_v[pl.ds(jw, 16)]
            rval_v[pl.ds(jw, 16)] = jnp.where(iota == lane, _splat_f32(m), rv)
            rf = rflat_v[pl.ds(jw, 16)]
            rflat_v[pl.ds(jw, 16)] = jnp.where(iota == lane, _splat_i32(fsel), rf)

            def p3(j, _):
                v = cval_v[pl.ds(j * 16, 16)]
                f = cflat_v[pl.ds(j * 16, 16)]
                hit = (v == _splat_f32(m)) & (f == _splat_i32(fsel))
                cval_v[pl.ds(j * 16, 16)] = jnp.where(hit, _NEG_INF, v)
                return 0
            lax.fori_loop(0, nvec, p3, 0)
            return 0

        lax.fori_loop(0, 100, select, 0)

        imgf = _splat_f32(0.0) + img.astype(jnp.float32)
        for j in range(8):
            f = rflat_v[pl.ds(j * 16, 16)]
            cls = (f >> 18).astype(jnp.float32)
            rem = f & ((1 << 18) - 1)
            yy = (rem >> 9).astype(jnp.float32)
            xx = (rem & 511).astype(jnp.float32)
            okp_v[0, pl.ds(j * 16, 16)] = imgf
            okp_v[1, pl.ds(j * 16, 16)] = xx
            okp_v[2, pl.ds(j * 16, 16)] = yy
            okp_v[3, pl.ds(j * 16, 16)] = cls

        pltpu.sync_copy(rval_v, sc_out.at[img])
        pltpu.sync_copy(okp_v, kp_out.at[img])


def _run_sc(maxima, tvals, table):
    mesh = plsc.VectorSubcoreMesh(core_axis_name="c", subcore_axis_name="s")
    kfn = functools.partial(
        pl.kernel,
        mesh=mesh,
        compiler_params=pltpu.CompilerParams(needs_layout_passes=False),
        out_type=[
            jax.ShapeDtypeStruct((16, 128), jnp.float32),
            jax.ShapeDtypeStruct((16, 4, 128), jnp.float32),
        ],
        scratch_types=[
            pltpu.VMEM((_NBLK,), jnp.float32),
            pltpu.VMEM((16,), jnp.float32),
            pltpu.VMEM((_BCAP,), jnp.int32),
            pltpu.VMEM((_BCAP,), jnp.int32),
            pltpu.VMEM((_CHUNK, 128), jnp.float32),
            pltpu.VMEM((_BCAP * 16 + 16,), jnp.float32),
            pltpu.VMEM((_BCAP * 16 + 16,), jnp.int32),
            pltpu.VMEM((_CCAP + 16,), jnp.float32),
            pltpu.VMEM((_CCAP + 16,), jnp.int32),
            pltpu.VMEM((128,), jnp.float32),
            pltpu.VMEM((128,), jnp.int32),
            pltpu.VMEM((4, 128), jnp.float32),
            pltpu.SemaphoreType.DMA,
        ],
    )(_sc_body)
    return kfn(maxima, tvals, table)


def kernel(heatmaps, k):
    n = heatmaps.shape[0]
    x = heatmaps.reshape(n, 4, 2048, 128)
    rm, tv, hm = _run_maxima(x)
    maxima = rm.reshape(n, 8192)
    tvals = tv[:, 0, 0]
    table = heatmaps.reshape(n * 8192, 128)
    scores, kp4 = _run_sc(maxima, tvals, table)
    heatmaps = hm.reshape(heatmaps.shape)
    conf = scores[:, :100].reshape(-1) + (jnp.asarray(k, jnp.float32) - 100.0)
    kp = jnp.transpose(kp4, (0, 2, 1))[:, :100, :].reshape(n * 100, 4)
    return (heatmaps, kp, conf)

# --- scband reference (transcript-rebuilt; emitter-appended) ---
"""Pipeline reference for scband-heatmap-detector-73349451481218 (READ-ONLY COPY).

The authoritative reference and input builder live on the scoring server;
editing this copy changes nothing except your own understanding.
"""

import jax, jax.numpy as jnp
import numpy as np


def setup_inputs(seed: int = 0) -> dict:
    key = jax.random.key(seed)
    heatmaps = jax.random.normal(key, (16, 4, 512, 512), dtype=jnp.float32)
    return {"heatmaps": heatmaps, "k": 100}


def reference(heatmaps, k):
    # Faithful port of HeatmapDetector with identity preprocessor and identity
    # heatmap_model; keypoints_extractor is the module's topk() method.
    num_images, num_classes, y_size, x_size = heatmaps.shape
    k_static = 100
    flat = heatmaps.reshape(num_images, -1)
    scores, topk_inds = jax.lax.top_k(flat, k_static)
    topk_inds = topk_inds.astype(jnp.float32)
    classes = jnp.floor(topk_inds / (y_size * x_size))
    topk_inds = topk_inds - classes * (y_size * x_size)
    y_coords = jnp.floor(topk_inds / x_size)
    topk_inds = topk_inds - y_coords * x_size
    x_coords = jnp.floor(topk_inds)
    keypoints = jnp.stack([x_coords, y_coords, classes], axis=-1)
    images_ids = jnp.repeat(jnp.arange(num_images), k_static).reshape(-1, 1).astype(jnp.float32)
    keypoints = jnp.concatenate([images_ids, keypoints.reshape(num_images * k_static, -1)], axis=1)
    confidences = scores.reshape(-1) + (jnp.asarray(k) - k_static).astype(jnp.float32)
    return (heatmaps, keypoints, confidences)

if __name__ == "__main__":
    import jax
    _d = setup_inputs()
    print(jax.jit(kernel)(*tuple(_d.values())))

</pallas_src>

<mosaic_0001>
#map = affine_map<(d0, d1) -> (0, 0)>
#map1 = affine_map<(d0, d1) -> (0)>
#map2 = affine_map<(d0, d1) -> (0, 0, 0)>
module attributes {stable_mosaic.version = 14 : i64} {
  func.func @_sc_body(%arg0: i32, %arg1: i32, %arg2: memref<16x8192xf32, #tpu.memory_space<hbm>>, %arg3: memref<16xf32, #tpu.memory_space<hbm>>, %arg4: memref<131072x128xf32, #tpu.memory_space<hbm>>, %arg5: memref<16x128xf32, #tpu.memory_space<hbm>>, %arg6: memref<16x4x128xf32, #tpu.memory_space<hbm>>, %arg7: memref<8192xf32, #tpu.memory_space<vmem>>, %arg8: memref<16xf32, #tpu.memory_space<vmem>>, %arg9: memref<512xi32, #tpu.memory_space<vmem>>, %arg10: memref<512xi32, #tpu.memory_space<vmem>>, %arg11: memref<128x128xf32, #tpu.memory_space<vmem>>, %arg12: memref<8208xf32, #tpu.memory_space<vmem>>, %arg13: memref<8208xi32, #tpu.memory_space<vmem>>, %arg14: memref<1040xf32, #tpu.memory_space<vmem>>, %arg15: memref<1040xi32, #tpu.memory_space<vmem>>, %arg16: memref<128xf32, #tpu.memory_space<vmem>>, %arg17: memref<128xi32, #tpu.memory_space<vmem>>, %arg18: memref<4x128xf32, #tpu.memory_space<vmem>>, %arg19: memref<!tpu.dma_semaphore, #tpu.memory_space<semaphore_mem>>) attributes {dimension_semantics = [#tpu.dimension_semantics<core_parallel>, #tpu.dimension_semantics<subcore_parallel>], iteration_bounds = array<i64: 2, 16>, scalar_prefetch = 0 : i64, scratch_operands = 13 : i64, tpu.core_type = #tpu.core_type<sc_vector_subcore>, window_params = [{transform_indices = #map}, {transform_indices = #map1}, {transform_indices = #map}, {transform_indices = #map}, {transform_indices = #map2}]} {
    %mul3A = arith.constant 2 : i32
    %mul3A_0 = arith.muli %arg1, %mul3A : i32
    %add3A = arith.addi %mul3A_0, %arg0 : i32
    %lt3A = arith.constant 16 : i32
    %lt3A_1 = arith.cmpi slt, %add3A, %lt3A : i32
    %convert_element_type3A = arith.extui %lt3A_1 : i1 to i32
    %cond3A = arith.constant 0 : i32
    %cond3A_2 = arith.cmpi ne, %convert_element_type3A, %cond3A : i32
    scf.if %cond3A_2 {
      %iota3A = tpu.iota {dimensions = array<i32: 0>} : vector<16xi32>
      "tpu.region"() ({
        %run_scoped3A = tpu.sem_alloc : memref<!tpu.dma_semaphore, #tpu.memory_space<semaphore_mem>>
        %dma_start3A = arith.constant 0 : i32
        %dma_start3A_411 = tpu.memref_slice %arg2[%add3A, %dma_start3A] : memref<16x8192xf32, #tpu.memory_space<hbm>> -> memref<1x8192xf32, #tpu.memory_space<hbm>>
        %dma_start3A_412 = tpu.memref_squeeze %dma_start3A_411 : memref<1x8192xf32, #tpu.memory_space<hbm>> -> memref<8192xf32, #tpu.memory_space<hbm>>
        %dma_start3A_413 = arith.constant 0 : i32
        %dma_start3A_414 = tpu.memref_slice %arg2[%add3A, %dma_start3A_413] : memref<16x8192xf32, #tpu.memory_space<hbm>> -> memref<1x8192xf32, #tpu.memory_space<hbm>>
        %dma_start3A_415 = tpu.memref_squeeze %dma_start3A_414 : memref<1x8192xf32, #tpu.memory_space<hbm>> -> memref<8192xf32, #tpu.memory_space<hbm>>
        tpu.enqueue_dma source(%dma_start3A_415 : memref<8192xf32, #tpu.memory_space<hbm>>) target(%arg7 : memref<8192xf32, #tpu.memory_space<vmem>>) target_semaphore(%run_scoped3A : memref<!tpu.dma_semaphore, #tpu.memory_space<semaphore_mem>>)
        %dma_wait3A = arith.constant 0 : i32
        %dma_wait3A_416 = tpu.memref_slice %arg2[%add3A, %dma_wait3A] : memref<16x8192xf32, #tpu.memory_space<hbm>> -> memref<1x8192xf32, #tpu.memory_space<hbm>>
        %dma_wait3A_417 = tpu.memref_squeeze %dma_wait3A_416 : memref<1x8192xf32, #tpu.memory_space<hbm>> -> memref<8192xf32, #tpu.memory_space<hbm>>
        %dma_wait3A_418 = arith.constant 0 : i32
        %dma_wait3A_419 = tpu.memref_slice %arg2[%add3A, %dma_wait3A_418] : memref<16x8192xf32, #tpu.memory_space<hbm>> -> memref<1x8192xf32, #tpu.memory_space<hbm>>
        %dma_wait3A_420 = tpu.memref_squeeze %dma_wait3A_419 : memref<1x8192xf32, #tpu.memory_space<hbm>> -> memref<8192xf32, #tpu.memory_space<hbm>>
        tpu.wait_dma2 semaphore(%run_scoped3A : memref<!tpu.dma_semaphore, #tpu.memory_space<semaphore_mem>>) src(%dma_wait3A_420 : memref<8192xf32, #tpu.memory_space<hbm>>) dst(%arg7 : memref<8192xf32, #tpu.memory_space<vmem>>)
        tpu.yield
      }) : () -> ()
      "tpu.region"() ({
        %run_scoped3A = tpu.sem_alloc : memref<!tpu.dma_semaphore, #tpu.memory_space<semaphore_mem>>
        tpu.enqueue_dma source(%arg3 : memref<16xf32, #tpu.memory_space<hbm>>) target(%arg8 : memref<16xf32, #tpu.memory_space<vmem>>) target_semaphore(%run_scoped3A : memref<!tpu.dma_semaphore, #tpu.memory_space<semaphore_mem>>)
        tpu.wait_dma2 semaphore(%run_scoped3A : memref<!tpu.dma_semaphore, #tpu.memory_space<semaphore_mem>>) src(%arg3 : memref<16xf32, #tpu.memory_space<hbm>>) dst(%arg8 : memref<16xf32, #tpu.memory_space<vmem>>)
        tpu.yield
      }) : () -> ()
      %get3A = arith.constant 0 : index
      %get3A_3 = tpu.vector_load %arg8[%get3A] {strides = array<i32>} : memref<16xf32, #tpu.memory_space<vmem>>, vector<16xf32>,
      %eq3A = vector.broadcast %add3A : i32 to vector<16xi32>
      %eq3A_4 = arith.cmpi eq, %iota3A, %eq3A : vector<16xi32>
      %jit3A = arith.constant 0xFF800000 : f32
      %broadcast_in_dim3A = vector.broadcast %jit3A : f32 to vector<16xf32>
      %select_n3A = arith.select %eq3A_4, %get3A_3, %broadcast_in_dim3A : vector<16xi1>, vector<16xf32>
      %reduce_max3A = arith.constant true
      %reduce_max3A_5 = vector.broadcast %reduce_max3A : i1 to vector<16xi1>
      %reduce_max3A_6 = tpu.scan <max>, %select_n3A masked %reduce_max3A_5 : vector<16xf32>, vector<16xi1> -> vector<16xf32>
      %reduce_max3A_7 = vector.extract %reduce_max3A_6[15] : f32 from vector<16xf32>
      %broadcast_in_dim3A_8 = arith.constant 0.000000e+00 : f32
      %broadcast_in_dim3A_9 = vector.broadcast %broadcast_in_dim3A_8 : f32 to vector<16xf32>
      %add3A_10 = vector.broadcast %reduce_max3A_7 : f32 to vector<16xf32>
      %add3A_11 = arith.addf %broadcast_in_dim3A_9, %add3A_10 : vector<16xf32>
      %scan3A = arith.constant 0 : i32
      %scan3A_12 = arith.constant 0 : i32
      %scan3A_13 = arith.constant 513 : i32
      %scan3A_14 = arith.addi %scan3A_12, %scan3A_13 : i32
      %scan3A_15 = arith.constant 1 : i32
      %scan3A_16 = scf.for %scan3A_411 = %scan3A_12 to %scan3A_14 step %scan3A_15 iter_args(%scan3A_412 = %scan3A) -> (i32)  : i32 {
        %broadcast_in_dim3A_413 = arith.constant 0xFF800000 : f32
        %broadcast_in_dim3A_414 = vector.broadcast %broadcast_in_dim3A_413 : f32 to vector<16xf32>
        %mul3A_415 = arith.constant 16 : i32
        %mul3A_416 = arith.muli %scan3A_411, %mul3A_415 : i32
        %swap3A_417 = arith.index_cast %mul3A_416 : i32 to index
        %swap3A_418 = tpu.vector_load %arg12[%swap3A_417] {strides = array<i32>} : memref<8208xf32, #tpu.memory_space<vmem>>, vector<16xf32>,
        tpu.vector_store %arg12[%swap3A_417], %broadcast_in_dim3A_414 {strides = array<i32>} : memref<8208xf32, #tpu.memory_space<vmem>>, vector<16xf32>,
        %scan3A_419 = arith.constant 0 : i32
        scf.yield %scan3A_419 : i32
      }
      %scan3A_17 = arith.constant 513 : i32
      %scan3A_18 = arith.constant 0 : i32
      %scan3A_19 = arith.constant 0 : i32
      %scan3A_20 = arith.constant 65 : i32
      %scan3A_21 = arith.addi %scan3A_19, %scan3A_20 : i32
      %scan3A_22 = arith.constant 1 : i32
      %scan3A_23 = scf.for %scan3A_411 = %scan3A_19 to %scan3A_21 step %scan3A_22 iter_args(%scan3A_412 = %scan3A_18) -> (i32)  : i32 {
        %broadcast_in_dim3A_413 = arith.constant 0xFF800000 : f32
        %broadcast_in_dim3A_414 = vector.broadcast %broadcast_in_dim3A_413 : f32 to vector<16xf32>
        %mul3A_415 = arith.constant 16 : i32
        %mul3A_416 = arith.muli %scan3A_411, %mul3A_415 : i32
        %swap3A_417 = arith.index_cast %mul3A_416 : i32 to index
        %swap3A_418 = tpu.vector_load %arg14[%swap3A_417] {strides = array<i32>} : memref<1040xf32, #tpu.memory_space<vmem>>, vector<16xf32>,
        tpu.vector_store %arg14[%swap3A_417], %broadcast_in_dim3A_414 {strides = array<i32>} : memref<1040xf32, #tpu.memory_space<vmem>>, vector<16xf32>,
        %broadcast_in_dim3A_419 = arith.constant 1073741824 : i32
        %broadcast_in_dim3A_420 = vector.broadcast %broadcast_in_dim3A_419 : i32 to vector<16xi32>
        %mul3A_421 = arith.constant 16 : i32
        %mul3A_422 = arith.muli %scan3A_411, %mul3A_421 : i32
        %swap3A_423 = arith.index_cast %mul3A_422 : i32 to index
        %swap3A_424 = tpu.vector_load %arg15[%swap3A_423] {strides = array<i32>} : memref<1040xi32, #tpu.memory_space<vmem>>, vector<16xi32>,
        tpu.vector_store %arg15[%swap3A_423], %broadcast_in_dim3A_420 {strides = array<i32>} : memref<1040xi32, #tpu.memory_space<vmem>>, vector<16xi32>,
        %scan3A_425 = arith.constant 0 : i32
        scf.yield %scan3A_425 : i32
      }
      %scan3A_24 = arith.constant 65 : i32
      %broadcast_in_dim3A_25 = arith.constant 0.000000e+00 : f32
      %broadcast_in_dim3A_26 = vector.broadcast %broadcast_in_dim3A_25 : f32 to vector<16xf32>
      %swap3A = arith.constant 0 : index
      %swap3A_27 = tpu.vector_load %arg16[%swap3A] {strides = array<i32>} : memref<128xf32, #tpu.memory_space<vmem>>, vector<16xf32>,
      tpu.vector_store %arg16[%swap3A], %broadcast_in_dim3A_26 {strides = array<i32>} : memref<128xf32, #tpu.memory_space<vmem>>, vector<16xf32>,
      %broadcast_in_dim3A_28 = arith.constant 0 : i32
      %broadcast_in_dim3A_29 = vector.broadcast %broadcast_in_dim3A_28 : i32 to vector<16xi32>
      %swap3A_30 = arith.constant 0 : index
      %swap3A_31 = tpu.vector_load %arg17[%swap3A_30] {strides = array<i32>} : memref<128xi32, #tpu.memory_space<vmem>>, vector<16xi32>,
      tpu.vector_store %arg17[%swap3A_30], %broadcast_in_dim3A_29 {strides = array<i32>} : memref<128xi32, #tpu.memory_space<vmem>>, vector<16xi32>,
      %broadcast_in_dim3A_32 = arith.constant 0.000000e+00 : f32
      %broadcast_in_dim3A_33 = vector.broadcast %broadcast_in_dim3A_32 : f32 to vector<16xf32>
      %swap3A_34 = arith.constant 16 : index
      %swap3A_35 = tpu.vector_load %arg16[%swap3A_34] {strides = array<i32>} : memref<128xf32, #tpu.memory_space<vmem>>, vector<16xf32>,
      tpu.vector_store %arg16[%swap3A_34], %broadcast_in_dim3A_33 {strides = array<i32>} : memref<128xf32, #tpu.memory_space<vmem>>, vector<16xf32>,
      %broadcast_in_dim3A_36 = arith.constant 0 : i32
      %broadcast_in_dim3A_37 = vector.broadcast %broadcast_in_dim3A_36 : i32 to vector<16xi32>
      %swap3A_38 = arith.constant 16 : index
      %swap3A_39 = tpu.vector_load %arg17[%swap3A_38] {strides = array<i32>} : memref<128xi32, #tpu.memory_space<vmem>>, vector<16xi32>,
      tpu.vector_store %arg17[%swap3A_38], %broadcast_in_dim3A_37 {strides = array<i32>} : memref<128xi32, #tpu.memory_space<vmem>>, vector<16xi32>,
      %broadcast_in_dim3A_40 = arith.constant 0.000000e+00 : f32
      %broadcast_in_dim3A_41 = vector.broadcast %broadcast_in_dim3A_40 : f32 to vector<16xf32>
      %swap3A_42 = arith.constant 32 : index
      %swap3A_43 = tpu.vector_load %arg16[%swap3A_42] {strides = array<i32>} : memref<128xf32, #tpu.memory_space<vmem>>, vector<16xf32>,
      tpu.vector_store %arg16[%swap3A_42], %broadcast_in_dim3A_41 {strides = array<i32>} : memref<128xf32, #tpu.memory_space<vmem>>, vector<16xf32>,
      %broadcast_in_dim3A_44 = arith.constant 0 : i32
      %broadcast_in_dim3A_45 = vector.broadcast %broadcast_in_dim3A_44 : i32 to vector<16xi32>
      %swap3A_46 = arith.constant 32 : index
      %swap3A_47 = tpu.vector_load %arg17[%swap3A_46] {strides = array<i32>} : memref<128xi32, #tpu.memory_space<vmem>>, vector<16xi32>,
      tpu.vector_store %arg17[%swap3A_46], %broadcast_in_dim3A_45 {strides = array<i32>} : memref<128xi32, #tpu.memory_space<vmem>>, vector<16xi32>,
      %broadcast_in_dim3A_48 = arith.constant 0.000000e+00 : f32
      %broadcast_in_dim3A_49 = vector.broadcast %broadcast_in_dim3A_48 : f32 to vector<16xf32>
      %swap3A_50 = arith.constant 48 : index
      %swap3A_51 = tpu.vector_load %arg16[%swap3A_50] {strides = array<i32>} : memref<128xf32, #tpu.memory_space<vmem>>, vector<16xf32>,
      tpu.vector_store %arg16[%swap3A_50], %broadcast_in_dim3A_49 {strides = array<i32>} : memref<128xf32, #tpu.memory_space<vmem>>, vector<16xf32>,
      %broadcast_in_dim3A_52 = arith.constant 0 : i32
      %broadcast_in_dim3A_53 = vector.broadcast %broadcast_in_dim3A_52 : i32 to vector<16xi32>
      %swap3A_54 = arith.constant 48 : index
      %swap3A_55 = tpu.vector_load %arg17[%swap3A_54] {strides = array<i32>} : memref<128xi32, #tpu.memory_space<vmem>>, vector<16xi32>,
      tpu.vector_store %arg17[%swap3A_54], %broadcast_in_dim3A_53 {strides = array<i32>} : memref<128xi32, #tpu.memory_space<vmem>>, vector<16xi32>,
      %broadcast_in_dim3A_56 = arith.constant 0.000000e+00 : f32
      %broadcast_in_dim3A_57 = vector.broadcast %broadcast_in_dim3A_56 : f32 to vector<16xf32>
      %swap3A_58 = arith.constant 64 : index
      %swap3A_59 = tpu.vector_load %arg16[%swap3A_58] {strides = array<i32>} : memref<128xf32, #tpu.memory_space<vmem>>, vector<16xf32>,
      tpu.vector_store %arg16[%swap3A_58], %broadcast_in_dim3A_57 {strides = array<i32>} : memref<128xf32, #tpu.memory_space<vmem>>, vector<16xf32>,
      %broadcast_in_dim3A_60 = arith.constant 0 : i32
      %broadcast_in_dim3A_61 = vector.broadcast %broadcast_in_dim3A_60 : i32 to vector<16xi32>
      %swap3A_62 = arith.constant 64 : index
      %swap3A_63 = tpu.vector_load %arg17[%swap3A_62] {strides = array<i32>} : memref<128xi32, #tpu.memory_space<vmem>>, vector<16xi32>,
      tpu.vector_store %arg17[%swap3A_62], %broadcast_in_dim3A_61 {strides = array<i32>} : memref<128xi32, #tpu.memory_space<vmem>>, vector<16xi32>,
      %broadcast_in_dim3A_64 = arith.constant 0.000000e+00 : f32
      %broadcast_in_dim3A_65 = vector.broadcast %broadcast_in_dim3A_64 : f32 to vector<16xf32>
      %swap3A_66 = arith.constant 80 : index
      %swap3A_67 = tpu.vector_load %arg16[%swap3A_66] {strides = array<i32>} : memref<128xf32, #tpu.memory_space<vmem>>, vector<16xf32>,
      tpu.vector_store %arg16[%swap3A_66], %broadcast_in_dim3A_65 {strides = array<i32>} : memref<128xf32, #tpu.memory_space<vmem>>, vector<16xf32>,
      %broadcast_in_dim3A_68 = arith.constant 0 : i32
      %broadcast_in_dim3A_69 = vector.broadcast %broadcast_in_dim3A_68 : i32 to vector<16xi32>
      %swap3A_70 = arith.constant 80 : index
      %swap3A_71 = tpu.vector_load %arg17[%swap3A_70] {strides = array<i32>} : memref<128xi32, #tpu.memory_space<vmem>>, vector<16xi32>,
      tpu.vector_store %arg17[%swap3A_70], %broadcast_in_dim3A_69 {strides = array<i32>} : memref<128xi32, #tpu.memory_space<vmem>>, vector<16xi32>,
      %broadcast_in_dim3A_72 = arith.constant 0.000000e+00 : f32
      %broadcast_in_dim3A_73 = vector.broadcast %broadcast_in_dim3A_72 : f32 to vector<16xf32>
      %swap3A_74 = arith.constant 96 : index
      %swap3A_75 = tpu.vector_load %arg16[%swap3A_74] {strides = array<i32>} : memref<128xf32, #tpu.memory_space<vmem>>, vector<16xf32>,
      tpu.vector_store %arg16[%swap3A_74], %broadcast_in_dim3A_73 {strides = array<i32>} : memref<128xf32, #tpu.memory_space<vmem>>, vector<16xf32>,
      %broadcast_in_dim3A_76 = arith.constant 0 : i32
      %broadcast_in_dim3A_77 = vector.broadcast %broadcast_in_dim3A_76 : i32 to vector<16xi32>
      %swap3A_78 = arith.constant 96 : index
      %swap3A_79 = tpu.vector_load %arg17[%swap3A_78] {strides = array<i32>} : memref<128xi32, #tpu.memory_space<vmem>>, vector<16xi32>,
      tpu.vector_store %arg17[%swap3A_78], %broadcast_in_dim3A_77 {strides = array<i32>} : memref<128xi32, #tpu.memory_space<vmem>>, vector<16xi32>,
      %broadcast_in_dim3A_80 = arith.constant 0.000000e+00 : f32
      %broadcast_in_dim3A_81 = vector.broadcast %broadcast_in_dim3A_80 : f32 to vector<16xf32>
      %swap3A_82 = arith.constant 112 : index
      %swap3A_83 = tpu.vector_load %arg16[%swap3A_82] {strides = array<i32>} : memref<128xf32, #tpu.memory_space<vmem>>, vector<16xf32>,
      tpu.vector_store %arg16[%swap3A_82], %broadcast_in_dim3A_81 {strides = array<i32>} : memref<128xf32, #tpu.memory_space<vmem>>, vector<16xf32>,
      %broadcast_in_dim3A_84 = arith.constant 0 : i32
      %broadcast_in_dim3A_85 = vector.broadcast %broadcast_in_dim3A_84 : i32 to vector<16xi32>
      %swap3A_86 = arith.constant 112 : index
      %swap3A_87 = tpu.vector_load %arg17[%swap3A_86] {strides = array<i32>} : memref<128xi32, #tpu.memory_space<vmem>>, vector<16xi32>,
      tpu.vector_store %arg17[%swap3A_86], %broadcast_in_dim3A_85 {strides = array<i32>} : memref<128xi32, #tpu.memory_space<vmem>>, vector<16xi32>,
      %scan3A_88 = arith.constant 0 : i32
      %scan3A_89 = arith.constant 0 : i32
      %scan3A_90 = arith.constant 512 : i32
      %scan3A_91 = arith.addi %scan3A_89, %scan3A_90 : i32
      %scan3A_92 = arith.constant 1 : i32
      %scan3A_93 = scf.for %scan3A_411 = %scan3A_89 to %scan3A_91 step %scan3A_92 iter_args(%scan3A_412 = %scan3A_88) -> (i32)  : i32 {
        %mul3A_413 = arith.constant 16 : i32
        %mul3A_414 = arith.muli %scan3A_411, %mul3A_413 : i32
        %get3A_415 = arith.index_cast %mul3A_414 : i32 to index
        %get3A_416 = tpu.vector_load %arg7[%get3A_415] {strides = array<i32>} : memref<8192xf32, #tpu.memory_space<vmem>>, vector<16xf32>,
        %ge3A = arith.cmpf oge, %get3A_416, %add3A_11 : vector<16xf32>
        %broadcast_in_dim3A_417 = vector.broadcast %scan3A_412 : i32 to vector<16xi32>
        %lt3A_418 = arith.constant 496 : i32
        %lt3A_419 = vector.broadcast %lt3A_418 : i32 to vector<16xi32>
        %lt3A_420 = arith.cmpi slt, %broadcast_in_dim3A_417, %lt3A_419 : vector<16xi32>
        %and3A_421 = arith.andi %ge3A, %lt3A_420 : vector<16xi1>
        %mul3A_422 = arith.constant 16 : i32
        %mul3A_423 = arith.muli %scan3A_411, %mul3A_422 : i32
        %add3A_424 = vector.broadcast %mul3A_423 : i32 to vector<16xi32>
        %add3A_425 = arith.addi %add3A_424, %iota3A : vector<16xi32>
        %swap3A_426 = arith.index_cast %scan3A_412 : i32 to index
        %swap3A_427 = tpu.vector_load %arg9[%swap3A_426] masked %and3A_421 {strides = array<i32>} : memref<512xi32, #tpu.memory_space<vmem>>, vector<16xi32>, vector<16xi1>
        tpu.vector_store %arg9[%swap3A_426], %add3A_425 masked %and3A_421 {strides = array<i32>} : memref<512xi32, #tpu.memory_space<vmem>>, vector<16xi32>, vector<16xi1>
        %all_reduce_population_count3A = tpu.all_reduce %and3A_421 {dim = 0 : i64, kind = #tpu.reduction_kind<sum>} : vector<16xi1> -> vector<16xi32>
        %convert_element_type3A_428 = arith.sitofp %all_reduce_population_count3A : vector<16xi32> to vector<16xf32>
        %reduce_max3A_429 = arith.constant true
        %reduce_max3A_430 = vector.broadcast %reduce_max3A_429 : i1 to vector<16xi1>
        %reduce_max3A_431 = tpu.scan <max>, %convert_element_type3A_428 masked %reduce_max3A_430 : vector<16xf32>, vector<16xi1> -> vector<16xf32>
        %reduce_max3A_432 = vector.extract %reduce_max3A_431[15] : f32 from vector<16xf32>
        %convert_element_type3A_433 = arith.fptosi %reduce_max3A_432 : f32 to i32
        %add3A_434 = arith.addi %scan3A_412, %convert_element_type3A_433 : i32
        scf.yield %add3A_434 : i32
      }
      %scan3A_94 = arith.constant 512 : i32
      %scan3A_95 = arith.constant 0 : i32
      %scan3A_96 = arith.constant 0 : i32
      %scan3A_97 = arith.constant 32 : i32
      %scan3A_98 = arith.addi %scan3A_96, %scan3A_97 : i32
      %scan3A_99 = arith.constant 1 : i32
      %scan3A_100 = scf.for %scan3A_411 = %scan3A_96 to %scan3A_98 step %scan3A_99 iter_args(%scan3A_412 = %scan3A_95) -> (i32)  : i32 {
        %mul3A_413 = arith.constant 16 : i32
        %mul3A_414 = arith.muli %scan3A_411, %mul3A_413 : i32
        %get3A_415 = arith.index_cast %mul3A_414 : i32 to index
        %get3A_416 = tpu.vector_load %arg9[%get3A_415] {strides = array<i32>} : memref<512xi32, #tpu.memory_space<vmem>>, vector<16xi32>,
        %mul3A_417 = arith.constant 16 : i32
        %mul3A_418 = arith.muli %scan3A_411, %mul3A_417 : i32
        %add3A_419 = vector.broadcast %mul3A_418 : i32 to vector<16xi32>
        %add3A_420 = arith.addi %add3A_419, %iota3A : vector<16xi32>
        %broadcast_in_dim3A_421 = vector.broadcast %scan3A_93 : i32 to vector<16xi32>
        %lt3A_422 = arith.cmpi slt, %add3A_420, %broadcast_in_dim3A_421 : vector<16xi32>
        %jit3A_423 = arith.constant 0 : i32
        %broadcast_in_dim3A_424 = vector.broadcast %jit3A_423 : i32 to vector<16xi32>
        %select_n3A_425 = arith.select %lt3A_422, %get3A_416, %broadcast_in_dim3A_424 : vector<16xi1>, vector<16xi32>
        %mul3A_426 = arith.constant 8192 : i32
        %mul3A_427 = arith.muli %add3A, %mul3A_426 : i32
        %add3A_428 = vector.broadcast %mul3A_427 : i32 to vector<16xi32>
        %add3A_429 = arith.addi %select_n3A_425, %add3A_428 : vector<16xi32>
        %mul3A_430 = arith.constant 16 : i32
        %mul3A_431 = arith.muli %scan3A_411, %mul3A_430 : i32
        %swap3A_432 = arith.index_cast %mul3A_431 : i32 to index
        %swap3A_433 = tpu.vector_load %arg10[%swap3A_432] {strides = array<i32>} : memref<512xi32, #tpu.memory_space<vmem>>, vector<16xi32>,
        tpu.vector_store %arg10[%swap3A_432], %add3A_429 {strides = array<i32>} : memref<512xi32, #tpu.memory_space<vmem>>, vector<16xi32>,
        %scan3A_434 = arith.constant 0 : i32
        scf.yield %scan3A_434 : i32
      }
      %scan3A_101 = arith.constant 32 : i32
      %gt3A = arith.constant 0 : i32
      %gt3A_102 = arith.cmpi sgt, %scan3A_93, %gt3A : i32
      %convert_element_type3A_103 = arith.extui %gt3A_102 : i1 to i32
      %cond3A_104 = arith.constant 0 : i32
      %cond3A_105 = arith.cmpi ne, %convert_element_type3A_103, %cond3A_104 : i32
      scf.if %cond3A_105 {
        %dma_start3A = arith.constant 0 : i32
        %dma_start3A_411 = tpu.memref_slice %arg10[%dma_start3A] : memref<512xi32, #tpu.memory_space<vmem>> -> memref<128xi32, #tpu.memory_space<vmem>>
        %dma_start3A_412 = arith.constant 0 : i32
        %dma_start3A_413 = arith.constant 0 : i32
        %dma_start3A_414 = tpu.memref_slice %arg4[%dma_start3A_412, %dma_start3A_413] : memref<131072x128xf32, #tpu.memory_space<hbm>> -> memref<131072x128xf32, #tpu.memory_space<hbm>>
        tpu.enqueue_indirect_dma source(%dma_start3A_414 : memref<131072x128xf32, #tpu.memory_space<hbm>>) target(%arg11 : memref<128x128xf32, #tpu.memory_space<vmem>>) offsets(%dma_start3A_411 : memref<128xi32, #tpu.memory_space<vmem>>) semaphore(%arg19 : memref<!tpu.dma_semaphore, #tpu.memory_space<semaphore_mem>>)
        %dma_wait3A = arith.constant 0 : i32
        %dma_wait3A_415 = tpu.memref_slice %arg10[%dma_wait3A] : memref<512xi32, #tpu.memory_space<vmem>> -> memref<128xi32, #tpu.memory_space<vmem>>
        %dma_wait3A_416 = arith.constant 0 : i32
        %dma_wait3A_417 = arith.constant 0 : i32
        %dma_wait3A_418 = tpu.memref_slice %arg4[%dma_wait3A_416, %dma_wait3A_417] : memref<131072x128xf32, #tpu.memory_space<hbm>> -> memref<131072x128xf32, #tpu.memory_space<hbm>>
        tpu.wait_indirect_dma semaphore(%arg19 : memref<!tpu.dma_semaphore, #tpu.memory_space<semaphore_mem>>) src(%dma_wait3A_418 : memref<131072x128xf32, #tpu.memory_space<hbm>>) dst(%arg11 : memref<128x128xf32, #tpu.memory_space<vmem>>)
        %scan3A_419 = arith.constant 0 : i32
        %scan3A_420 = arith.constant 0 : i32
        %scan3A_421 = arith.constant 128 : i32
        %scan3A_422 = arith.addi %scan3A_420, %scan3A_421 : i32
        %scan3A_423 = arith.constant 1 : i32
        %scan3A_424 = scf.for %scan3A_426 = %scan3A_420 to %scan3A_422 step %scan3A_423 iter_args(%scan3A_427 = %scan3A_419) -> (i32)  : i32 {
          %add3A_428 = arith.constant 0 : i32
          %add3A_429 = arith.addi %add3A_428, %scan3A_426 : i32
          %mul3A_430 = arith.constant 0 : i32
          %mul3A_431 = vector.broadcast %mul3A_430 : i32 to vector<16xi32>
          %mul3A_432 = arith.muli %iota3A, %mul3A_431 : vector<16xi32>
          %add3A_433 = vector.broadcast %add3A_429 : i32 to vector<16xi32>
          %add3A_434 = arith.addi %mul3A_432, %add3A_433 : vector<16xi32>
          %gather3A = tpu.vector_load_idx %arg9[%add3A_434] : memref<512xi32, #tpu.memory_space<vmem>>[vector<16xi32>], vector<16xi32>,
          %lt3A_435 = arith.cmpi slt, %add3A_429, %scan3A_93 : i32
          %mul3A_436 = arith.constant 128 : i32
          %mul3A_437 = vector.broadcast %mul3A_436 : i32 to vector<16xi32>
          %mul3A_438 = arith.muli %gather3A, %mul3A_437 : vector<16xi32>
          %broadcast_in_dim3A_439 = arith.constant 0 : i32
          %broadcast_in_dim3A_440 = vector.broadcast %broadcast_in_dim3A_439 : i32 to vector<16xi32>
          %get3A_441 = arith.index_cast %scan3A_426 : i32 to index
          %get3A_442 = arith.constant 0 : index
          %get3A_443 = tpu.vector_load %arg11[%get3A_441, %get3A_442] {strides = array<i32>} : memref<128x128xf32, #tpu.memory_space<vmem>>, vector<16xf32>,
          %ge3A = arith.cmpf oge, %get3A_443, %add3A_11 : vector<16xf32>
          %broadcast_in_dim3A_444 = vector.broadcast %lt3A_435 : i1 to vector<16xi1>
          %and3A_445 = arith.andi %ge3A, %broadcast_in_dim3A_444 : vector<16xi1>
          %all_reduce_population_count3A = tpu.all_reduce %and3A_445 {dim = 0 : i64, kind = #tpu.reduction_kind<sum>} : vector<16xi1> -> vector<16xi32>
          %add3A_446 = arith.addi %broadcast_in_dim3A_440, %all_reduce_population_count3A : vector<16xi32>
          %le3A = arith.constant 16 : i32
          %le3A_447 = vector.broadcast %le3A : i32 to vector<16xi32>
          %le3A_448 = arith.cmpi sle, %add3A_446, %le3A_447 : vector<16xi32>
          %and3A_449 = arith.andi %and3A_445, %le3A_448 : vector<16xi1>
          %add3A_450 = arith.addi %broadcast_in_dim3A_440, %all_reduce_population_count3A : vector<16xi32>
          %le3A_451 = arith.constant 16 : i32
          %le3A_452 = vector.broadcast %le3A_451 : i32 to vector<16xi32>
          %le3A_453 = arith.cmpi sle, %add3A_450, %le3A_452 : vector<16xi32>
          %jit3A_454 = arith.constant 0 : i32
          %broadcast_in_dim3A_455 = vector.broadcast %jit3A_454 : i32 to vector<16xi32>
          %select_n3A_456 = arith.select %le3A_453, %all_reduce_population_count3A, %broadcast_in_dim3A_455 : vector<16xi1>, vector<16xi32>
          %convert_element_type3A_457 = arith.sitofp %broadcast_in_dim3A_440 : vector<16xi32> to vector<16xf32>
          %reduce_max3A_458 = arith.constant true
          %reduce_max3A_459 = vector.broadcast %reduce_max3A_458 : i1 to vector<16xi1>
          %reduce_max3A_460 = tpu.scan <max>, %convert_element_type3A_457 masked %reduce_max3A_459 : vector<16xf32>, vector<16xi1> -> vector<16xf32>
          %reduce_max3A_461 = vector.extract %reduce_max3A_460[15] : f32 from vector<16xf32>
          %convert_element_type3A_462 = arith.fptosi %reduce_max3A_461 : f32 to i32
          %mul3A_463 = arith.constant 16 : i32
          %mul3A_464 = arith.muli %add3A_429, %mul3A_463 : i32
          %add3A_465 = arith.addi %mul3A_464, %convert_element_type3A_462 : i32
          %swap3A_466 = arith.index_cast %add3A_465 : i32 to index
          %swap3A_467 = tpu.vector_load %arg12[%swap3A_466] masked %and3A_449 {strides = array<i32>} : memref<8208xf32, #tpu.memory_space<vmem>>, vector<16xf32>, vector<16xi1>
          tpu.vector_store %arg12[%swap3A_466], %get3A_443 masked %and3A_449 {strides = array<i32>} : memref<8208xf32, #tpu.memory_space<vmem>>, vector<16xf32>, vector<16xi1>
          %add3A_468 = arith.constant 0 : i32
          %add3A_469 = vector.broadcast %add3A_468 : i32 to vector<16xi32>
          %add3A_470 = arith.addi %mul3A_438, %add3A_469 : vector<16xi32>
          %add3A_471 = arith.addi %add3A_470, %iota3A : vector<16xi32>
          %swap3A_472 = arith.index_cast %add3A_465 : i32 to index
          %swap3A_473 = tpu.vector_load %arg13[%swap3A_472] masked %and3A_449 {strides = array<i32>} : memref<8208xi32, #tpu.memory_space<vmem>>, vector<16xi32>, vector<16xi1>
          tpu.vector_store %arg13[%swap3A_472], %add3A_471 masked %and3A_449 {strides = array<i32>} : memref<8208xi32, #tpu.memory_space<vmem>>, vector<16xi32>, vector<16xi1>
          %add3A_474 = arith.addi %broadcast_in_dim3A_440, %select_n3A_456 : vector<16xi32>
          %get3A_475 = arith.index_cast %scan3A_426 : i32 to index
          %get3A_476 = arith.constant 16 : index
          %get3A_477 = tpu.vector_load %arg11[%get3A_475, %get3A_476] {strides = array<i32>} : memref<128x128xf32, #tpu.memory_space<vmem>>, vector<16xf32>,
          %ge3A_478 = arith.cmpf oge, %get3A_477, %add3A_11 : vector<16xf32>
          %broadcast_in_dim3A_479 = vector.broadcast %lt3A_435 : i1 to vector<16xi1>
          %and3A_480 = arith.andi %ge3A_478, %broadcast_in_dim3A_479 : vector<16xi1>
          %all_reduce_population_count3A_481 = tpu.all_reduce %and3A_480 {dim = 0 : i64, kind = #tpu.reduction_kind<sum>} : vector<16xi1> -> vector<16xi32>
          %add3A_482 = arith.addi %add3A_474, %all_reduce_population_count3A_481 : vector<16xi32>
          %le3A_483 = arith.constant 16 : i32
          %le3A_484 = vector.broadcast %le3A_483 : i32 to vector<16xi32>
          %le3A_485 = arith.cmpi sle, %add3A_482, %le3A_484 : vector<16xi32>
          %and3A_486 = arith.andi %and3A_480, %le3A_485 : vector<16xi1>
          %add3A_487 = arith.addi %add3A_474, %all_reduce_population_count3A_481 : vector<16xi32>
          %le3A_488 = arith.constant 16 : i32
          %le3A_489 = vector.broadcast %le3A_488 : i32 to vector<16xi32>
          %le3A_490 = arith.cmpi sle, %add3A_487, %le3A_489 : vector<16xi32>
          %jit3A_491 = arith.constant 0 : i32
          %broadcast_in_dim3A_492 = vector.broadcast %jit3A_491 : i32 to vector<16xi32>
          %select_n3A_493 = arith.select %le3A_490, %all_reduce_population_count3A_481, %broadcast_in_dim3A_492 : vector<16xi1>, vector<16xi32>
          %convert_element_type3A_494 = arith.sitofp %add3A_474 : vector<16xi32> to vector<16xf32>
          %reduce_max3A_495 = arith.constant true
          %reduce_max3A_496 = vector.broadcast %reduce_max3A_495 : i1 to vector<16xi1>
          %reduce_max3A_497 = tpu.scan <max>, %convert_element_type3A_494 masked %reduce_max3A_496 : vector<16xf32>, vector<16xi1> -> vector<16xf32>
          %reduce_max3A_498 = vector.extract %reduce_max3A_497[15] : f32 from vector<16xf32>
          %convert_element_type3A_499 = arith.fptosi %reduce_max3A_498 : f32 to i32
          %mul3A_500 = arith.constant 16 : i32
          %mul3A_501 = arith.muli %add3A_429, %mul3A_500 : i32
          %add3A_502 = arith.addi %mul3A_501, %convert_element_type3A_499 : i32
          %swap3A_503 = arith.index_cast %add3A_502 : i32 to index
          %swap3A_504 = tpu.vector_load %arg12[%swap3A_503] masked %and3A_486 {strides = array<i32>} : memref<8208xf32, #tpu.memory_space<vmem>>, vector<16xf32>, vector<16xi1>
          tpu.vector_store %arg12[%swap3A_503], %get3A_477 masked %and3A_486 {strides = array<i32>} : memref<8208xf32, #tpu.memory_space<vmem>>, vector<16xf32>, vector<16xi1>
          %add3A_505 = arith.constant 16 : i32
          %add3A_506 = vector.broadcast %add3A_505 : i32 to vector<16xi32>
          %add3A_507 = arith.addi %mul3A_438, %add3A_506 : vector<16xi32>
          %add3A_508 = arith.addi %add3A_507, %iota3A : vector<16xi32>
          %swap3A_509 = arith.index_cast %add3A_502 : i32 to index
          %swap3A_510 = tpu.vector_load %arg13[%swap3A_509] masked %and3A_486 {strides = array<i32>} : memref<8208xi32, #tpu.memory_space<vmem>>, vector<16xi32>, vector<16xi1>
          tpu.vector_store %arg13[%swap3A_509], %add3A_508 masked %and3A_486 {strides = array<i32>} : memref<8208xi32, #tpu.memory_space<vmem>>, vector<16xi32>, vector<16xi1>
          %add3A_511 = arith.addi %add3A_474, %select_n3A_493 : vector<16xi32>
          %get3A_512 = arith.index_cast %scan3A_426 : i32 to index
          %get3A_513 = arith.constant 32 : index
          %get3A_514 = tpu.vector_load %arg11[%get3A_512, %get3A_513] {strides = array<i32>} : memref<128x128xf32, #tpu.memory_space<vmem>>, vector<16xf32>,
          %ge3A_515 = arith.cmpf oge, %get3A_514, %add3A_11 : vector<16xf32>
          %broadcast_in_dim3A_516 = vector.broadcast %lt3A_435 : i1 to vector<16xi1>
          %and3A_517 = arith.andi %ge3A_515, %broadcast_in_dim3A_516 : vector<16xi1>
          %all_reduce_population_count3A_518 = tpu.all_reduce %and3A_517 {dim = 0 : i64, kind = #tpu.reduction_kind<sum>} : vector<16xi1> -> vector<16xi32>
          %add3A_519 = arith.addi %add3A_511, %all_reduce_population_count3A_518 : vector<16xi32>
          %le3A_520 = arith.constant 16 : i32
          %le3A_521 = vector.broadcast %le3A_520 : i32 to vector<16xi32>
          %le3A_522 = arith.cmpi sle, %add3A_519, %le3A_521 : vector<16xi32>
          %and3A_523 = arith.andi %and3A_517, %le3A_522 : vector<16xi1>
          %add3A_524 = arith.addi %add3A_511, %all_reduce_population_count3A_518 : vector<16xi32>
          %le3A_525 = arith.constant 16 : i32
          %le3A_526 = vector.broadcast %le3A_525 : i32 to vector<16xi32>
          %le3A_527 = arith.cmpi sle, %add3A_524, %le3A_526 : vector<16xi32>
          %jit3A_528 = arith.constant 0 : i32
          %broadcast_in_dim3A_529 = vector.broadcast %jit3A_528 : i32 to vector<16xi32>
          %select_n3A_530 = arith.select %le3A_527, %all_reduce_population_count3A_518, %broadcast_in_dim3A_529 : vector<16xi1>, vector<16xi32>
          %convert_element_type3A_531 = arith.sitofp %add3A_511 : vector<16xi32> to vector<16xf32>
          %reduce_max3A_532 = arith.constant true
          %reduce_max3A_533 = vector.broadcast %reduce_max3A_532 : i1 to vector<16xi1>
          %reduce_max3A_534 = tpu.scan <max>, %convert_element_type3A_531 masked %reduce_max3A_533 : vector<16xf32>, vector<16xi1> -> vector<16xf32>
          %reduce_max3A_535 = vector.extract %reduce_max3A_534[15] : f32 from vector<16xf32>
          %convert_element_type3A_536 = arith.fptosi %reduce_max3A_535 : f32 to i32
          %mul3A_537 = arith.constant 16 : i32
          %mul3A_538 = arith.muli %add3A_429, %mul3A_537 : i32
          %add3A_539 = arith.addi %mul3A_538, %convert_element_type3A_536 : i32
          %swap3A_540 = arith.index_cast %add3A_539 : i32 to index
          %swap3A_541 = tpu.vector_load %arg12[%swap3A_540] masked %and3A_523 {strides = array<i32>} : memref<8208xf32, #tpu.memory_space<vmem>>, vector<16xf32>, vector<16xi1>
          tpu.vector_store %arg12[%swap3A_540], %get3A_514 masked %and3A_523 {strides = array<i32>} : memref<8208xf32, #tpu.memory_space<vmem>>, vector<16xf32>, vector<16xi1>
          %add3A_542 = arith.constant 32 : i32
          %add3A_543 = vector.broadcast %add3A_542 : i32 to vector<16xi32>
          %add3A_544 = arith.addi %mul3A_438, %add3A_543 : vector<16xi32>
          %add3A_545 = arith.addi %add3A_544, %iota3A : vector<16xi32>
          %swap3A_546 = arith.index_cast %add3A_539 : i32 to index
          %swap3A_547 = tpu.vector_load %arg13[%swap3A_546] masked %and3A_523 {strides = array<i32>} : memref<8208xi32, #tpu.memory_space<vmem>>, vector<16xi32>, vector<16xi1>
          tpu.vector_store %arg13[%swap3A_546], %add3A_545 masked %and3A_523 {strides = array<i32>} : memref<8208xi32, #tpu.memory_space<vmem>>, vector<16xi32>, vector<16xi1>
          %add3A_548 = arith.addi %add3A_511, %select_n3A_530 : vector<16xi32>
          %get3A_549 = arith.index_cast %scan3A_426 : i32 to index
          %get3A_550 = arith.constant 48 : index
          %get3A_551 = tpu.vector_load %arg11[%get3A_549, %get3A_550] {strides = array<i32>} : memref<128x128xf32, #tpu.memory_space<vmem>>, vector<16xf32>,
          %ge3A_552 = arith.cmpf oge, %get3A_551, %add3A_11 : vector<16xf32>
          %broadcast_in_dim3A_553 = vector.broadcast %lt3A_435 : i1 to vector<16xi1>
          %and3A_554 = arith.andi %ge3A_552, %broadcast_in_dim3A_553 : vector<16xi1>
          %all_reduce_population_count3A_555 = tpu.all_reduce %and3A_554 {dim = 0 : i64, kind = #tpu.reduction_kind<sum>} : vector<16xi1> -> vector<16xi32>
          %add3A_556 = arith.addi %add3A_548, %all_reduce_population_count3A_555 : vector<16xi32>
          %le3A_557 = arith.constant 16 : i32
          %le3A_558 = vector.broadcast %le3A_557 : i32 to vector<16xi32>
          %le3A_559 = arith.cmpi sle, %add3A_556, %le3A_558 : vector<16xi32>
          %and3A_560 = arith.andi %and3A_554, %le3A_559 : vector<16xi1>
          %add3A_561 = arith.addi %add3A_548, %all_reduce_population_count3A_555 : vector<16xi32>
          %le3A_562 = arith.constant 16 : i32
          %le3A_563 = vector.broadcast %le3A_562 : i32 to vector<16xi32>
          %le3A_564 = arith.cmpi sle, %add3A_561, %le3A_563 : vector<16xi32>
          %jit3A_565 = arith.constant 0 : i32
          %broadcast_in_dim3A_566 = vector.broadcast %jit3A_565 : i32 to vector<16xi32>
          %select_n3A_567 = arith.select %le3A_564, %all_reduce_population_count3A_555, %broadcast_in_dim3A_566 : vector<16xi1>, vector<16xi32>
          %convert_element_type3A_568 = arith.sitofp %add3A_548 : vector<16xi32> to vector<16xf32>
          %reduce_max3A_569 = arith.constant true
          %reduce_max3A_570 = vector.broadcast %reduce_max3A_569 : i1 to vector<16xi1>
          %reduce_max3A_571 = tpu.scan <max>, %convert_element_type3A_568 masked %reduce_max3A_570 : vector<16xf32>, vector<16xi1> -> vector<16xf32>
          %reduce_max3A_572 = vector.extract %reduce_max3A_571[15] : f32 from vector<16xf32>
          %convert_element_type3A_573 = arith.fptosi %reduce_max3A_572 : f32 to i32
          %mul3A_574 = arith.constant 16 : i32
          %mul3A_575 = arith.muli %add3A_429, %mul3A_574 : i32
          %add3A_576 = arith.addi %mul3A_575, %convert_element_type3A_573 : i32
          %swap3A_577 = arith.index_cast %add3A_576 : i32 to index
          %swap3A_578 = tpu.vector_load %arg12[%swap3A_577] masked %and3A_560 {strides = array<i32>} : memref<8208xf32, #tpu.memory_space<vmem>>, vector<16xf32>, vector<16xi1>
          tpu.vector_store %arg12[%swap3A_577], %get3A_551 masked %and3A_560 {strides = array<i32>} : memref<8208xf32, #tpu.memory_space<vmem>>, vector<16xf32>, vector<16xi1>
          %add3A_579 = arith.constant 48 : i32
          %add3A_580 = vector.broadcast %add3A_579 : i32 to vector<16xi32>
          %add3A_581 = arith.addi %mul3A_438, %add3A_580 : vector<16xi32>
          %add3A_582 = arith.addi %add3A_581, %iota3A : vector<16xi32>
          %swap3A_583 = arith.index_cast %add3A_576 : i32 to index
          %swap3A_584 = tpu.vector_load %arg13[%swap3A_583] masked %and3A_560 {strides = array<i32>} : memref<8208xi32, #tpu.memory_space<vmem>>, vector<16xi32>, vector<16xi1>
          tpu.vector_store %arg13[%swap3A_583], %add3A_582 masked %and3A_560 {strides = array<i32>} : memref<8208xi32, #tpu.memory_space<vmem>>, vector<16xi32>, vector<16xi1>
          %add3A_585 = arith.addi %add3A_548, %select_n3A_567 : vector<16xi32>
          %get3A_586 = arith.index_cast %scan3A_426 : i32 to index
          %get3A_587 = arith.constant 64 : index
          %get3A_588 = tpu.vector_load %arg11[%get3A_586, %get3A_587] {strides = array<i32>} : memref<128x128xf32, #tpu.memory_space<vmem>>, vector<16xf32>,
          %ge3A_589 = arith.cmpf oge, %get3A_588, %add3A_11 : vector<16xf32>
          %broadcast_in_dim3A_590 = vector.broadcast %lt3A_435 : i1 to vector<16xi1>
          %and3A_591 = arith.andi %ge3A_589, %broadcast_in_dim3A_590 : vector<16xi1>
          %all_reduce_population_count3A_592 = tpu.all_reduce %and3A_591 {dim = 0 : i64, kind = #tpu.reduction_kind<sum>} : vector<16xi1> -> vector<16xi32>
          %add3A_593 = arith.addi %add3A_585, %all_reduce_population_count3A_592 : vector<16xi32>
          %le3A_594 = arith.constant 16 : i32
          %le3A_595 = vector.broadcast %le3A_594 : i32 to vector<16xi32>
          %le3A_596 = arith.cmpi sle, %add3A_593, %le3A_595 : vector<16xi32>
          %and3A_597 = arith.andi %and3A_591, %le3A_596 : vector<16xi1>
          %add3A_598 = arith.addi %add3A_585, %all_reduce_population_count3A_592 : vector<16xi32>
          %le3A_599 = arith.constant 16 : i32
          %le3A_600 = vector.broadcast %le3A_599 : i32 to vector<16xi32>
          %le3A_601 = arith.cmpi sle, %add3A_598, %le3A_600 : vector<16xi32>
          %jit3A_602 = arith.constant 0 : i32
          %broadcast_in_dim3A_603 = vector.broadcast %jit3A_602 : i32 to vector<16xi32>
          %select_n3A_604 = arith.select %le3A_601, %all_reduce_population_count3A_592, %broadcast_in_dim3A_603 : vector<16xi1>, vector<16xi32>
          %convert_element_type3A_605 = arith.sitofp %add3A_585 : vector<16xi32> to vector<16xf32>
          %reduce_max3A_606 = arith.constant true
          %reduce_max3A_607 = vector.broadcast %reduce_max3A_606 : i1 to vector<16xi1>
          %reduce_max3A_608 = tpu.scan <max>, %convert_element_type3A_605 masked %reduce_max3A_607 : vector<16xf32>, vector<16xi1> -> vector<16xf32>
          %reduce_max3A_609 = vector.extract %reduce_max3A_608[15] : f32 from vector<16xf32>
          %convert_element_type3A_610 = arith.fptosi %reduce_max3A_609 : f32 to i32
          %mul3A_611 = arith.constant 16 : i32
          %mul3A_612 = arith.muli %add3A_429, %mul3A_611 : i32
          %add3A_613 = arith.addi %mul3A_612, %convert_element_type3A_610 : i32
          %swap3A_614 = arith.index_cast %add3A_613 : i32 to index
          %swap3A_615 = tpu.vector_load %arg12[%swap3A_614] masked %and3A_597 {strides = array<i32>} : memref<8208xf32, #tpu.memory_space<vmem>>, vector<16xf32>, vector<16xi1>
          tpu.vector_store %arg12[%swap3A_614], %get3A_588 masked %and3A_597 {strides = array<i32>} : memref<8208xf32, #tpu.memory_space<vmem>>, vector<16xf32>, vector<16xi1>
          %add3A_616 = arith.constant 64 : i32
          %add3A_617 = vector.broadcast %add3A_616 : i32 to vector<16xi32>
          %add3A_618 = arith.addi %mul3A_438, %add3A_617 : vector<16xi32>
          %add3A_619 = arith.addi %add3A_618, %iota3A : vector<16xi32>
          %swap3A_620 = arith.index_cast %add3A_613 : i32 to index
          %swap3A_621 = tpu.vector_load %arg13[%swap3A_620] masked %and3A_597 {strides = array<i32>} : memref<8208xi32, #tpu.memory_space<vmem>>, vector<16xi32>, vector<16xi1>
          tpu.vector_store %arg13[%swap3A_620], %add3A_619 masked %and3A_597 {strides = array<i32>} : memref<8208xi32, #tpu.memory_space<vmem>>, vector<16xi32>, vector<16xi1>
          %add3A_622 = arith.addi %add3A_585, %select_n3A_604 : vector<16xi32>
          %get3A_623 = arith.index_cast %scan3A_426 : i32 to index
          %get3A_624 = arith.constant 80 : index
          %get3A_625 = tpu.vector_load %arg11[%get3A_623, %get3A_624] {strides = array<i32>} : memref<128x128xf32, #tpu.memory_space<vmem>>, vector<16xf32>,
          %ge3A_626 = arith.cmpf oge, %get3A_625, %add3A_11 : vector<16xf32>
          %broadcast_in_dim3A_627 = vector.broadcast %lt3A_435 : i1 to vector<16xi1>
          %and3A_628 = arith.andi %ge3A_626, %broadcast_in_dim3A_627 : vector<16xi1>
          %all_reduce_population_count3A_629 = tpu.all_reduce %and3A_628 {dim = 0 : i64, kind = #tpu.reduction_kind<sum>} : vector<16xi1> -> vector<16xi32>
          %add3A_630 = arith.addi %add3A_622, %all_reduce_population_count3A_629 : vector<16xi32>
          %le3A_631 = arith.constant 16 : i32
          %le3A_632 = vector.broadcast %le3A_631 : i32 to vector<16xi32>
          %le3A_633 = arith.cmpi sle, %add3A_630, %le3A_632 : vector<16xi32>
          %and3A_634 = arith.andi %and3A_628, %le3A_633 : vector<16xi1>
          %add3A_635 = arith.addi %add3A_622, %all_reduce_population_count3A_629 : vector<16xi32>
          %le3A_636 = arith.constant 16 : i32
          %le3A_637 = vector.broadcast %le3A_636 : i32 to vector<16xi32>
          %le3A_638 = arith.cmpi sle, %add3A_635, %le3A_637 : vector<16xi32>
          %jit3A_639 = arith.constant 0 : i32
          %broadcast_in_dim3A_640 = vector.broadcast %jit3A_639 : i32 to vector<16xi32>
          %select_n3A_641 = arith.select %le3A_638, %all_reduce_population_count3A_629, %broadcast_in_dim3A_640 : vector<16xi1>, vector<16xi32>
          %convert_element_type3A_642 = arith.sitofp %add3A_622 : vector<16xi32> to vector<16xf32>
          %reduce_max3A_643 = arith.constant true
          %reduce_max3A_644 = vector.broadcast %reduce_max3A_643 : i1 to vector<16xi1>
          %reduce_max3A_645 = tpu.scan <max>, %convert_element_type3A_642 masked %reduce_max3A_644 : vector<16xf32>, vector<16xi1> -> vector<16xf32>
          %reduce_max3A_646 = vector.extract %reduce_max3A_645[15] : f32 from vector<16xf32>
          %convert_element_type3A_647 = arith.fptosi %reduce_max3A_646 : f32 to i32
          %mul3A_648 = arith.constant 16 : i32
          %mul3A_649 = arith.muli %add3A_429, %mul3A_648 : i32
          %add3A_650 = arith.addi %mul3A_649, %convert_element_type3A_647 : i32
          %swap3A_651 = arith.index_cast %add3A_650 : i32 to index
          %swap3A_652 = tpu.vector_load %arg12[%swap3A_651] masked %and3A_634 {strides = array<i32>} : memref<8208xf32, #tpu.memory_space<vmem>>, vector<16xf32>, vector<16xi1>
          tpu.vector_store %arg12[%swap3A_651], %get3A_625 masked %and3A_634 {strides = array<i32>} : memref<8208xf32, #tpu.memory_space<vmem>>, vector<16xf32>, vector<16xi1>
          %add3A_653 = arith.constant 80 : i32
          %add3A_654 = vector.broadcast %add3A_653 : i32 to vector<16xi32>
          %add3A_655 = arith.addi %mul3A_438, %add3A_654 : vector<16xi32>
          %add3A_656 = arith.addi %add3A_655, %iota3A : vector<16xi32>
          %swap3A_657 = arith.index_cast %add3A_650 : i32 to index
          %swap3A_658 = tpu.vector_load %arg13[%swap3A_657] masked %and3A_634 {strides = array<i32>} : memref<8208xi32, #tpu.memory_space<vmem>>, vector<16xi32>, vector<16xi1>
          tpu.vector_store %arg13[%swap3A_657], %add3A_656 masked %and3A_634 {strides = array<i32>} : memref<8208xi32, #tpu.memory_space<vmem>>, vector<16xi32>, vector<16xi1>
          %add3A_659 = arith.addi %add3A_622, %select_n3A_641 : vector<16xi32>
          %get3A_660 = arith.index_cast %scan3A_426 : i32 to index
          %get3A_661 = arith.constant 96 : index
          %get3A_662 = tpu.vector_load %arg11[%get3A_660, %get3A_661] {strides = array<i32>} : memref<128x128xf32, #tpu.memory_space<vmem>>, vector<16xf32>,
          %ge3A_663 = arith.cmpf oge, %get3A_662, %add3A_11 : vector<16xf32>
          %broadcast_in_dim3A_664 = vector.broadcast %lt3A_435 : i1 to vector<16xi1>
          %and3A_665 = arith.andi %ge3A_663, %broadcast_in_dim3A_664 : vector<16xi1>
          %all_reduce_population_count3A_666 = tpu.all_reduce %and3A_665 {dim = 0 : i64, kind = #tpu.reduction_kind<sum>} : vector<16xi1> -> vector<16xi32>
          %add3A_667 = arith.addi %add3A_659, %all_reduce_population_count3A_666 : vector<16xi32>
          %le3A_668 = arith.constant 16 : i32
          %le3A_669 = vector.broadcast %le3A_668 : i32 to vector<16xi32>
          %le3A_670 = arith.cmpi sle, %add3A_667, %le3A_669 : vector<16xi32>
          %and3A_671 = arith.andi %and3A_665, %le3A_670 : vector<16xi1>
          %add3A_672 = arith.addi %add3A_659, %all_reduce_population_count3A_666 : vector<16xi32>
          %le3A_673 = arith.constant 16 : i32
          %le3A_674 = vector.broadcast %le3A_673 : i32 to vector<16xi32>
          %le3A_675 = arith.cmpi sle, %add3A_672, %le3A_674 : vector<16xi32>
          %jit3A_676 = arith.constant 0 : i32
          %broadcast_in_dim3A_677 = vector.broadcast %jit3A_676 : i32 to vector<16xi32>
          %select_n3A_678 = arith.select %le3A_675, %all_reduce_population_count3A_666, %broadcast_in_dim3A_677 : vector<16xi1>, vector<16xi32>
          %convert_element_type3A_679 = arith.sitofp %add3A_659 : vector<16xi32> to vector<16xf32>
          %reduce_max3A_680 = arith.constant true
          %reduce_max3A_681 = vector.broadcast %reduce_max3A_680 : i1 to vector<16xi1>
          %reduce_max3A_682 = tpu.scan <max>, %convert_element_type3A_679 masked %reduce_max3A_681 : vector<16xf32>, vector<16xi1> -> vector<16xf32>
          %reduce_max3A_683 = vector.extract %reduce_max3A_682[15] : f32 from vector<16xf32>
          %convert_element_type3A_684 = arith.fptosi %reduce_max3A_683 : f32 to i32
          %mul3A_685 = arith.constant 16 : i32
          %mul3A_686 = arith.muli %add3A_429, %mul3A_685 : i32
          %add3A_687 = arith.addi %mul3A_686, %convert_element_type3A_684 : i32
          %swap3A_688 = arith.index_cast %add3A_687 : i32 to index
          %swap3A_689 = tpu.vector_load %arg12[%swap3A_688] masked %and3A_671 {strides = array<i32>} : memref<8208xf32, #tpu.memory_space<vmem>>, vector<16xf32>, vector<16xi1>
          tpu.vector_store %arg12[%swap3A_688], %get3A_662 masked %and3A_671 {strides = array<i32>} : memref<8208xf32, #tpu.memory_space<vmem>>, vector<16xf32>, vector<16xi1>
          %add3A_690 = arith.constant 96 : i32
          %add3A_691 = vector.broadcast %add3A_690 : i32 to vector<16xi32>
          %add3A_692 = arith.addi %mul3A_438, %add3A_691 : vector<16xi32>
          %add3A_693 = arith.addi %add3A_692, %iota3A : vector<16xi32>
          %swap3A_694 = arith.index_cast %add3A_687 : i32 to index
          %swap3A_695 = tpu.vector_load %arg13[%swap3A_694] masked %and3A_671 {strides = array<i32>} : memref<8208xi32, #tpu.memory_space<vmem>>, vector<16xi32>, vector<16xi1>
          tpu.vector_store %arg13[%swap3A_694], %add3A_693 masked %and3A_671 {strides = array<i32>} : memref<8208xi32, #tpu.memory_space<vmem>>, vector<16xi32>, vector<16xi1>
          %add3A_696 = arith.addi %add3A_659, %select_n3A_678 : vector<16xi32>
          %get3A_697 = arith.index_cast %scan3A_426 : i32 to index
          %get3A_698 = arith.constant 112 : index
          %get3A_699 = tpu.vector_load %arg11[%get3A_697, %get3A_698] {strides = array<i32>} : memref<128x128xf32, #tpu.memory_space<vmem>>, vector<16xf32>,
          %ge3A_700 = arith.cmpf oge, %get3A_699, %add3A_11 : vector<16xf32>
          %broadcast_in_dim3A_701 = vector.broadcast %lt3A_435 : i1 to vector<16xi1>
          %and3A_702 = arith.andi %ge3A_700, %broadcast_in_dim3A_701 : vector<16xi1>
          %all_reduce_population_count3A_703 = tpu.all_reduce %and3A_702 {dim = 0 : i64, kind = #tpu.reduction_kind<sum>} : vector<16xi1> -> vector<16xi32>
          %add3A_704 = arith.addi %add3A_696, %all_reduce_population_count3A_703 : vector<16xi32>
          %le3A_705 = arith.constant 16 : i32
          %le3A_706 = vector.broadcast %le3A_705 : i32 to vector<16xi32>
          %le3A_707 = arith.cmpi sle, %add3A_704, %le3A_706 : vector<16xi32>
          %and3A_708 = arith.andi %and3A_702, %le3A_707 : vector<16xi1>
          %add3A_709 = arith.addi %add3A_696, %all_reduce_population_count3A_703 : vector<16xi32>
          %le3A_710 = arith.constant 16 : i32
          %le3A_711 = vector.broadcast %le3A_710 : i32 to vector<16xi32>
          %le3A_712 = arith.cmpi sle, %add3A_709, %le3A_711 : vector<16xi32>
          %jit3A_713 = arith.constant 0 : i32
          %broadcast_in_dim3A_714 = vector.broadcast %jit3A_713 : i32 to vector<16xi32>
          %select_n3A_715 = arith.select %le3A_712, %all_reduce_population_count3A_703, %broadcast_in_dim3A_714 : vector<16xi1>, vector<16xi32>
          %convert_element_type3A_716 = arith.sitofp %add3A_696 : vector<16xi32> to vector<16xf32>
          %reduce_max3A_717 = arith.constant true
          %reduce_max3A_718 = vector.broadcast %reduce_max3A_717 : i1 to vector<16xi1>
          %reduce_max3A_719 = tpu.scan <max>, %convert_element_type3A_716 masked %reduce_max3A_718 : vector<16xf32>, vector<16xi1> -> vector<16xf32>
          %reduce_max3A_720 = vector.extract %reduce_max3A_719[15] : f32 from vector<16xf32>
          %convert_element_type3A_721 = arith.fptosi %reduce_max3A_720 : f32 to i32
          %mul3A_722 = arith.constant 16 : i32
          %mul3A_723 = arith.muli %add3A_429, %mul3A_722 : i32
          %add3A_724 = arith.addi %mul3A_723, %convert_element_type3A_721 : i32
          %swap3A_725 = arith.index_cast %add3A_724 : i32 to index
          %swap3A_726 = tpu.vector_load %arg12[%swap3A_725] masked %and3A_708 {strides = array<i32>} : memref<8208xf32, #tpu.memory_space<vmem>>, vector<16xf32>, vector<16xi1>
          tpu.vector_store %arg12[%swap3A_725], %get3A_699 masked %and3A_708 {strides = array<i32>} : memref<8208xf32, #tpu.memory_space<vmem>>, vector<16xf32>, vector<16xi1>
          %add3A_727 = arith.constant 112 : i32
          %add3A_728 = vector.broadcast %add3A_727 : i32 to vector<16xi32>
          %add3A_729 = arith.addi %mul3A_438, %add3A_728 : vector<16xi32>
          %add3A_730 = arith.addi %add3A_729, %iota3A : vector<16xi32>
          %swap3A_731 = arith.index_cast %add3A_724 : i32 to index
          %swap3A_732 = tpu.vector_load %arg13[%swap3A_731] masked %and3A_708 {strides = array<i32>} : memref<8208xi32, #tpu.memory_space<vmem>>, vector<16xi32>, vector<16xi1>
          tpu.vector_store %arg13[%swap3A_731], %add3A_730 masked %and3A_708 {strides = array<i32>} : memref<8208xi32, #tpu.memory_space<vmem>>, vector<16xi32>, vector<16xi1>
          %add3A_733 = arith.addi %add3A_696, %select_n3A_715 : vector<16xi32>
          %scan3A_734 = arith.constant 0 : i32
          scf.yield %scan3A_734 : i32
        }
        %scan3A_425 = arith.constant 128 : i32
      } else {
      }
      %gt3A_106 = arith.constant 128 : i32
      %gt3A_107 = arith.cmpi sgt, %scan3A_93, %gt3A_106 : i32
      %convert_element_type3A_108 = arith.extui %gt3A_107 : i1 to i32
      %cond3A_109 = arith.constant 0 : i32
      %cond3A_110 = arith.cmpi ne, %convert_element_type3A_108, %cond3A_109 : i32
      scf.if %cond3A_110 {
        %dma_start3A = arith.constant 128 : i32
        %dma_start3A_411 = tpu.memref_slice %arg10[%dma_start3A] : memref<512xi32, #tpu.memory_space<vmem>> -> memref<128xi32, #tpu.memory_space<vmem>>
        %dma_start3A_412 = arith.constant 0 : i32
        %dma_start3A_413 = arith.constant 0 : i32
        %dma_start3A_414 = tpu.memref_slice %arg4[%dma_start3A_412, %dma_start3A_413] : memref<131072x128xf32, #tpu.memory_space<hbm>> -> memref<131072x128xf32, #tpu.memory_space<hbm>>
        tpu.enqueue_indirect_dma source(%dma_start3A_414 : memref<131072x128xf32, #tpu.memory_space<hbm>>) target(%arg11 : memref<128x128xf32, #tpu.memory_space<vmem>>) offsets(%dma_start3A_411 : memref<128xi32, #tpu.memory_space<vmem>>) semaphore(%arg19 : memref<!tpu.dma_semaphore, #tpu.memory_space<semaphore_mem>>)
        %dma_wait3A = arith.constant 128 : i32
        %dma_wait3A_415 = tpu.memref_slice %arg10[%dma_wait3A] : memref<512xi32, #tpu.memory_space<vmem>> -> memref<128xi32, #tpu.memory_space<vmem>>
        %dma_wait3A_416 = arith.constant 0 : i32
        %dma_wait3A_417 = arith.constant 0 : i32
        %dma_wait3A_418 = tpu.memref_slice %arg4[%dma_wait3A_416, %dma_wait3A_417] : memref<131072x128xf32, #tpu.memory_space<hbm>> -> memref<131072x128xf32, #tpu.memory_space<hbm>>
        tpu.wait_indirect_dma semaphore(%arg19 : memref<!tpu.dma_semaphore, #tpu.memory_space<semaphore_mem>>) src(%dma_wait3A_418 : memref<131072x128xf32, #tpu.memory_space<hbm>>) dst(%arg11 : memref<128x128xf32, #tpu.memory_space<vmem>>)
        %scan3A_419 = arith.constant 0 : i32
        %scan3A_420 = arith.constant 0 : i32
        %scan3A_421 = arith.constant 128 : i32
        %scan3A_422 = arith.addi %scan3A_420, %scan3A_421 : i32
        %scan3A_423 = arith.constant 1 : i32
        %scan3A_424 = scf.for %scan3A_426 = %scan3A_420 to %scan3A_422 step %scan3A_423 iter_args(%scan3A_427 = %scan3A_419) -> (i32)  : i32 {
          %add3A_428 = arith.constant 128 : i32
          %add3A_429 = arith.addi %add3A_428, %scan3A_426 : i32
          %mul3A_430 = arith.constant 0 : i32
          %mul3A_431 = vector.broadcast %mul3A_430 : i32 to vector<16xi32>
          %mul3A_432 = arith.muli %iota3A, %mul3A_431 : vector<16xi32>
          %add3A_433 = vector.broadcast %add3A_429 : i32 to vector<16xi32>
          %add3A_434 = arith.addi %mul3A_432, %add3A_433 : vector<16xi32>
          %gather3A = tpu.vector_load_idx %arg9[%add3A_434] : memref<512xi32, #tpu.memory_space<vmem>>[vector<16xi32>], vector<16xi32>,
          %lt3A_435 = arith.cmpi slt, %add3A_429, %scan3A_93 : i32
          %mul3A_436 = arith.constant 128 : i32
          %mul3A_437 = vector.broadcast %mul3A_436 : i32 to vector<16xi32>
          %mul3A_438 = arith.muli %gather3A, %mul3A_437 : vector<16xi32>
          %broadcast_in_dim3A_439 = arith.constant 0 : i32
          %broadcast_in_dim3A_440 = vector.broadcast %broadcast_in_dim3A_439 : i32 to vector<16xi32>
          %get3A_441 = arith.index_cast %scan3A_426 : i32 to index
          %get3A_442 = arith.constant 0 : index
          %get3A_443 = tpu.vector_load %arg11[%get3A_441, %get3A_442] {strides = array<i32>} : memref<128x128xf32, #tpu.memory_space<vmem>>, vector<16xf32>,
          %ge3A = arith.cmpf oge, %get3A_443, %add3A_11 : vector<16xf32>
          %broadcast_in_dim3A_444 = vector.broadcast %lt3A_435 : i1 to vector<16xi1>
          %and3A_445 = arith.andi %ge3A, %broadcast_in_dim3A_444 : vector<16xi1>
          %all_reduce_population_count3A = tpu.all_reduce %and3A_445 {dim = 0 : i64, kind = #tpu.reduction_kind<sum>} : vector<16xi1> -> vector<16xi32>
          %add3A_446 = arith.addi %broadcast_in_dim3A_440, %all_reduce_population_count3A : vector<16xi32>
          %le3A = arith.constant 16 : i32
          %le3A_447 = vector.broadcast %le3A : i32 to vector<16xi32>
          %le3A_448 = arith.cmpi sle, %add3A_446, %le3A_447 : vector<16xi32>
          %and3A_449 = arith.andi %and3A_445, %le3A_448 : vector<16xi1>
          %add3A_450 = arith.addi %broadcast_in_dim3A_440, %all_reduce_population_count3A : vector<16xi32>
          %le3A_451 = arith.constant 16 : i32
          %le3A_452 = vector.broadcast %le3A_451 : i32 to vector<16xi32>
          %le3A_453 = arith.cmpi sle, %add3A_450, %le3A_452 : vector<16xi32>
          %jit3A_454 = arith.constant 0 : i32
          %broadcast_in_dim3A_455 = vector.broadcast %jit3A_454 : i32 to vector<16xi32>
          %select_n3A_456 = arith.select %le3A_453, %all_reduce_population_count3A, %broadcast_in_dim3A_455 : vector<16xi1>, vector<16xi32>
          %convert_element_type3A_457 = arith.sitofp %broadcast_in_dim3A_440 : vector<16xi32> to vector<16xf32>
          %reduce_max3A_458 = arith.constant true
          %reduce_max3A_459 = vector.broadcast %reduce_max3A_458 : i1 to vector<16xi1>
          %reduce_max3A_460 = tpu.scan <max>, %convert_element_type3A_457 masked %reduce_max3A_459 : vector<16xf32>, vector<16xi1> -> vector<16xf32>
          %reduce_max3A_461 = vector.extract %reduce_max3A_460[15] : f32 from vector<16xf32>
          %convert_element_type3A_462 = arith.fptosi %reduce_max3A_461 : f32 to i32
          %mul3A_463 = arith.constant 16 : i32
          %mul3A_464 = arith.muli %add3A_429, %mul3A_463 : i32
          %add3A_465 = arith.addi %mul3A_464, %convert_element_type3A_462 : i32
          %swap3A_466 = arith.index_cast %add3A_465 : i32 to index
          %swap3A_467 = tpu.vector_load %arg12[%swap3A_466] masked %and3A_449 {strides = array<i32>} : memref<8208xf32, #tpu.memory_space<vmem>>, vector<16xf32>, vector<16xi1>
          tpu.vector_store %arg12[%swap3A_466], %get3A_443 masked %and3A_449 {strides = array<i32>} : memref<8208xf32, #tpu.memory_space<vmem>>, vector<16xf32>, vector<16xi1>
          %add3A_468 = arith.constant 0 : i32
          %add3A_469 = vector.broadcast %add3A_468 : i32 to vector<16xi32>
          %add3A_470 = arith.addi %mul3A_438, %add3A_469 : vector<16xi32>
          %add3A_471 = arith.addi %add3A_470, %iota3A : vector<16xi32>
          %swap3A_472 = arith.index_cast %add3A_465 : i32 to index
          %swap3A_473 = tpu.vector_load %arg13[%swap3A_472] masked %and3A_449 {strides = array<i32>} : memref<8208xi32, #tpu.memory_space<vmem>>, vector<16xi32>, vector<16xi1>
          tpu.vector_store %arg13[%swap3A_472], %add3A_471 masked %and3A_449 {strides = array<i32>} : memref<8208xi32, #tpu.memory_space<vmem>>, vector<16xi32>, vector<16xi1>
          %add3A_474 = arith.addi %broadcast_in_dim3A_440, %select_n3A_456 : vector<16xi32>
          %get3A_475 = arith.index_cast %scan3A_426 : i32 to index
          %get3A_476 = arith.constant 16 : index
          %get3A_477 = tpu.vector_load %arg11[%get3A_475, %get3A_476] {strides = array<i32>} : memref<128x128xf32, #tpu.memory_space<vmem>>, vector<16xf32>,
          %ge3A_478 = arith.cmpf oge, %get3A_477, %add3A_11 : vector<16xf32>
          %broadcast_in_dim3A_479 = vector.broadcast %lt3A_435 : i1 to vector<16xi1>
          %and3A_480 = arith.andi %ge3A_478, %broadcast_in_dim3A_479 : vector<16xi1>
          %all_reduce_population_count3A_481 = tpu.all_reduce %and3A_480 {dim = 0 : i64, kind = #tpu.reduction_kind<sum>} : vector<16xi1> -> vector<16xi32>
          %add3A_482 = arith.addi %add3A_474, %all_reduce_population_count3A_481 : vector<16xi32>
          %le3A_483 = arith.constant 16 : i32
          %le3A_484 = vector.broadcast %le3A_483 : i32 to vector<16xi32>
          %le3A_485 = arith.cmpi sle, %add3A_482, %le3A_484 : vector<16xi32>
          %and3A_486 = arith.andi %and3A_480, %le3A_485 : vector<16xi1>
          %add3A_487 = arith.addi %add3A_474, %all_reduce_population_count3A_481 : vector<16xi32>
          %le3A_488 = arith.constant 16 : i32
          %le3A_489 = vector.broadcast %le3A_488 : i32 to vector<16xi32>
          %le3A_490 = arith.cmpi sle, %add3A_487, %le3A_489 : vector<16xi32>
          %jit3A_491 = arith.constant 0 : i32
          %broadcast_in_dim3A_492 = vector.broadcast %jit3A_491 : i32 to vector<16xi32>
          %select_n3A_493 = arith.select %le3A_490, %all_reduce_population_count3A_481, %broadcast_in_dim3A_492 : vector<16xi1>, vector<16xi32>
          %convert_element_type3A_494 = arith.sitofp %add3A_474 : vector<16xi32> to vector<16xf32>
          %reduce_max3A_495 = arith.constant true
          %reduce_max3A_496 = vector.broadcast %reduce_max3A_495 : i1 to vector<16xi1>
          %reduce_max3A_497 = tpu.scan <max>, %convert_element_type3A_494 masked %reduce_max3A_496 : vector<16xf32>, vector<16xi1> -> vector<16xf32>
          %reduce_max3A_498 = vector.extract %reduce_max3A_497[15] : f32 from vector<16xf32>
          %convert_element_type3A_499 = arith.fptosi %reduce_max3A_498 : f32 to i32
          %mul3A_500 = arith.constant 16 : i32
          %mul3A_501 = arith.muli %add3A_429, %mul3A_500 : i32
          %add3A_502 = arith.addi %mul3A_501, %convert_element_type3A_499 : i32
          %swap3A_503 = arith.index_cast %add3A_502 : i32 to index
          %swap3A_504 = tpu.vector_load %arg12[%swap3A_503] masked %and3A_486 {strides = array<i32>} : memref<8208xf32, #tpu.memory_space<vmem>>, vector<16xf32>, vector<16xi1>
          tpu.vector_store %arg12[%swap3A_503], %get3A_477 masked %and3A_486 {strides = array<i32>} : memref<8208xf32, #tpu.memory_space<vmem>>, vector<16xf32>, vector<16xi1>
          %add3A_505 = arith.constant 16 : i32
          %add3A_506 = vector.broadcast %add3A_505 : i32 to vector<16xi32>
          %add3A_507 = arith.addi %mul3A_438, %add3A_506 : vector<16xi32>
          %add3A_508 = arith.addi %add3A_507, %iota3A : vector<16xi32>
          %swap3A_509 = arith.index_cast %add3A_502 : i32 to index
          %swap3A_510 = tpu.vector_load %arg13[%swap3A_509] masked %and3A_486 {strides = array<i32>} : memref<8208xi32, #tpu.memory_space<vmem>>, vector<16xi32>, vector<16xi1>
          tpu.vector_store %arg13[%swap3A_509], %add3A_508 masked %and3A_486 {strides = array<i32>} : memref<8208xi32, #tpu.memory_space<vmem>>, vector<16xi32>, vector<16xi1>
          %add3A_511 = arith.addi %add3A_474, %select_n3A_493 : vector<16xi32>
          %get3A_512 = arith.index_cast %scan3A_426 : i32 to index
          %get3A_513 = arith.constant 32 : index
          %get3A_514 = tpu.vector_load %arg11[%get3A_512, %get3A_513] {strides = array<i32>} : memref<128x128xf32, #tpu.memory_space<vmem>>, vector<16xf32>,
          %ge3A_515 = arith.cmpf oge, %get3A_514, %add3A_11 : vector<16xf32>
          %broadcast_in_dim3A_516 = vector.broadcast %lt3A_435 : i1 to vector<16xi1>
          %and3A_517 = arith.andi %ge3A_515, %broadcast_in_dim3A_516 : vector<16xi1>
          %all_reduce_population_count3A_518 = tpu.all_reduce %and3A_517 {dim = 0 : i64, kind = #tpu.reduction_kind<sum>} : vector<16xi1> -> vector<16xi32>
          %add3A_519 = arith.addi %add3A_511, %all_reduce_population_count3A_518 : vector<16xi32>
          %le3A_520 = arith.constant 16 : i32
          %le3A_521 = vector.broadcast %le3A_520 : i32 to vector<16xi32>
          %le3A_522 = arith.cmpi sle, %add3A_519, %le3A_521 : vector<16xi32>
          %and3A_523 = arith.andi %and3A_517, %le3A_522 : vector<16xi1>
          %add3A_524 = arith.addi %add3A_511, %all_reduce_population_count3A_518 : vector<16xi32>
          %le3A_525 = arith.constant 16 : i32
          %le3A_526 = vector.broadcast %le3A_525 : i32 to vector<16xi32>
          %le3A_527 = arith.cmpi sle, %add3A_524, %le3A_526 : vector<16xi32>
          %jit3A_528 = arith.constant 0 : i32
          %broadcast_in_dim3A_529 = vector.broadcast %jit3A_528 : i32 to vector<16xi32>
          %select_n3A_530 = arith.select %le3A_527, %all_reduce_population_count3A_518, %broadcast_in_dim3A_529 : vector<16xi1>, vector<16xi32>
          %convert_element_type3A_531 = arith.sitofp %add3A_511 : vector<16xi32> to vector<16xf32>
          %reduce_max3A_532 = arith.constant true
          %reduce_max3A_533 = vector.broadcast %reduce_max3A_532 : i1 to vector<16xi1>
          %reduce_max3A_534 = tpu.scan <max>, %convert_element_type3A_531 masked %reduce_max3A_533 : vector<16xf32>, vector<16xi1> -> vector<16xf32>
          %reduce_max3A_535 = vector.extract %reduce_max3A_534[15] : f32 from vector<16xf32>
          %convert_element_type3A_536 = arith.fptosi %reduce_max3A_535 : f32 to i32
          %mul3A_537 = arith.constant 16 : i32
          %mul3A_538 = arith.muli %add3A_429, %mul3A_537 : i32
          %add3A_539 = arith.addi %mul3A_538, %convert_element_type3A_536 : i32
          %swap3A_540 = arith.index_cast %add3A_539 : i32 to index
          %swap3A_541 = tpu.vector_load %arg12[%swap3A_540] masked %and3A_523 {strides = array<i32>} : memref<8208xf32, #tpu.memory_space<vmem>>, vector<16xf32>, vector<16xi1>
          tpu.vector_store %arg12[%swap3A_540], %get3A_514 masked %and3A_523 {strides = array<i32>} : memref<8208xf32, #tpu.memory_space<vmem>>, vector<16xf32>, vector<16xi1>
          %add3A_542 = arith.constant 32 : i32
          %add3A_543 = vector.broadcast %add3A_542 : i32 to vector<16xi32>
          %add3A_544 = arith.addi %mul3A_438, %add3A_543 : vector<16xi32>
          %add3A_545 = arith.addi %add3A_544, %iota3A : vector<16xi32>
          %swap3A_546 = arith.index_cast %add3A_539 : i32 to index
          %swap3A_547 = tpu.vector_load %arg13[%swap3A_546] masked %and3A_523 {strides = array<i32>} : memref<8208xi32, #tpu.memory_space<vmem>>, vector<16xi32>, vector<16xi1>
          tpu.vector_store %arg13[%swap3A_546], %add3A_545 masked %and3A_523 {strides = array<i32>} : memref<8208xi32, #tpu.memory_space<vmem>>, vector<16xi32>, vector<16xi1>
          %add3A_548 = arith.addi %add3A_511, %select_n3A_530 : vector<16xi32>
          %get3A_549 = arith.index_cast %scan3A_426 : i32 to index
          %get3A_550 = arith.constant 48 : index
          %get3A_551 = tpu.vector_load %arg11[%get3A_549, %get3A_550] {strides = array<i32>} : memref<128x128xf32, #tpu.memory_space<vmem>>, vector<16xf32>,
          %ge3A_552 = arith.cmpf oge, %get3A_551, %add3A_11 : vector<16xf32>
          %broadcast_in_dim3A_553 = vector.broadcast %lt3A_435 : i1 to vector<16xi1>
          %and3A_554 = arith.andi %ge3A_552, %broadcast_in_dim3A_553 : vector<16xi1>
          %all_reduce_population_count3A_555 = tpu.all_reduce %and3A_554 {dim = 0 : i64, kind = #tpu.reduction_kind<sum>} : vector<16xi1> -> vector<16xi32>
          %add3A_556 = arith.addi %add3A_548, %all_reduce_population_count3A_555 : vector<16xi32>
          %le3A_557 = arith.constant 16 : i32
          %le3A_558 = vector.broadcast %le3A_557 : i32 to vector<16xi32>
          %le3A_559 = arith.cmpi sle, %add3A_556, %le3A_558 : vector<16xi32>
          %and3A_560 = arith.andi %and3A_554, %le3A_559 : vector<16xi1>
          %add3A_561 = arith.addi %add3A_548, %all_reduce_population_count3A_555 : vector<16xi32>
          %le3A_562 = arith.constant 16 : i32
          %le3A_563 = vector.broadcast %le3A_562 : i32 to vector<16xi32>
          %le3A_564 = arith.cmpi sle, %add3A_561, %le3A_563 : vector<16xi32>
          %jit3A_565 = arith.constant 0 : i32
          %broadcast_in_dim3A_566 = vector.broadcast %jit3A_565 : i32 to vector<16xi32>
          %select_n3A_567 = arith.select %le3A_564, %all_reduce_population_count3A_555, %broadcast_in_dim3A_566 : vector<16xi1>, vector<16xi32>
          %convert_element_type3A_568 = arith.sitofp %add3A_548 : vector<16xi32> to vector<16xf32>
          %reduce_max3A_569 = arith.constant true
          %reduce_max3A_570 = vector.broadcast %reduce_max3A_569 : i1 to vector<16xi1>
          %reduce_max3A_571 = tpu.scan <max>, %convert_element_type3A_568 masked %reduce_max3A_570 : vector<16xf32>, vector<16xi1> -> vector<16xf32>
          %reduce_max3A_572 = vector.extract %reduce_max3A_571[15] : f32 from vector<16xf32>
          %convert_element_type3A_573 = arith.fptosi %reduce_max3A_572 : f32 to i32
          %mul3A_574 = arith.constant 16 : i32
          %mul3A_575 = arith.muli %add3A_429, %mul3A_574 : i32
          %add3A_576 = arith.addi %mul3A_575, %convert_element_type3A_573 : i32
          %swap3A_577 = arith.index_cast %add3A_576 : i32 to index
          %swap3A_578 = tpu.vector_load %arg12[%swap3A_577] masked %and3A_560 {strides = array<i32>} : memref<8208xf32, #tpu.memory_space<vmem>>, vector<16xf32>, vector<16xi1>
          tpu.vector_store %arg12[%swap3A_577], %get3A_551 masked %and3A_560 {strides = array<i32>} : memref<8208xf32, #tpu.memory_space<vmem>>, vector<16xf32>, vector<16xi1>
          %add3A_579 = arith.constant 48 : i32
          %add3A_580 = vector.broadcast %add3A_579 : i32 to vector<16xi32>
          %add3A_581 = arith.addi %mul3A_438, %add3A_580 : vector<16xi32>
          %add3A_582 = arith.addi %add3A_581, %iota3A : vector<16xi32>
          %swap3A_583 = arith.index_cast %add3A_576 : i32 to index
          %swap3A_584 = tpu.vector_load %arg13[%swap3A_583] masked %and3A_560 {strides = array<i32>} : memref<8208xi32, #tpu.memory_space<vmem>>, vector<16xi32>, vector<16xi1>
          tpu.vector_store %arg13[%swap3A_583], %add3A_582 masked %and3A_560 {strides = array<i32>} : memref<8208xi32, #tpu.memory_space<vmem>>, vector<16xi32>, vector<16xi1>
          %add3A_585 = arith.addi %add3A_548, %select_n3A_567 : vector<16xi32>
          %get3A_586 = arith.index_cast %scan3A_426 : i32 to index
          %get3A_587 = arith.constant 64 : index
          %get3A_588 = tpu.vector_load %arg11[%get3A_586, %get3A_587] {strides = array<i32>} : memref<128x128xf32, #tpu.memory_space<vmem>>, vector<16xf32>,
          %ge3A_589 = arith.cmpf oge, %get3A_588, %add3A_11 : vector<16xf32>
          %broadcast_in_dim3A_590 = vector.broadcast %lt3A_435 : i1 to vector<16xi1>
          %and3A_591 = arith.andi %ge3A_589, %broadcast_in_dim3A_590 : vector<16xi1>
          %all_reduce_population_count3A_592 = tpu.all_reduce %and3A_591 {dim = 0 : i64, kind = #tpu.reduction_kind<sum>} : vector<16xi1> -> vector<16xi32>
          %add3A_593 = arith.addi %add3A_585, %all_reduce_population_count3A_592 : vector<16xi32>
          %le3A_594 = arith.constant 16 : i32
          %le3A_595 = vector.broadcast %le3A_594 : i32 to vector<16xi32>
          %le3A_596 = arith.cmpi sle, %add3A_593, %le3A_595 : vector<16xi32>
          %and3A_597 = arith.andi %and3A_591, %le3A_596 : vector<16xi1>
          %add3A_598 = arith.addi %add3A_585, %all_reduce_population_count3A_592 : vector<16xi32>
          %le3A_599 = arith.constant 16 : i32
          %le3A_600 = vector.broadcast %le3A_599 : i32 to vector<16xi32>
          %le3A_601 = arith.cmpi sle, %add3A_598, %le3A_600 : vector<16xi32>
          %jit3A_602 = arith.constant 0 : i32
          %broadcast_in_dim3A_603 = vector.broadcast %jit3A_602 : i32 to vector<16xi32>
          %select_n3A_604 = arith.select %le3A_601, %all_reduce_population_count3A_592, %broadcast_in_dim3A_603 : vector<16xi1>, vector<16xi32>
          %convert_element_type3A_605 = arith.sitofp %add3A_585 : vector<16xi32> to vector<16xf32>
          %reduce_max3A_606 = arith.constant true
          %reduce_max3A_607 = vector.broadcast %reduce_max3A_606 : i1 to vector<16xi1>
          %reduce_max3A_608 = tpu.scan <max>, %convert_element_type3A_605 masked %reduce_max3A_607 : vector<16xf32>, vector<16xi1> -> vector<16xf32>
          %reduce_max3A_609 = vector.extract %reduce_max3A_608[15] : f32 from vector<16xf32>
          %convert_element_type3A_610 = arith.fptosi %reduce_max3A_609 : f32 to i32
          %mul3A_611 = arith.constant 16 : i32
          %mul3A_612 = arith.muli %add3A_429, %mul3A_611 : i32
          %add3A_613 = arith.addi %mul3A_612, %convert_element_type3A_610 : i32
          %swap3A_614 = arith.index_cast %add3A_613 : i32 to index
          %swap3A_615 = tpu.vector_load %arg12[%swap3A_614] masked %and3A_597 {strides = array<i32>} : memref<8208xf32, #tpu.memory_space<vmem>>, vector<16xf32>, vector<16xi1>
          tpu.vector_store %arg12[%swap3A_614], %get3A_588 masked %and3A_597 {strides = array<i32>} : memref<8208xf32, #tpu.memory_space<vmem>>, vector<16xf32>, vector<16xi1>
          %add3A_616 = arith.constant 64 : i32
          %add3A_617 = vector.broadcast %add3A_616 : i32 to vector<16xi32>
          %add3A_618 = arith.addi %mul3A_438, %add3A_617 : vector<16xi32>
          %add3A_619 = arith.addi %add3A_618, %iota3A : vector<16xi32>
          %swap3A_620 = arith.index_cast %add3A_613 : i32 to index
          %swap3A_621 = tpu.vector_load %arg13[%swap3A_620] masked %and3A_597 {strides = array<i32>} : memref<8208xi32, #tpu.memory_space<vmem>>, vector<16xi32>, vector<16xi1>
          tpu.vector_store %arg13[%swap3A_620], %add3A_619 masked %and3A_597 {strides = array<i32>} : memref<8208xi32, #tpu.memory_space<vmem>>, vector<16xi32>, vector<16xi1>
          %add3A_622 = arith.addi %add3A_585, %select_n3A_604 : vector<16xi32>
          %get3A_623 = arith.index_cast %scan3A_426 : i32 to index
          %get3A_624 = arith.constant 80 : index
          %get3A_625 = tpu.vector_load %arg11[%get3A_623, %get3A_624] {strides = array<i32>} : memref<128x128xf32, #tpu.memory_space<vmem>>, vector<16xf32>,
          %ge3A_626 = arith.cmpf oge, %get3A_625, %add3A_11 : vector<16xf32>
          %broadcast_in_dim3A_627 = vector.broadcast %lt3A_435 : i1 to vector<16xi1>
          %and3A_628 = arith.andi %ge3A_626, %broadcast_in_dim3A_627 : vector<16xi1>
          %all_reduce_population_count3A_629 = tpu.all_reduce %and3A_628 {dim = 0 : i64, kind = #tpu.reduction_kind<sum>} : vector<16xi1> -> vector<16xi32>
          %add3A_630 = arith.addi %add3A_622, %all_reduce_population_count3A_629 : vector<16xi32>
          %le3A_631 = arith.constant 16 : i32
          %le3A_632 = vector.broadcast %le3A_631 : i32 to vector<16xi32>
          %le3A_633 = arith.cmpi sle, %add3A_630, %le3A_632 : vector<16xi32>
          %and3A_634 = arith.andi %and3A_628, %le3A_633 : vector<16xi1>
          %add3A_635 = arith.addi %add3A_622, %all_reduce_population_count3A_629 : vector<16xi32>
          %le3A_636 = arith.constant 16 : i32
          %le3A_637 = vector.broadcast %le3A_636 : i32 to vector<16xi32>
          %le3A_638 = arith.cmpi sle, %add3A_635, %le3A_637 : vector<16xi32>
          %jit3A_639 = arith.constant 0 : i32
          %broadcast_in_dim3A_640 = vector.broadcast %jit3A_639 : i32 to vector<16xi32>
          %select_n3A_641 = arith.select %le3A_638, %all_reduce_population_count3A_629, %broadcast_in_dim3A_640 : vector<16xi1>, vector<16xi32>
          %convert_element_type3A_642 = arith.sitofp %add3A_622 : vector<16xi32> to vector<16xf32>
          %reduce_max3A_643 = arith.constant true
          %reduce_max3A_644 = vector.broadcast %reduce_max3A_643 : i1 to vector<16xi1>
          %reduce_max3A_645 = tpu.scan <max>, %convert_element_type3A_642 masked %reduce_max3A_644 : vector<16xf32>, vector<16xi1> -> vector<16xf32>
          %reduce_max3A_646 = vector.extract %reduce_max3A_645[15] : f32 from vector<16xf32>
          %convert_element_type3A_647 = arith.fptosi %reduce_max3A_646 : f32 to i32
          %mul3A_648 = arith.constant 16 : i32
          %mul3A_649 = arith.muli %add3A_429, %mul3A_648 : i32
          %add3A_650 = arith.addi %mul3A_649, %convert_element_type3A_647 : i32
          %swap3A_651 = arith.index_cast %add3A_650 : i32 to index
          %swap3A_652 = tpu.vector_load %arg12[%swap3A_651] masked %and3A_634 {strides = array<i32>} : memref<8208xf32, #tpu.memory_space<vmem>>, vector<16xf32>, vector<16xi1>
          tpu.vector_store %arg12[%swap3A_651], %get3A_625 masked %and3A_634 {strides = array<i32>} : memref<8208xf32, #tpu.memory_space<vmem>>, vector<16xf32>, vector<16xi1>
          %add3A_653 = arith.constant 80 : i32
          %add3A_654 = vector.broadcast %add3A_653 : i32 to vector<16xi32>
          %add3A_655 = arith.addi %mul3A_438, %add3A_654 : vector<16xi32>
          %add3A_656 = arith.addi %add3A_655, %iota3A : vector<16xi32>
          %swap3A_657 = arith.index_cast %add3A_650 : i32 to index
          %swap3A_658 = tpu.vector_load %arg13[%swap3A_657] masked %and3A_634 {strides = array<i32>} : memref<8208xi32, #tpu.memory_space<vmem>>, vector<16xi32>, vector<16xi1>
          tpu.vector_store %arg13[%swap3A_657], %add3A_656 masked %and3A_634 {strides = array<i32>} : memref<8208xi32, #tpu.memory_space<vmem>>, vector<16xi32>, vector<16xi1>
          %add3A_659 = arith.addi %add3A_622, %select_n3A_641 : vector<16xi32>
          %get3A_660 = arith.index_cast %scan3A_426 : i32 to index
          %get3A_661 = arith.constant 96 : index
          %get3A_662 = tpu.vector_load %arg11[%get3A_660, %get3A_661] {strides = array<i32>} : memref<128x128xf32, #tpu.memory_space<vmem>>, vector<16xf32>,
          %ge3A_663 = arith.cmpf oge, %get3A_662, %add3A_11 : vector<16xf32>
          %broadcast_in_dim3A_664 = vector.broadcast %lt3A_435 : i1 to vector<16xi1>
          %and3A_665 = arith.andi %ge3A_663, %broadcast_in_dim3A_664 : vector<16xi1>
          %all_reduce_population_count3A_666 = tpu.all_reduce %and3A_665 {dim = 0 : i64, kind = #tpu.reduction_kind<sum>} : vector<16xi1> -> vector<16xi32>
          %add3A_667 = arith.addi %add3A_659, %all_reduce_population_count3A_666 : vector<16xi32>
          %le3A_668 = arith.constant 16 : i32
          %le3A_669 = vector.broadcast %le3A_668 : i32 to vector<16xi32>
          %le3A_670 = arith.cmpi sle, %add3A_667, %le3A_669 : vector<16xi32>
          %and3A_671 = arith.andi %and3A_665, %le3A_670 : vector<16xi1>
          %add3A_672 = arith.addi %add3A_659, %all_reduce_population_count3A_666 : vector<16xi32>
          %le3A_673 = arith.constant 16 : i32
          %le3A_674 = vector.broadcast %le3A_673 : i32 to vector<16xi32>
          %le3A_675 = arith.cmpi sle, %add3A_672, %le3A_674 : vector<16xi32>
          %jit3A_676 = arith.constant 0 : i32
          %broadcast_in_dim3A_677 = vector.broadcast %jit3A_676 : i32 to vector<16xi32>
          %select_n3A_678 = arith.select %le3A_675, %all_reduce_population_count3A_666, %broadcast_in_dim3A_677 : vector<16xi1>, vector<16xi32>
          %convert_element_type3A_679 = arith.sitofp %add3A_659 : vector<16xi32> to vector<16xf32>
          %reduce_max3A_680 = arith.constant true
          %reduce_max3A_681 = vector.broadcast %reduce_max3A_680 : i1 to vector<16xi1>
          %reduce_max3A_682 = tpu.scan <max>, %convert_element_type3A_679 masked %reduce_max3A_681 : vector<16xf32>, vector<16xi1> -> vector<16xf32>
          %reduce_max3A_683 = vector.extract %reduce_max3A_682[15] : f32 from vector<16xf32>
          %convert_element_type3A_684 = arith.fptosi %reduce_max3A_683 : f32 to i32
          %mul3A_685 = arith.constant 16 : i32
          %mul3A_686 = arith.muli %add3A_429, %mul3A_685 : i32
          %add3A_687 = arith.addi %mul3A_686, %convert_element_type3A_684 : i32
          %swap3A_688 = arith.index_cast %add3A_687 : i32 to index
          %swap3A_689 = tpu.vector_load %arg12[%swap3A_688] masked %and3A_671 {strides = array<i32>} : memref<8208xf32, #tpu.memory_space<vmem>>, vector<16xf32>, vector<16xi1>
          tpu.vector_store %arg12[%swap3A_688], %get3A_662 masked %and3A_671 {strides = array<i32>} : memref<8208xf32, #tpu.memory_space<vmem>>, vector<16xf32>, vector<16xi1>
          %add3A_690 = arith.constant 96 : i32
          %add3A_691 = vector.broadcast %add3A_690 : i32 to vector<16xi32>
          %add3A_692 = arith.addi %mul3A_438, %add3A_691 : vector<16xi32>
          %add3A_693 = arith.addi %add3A_692, %iota3A : vector<16xi32>
          %swap3A_694 = arith.index_cast %add3A_687 : i32 to index
          %swap3A_695 = tpu.vector_load %arg13[%swap3A_694] masked %and3A_671 {strides = array<i32>} : memref<8208xi32, #tpu.memory_space<vmem>>, vector<16xi32>, vector<16xi1>
          tpu.vector_store %arg13[%swap3A_694], %add3A_693 masked %and3A_671 {strides = array<i32>} : memref<8208xi32, #tpu.memory_space<vmem>>, vector<16xi32>, vector<16xi1>
          %add3A_696 = arith.addi %add3A_659, %select_n3A_678 : vector<16xi32>
          %get3A_697 = arith.index_cast %scan3A_426 : i32 to index
          %get3A_698 = arith.constant 112 : index
          %get3A_699 = tpu.vector_load %arg11[%get3A_697, %get3A_698] {strides = array<i32>} : memref<128x128xf32, #tpu.memory_space<vmem>>, vector<16xf32>,
          %ge3A_700 = arith.cmpf oge, %get3A_699, %add3A_11 : vector<16xf32>
          %broadcast_in_dim3A_701 = vector.broadcast %lt3A_435 : i1 to vector<16xi1>
          %and3A_702 = arith.andi %ge3A_700, %broadcast_in_dim3A_701 : vector<16xi1>
          %all_reduce_population_count3A_703 = tpu.all_reduce %and3A_702 {dim = 0 : i64, kind = #tpu.reduction_kind<sum>} : vector<16xi1> -> vector<16xi32>
          %add3A_704 = arith.addi %add3A_696, %all_reduce_population_count3A_703 : vector<16xi32>
          %le3A_705 = arith.constant 16 : i32
          %le3A_706 = vector.broadcast %le3A_705 : i32 to vector<16xi32>
          %le3A_707 = arith.cmpi sle, %add3A_704, %le3A_706 : vector<16xi32>
          %and3A_708 = arith.andi %and3A_702, %le3A_707 : vector<16xi1>
          %add3A_709 = arith.addi %add3A_696, %all_reduce_population_count3A_703 : vector<16xi32>
          %le3A_710 = arith.constant 16 : i32
          %le3A_711 = vector.broadcast %le3A_710 : i32 to vector<16xi32>
          %le3A_712 = arith.cmpi sle, %add3A_709, %le3A_711 : vector<16xi32>
          %jit3A_713 = arith.constant 0 : i32
          %broadcast_in_dim3A_714 = vector.broadcast %jit3A_713 : i32 to vector<16xi32>
          %select_n3A_715 = arith.select %le3A_712, %all_reduce_population_count3A_703, %broadcast_in_dim3A_714 : vector<16xi1>, vector<16xi32>
          %convert_element_type3A_716 = arith.sitofp %add3A_696 : vector<16xi32> to vector<16xf32>
          %reduce_max3A_717 = arith.constant true
          %reduce_max3A_718 = vector.broadcast %reduce_max3A_717 : i1 to vector<16xi1>
          %reduce_max3A_719 = tpu.scan <max>, %convert_element_type3A_716 masked %reduce_max3A_718 : vector<16xf32>, vector<16xi1> -> vector<16xf32>
          %reduce_max3A_720 = vector.extract %reduce_max3A_719[15] : f32 from vector<16xf32>
          %convert_element_type3A_721 = arith.fptosi %reduce_max3A_720 : f32 to i32
          %mul3A_722 = arith.constant 16 : i32
          %mul3A_723 = arith.muli %add3A_429, %mul3A_722 : i32
          %add3A_724 = arith.addi %mul3A_723, %convert_element_type3A_721 : i32
          %swap3A_725 = arith.index_cast %add3A_724 : i32 to index
          %swap3A_726 = tpu.vector_load %arg12[%swap3A_725] masked %and3A_708 {strides = array<i32>} : memref<8208xf32, #tpu.memory_space<vmem>>, vector<16xf32>, vector<16xi1>
          tpu.vector_store %arg12[%swap3A_725], %get3A_699 masked %and3A_708 {strides = array<i32>} : memref<8208xf32, #tpu.memory_space<vmem>>, vector<16xf32>, vector<16xi1>
          %add3A_727 = arith.constant 112 : i32
          %add3A_728 = vector.broadcast %add3A_727 : i32 to vector<16xi32>
          %add3A_729 = arith.addi %mul3A_438, %add3A_728 : vector<16xi32>
          %add3A_730 = arith.addi %add3A_729, %iota3A : vector<16xi32>
          %swap3A_731 = arith.index_cast %add3A_724 : i32 to index
          %swap3A_732 = tpu.vector_load %arg13[%swap3A_731] masked %and3A_708 {strides = array<i32>} : memref<8208xi32, #tpu.memory_space<vmem>>, vector<16xi32>, vector<16xi1>
          tpu.vector_store %arg13[%swap3A_731], %add3A_730 masked %and3A_708 {strides = array<i32>} : memref<8208xi32, #tpu.memory_space<vmem>>, vector<16xi32>, vector<16xi1>
          %add3A_733 = arith.addi %add3A_696, %select_n3A_715 : vector<16xi32>
          %scan3A_734 = arith.constant 0 : i32
          scf.yield %scan3A_734 : i32
        }
        %scan3A_425 = arith.constant 128 : i32
      } else {
      }
      %gt3A_111 = arith.constant 256 : i32
      %gt3A_112 = arith.cmpi sgt, %scan3A_93, %gt3A_111 : i32
      %convert_element_type3A_113 = arith.extui %gt3A_112 : i1 to i32
      %cond3A_114 = arith.constant 0 : i32
      %cond3A_115 = arith.cmpi ne, %convert_element_type3A_113, %cond3A_114 : i32
      scf.if %cond3A_115 {
        %dma_start3A = arith.constant 256 : i32
        %dma_start3A_411 = tpu.memref_slice %arg10[%dma_start3A] : memref<512xi32, #tpu.memory_space<vmem>> -> memref<128xi32, #tpu.memory_space<vmem>>
        %dma_start3A_412 = arith.constant 0 : i32
        %dma_start3A_413 = arith.constant 0 : i32
        %dma_start3A_414 = tpu.memref_slice %arg4[%dma_start3A_412, %dma_start3A_413] : memref<131072x128xf32, #tpu.memory_space<hbm>> -> memref<131072x128xf32, #tpu.memory_space<hbm>>
        tpu.enqueue_indirect_dma source(%dma_start3A_414 : memref<131072x128xf32, #tpu.memory_space<hbm>>) target(%arg11 : memref<128x128xf32, #tpu.memory_space<vmem>>) offsets(%dma_start3A_411 : memref<128xi32, #tpu.memory_space<vmem>>) semaphore(%arg19 : memref<!tpu.dma_semaphore, #tpu.memory_space<semaphore_mem>>)
        %dma_wait3A = arith.constant 256 : i32
        %dma_wait3A_415 = tpu.memref_slice %arg10[%dma_wait3A] : memref<512xi32, #tpu.memory_space<vmem>> -> memref<128xi32, #tpu.memory_space<vmem>>
        %dma_wait3A_416 = arith.constant 0 : i32
        %dma_wait3A_417 = arith.constant 0 : i32
        %dma_wait3A_418 = tpu.memref_slice %arg4[%dma_wait3A_416, %dma_wait3A_417] : memref<131072x128xf32, #tpu.memory_space<hbm>> -> memref<131072x128xf32, #tpu.memory_space<hbm>>
        tpu.wait_indirect_dma semaphore(%arg19 : memref<!tpu.dma_semaphore, #tpu.memory_space<semaphore_mem>>) src(%dma_wait3A_418 : memref<131072x128xf32, #tpu.memory_space<hbm>>) dst(%arg11 : memref<128x128xf32, #tpu.memory_space<vmem>>)
        %scan3A_419 = arith.constant 0 : i32
        %scan3A_420 = arith.constant 0 : i32
        %scan3A_421 = arith.constant 128 : i32
        %scan3A_422 = arith.addi %scan3A_420, %scan3A_421 : i32
        %scan3A_423 = arith.constant 1 : i32
        %scan3A_424 = scf.for %scan3A_426 = %scan3A_420 to %scan3A_422 step %scan3A_423 iter_args(%scan3A_427 = %scan3A_419) -> (i32)  : i32 {
          %add3A_428 = arith.constant 256 : i32
          %add3A_429 = arith.addi %add3A_428, %scan3A_426 : i32
          %mul3A_430 = arith.constant 0 : i32
          %mul3A_431 = vector.broadcast %mul3A_430 : i32 to vector<16xi32>
          %mul3A_432 = arith.muli %iota3A, %mul3A_431 : vector<16xi32>
          %add3A_433 = vector.broadcast %add3A_429 : i32 to vector<16xi32>
          %add3A_434 = arith.addi %mul3A_432, %add3A_433 : vector<16xi32>
          %gather3A = tpu.vector_load_idx %arg9[%add3A_434] : memref<512xi32, #tpu.memory_space<vmem>>[vector<16xi32>], vector<16xi32>,
          %lt3A_435 = arith.cmpi slt, %add3A_429, %scan3A_93 : i32
          %mul3A_436 = arith.constant 128 : i32
          %mul3A_437 = vector.broadcast %mul3A_436 : i32 to vector<16xi32>
          %mul3A_438 = arith.muli %gather3A, %mul3A_437 : vector<16xi32>
          %broadcast_in_dim3A_439 = arith.constant 0 : i32
          %broadcast_in_dim3A_440 = vector.broadcast %broadcast_in_dim3A_439 : i32 to vector<16xi32>
          %get3A_441 = arith.index_cast %scan3A_426 : i32 to index
          %get3A_442 = arith.constant 0 : index
          %get3A_443 = tpu.vector_load %arg11[%get3A_441, %get3A_442] {strides = array<i32>} : memref<128x128xf32, #tpu.memory_space<vmem>>, vector<16xf32>,
          %ge3A = arith.cmpf oge, %get3A_443, %add3A_11 : vector<16xf32>
          %broadcast_in_dim3A_444 = vector.broadcast %lt3A_435 : i1 to vector<16xi1>
          %and3A_445 = arith.andi %ge3A, %broadcast_in_dim3A_444 : vector<16xi1>
          %all_reduce_population_count3A = tpu.all_reduce %and3A_445 {dim = 0 : i64, kind = #tpu.reduction_kind<sum>} : vector<16xi1> -> vector<16xi32>
          %add3A_446 = arith.addi %broadcast_in_dim3A_440, %all_reduce_population_count3A : vector<16xi32>
          %le3A = arith.constant 16 : i32
          %le3A_447 = vector.broadcast %le3A : i32 to vector<16xi32>
          %le3A_448 = arith.cmpi sle, %add3A_446, %le3A_447 : vector<16xi32>
          %and3A_449 = arith.andi %and3A_445, %le3A_448 : vector<16xi1>
          %add3A_450 = arith.addi %broadcast_in_dim3A_440, %all_reduce_population_count3A : vector<16xi32>
          %le3A_451 = arith.constant 16 : i32
          %le3A_452 = vector.broadcast %le3A_451 : i32 to vector<16xi32>
          %le3A_453 = arith.cmpi sle, %add3A_450, %le3A_452 : vector<16xi32>
          %jit3A_454 = arith.constant 0 : i32
          %broadcast_in_dim3A_455 = vector.broadcast %jit3A_454 : i32 to vector<16xi32>
          %select_n3A_456 = arith.select %le3A_453, %all_reduce_population_count3A, %broadcast_in_dim3A_455 : vector<16xi1>, vector<16xi32>
          %convert_element_type3A_457 = arith.sitofp %broadcast_in_dim3A_440 : vector<16xi32> to vector<16xf32>
          %reduce_max3A_458 = arith.constant true
          %reduce_max3A_459 = vector.broadcast %reduce_max3A_458 : i1 to vector<16xi1>
          %reduce_max3A_460 = tpu.scan <max>, %convert_element_type3A_457 masked %reduce_max3A_459 : vector<16xf32>, vector<16xi1> -> vector<16xf32>
          %reduce_max3A_461 = vector.extract %reduce_max3A_460[15] : f32 from vector<16xf32>
          %convert_element_type3A_462 = arith.fptosi %reduce_max3A_461 : f32 to i32
          %mul3A_463 = arith.constant 16 : i32
          %mul3A_464 = arith.muli %add3A_429, %mul3A_463 : i32
          %add3A_465 = arith.addi %mul3A_464, %convert_element_type3A_462 : i32
          %swap3A_466 = arith.index_cast %add3A_465 : i32 to index
          %swap3A_467 = tpu.vector_load %arg12[%swap3A_466] masked %and3A_449 {strides = array<i32>} : memref<8208xf32, #tpu.memory_space<vmem>>, vector<16xf32>, vector<16xi1>
          tpu.vector_store %arg12[%swap3A_466], %get3A_443 masked %and3A_449 {strides = array<i32>} : memref<8208xf32, #tpu.memory_space<vmem>>, vector<16xf32>, vector<16xi1>
          %add3A_468 = arith.constant 0 : i32
          %add3A_469 = vector.broadcast %add3A_468 : i32 to vector<16xi32>
          %add3A_470 = arith.addi %mul3A_438, %add3A_469 : vector<16xi32>
          %add3A_471 = arith.addi %add3A_470, %iota3A : vector<16xi32>
          %swap3A_472 = arith.index_cast %add3A_465 : i32 to index
          %swap3A_473 = tpu.vector_load %arg13[%swap3A_472] masked %and3A_449 {strides = array<i32>} : memref<8208xi32, #tpu.memory_space<vmem>>, vector<16xi32>, vector<16xi1>
          tpu.vector_store %arg13[%swap3A_472], %add3A_471 masked %and3A_449 {strides = array<i32>} : memref<8208xi32, #tpu.memory_space<vmem>>, vector<16xi32>, vector<16xi1>
          %add3A_474 = arith.addi %broadcast_in_dim3A_440, %select_n3A_456 : vector<16xi32>
          %get3A_475 = arith.index_cast %scan3A_426 : i32 to index
          %get3A_476 = arith.constant 16 : index
          %get3A_477 = tpu.vector_load %arg11[%get3A_475, %get3A_476] {strides = array<i32>} : memref<128x128xf32, #tpu.memory_space<vmem>>, vector<16xf32>,
          %ge3A_478 = arith.cmpf oge, %get3A_477, %add3A_11 : vector<16xf32>
          %broadcast_in_dim3A_479 = vector.broadcast %lt3A_435 : i1 to vector<16xi1>
          %and3A_480 = arith.andi %ge3A_478, %broadcast_in_dim3A_479 : vector<16xi1>
          %all_reduce_population_count3A_481 = tpu.all_reduce %and3A_480 {dim = 0 : i64, kind = #tpu.reduction_kind<sum>} : vector<16xi1> -> vector<16xi32>
          %add3A_482 = arith.addi %add3A_474, %all_reduce_population_count3A_481 : vector<16xi32>
          %le3A_483 = arith.constant 16 : i32
          %le3A_484 = vector.broadcast %le3A_483 : i32 to vector<16xi32>
          %le3A_485 = arith.cmpi sle, %add3A_482, %le3A_484 : vector<16xi32>
          %and3A_486 = arith.andi %and3A_480, %le3A_485 : vector<16xi1>
          %add3A_487 = arith.addi %add3A_474, %all_reduce_population_count3A_481 : vector<16xi32>
          %le3A_488 = arith.constant 16 : i32
          %le3A_489 = vector.broadcast %le3A_488 : i32 to vector<16xi32>
          %le3A_490 = arith.cmpi sle, %add3A_487, %le3A_489 : vector<16xi32>
          %jit3A_491 = arith.constant 0 : i32
          %broadcast_in_dim3A_492 = vector.broadcast %jit3A_491 : i32 to vector<16xi32>
          %select_n3A_493 = arith.select %le3A_490, %all_reduce_population_count3A_481, %broadcast_in_dim3A_492 : vector<16xi1>, vector<16xi32>
          %convert_element_type3A_494 = arith.sitofp %add3A_474 : vector<16xi32> to vector<16xf32>
          %reduce_max3A_495 = arith.constant true
          %reduce_max3A_496 = vector.broadcast %reduce_max3A_495 : i1 to vector<16xi1>
          %reduce_max3A_497 = tpu.scan <max>, %convert_element_type3A_494 masked %reduce_max3A_496 : vector<16xf32>, vector<16xi1> -> vector<16xf32>
          %reduce_max3A_498 = vector.extract %reduce_max3A_497[15] : f32 from vector<16xf32>
          %convert_element_type3A_499 = arith.fptosi %reduce_max3A_498 : f32 to i32
          %mul3A_500 = arith.constant 16 : i32
          %mul3A_501 = arith.muli %add3A_429, %mul3A_500 : i32
          %add3A_502 = arith.addi %mul3A_501, %convert_element_type3A_499 : i32
          %swap3A_503 = arith.index_cast %add3A_502 : i32 to index
          %swap3A_504 = tpu.vector_load %arg12[%swap3A_503] masked %and3A_486 {strides = array<i32>} : memref<8208xf32, #tpu.memory_space<vmem>>, vector<16xf32>, vector<16xi1>
          tpu.vector_store %arg12[%swap3A_503], %get3A_477 masked %and3A_486 {strides = array<i32>} : memref<8208xf32, #tpu.memory_space<vmem>>, vector<16xf32>, vector<16xi1>
          %add3A_505 = arith.constant 16 : i32
          %add3A_506 = vector.broadcast %add3A_505 : i32 to vector<16xi32>
          %add3A_507 = arith.addi %mul3A_438, %add3A_506 : vector<16xi32>
          %add3A_508 = arith.addi %add3A_507, %iota3A : vector<16xi32>
          %swap3A_509 = arith.index_cast %add3A_502 : i32 to index
          %swap3A_510 = tpu.vector_load %arg13[%swap3A_509] masked %and3A_486 {strides = array<i32>} : memref<8208xi32, #tpu.memory_space<vmem>>, vector<16xi32>, vector<16xi1>
          tpu.vector_store %arg13[%swap3A_509], %add3A_508 masked %and3A_486 {strides = array<i32>} : memref<8208xi32, #tpu.memory_space<vmem>>, vector<16xi32>, vector<16xi1>
          %add3A_511 = arith.addi %add3A_474, %select_n3A_493 : vector<16xi32>
          %get3A_512 = arith.index_cast %scan3A_426 : i32 to index
          %get3A_513 = arith.constant 32 : index
          %get3A_514 = tpu.vector_load %arg11[%get3A_512, %get3A_513] {strides = array<i32>} : memref<128x128xf32, #tpu.memory_space<vmem>>, vector<16xf32>,
          %ge3A_515 = arith.cmpf oge, %get3A_514, %add3A_11 : vector<16xf32>
          %broadcast_in_dim3A_516 = vector.broadcast %lt3A_435 : i1 to vector<16xi1>
          %and3A_517 = arith.andi %ge3A_515, %broadcast_in_dim3A_516 : vector<16xi1>
          %all_reduce_population_count3A_518 = tpu.all_reduce %and3A_517 {dim = 0 : i64, kind = #tpu.reduction_kind<sum>} : vector<16xi1> -> vector<16xi32>
          %add3A_519 = arith.addi %add3A_511, %all_reduce_population_count3A_518 : vector<16xi32>
          %le3A_520 = arith.constant 16 : i32
          %le3A_521 = vector.broadcast %le3A_520 : i32 to vector<16xi32>
          %le3A_522 = arith.cmpi sle, %add3A_519, %le3A_521 : vector<16xi32>
          %and3A_523 = arith.andi %and3A_517, %le3A_522 : vector<16xi1>
          %add3A_524 = arith.addi %add3A_511, %all_reduce_population_count3A_518 : vector<16xi32>
          %le3A_525 = arith.constant 16 : i32
          %le3A_526 = vector.broadcast %le3A_525 : i32 to vector<16xi32>
          %le3A_527 = arith.cmpi sle, %add3A_524, %le3A_526 : vector<16xi32>
          %jit3A_528 = arith.constant 0 : i32
          %broadcast_in_dim3A_529 = vector.broadcast %jit3A_528 : i32 to vector<16xi32>
          %select_n3A_530 = arith.select %le3A_527, %all_reduce_population_count3A_518, %broadcast_in_dim3A_529 : vector<16xi1>, vector<16xi32>
          %convert_element_type3A_531 = arith.sitofp %add3A_511 : vector<16xi32> to vector<16xf32>
          %reduce_max3A_532 = arith.constant true
          %reduce_max3A_533 = vector.broadcast %reduce_max3A_532 : i1 to vector<16xi1>
          %reduce_max3A_534 = tpu.scan <max>, %convert_element_type3A_531 masked %reduce_max3A_533 : vector<16xf32>, vector<16xi1> -> vector<16xf32>
          %reduce_max3A_535 = vector.extract %reduce_max3A_534[15] : f32 from vector<16xf32>
          %convert_element_type3A_536 = arith.fptosi %reduce_max3A_535 : f32 to i32
          %mul3A_537 = arith.constant 16 : i32
          %mul3A_538 = arith.muli %add3A_429, %mul3A_537 : i32
          %add3A_539 = arith.addi %mul3A_538, %convert_element_type3A_536 : i32
          %swap3A_540 = arith.index_cast %add3A_539 : i32 to index
          %swap3A_541 = tpu.vector_load %arg12[%swap3A_540] masked %and3A_523 {strides = array<i32>} : memref<8208xf32, #tpu.memory_space<vmem>>, vector<16xf32>, vector<16xi1>
          tpu.vector_store %arg12[%swap3A_540], %get3A_514 masked %and3A_523 {strides = array<i32>} : memref<8208xf32, #tpu.memory_space<vmem>>, vector<16xf32>, vector<16xi1>
          %add3A_542 = arith.constant 32 : i32
          %add3A_543 = vector.broadcast %add3A_542 : i32 to vector<16xi32>
          %add3A_544 = arith.addi %mul3A_438, %add3A_543 : vector<16xi32>
          %add3A_545 = arith.addi %add3A_544, %iota3A : vector<16xi32>
          %swap3A_546 = arith.index_cast %add3A_539 : i32 to index
          %swap3A_547 = tpu.vector_load %arg13[%swap3A_546] masked %and3A_523 {strides = array<i32>} : memref<8208xi32, #tpu.memory_space<vmem>>, vector<16xi32>, vector<16xi1>
          tpu.vector_store %arg13[%swap3A_546], %add3A_545 masked %and3A_523 {strides = array<i32>} : memref<8208xi32, #tpu.memory_space<vmem>>, vector<16xi32>, vector<16xi1>
          %add3A_548 = arith.addi %add3A_511, %select_n3A_530 : vector<16xi32>
          %get3A_549 = arith.index_cast %scan3A_426 : i32 to index
          %get3A_550 = arith.constant 48 : index
          %get3A_551 = tpu.vector_load %arg11[%get3A_549, %get3A_550] {strides = array<i32>} : memref<128x128xf32, #tpu.memory_space<vmem>>, vector<16xf32>,
          %ge3A_552 = arith.cmpf oge, %get3A_551, %add3A_11 : vector<16xf32>
          %broadcast_in_dim3A_553 = vector.broadcast %lt3A_435 : i1 to vector<16xi1>
          %and3A_554 = arith.andi %ge3A_552, %broadcast_in_dim3A_553 : vector<16xi1>
          %all_reduce_population_count3A_555 = tpu.all_reduce %and3A_554 {dim = 0 : i64, kind = #tpu.reduction_kind<sum>} : vector<16xi1> -> vector<16xi32>
          %add3A_556 = arith.addi %add3A_548, %all_reduce_population_count3A_555 : vector<16xi32>
          %le3A_557 = arith.constant 16 : i32
          %le3A_558 = vector.broadcast %le3A_557 : i32 to vector<16xi32>
          %le3A_559 = arith.cmpi sle, %add3A_556, %le3A_558 : vector<16xi32>
          %and3A_560 = arith.andi %and3A_554, %le3A_559 : vector<16xi1>
          %add3A_561 = arith.addi %add3A_548, %all_reduce_population_count3A_555 : vector<16xi32>
          %le3A_562 = arith.constant 16 : i32
          %le3A_563 = vector.broadcast %le3A_562 : i32 to vector<16xi32>
          %le3A_564 = arith.cmpi sle, %add3A_561, %le3A_563 : vector<16xi32>
          %jit3A_565 = arith.constant 0 : i32
          %broadcast_in_dim3A_566 = vector.broadcast %jit3A_565 : i32 to vector<16xi32>
          %select_n3A_567 = arith.select %le3A_564, %all_reduce_population_count3A_555, %broadcast_in_dim3A_566 : vector<16xi1>, vector<16xi32>
          %convert_element_type3A_568 = arith.sitofp %add3A_548 : vector<16xi32> to vector<16xf32>
          %reduce_max3A_569 = arith.constant true
          %reduce_max3A_570 = vector.broadcast %reduce_max3A_569 : i1 to vector<16xi1>
          %reduce_max3A_571 = tpu.scan <max>, %convert_element_type3A_568 masked %reduce_max3A_570 : vector<16xf32>, vector<16xi1> -> vector<16xf32>
          %reduce_max3A_572 = vector.extract %reduce_max3A_571[15] : f32 from vector<16xf32>
          %convert_element_type3A_573 = arith.fptosi %reduce_max3A_572 : f32 to i32
          %mul3A_574 = arith.constant 16 : i32
          %mul3A_575 = arith.muli %add3A_429, %mul3A_574 : i32
          %add3A_576 = arith.addi %mul3A_575, %convert_element_type3A_573 : i32
          %swap3A_577 = arith.index_cast %add3A_576 : i32 to index
          %swap3A_578 = tpu.vector_load %arg12[%swap3A_577] masked %and3A_560 {strides = array<i32>} : memref<8208xf32, #tpu.memory_space<vmem>>, vector<16xf32>, vector<16xi1>
          tpu.vector_store %arg12[%swap3A_577], %get3A_551 masked %and3A_560 {strides = array<i32>} : memref<8208xf32, #tpu.memory_space<vmem>>, vector<16xf32>, vector<16xi1>
          %add3A_579 = arith.constant 48 : i32
          %add3A_580 = vector.broadcast %add3A_579 : i32 to vector<16xi32>
          %add3A_581 = arith.addi %mul3A_438, %add3A_580 : vector<16xi32>
          %add3A_582 = arith.addi %add3A_581, %iota3A : vector<16xi32>
          %swap3A_583 = arith.index_cast %add3A_576 : i32 to index
          %swap3A_584 = tpu.vector_load %arg13[%swap3A_583] masked %and3A_560 {strides = array<i32>} : memref<8208xi32, #tpu.memory_space<vmem>>, vector<16xi32>, vector<16xi1>
          tpu.vector_store %arg13[%swap3A_583], %add3A_582 masked %and3A_560 {strides = array<i32>} : memref<8208xi32, #tpu.memory_space<vmem>>, vector<16xi32>, vector<16xi1>
          %add3A_585 = arith.addi %add3A_548, %select_n3A_567 : vector<16xi32>
          %get3A_586 = arith.index_cast %scan3A_426 : i32 to index
          %get3A_587 = arith.constant 64 : index
          %get3A_588 = tpu.vector_load %arg11[%get3A_586, %get3A_587] {strides = array<i32>} : memref<128x128xf32, #tpu.memory_space<vmem>>, vector<16xf32>,
          %ge3A_589 = arith.cmpf oge, %get3A_588, %add3A_11 : vector<16xf32>
          %broadcast_in_dim3A_590 = vector.broadcast %lt3A_435 : i1 to vector<16xi1>
          %and3A_591 = arith.andi %ge3A_589, %broadcast_in_dim3A_590 : vector<16xi1>
          %all_reduce_population_count3A_592 = tpu.all_reduce %and3A_591 {dim = 0 : i64, kind = #tpu.reduction_kind<sum>} : vector<16xi1> -> vector<16xi32>
          %add3A_593 = arith.addi %add3A_585, %all_reduce_population_count3A_592 : vector<16xi32>
          %le3A_594 = arith.constant 16 : i32
          %le3A_595 = vector.broadcast %le3A_594 : i32 to vector<16xi32>
          %le3A_596 = arith.cmpi sle, %add3A_593, %le3A_595 : vector<16xi32>
          %and3A_597 = arith.andi %and3A_591, %le3A_596 : vector<16xi1>
          %add3A_598 = arith.addi %add3A_585, %all_reduce_population_count3A_592 : vector<16xi32>
          %le3A_599 = arith.constant 16 : i32
          %le3A_600 = vector.broadcast %le3A_599 : i32 to vector<16xi32>
          %le3A_601 = arith.cmpi sle, %add3A_598, %le3A_600 : vector<16xi32>
          %jit3A_602 = arith.constant 0 : i32
          %broadcast_in_dim3A_603 = vector.broadcast %jit3A_602 : i32 to vector<16xi32>
          %select_n3A_604 = arith.select %le3A_601, %all_reduce_population_count3A_592, %broadcast_in_dim3A_603 : vector<16xi1>, vector<16xi32>
          %convert_element_type3A_605 = arith.sitofp %add3A_585 : vector<16xi32> to vector<16xf32>
          %reduce_max3A_606 = arith.constant true
          %reduce_max3A_607 = vector.broadcast %reduce_max3A_606 : i1 to vector<16xi1>
          %reduce_max3A_608 = tpu.scan <max>, %convert_element_type3A_605 masked %reduce_max3A_607 : vector<16xf32>, vector<16xi1> -> vector<16xf32>
          %reduce_max3A_609 = vector.extract %reduce_max3A_608[15] : f32 from vector<16xf32>
          %convert_element_type3A_610 = arith.fptosi %reduce_max3A_609 : f32 to i32
          %mul3A_611 = arith.constant 16 : i32
          %mul3A_612 = arith.muli %add3A_429, %mul3A_611 : i32
          %add3A_613 = arith.addi %mul3A_612, %convert_element_type3A_610 : i32
          %swap3A_614 = arith.index_cast %add3A_613 : i32 to index
          %swap3A_615 = tpu.vector_load %arg12[%swap3A_614] masked %and3A_597 {strides = array<i32>} : memref<8208xf32, #tpu.memory_space<vmem>>, vector<16xf32>, vector<16xi1>
          tpu.vector_store %arg12[%swap3A_614], %get3A_588 masked %and3A_597 {strides = array<i32>} : memref<8208xf32, #tpu.memory_space<vmem>>, vector<16xf32>, vector<16xi1>
          %add3A_616 = arith.constant 64 : i32
          %add3A_617 = vector.broadcast %add3A_616 : i32 to vector<16xi32>
          %add3A_618 = arith.addi %mul3A_438, %add3A_617 : vector<16xi32>
          %add3A_619 = arith.addi %add3A_618, %iota3A : vector<16xi32>
          %swap3A_620 = arith.index_cast %add3A_613 : i32 to index
          %swap3A_621 = tpu.vector_load %arg13[%swap3A_620] masked %and3A_597 {strides = array<i32>} : memref<8208xi32, #tpu.memory_space<vmem>>, vector<16xi32>, vector<16xi1>
          tpu.vector_store %arg13[%swap3A_620], %add3A_619 masked %and3A_597 {strides = array<i32>} : memref<8208xi32, #tpu.memory_space<vmem>>, vector<16xi32>, vector<16xi1>
          %add3A_622 = arith.addi %add3A_585, %select_n3A_604 : vector<16xi32>
          %get3A_623 = arith.index_cast %scan3A_426 : i32 to index
          %get3A_624 = arith.constant 80 : index
          %get3A_625 = tpu.vector_load %arg11[%get3A_623, %get3A_624] {strides = array<i32>} : memref<128x128xf32, #tpu.memory_space<vmem>>, vector<16xf32>,
          %ge3A_626 = arith.cmpf oge, %get3A_625, %add3A_11 : vector<16xf32>
          %broadcast_in_dim3A_627 = vector.broadcast %lt3A_435 : i1 to vector<16xi1>
          %and3A_628 = arith.andi %ge3A_626, %broadcast_in_dim3A_627 : vector<16xi1>
          %all_reduce_population_count3A_629 = tpu.all_reduce %and3A_628 {dim = 0 : i64, kind = #tpu.reduction_kind<sum>} : vector<16xi1> -> vector<16xi32>
          %add3A_630 = arith.addi %add3A_622, %all_reduce_population_count3A_629 : vector<16xi32>
          %le3A_631 = arith.constant 16 : i32
          %le3A_632 = vector.broadcast %le3A_631 : i32 to vector<16xi32>
          %le3A_633 = arith.cmpi sle, %add3A_630, %le3A_632 : vector<16xi32>
          %and3A_634 = arith.andi %and3A_628, %le3A_633 : vector<16xi1>
          %add3A_635 = arith.addi %add3A_622, %all_reduce_population_count3A_629 : vector<16xi32>
          %le3A_636 = arith.constant 16 : i32
          %le3A_637 = vector.broadcast %le3A_636 : i32 to vector<16xi32>
          %le3A_638 = arith.cmpi sle, %add3A_635, %le3A_637 : vector<16xi32>
          %jit3A_639 = arith.constant 0 : i32
          %broadcast_in_dim3A_640 = vector.broadcast %jit3A_639 : i32 to vector<16xi32>
          %select_n3A_641 = arith.select %le3A_638, %all_reduce_population_count3A_629, %broadcast_in_dim3A_640 : vector<16xi1>, vector<16xi32>
          %convert_element_type3A_642 = arith.sitofp %add3A_622 : vector<16xi32> to vector<16xf32>
          %reduce_max3A_643 = arith.constant true
          %reduce_max3A_644 = vector.broadcast %reduce_max3A_643 : i1 to vector<16xi1>
          %reduce_max3A_645 = tpu.scan <max>, %convert_element_type3A_642 masked %reduce_max3A_644 : vector<16xf32>, vector<16xi1> -> vector<16xf32>
          %reduce_max3A_646 = vector.extract %reduce_max3A_645[15] : f32 from vector<16xf32>
          %convert_element_type3A_647 = arith.fptosi %reduce_max3A_646 : f32 to i32
          %mul3A_648 = arith.constant 16 : i32
          %mul3A_649 = arith.muli %add3A_429, %mul3A_648 : i32
          %add3A_650 = arith.addi %mul3A_649, %convert_element_type3A_647 : i32
          %swap3A_651 = arith.index_cast %add3A_650 : i32 to index
          %swap3A_652 = tpu.vector_load %arg12[%swap3A_651] masked %and3A_634 {strides = array<i32>} : memref<8208xf32, #tpu.memory_space<vmem>>, vector<16xf32>, vector<16xi1>
          tpu.vector_store %arg12[%swap3A_651], %get3A_625 masked %and3A_634 {strides = array<i32>} : memref<8208xf32, #tpu.memory_space<vmem>>, vector<16xf32>, vector<16xi1>
          %add3A_653 = arith.constant 80 : i32
          %add3A_654 = vector.broadcast %add3A_653 : i32 to vector<16xi32>
          %add3A_655 = arith.addi %mul3A_438, %add3A_654 : vector<16xi32>
          %add3A_656 = arith.addi %add3A_655, %iota3A : vector<16xi32>
          %swap3A_657 = arith.index_cast %add3A_650 : i32 to index
          %swap3A_658 = tpu.vector_load %arg13[%swap3A_657] masked %and3A_634 {strides = array<i32>} : memref<8208xi32, #tpu.memory_space<vmem>>, vector<16xi32>, vector<16xi1>
          tpu.vector_store %arg13[%swap3A_657], %add3A_656 masked %and3A_634 {strides = array<i32>} : memref<8208xi32, #tpu.memory_space<vmem>>, vector<16xi32>, vector<16xi1>
          %add3A_659 = arith.addi %add3A_622, %select_n3A_641 : vector<16xi32>
          %get3A_660 = arith.index_cast %scan3A_426 : i32 to index
          %get3A_661 = arith.constant 96 : index
          %get3A_662 = tpu.vector_load %arg11[%get3A_660, %get3A_661] {strides = array<i32>} : memref<128x128xf32, #tpu.memory_space<vmem>>, vector<16xf32>,
          %ge3A_663 = arith.cmpf oge, %get3A_662, %add3A_11 : vector<16xf32>
          %broadcast_in_dim3A_664 = vector.broadcast %lt3A_435 : i1 to vector<16xi1>
          %and3A_665 = arith.andi %ge3A_663, %broadcast_in_dim3A_664 : vector<16xi1>
          %all_reduce_population_count3A_666 = tpu.all_reduce %and3A_665 {dim = 0 : i64, kind = #tpu.reduction_kind<sum>} : vector<16xi1> -> vector<16xi32>
          %add3A_667 = arith.addi %add3A_659, %all_reduce_population_count3A_666 : vector<16xi32>
          %le3A_668 = arith.constant 16 : i32
          %le3A_669 = vector.broadcast %le3A_668 : i32 to vector<16xi32>
          %le3A_670 = arith.cmpi sle, %add3A_667, %le3A_669 : vector<16xi32>
          %and3A_671 = arith.andi %and3A_665, %le3A_670 : vector<16xi1>
          %add3A_672 = arith.addi %add3A_659, %all_reduce_population_count3A_666 : vector<16xi32>
          %le3A_673 = arith.constant 16 : i32
          %le3A_674 = vector.broadcast %le3A_673 : i32 to vector<16xi32>
          %le3A_675 = arith.cmpi sle, %add3A_672, %le3A_674 : vector<16xi32>
          %jit3A_676 = arith.constant 0 : i32
          %broadcast_in_dim3A_677 = vector.broadcast %jit3A_676 : i32 to vector<16xi32>
          %select_n3A_678 = arith.select %le3A_675, %all_reduce_population_count3A_666, %broadcast_in_dim3A_677 : vector<16xi1>, vector<16xi32>
          %convert_element_type3A_679 = arith.sitofp %add3A_659 : vector<16xi32> to vector<16xf32>
          %reduce_max3A_680 = arith.constant true
          %reduce_max3A_681 = vector.broadcast %reduce_max3A_680 : i1 to vector<16xi1>
          %reduce_max3A_682 = tpu.scan <max>, %convert_element_type3A_679 masked %reduce_max3A_681 : vector<16xf32>, vector<16xi1> -> vector<16xf32>
          %reduce_max3A_683 = vector.extract %reduce_max3A_682[15] : f32 from vector<16xf32>
          %convert_element_type3A_684 = arith.fptosi %reduce_max3A_683 : f32 to i32
          %mul3A_685 = arith.constant 16 : i32
          %mul3A_686 = arith.muli %add3A_429, %mul3A_685 : i32
          %add3A_687 = arith.addi %mul3A_686, %convert_element_type3A_684 : i32
          %swap3A_688 = arith.index_cast %add3A_687 : i32 to index
          %swap3A_689 = tpu.vector_load %arg12[%swap3A_688] masked %and3A_671 {strides = array<i32>} : memref<8208xf32, #tpu.memory_space<vmem>>, vector<16xf32>, vector<16xi1>
          tpu.vector_store %arg12[%swap3A_688], %get3A_662 masked %and3A_671 {strides = array<i32>} : memref<8208xf32, #tpu.memory_space<vmem>>, vector<16xf32>, vector<16xi1>
          %add3A_690 = arith.constant 96 : i32
          %add3A_691 = vector.broadcast %add3A_690 : i32 to vector<16xi32>
          %add3A_692 = arith.addi %mul3A_438, %add3A_691 : vector<16xi32>
          %add3A_693 = arith.addi %add3A_692, %iota3A : vector<16xi32>
          %swap3A_694 = arith.index_cast %add3A_687 : i32 to index
          %swap3A_695 = tpu.vector_load %arg13[%swap3A_694] masked %and3A_671 {strides = array<i32>} : memref<8208xi32, #tpu.memory_space<vmem>>, vector<16xi32>, vector<16xi1>
          tpu.vector_store %arg13[%swap3A_694], %add3A_693 masked %and3A_671 {strides = array<i32>} : memref<8208xi32, #tpu.memory_space<vmem>>, vector<16xi32>, vector<16xi1>
          %add3A_696 = arith.addi %add3A_659, %select_n3A_678 : vector<16xi32>
          %get3A_697 = arith.index_cast %scan3A_426 : i32 to index
          %get3A_698 = arith.constant 112 : index
          %get3A_699 = tpu.vector_load %arg11[%get3A_697, %get3A_698] {strides = array<i32>} : memref<128x128xf32, #tpu.memory_space<vmem>>, vector<16xf32>,
          %ge3A_700 = arith.cmpf oge, %get3A_699, %add3A_11 : vector<16xf32>
          %broadcast_in_dim3A_701 = vector.broadcast %lt3A_435 : i1 to vector<16xi1>
          %and3A_702 = arith.andi %ge3A_700, %broadcast_in_dim3A_701 : vector<16xi1>
          %all_reduce_population_count3A_703 = tpu.all_reduce %and3A_702 {dim = 0 : i64, kind = #tpu.reduction_kind<sum>} : vector<16xi1> -> vector<16xi32>
          %add3A_704 = arith.addi %add3A_696, %all_reduce_population_count3A_703 : vector<16xi32>
          %le3A_705 = arith.constant 16 : i32
          %le3A_706 = vector.broadcast %le3A_705 : i32 to vector<16xi32>
          %le3A_707 = arith.cmpi sle, %add3A_704, %le3A_706 : vector<16xi32>
          %and3A_708 = arith.andi %and3A_702, %le3A_707 : vector<16xi1>
          %add3A_709 = arith.addi %add3A_696, %all_reduce_population_count3A_703 : vector<16xi32>
          %le3A_710 = arith.constant 16 : i32
          %le3A_711 = vector.broadcast %le3A_710 : i32 to vector<16xi32>
          %le3A_712 = arith.cmpi sle, %add3A_709, %le3A_711 : vector<16xi32>
          %jit3A_713 = arith.constant 0 : i32
          %broadcast_in_dim3A_714 = vector.broadcast %jit3A_713 : i32 to vector<16xi32>
          %select_n3A_715 = arith.select %le3A_712, %all_reduce_population_count3A_703, %broadcast_in_dim3A_714 : vector<16xi1>, vector<16xi32>
          %convert_element_type3A_716 = arith.sitofp %add3A_696 : vector<16xi32> to vector<16xf32>
          %reduce_max3A_717 = arith.constant true
          %reduce_max3A_718 = vector.broadcast %reduce_max3A_717 : i1 to vector<16xi1>
          %reduce_max3A_719 = tpu.scan <max>, %convert_element_type3A_716 masked %reduce_max3A_718 : vector<16xf32>, vector<16xi1> -> vector<16xf32>
          %reduce_max3A_720 = vector.extract %reduce_max3A_719[15] : f32 from vector<16xf32>
          %convert_element_type3A_721 = arith.fptosi %reduce_max3A_720 : f32 to i32
          %mul3A_722 = arith.constant 16 : i32
          %mul3A_723 = arith.muli %add3A_429, %mul3A_722 : i32
          %add3A_724 = arith.addi %mul3A_723, %convert_element_type3A_721 : i32
          %swap3A_725 = arith.index_cast %add3A_724 : i32 to index
          %swap3A_726 = tpu.vector_load %arg12[%swap3A_725] masked %and3A_708 {strides = array<i32>} : memref<8208xf32, #tpu.memory_space<vmem>>, vector<16xf32>, vector<16xi1>
          tpu.vector_store %arg12[%swap3A_725], %get3A_699 masked %and3A_708 {strides = array<i32>} : memref<8208xf32, #tpu.memory_space<vmem>>, vector<16xf32>, vector<16xi1>
          %add3A_727 = arith.constant 112 : i32
          %add3A_728 = vector.broadcast %add3A_727 : i32 to vector<16xi32>
          %add3A_729 = arith.addi %mul3A_438, %add3A_728 : vector<16xi32>
          %add3A_730 = arith.addi %add3A_729, %iota3A : vector<16xi32>
          %swap3A_731 = arith.index_cast %add3A_724 : i32 to index
          %swap3A_732 = tpu.vector_load %arg13[%swap3A_731] masked %and3A_708 {strides = array<i32>} : memref<8208xi32, #tpu.memory_space<vmem>>, vector<16xi32>, vector<16xi1>
          tpu.vector_store %arg13[%swap3A_731], %add3A_730 masked %and3A_708 {strides = array<i32>} : memref<8208xi32, #tpu.memory_space<vmem>>, vector<16xi32>, vector<16xi1>
          %add3A_733 = arith.addi %add3A_696, %select_n3A_715 : vector<16xi32>
          %scan3A_734 = arith.constant 0 : i32
          scf.yield %scan3A_734 : i32
        }
        %scan3A_425 = arith.constant 128 : i32
      } else {
      }
      %gt3A_116 = arith.constant 384 : i32
      %gt3A_117 = arith.cmpi sgt, %scan3A_93, %gt3A_116 : i32
      %convert_element_type3A_118 = arith.extui %gt3A_117 : i1 to i32
      %cond3A_119 = arith.constant 0 : i32
      %cond3A_120 = arith.cmpi ne, %convert_element_type3A_118, %cond3A_119 : i32
      scf.if %cond3A_120 {
        %dma_start3A = arith.constant 384 : i32
        %dma_start3A_411 = tpu.memref_slice %arg10[%dma_start3A] : memref<512xi32, #tpu.memory_space<vmem>> -> memref<128xi32, #tpu.memory_space<vmem>>
        %dma_start3A_412 = arith.constant 0 : i32
        %dma_start3A_413 = arith.constant 0 : i32
        %dma_start3A_414 = tpu.memref_slice %arg4[%dma_start3A_412, %dma_start3A_413] : memref<131072x128xf32, #tpu.memory_space<hbm>> -> memref<131072x128xf32, #tpu.memory_space<hbm>>
        tpu.enqueue_indirect_dma source(%dma_start3A_414 : memref<131072x128xf32, #tpu.memory_space<hbm>>) target(%arg11 : memref<128x128xf32, #tpu.memory_space<vmem>>) offsets(%dma_start3A_411 : memref<128xi32, #tpu.memory_space<vmem>>) semaphore(%arg19 : memref<!tpu.dma_semaphore, #tpu.memory_space<semaphore_mem>>)
        %dma_wait3A = arith.constant 384 : i32
        %dma_wait3A_415 = tpu.memref_slice %arg10[%dma_wait3A] : memref<512xi32, #tpu.memory_space<vmem>> -> memref<128xi32, #tpu.memory_space<vmem>>
        %dma_wait3A_416 = arith.constant 0 : i32
        %dma_wait3A_417 = arith.constant 0 : i32
        %dma_wait3A_418 = tpu.memref_slice %arg4[%dma_wait3A_416, %dma_wait3A_417] : memref<131072x128xf32, #tpu.memory_space<hbm>> -> memref<131072x128xf32, #tpu.memory_space<hbm>>
        tpu.wait_indirect_dma semaphore(%arg19 : memref<!tpu.dma_semaphore, #tpu.memory_space<semaphore_mem>>) src(%dma_wait3A_418 : memref<131072x128xf32, #tpu.memory_space<hbm>>) dst(%arg11 : memref<128x128xf32, #tpu.memory_space<vmem>>)
        %scan3A_419 = arith.constant 0 : i32
        %scan3A_420 = arith.constant 0 : i32
        %scan3A_421 = arith.constant 128 : i32
        %scan3A_422 = arith.addi %scan3A_420, %scan3A_421 : i32
        %scan3A_423 = arith.constant 1 : i32
        %scan3A_424 = scf.for %scan3A_426 = %scan3A_420 to %scan3A_422 step %scan3A_423 iter_args(%scan3A_427 = %scan3A_419) -> (i32)  : i32 {
          %add3A_428 = arith.constant 384 : i32
          %add3A_429 = arith.addi %add3A_428, %scan3A_426 : i32
          %mul3A_430 = arith.constant 0 : i32
          %mul3A_431 = vector.broadcast %mul3A_430 : i32 to vector<16xi32>
          %mul3A_432 = arith.muli %iota3A, %mul3A_431 : vector<16xi32>
          %add3A_433 = vector.broadcast %add3A_429 : i32 to vector<16xi32>
          %add3A_434 = arith.addi %mul3A_432, %add3A_433 : vector<16xi32>
          %gather3A = tpu.vector_load_idx %arg9[%add3A_434] : memref<512xi32, #tpu.memory_space<vmem>>[vector<16xi32>], vector<16xi32>,
          %lt3A_435 = arith.cmpi slt, %add3A_429, %scan3A_93 : i32
          %mul3A_436 = arith.constant 128 : i32
          %mul3A_437 = vector.broadcast %mul3A_436 : i32 to vector<16xi32>
          %mul3A_438 = arith.muli %gather3A, %mul3A_437 : vector<16xi32>
          %broadcast_in_dim3A_439 = arith.constant 0 : i32
          %broadcast_in_dim3A_440 = vector.broadcast %broadcast_in_dim3A_439 : i32 to vector<16xi32>
          %get3A_441 = arith.index_cast %scan3A_426 : i32 to index
          %get3A_442 = arith.constant 0 : index
          %get3A_443 = tpu.vector_load %arg11[%get3A_441, %get3A_442] {strides = array<i32>} : memref<128x128xf32, #tpu.memory_space<vmem>>, vector<16xf32>,
          %ge3A = arith.cmpf oge, %get3A_443, %add3A_11 : vector<16xf32>
          %broadcast_in_dim3A_444 = vector.broadcast %lt3A_435 : i1 to vector<16xi1>
          %and3A_445 = arith.andi %ge3A, %broadcast_in_dim3A_444 : vector<16xi1>
          %all_reduce_population_count3A = tpu.all_reduce %and3A_445 {dim = 0 : i64, kind = #tpu.reduction_kind<sum>} : vector<16xi1> -> vector<16xi32>
          %add3A_446 = arith.addi %broadcast_in_dim3A_440, %all_reduce_population_count3A : vector<16xi32>
          %le3A = arith.constant 16 : i32
          %le3A_447 = vector.broadcast %le3A : i32 to vector<16xi32>
          %le3A_448 = arith.cmpi sle, %add3A_446, %le3A_447 : vector<16xi32>
          %and3A_449 = arith.andi %and3A_445, %le3A_448 : vector<16xi1>
          %add3A_450 = arith.addi %broadcast_in_dim3A_440, %all_reduce_population_count3A : vector<16xi32>
          %le3A_451 = arith.constant 16 : i32
          %le3A_452 = vector.broadcast %le3A_451 : i32 to vector<16xi32>
          %le3A_453 = arith.cmpi sle, %add3A_450, %le3A_452 : vector<16xi32>
          %jit3A_454 = arith.constant 0 : i32
          %broadcast_in_dim3A_455 = vector.broadcast %jit3A_454 : i32 to vector<16xi32>
          %select_n3A_456 = arith.select %le3A_453, %all_reduce_population_count3A, %broadcast_in_dim3A_455 : vector<16xi1>, vector<16xi32>
          %convert_element_type3A_457 = arith.sitofp %broadcast_in_dim3A_440 : vector<16xi32> to vector<16xf32>
          %reduce_max3A_458 = arith.constant true
          %reduce_max3A_459 = vector.broadcast %reduce_max3A_458 : i1 to vector<16xi1>
          %reduce_max3A_460 = tpu.scan <max>, %convert_element_type3A_457 masked %reduce_max3A_459 : vector<16xf32>, vector<16xi1> -> vector<16xf32>
          %reduce_max3A_461 = vector.extract %reduce_max3A_460[15] : f32 from vector<16xf32>
          %convert_element_type3A_462 = arith.fptosi %reduce_max3A_461 : f32 to i32
          %mul3A_463 = arith.constant 16 : i32
          %mul3A_464 = arith.muli %add3A_429, %mul3A_463 : i32
          %add3A_465 = arith.addi %mul3A_464, %convert_element_type3A_462 : i32
          %swap3A_466 = arith.index_cast %add3A_465 : i32 to index
          %swap3A_467 = tpu.vector_load %arg12[%swap3A_466] masked %and3A_449 {strides = array<i32>} : memref<8208xf32, #tpu.memory_space<vmem>>, vector<16xf32>, vector<16xi1>
          tpu.vector_store %arg12[%swap3A_466], %get3A_443 masked %and3A_449 {strides = array<i32>} : memref<8208xf32, #tpu.memory_space<vmem>>, vector<16xf32>, vector<16xi1>
          %add3A_468 = arith.constant 0 : i32
          %add3A_469 = vector.broadcast %add3A_468 : i32 to vector<16xi32>
          %add3A_470 = arith.addi %mul3A_438, %add3A_469 : vector<16xi32>
          %add3A_471 = arith.addi %add3A_470, %iota3A : vector<16xi32>
          %swap3A_472 = arith.index_cast %add3A_465 : i32 to index
          %swap3A_473 = tpu.vector_load %arg13[%swap3A_472] masked %and3A_449 {strides = array<i32>} : memref<8208xi32, #tpu.memory_space<vmem>>, vector<16xi32>, vector<16xi1>
          tpu.vector_store %arg13[%swap3A_472], %add3A_471 masked %and3A_449 {strides = array<i32>} : memref<8208xi32, #tpu.memory_space<vmem>>, vector<16xi32>, vector<16xi1>
          %add3A_474 = arith.addi %broadcast_in_dim3A_440, %select_n3A_456 : vector<16xi32>
          %get3A_475 = arith.index_cast %scan3A_426 : i32 to index
          %get3A_476 = arith.constant 16 : index
          %get3A_477 = tpu.vector_load %arg11[%get3A_475, %get3A_476] {strides = array<i32>} : memref<128x128xf32, #tpu.memory_space<vmem>>, vector<16xf32>,
          %ge3A_478 = arith.cmpf oge, %get3A_477, %add3A_11 : vector<16xf32>
          %broadcast_in_dim3A_479 = vector.broadcast %lt3A_435 : i1 to vector<16xi1>
          %and3A_480 = arith.andi %ge3A_478, %broadcast_in_dim3A_479 : vector<16xi1>
          %all_reduce_population_count3A_481 = tpu.all_reduce %and3A_480 {dim = 0 : i64, kind = #tpu.reduction_kind<sum>} : vector<16xi1> -> vector<16xi32>
          %add3A_482 = arith.addi %add3A_474, %all_reduce_population_count3A_481 : vector<16xi32>
          %le3A_483 = arith.constant 16 : i32
          %le3A_484 = vector.broadcast %le3A_483 : i32 to vector<16xi32>
          %le3A_485 = arith.cmpi sle, %add3A_482, %le3A_484 : vector<16xi32>
          %and3A_486 = arith.andi %and3A_480, %le3A_485 : vector<16xi1>
          %add3A_487 = arith.addi %add3A_474, %all_reduce_population_count3A_481 : vector<16xi32>
          %le3A_488 = arith.constant 16 : i32
          %le3A_489 = vector.broadcast %le3A_488 : i32 to vector<16xi32>
          %le3A_490 = arith.cmpi sle, %add3A_487, %le3A_489 : vector<16xi32>
          %jit3A_491 = arith.constant 0 : i32
          %broadcast_in_dim3A_492 = vector.broadcast %jit3A_491 : i32 to vector<16xi32>
          %select_n3A_493 = arith.select %le3A_490, %all_reduce_population_count3A_481, %broadcast_in_dim3A_492 : vector<16xi1>, vector<16xi32>
          %convert_element_type3A_494 = arith.sitofp %add3A_474 : vector<16xi32> to vector<16xf32>
          %reduce_max3A_495 = arith.constant true
          %reduce_max3A_496 = vector.broadcast %reduce_max3A_495 : i1 to vector<16xi1>
          %reduce_max3A_497 = tpu.scan <max>, %convert_element_type3A_494 masked %reduce_max3A_496 : vector<16xf32>, vector<16xi1> -> vector<16xf32>
          %reduce_max3A_498 = vector.extract %reduce_max3A_497[15] : f32 from vector<16xf32>
          %convert_element_type3A_499 = arith.fptosi %reduce_max3A_498 : f32 to i32
          %mul3A_500 = arith.constant 16 : i32
          %mul3A_501 = arith.muli %add3A_429, %mul3A_500 : i32
          %add3A_502 = arith.addi %mul3A_501, %convert_element_type3A_499 : i32
          %swap3A_503 = arith.index_cast %add3A_502 : i32 to index
          %swap3A_504 = tpu.vector_load %arg12[%swap3A_503] masked %and3A_486 {strides = array<i32>} : memref<8208xf32, #tpu.memory_space<vmem>>, vector<16xf32>, vector<16xi1>
          tpu.vector_store %arg12[%swap3A_503], %get3A_477 masked %and3A_486 {strides = array<i32>} : memref<8208xf32, #tpu.memory_space<vmem>>, vector<16xf32>, vector<16xi1>
          %add3A_505 = arith.constant 16 : i32
          %add3A_506 = vector.broadcast %add3A_505 : i32 to vector<16xi32>
          %add3A_507 = arith.addi %mul3A_438, %add3A_506 : vector<16xi32>
          %add3A_508 = arith.addi %add3A_507, %iota3A : vector<16xi32>
          %swap3A_509 = arith.index_cast %add3A_502 : i32 to index
          %swap3A_510 = tpu.vector_load %arg13[%swap3A_509] masked %and3A_486 {strides = array<i32>} : memref<8208xi32, #tpu.memory_space<vmem>>, vector<16xi32>, vector<16xi1>
          tpu.vector_store %arg13[%swap3A_509], %add3A_508 masked %and3A_486 {strides = array<i32>} : memref<8208xi32, #tpu.memory_space<vmem>>, vector<16xi32>, vector<16xi1>
          %add3A_511 = arith.addi %add3A_474, %select_n3A_493 : vector<16xi32>
          %get3A_512 = arith.index_cast %scan3A_426 : i32 to index
          %get3A_513 = arith.constant 32 : index
          %get3A_514 = tpu.vector_load %arg11[%get3A_512, %get3A_513] {strides = array<i32>} : memref<128x128xf32, #tpu.memory_space<vmem>>, vector<16xf32>,
          %ge3A_515 = arith.cmpf oge, %get3A_514, %add3A_11 : vector<16xf32>
          %broadcast_in_dim3A_516 = vector.broadcast %lt3A_435 : i1 to vector<16xi1>
          %and3A_517 = arith.andi %ge3A_515, %broadcast_in_dim3A_516 : vector<16xi1>
          %all_reduce_population_count3A_518 = tpu.all_reduce %and3A_517 {dim = 0 : i64, kind = #tpu.reduction_kind<sum>} : vector<16xi1> -> vector<16xi32>
          %add3A_519 = arith.addi %add3A_511, %all_reduce_population_count3A_518 : vector<16xi32>
          %le3A_520 = arith.constant 16 : i32
          %le3A_521 = vector.broadcast %le3A_520 : i32 to vector<16xi32>
          %le3A_522 = arith.cmpi sle, %add3A_519, %le3A_521 : vector<16xi32>
          %and3A_523 = arith.andi %and3A_517, %le3A_522 : vector<16xi1>
          %add3A_524 = arith.addi %add3A_511, %all_reduce_population_count3A_518 : vector<16xi32>
          %le3A_525 = arith.constant 16 : i32
          %le3A_526 = vector.broadcast %le3A_525 : i32 to vector<16xi32>
          %le3A_527 = arith.cmpi sle, %add3A_524, %le3A_526 : vector<16xi32>
          %jit3A_528 = arith.constant 0 : i32
          %broadcast_in_dim3A_529 = vector.broadcast %jit3A_528 : i32 to vector<16xi32>
          %select_n3A_530 = arith.select %le3A_527, %all_reduce_population_count3A_518, %broadcast_in_dim3A_529 : vector<16xi1>, vector<16xi32>
          %convert_element_type3A_531 = arith.sitofp %add3A_511 : vector<16xi32> to vector<16xf32>
          %reduce_max3A_532 = arith.constant true
          %reduce_max3A_533 = vector.broadcast %reduce_max3A_532 : i1 to vector<16xi1>
          %reduce_max3A_534 = tpu.scan <max>, %convert_element_type3A_531 masked %reduce_max3A_533 : vector<16xf32>, vector<16xi1> -> vector<16xf32>
          %reduce_max3A_535 = vector.extract %reduce_max3A_534[15] : f32 from vector<16xf32>
          %convert_element_type3A_536 = arith.fptosi %reduce_max3A_535 : f32 to i32
          %mul3A_537 = arith.constant 16 : i32
          %mul3A_538 = arith.muli %add3A_429, %mul3A_537 : i32
          %add3A_539 = arith.addi %mul3A_538, %convert_element_type3A_536 : i32
          %swap3A_540 = arith.index_cast %add3A_539 : i32 to index
          %swap3A_541 = tpu.vector_load %arg12[%swap3A_540] masked %and3A_523 {strides = array<i32>} : memref<8208xf32, #tpu.memory_space<vmem>>, vector<16xf32>, vector<16xi1>
          tpu.vector_store %arg12[%swap3A_540], %get3A_514 masked %and3A_523 {strides = array<i32>} : memref<8208xf32, #tpu.memory_space<vmem>>, vector<16xf32>, vector<16xi1>
          %add3A_542 = arith.constant 32 : i32
          %add3A_543 = vector.broadcast %add3A_542 : i32 to vector<16xi32>
          %add3A_544 = arith.addi %mul3A_438, %add3A_543 : vector<16xi32>
          %add3A_545 = arith.addi %add3A_544, %iota3A : vector<16xi32>
          %swap3A_546 = arith.index_cast %add3A_539 : i32 to index
          %swap3A_547 = tpu.vector_load %arg13[%swap3A_546] masked %and3A_523 {strides = array<i32>} : memref<8208xi32, #tpu.memory_space<vmem>>, vector<16xi32>, vector<16xi1>
          tpu.vector_store %arg13[%swap3A_546], %add3A_545 masked %and3A_523 {strides = array<i32>} : memref<8208xi32, #tpu.memory_space<vmem>>, vector<16xi32>, vector<16xi1>
          %add3A_548 = arith.addi %add3A_511, %select_n3A_530 : vector<16xi32>
          %get3A_549 = arith.index_cast %scan3A_426 : i32 to index
          %get3A_550 = arith.constant 48 : index
          %get3A_551 = tpu.vector_load %arg11[%get3A_549, %get3A_550] {strides = array<i32>} : memref<128x128xf32, #tpu.memory_space<vmem>>, vector<16xf32>,
          %ge3A_552 = arith.cmpf oge, %get3A_551, %add3A_11 : vector<16xf32>
          %broadcast_in_dim3A_553 = vector.broadcast %lt3A_435 : i1 to vector<16xi1>
          %and3A_554 = arith.andi %ge3A_552, %broadcast_in_dim3A_553 : vector<16xi1>
          %all_reduce_population_count3A_555 = tpu.all_reduce %and3A_554 {dim = 0 : i64, kind = #tpu.reduction_kind<sum>} : vector<16xi1> -> vector<16xi32>
          %add3A_556 = arith.addi %add3A_548, %all_reduce_population_count3A_555 : vector<16xi32>
          %le3A_557 = arith.constant 16 : i32
          %le3A_558 = vector.broadcast %le3A_557 : i32 to vector<16xi32>
          %le3A_559 = arith.cmpi sle, %add3A_556, %le3A_558 : vector<16xi32>
          %and3A_560 = arith.andi %and3A_554, %le3A_559 : vector<16xi1>
          %add3A_561 = arith.addi %add3A_548, %all_reduce_population_count3A_555 : vector<16xi32>
          %le3A_562 = arith.constant 16 : i32
          %le3A_563 = vector.broadcast %le3A_562 : i32 to vector<16xi32>
          %le3A_564 = arith.cmpi sle, %add3A_561, %le3A_563 : vector<16xi32>
          %jit3A_565 = arith.constant 0 : i32
          %broadcast_in_dim3A_566 = vector.broadcast %jit3A_565 : i32 to vector<16xi32>
          %select_n3A_567 = arith.select %le3A_564, %all_reduce_population_count3A_555, %broadcast_in_dim3A_566 : vector<16xi1>, vector<16xi32>
          %convert_element_type3A_568 = arith.sitofp %add3A_548 : vector<16xi32> to vector<16xf32>
          %reduce_max3A_569 = arith.constant true
          %reduce_max3A_570 = vector.broadcast %reduce_max3A_569 : i1 to vector<16xi1>
          %reduce_max3A_571 = tpu.scan <max>, %convert_element_type3A_568 masked %reduce_max3A_570 : vector<16xf32>, vector<16xi1> -> vector<16xf32>
          %reduce_max3A_572 = vector.extract %reduce_max3A_571[15] : f32 from vector<16xf32>
          %convert_element_type3A_573 = arith.fptosi %reduce_max3A_572 : f32 to i32
          %mul3A_574 = arith.constant 16 : i32
          %mul3A_575 = arith.muli %add3A_429, %mul3A_574 : i32
          %add3A_576 = arith.addi %mul3A_575, %convert_element_type3A_573 : i32
          %swap3A_577 = arith.index_cast %add3A_576 : i32 to index
          %swap3A_578 = tpu.vector_load %arg12[%swap3A_577] masked %and3A_560 {strides = array<i32>} : memref<8208xf32, #tpu.memory_space<vmem>>, vector<16xf32>, vector<16xi1>
          tpu.vector_store %arg12[%swap3A_577], %get3A_551 masked %and3A_560 {strides = array<i32>} : memref<8208xf32, #tpu.memory_space<vmem>>, vector<16xf32>, vector<16xi1>
          %add3A_579 = arith.constant 48 : i32
          %add3A_580 = vector.broadcast %add3A_579 : i32 to vector<16xi32>
          %add3A_581 = arith.addi %mul3A_438, %add3A_580 : vector<16xi32>
          %add3A_582 = arith.addi %add3A_581, %iota3A : vector<16xi32>
          %swap3A_583 = arith.index_cast %add3A_576 : i32 to index
          %swap3A_584 = tpu.vector_load %arg13[%swap3A_583] masked %and3A_560 {strides = array<i32>} : memref<8208xi32, #tpu.memory_space<vmem>>, vector<16xi32>, vector<16xi1>
          tpu.vector_store %arg13[%swap3A_583], %add3A_582 masked %and3A_560 {strides = array<i32>} : memref<8208xi32, #tpu.memory_space<vmem>>, vector<16xi32>, vector<16xi1>
          %add3A_585 = arith.addi %add3A_548, %select_n3A_567 : vector<16xi32>
          %get3A_586 = arith.index_cast %scan3A_426 : i32 to index
          %get3A_587 = arith.constant 64 : index
          %get3A_588 = tpu.vector_load %arg11[%get3A_586, %get3A_587] {strides = array<i32>} : memref<128x128xf32, #tpu.memory_space<vmem>>, vector<16xf32>,
          %ge3A_589 = arith.cmpf oge, %get3A_588, %add3A_11 : vector<16xf32>
          %broadcast_in_dim3A_590 = vector.broadcast %lt3A_435 : i1 to vector<16xi1>
          %and3A_591 = arith.andi %ge3A_589, %broadcast_in_dim3A_590 : vector<16xi1>
          %all_reduce_population_count3A_592 = tpu.all_reduce %and3A_591 {dim = 0 : i64, kind = #tpu.reduction_kind<sum>} : vector<16xi1> -> vector<16xi32>
          %add3A_593 = arith.addi %add3A_585, %all_reduce_population_count3A_592 : vector<16xi32>
          %le3A_594 = arith.constant 16 : i32
          %le3A_595 = vector.broadcast %le3A_594 : i32 to vector<16xi32>
          %le3A_596 = arith.cmpi sle, %add3A_593, %le3A_595 : vector<16xi32>
          %and3A_597 = arith.andi %and3A_591, %le3A_596 : vector<16xi1>
          %add3A_598 = arith.addi %add3A_585, %all_reduce_population_count3A_592 : vector<16xi32>
          %le3A_599 = arith.constant 16 : i32
          %le3A_600 = vector.broadcast %le3A_599 : i32 to vector<16xi32>
          %le3A_601 = arith.cmpi sle, %add3A_598, %le3A_600 : vector<16xi32>
          %jit3A_602 = arith.constant 0 : i32
          %broadcast_in_dim3A_603 = vector.broadcast %jit3A_602 : i32 to vector<16xi32>
          %select_n3A_604 = arith.select %le3A_601, %all_reduce_population_count3A_592, %broadcast_in_dim3A_603 : vector<16xi1>, vector<16xi32>
          %convert_element_type3A_605 = arith.sitofp %add3A_585 : vector<16xi32> to vector<16xf32>
          %reduce_max3A_606 = arith.constant true
          %reduce_max3A_607 = vector.broadcast %reduce_max3A_606 : i1 to vector<16xi1>
          %reduce_max3A_608 = tpu.scan <max>, %convert_element_type3A_605 masked %reduce_max3A_607 : vector<16xf32>, vector<16xi1> -> vector<16xf32>
          %reduce_max3A_609 = vector.extract %reduce_max3A_608[15] : f32 from vector<16xf32>
          %convert_element_type3A_610 = arith.fptosi %reduce_max3A_609 : f32 to i32
          %mul3A_611 = arith.constant 16 : i32
          %mul3A_612 = arith.muli %add3A_429, %mul3A_611 : i32
          %add3A_613 = arith.addi %mul3A_612, %convert_element_type3A_610 : i32
          %swap3A_614 = arith.index_cast %add3A_613 : i32 to index
          %swap3A_615 = tpu.vector_load %arg12[%swap3A_614] masked %and3A_597 {strides = array<i32>} : memref<8208xf32, #tpu.memory_space<vmem>>, vector<16xf32>, vector<16xi1>
          tpu.vector_store %arg12[%swap3A_614], %get3A_588 masked %and3A_597 {strides = array<i32>} : memref<8208xf32, #tpu.memory_space<vmem>>, vector<16xf32>, vector<16xi1>
          %add3A_616 = arith.constant 64 : i32
          %add3A_617 = vector.broadcast %add3A_616 : i32 to vector<16xi32>
          %add3A_618 = arith.addi %mul3A_438, %add3A_617 : vector<16xi32>
          %add3A_619 = arith.addi %add3A_618, %iota3A : vector<16xi32>
          %swap3A_620 = arith.index_cast %add3A_613 : i32 to index
          %swap3A_621 = tpu.vector_load %arg13[%swap3A_620] masked %and3A_597 {strides = array<i32>} : memref<8208xi32, #tpu.memory_space<vmem>>, vector<16xi32>, vector<16xi1>
          tpu.vector_store %arg13[%swap3A_620], %add3A_619 masked %and3A_597 {strides = array<i32>} : memref<8208xi32, #tpu.memory_space<vmem>>, vector<16xi32>, vector<16xi1>
          %add3A_622 = arith.addi %add3A_585, %select_n3A_604 : vector<16xi32>
          %get3A_623 = arith.index_cast %scan3A_426 : i32 to index
          %get3A_624 = arith.constant 80 : index
          %get3A_625 = tpu.vector_load %arg11[%get3A_623, %get3A_624] {strides = array<i32>} : memref<128x128xf32, #tpu.memory_space<vmem>>, vector<16xf32>,
          %ge3A_626 = arith.cmpf oge, %get3A_625, %add3A_11 : vector<16xf32>
          %broadcast_in_dim3A_627 = vector.broadcast %lt3A_435 : i1 to vector<16xi1>
          %and3A_628 = arith.andi %ge3A_626, %broadcast_in_dim3A_627 : vector<16xi1>
          %all_reduce_population_count3A_629 = tpu.all_reduce %and3A_628 {dim = 0 : i64, kind = #tpu.reduction_kind<sum>} : vector<16xi1> -> vector<16xi32>
          %add3A_630 = arith.addi %add3A_622, %all_reduce_population_count3A_629 : vector<16xi32>
          %le3A_631 = arith.constant 16 : i32
          %le3A_632 = vector.broadcast %le3A_631 : i32 to vector<16xi32>
          %le3A_633 = arith.cmpi sle, %add3A_630, %le3A_632 : vector<16xi32>
          %and3A_634 = arith.andi %and3A_628, %le3A_633 : vector<16xi1>
          %add3A_635 = arith.addi %add3A_622, %all_reduce_population_count3A_629 : vector<16xi32>
          %le3A_636 = arith.constant 16 : i32
          %le3A_637 = vector.broadcast %le3A_636 : i32 to vector<16xi32>
          %le3A_638 = arith.cmpi sle, %add3A_635, %le3A_637 : vector<16xi32>
          %jit3A_639 = arith.constant 0 : i32
          %broadcast_in_dim3A_640 = vector.broadcast %jit3A_639 : i32 to vector<16xi32>
          %select_n3A_641 = arith.select %le3A_638, %all_reduce_population_count3A_629, %broadcast_in_dim3A_640 : vector<16xi1>, vector<16xi32>
          %convert_element_type3A_642 = arith.sitofp %add3A_622 : vector<16xi32> to vector<16xf32>
          %reduce_max3A_643 = arith.constant true
          %reduce_max3A_644 = vector.broadcast %reduce_max3A_643 : i1 to vector<16xi1>
          %reduce_max3A_645 = tpu.scan <max>, %convert_element_type3A_642 masked %reduce_max3A_644 : vector<16xf32>, vector<16xi1> -> vector<16xf32>
          %reduce_max3A_646 = vector.extract %reduce_max3A_645[15] : f32 from vector<16xf32>
          %convert_element_type3A_647 = arith.fptosi %reduce_max3A_646 : f32 to i32
          %mul3A_648 = arith.constant 16 : i32
          %mul3A_649 = arith.muli %add3A_429, %mul3A_648 : i32
          %add3A_650 = arith.addi %mul3A_649, %convert_element_type3A_647 : i32
          %swap3A_651 = arith.index_cast %add3A_650 : i32 to index
          %swap3A_652 = tpu.vector_load %arg12[%swap3A_651] masked %and3A_634 {strides = array<i32>} : memref<8208xf32, #tpu.memory_space<vmem>>, vector<16xf32>, vector<16xi1>
          tpu.vector_store %arg12[%swap3A_651], %get3A_625 masked %and3A_634 {strides = array<i32>} : memref<8208xf32, #tpu.memory_space<vmem>>, vector<16xf32>, vector<16xi1>
          %add3A_653 = arith.constant 80 : i32
          %add3A_654 = vector.broadcast %add3A_653 : i32 to vector<16xi32>
          %add3A_655 = arith.addi %mul3A_438, %add3A_654 : vector<16xi32>
          %add3A_656 = arith.addi %add3A_655, %iota3A : vector<16xi32>
          %swap3A_657 = arith.index_cast %add3A_650 : i32 to index
          %swap3A_658 = tpu.vector_load %arg13[%swap3A_657] masked %and3A_634 {strides = array<i32>} : memref<8208xi32, #tpu.memory_space<vmem>>, vector<16xi32>, vector<16xi1>
          tpu.vector_store %arg13[%swap3A_657], %add3A_656 masked %and3A_634 {strides = array<i32>} : memref<8208xi32, #tpu.memory_space<vmem>>, vector<16xi32>, vector<16xi1>
          %add3A_659 = arith.addi %add3A_622, %select_n3A_641 : vector<16xi32>
          %get3A_660 = arith.index_cast %scan3A_426 : i32 to index
          %get3A_661 = arith.constant 96 : index
          %get3A_662 = tpu.vector_load %arg11[%get3A_660, %get3A_661] {strides = array<i32>} : memref<128x128xf32, #tpu.memory_space<vmem>>, vector<16xf32>,
          %ge3A_663 = arith.cmpf oge, %get3A_662, %add3A_11 : vector<16xf32>
          %broadcast_in_dim3A_664 = vector.broadcast %lt3A_435 : i1 to vector<16xi1>
          %and3A_665 = arith.andi %ge3A_663, %broadcast_in_dim3A_664 : vector<16xi1>
          %all_reduce_population_count3A_666 = tpu.all_reduce %and3A_665 {dim = 0 : i64, kind = #tpu.reduction_kind<sum>} : vector<16xi1> -> vector<16xi32>
          %add3A_667 = arith.addi %add3A_659, %all_reduce_population_count3A_666 : vector<16xi32>
          %le3A_668 = arith.constant 16 : i32
          %le3A_669 = vector.broadcast %le3A_668 : i32 to vector<16xi32>
          %le3A_670 = arith.cmpi sle, %add3A_667, %le3A_669 : vector<16xi32>
          %and3A_671 = arith.andi %and3A_665, %le3A_670 : vector<16xi1>
          %add3A_672 = arith.addi %add3A_659, %all_reduce_population_count3A_666 : vector<16xi32>
          %le3A_673 = arith.constant 16 : i32
          %le3A_674 = vector.broadcast %le3A_673 : i32 to vector<16xi32>
          %le3A_675 = arith.cmpi sle, %add3A_672, %le3A_674 : vector<16xi32>
          %jit3A_676 = arith.constant 0 : i32
          %broadcast_in_dim3A_677 = vector.broadcast %jit3A_676 : i32 to vector<16xi32>
          %select_n3A_678 = arith.select %le3A_675, %all_reduce_population_count3A_666, %broadcast_in_dim3A_677 : vector<16xi1>, vector<16xi32>
          %convert_element_type3A_679 = arith.sitofp %add3A_659 : vector<16xi32> to vector<16xf32>
          %reduce_max3A_680 = arith.constant true
          %reduce_max3A_681 = vector.broadcast %reduce_max3A_680 : i1 to vector<16xi1>
          %reduce_max3A_682 = tpu.scan <max>, %convert_element_type3A_679 masked %reduce_max3A_681 : vector<16xf32>, vector<16xi1> -> vector<16xf32>
          %reduce_max3A_683 = vector.extract %reduce_max3A_682[15] : f32 from vector<16xf32>
          %convert_element_type3A_684 = arith.fptosi %reduce_max3A_683 : f32 to i32
          %mul3A_685 = arith.constant 16 : i32
          %mul3A_686 = arith.muli %add3A_429, %mul3A_685 : i32
          %add3A_687 = arith.addi %mul3A_686, %convert_element_type3A_684 : i32
          %swap3A_688 = arith.index_cast %add3A_687 : i32 to index
          %swap3A_689 = tpu.vector_load %arg12[%swap3A_688] masked %and3A_671 {strides = array<i32>} : memref<8208xf32, #tpu.memory_space<vmem>>, vector<16xf32>, vector<16xi1>
          tpu.vector_store %arg12[%swap3A_688], %get3A_662 masked %and3A_671 {strides = array<i32>} : memref<8208xf32, #tpu.memory_space<vmem>>, vector<16xf32>, vector<16xi1>
          %add3A_690 = arith.constant 96 : i32
          %add3A_691 = vector.broadcast %add3A_690 : i32 to vector<16xi32>
          %add3A_692 = arith.addi %mul3A_438, %add3A_691 : vector<16xi32>
          %add3A_693 = arith.addi %add3A_692, %iota3A : vector<16xi32>
          %swap3A_694 = arith.index_cast %add3A_687 : i32 to index
          %swap3A_695 = tpu.vector_load %arg13[%swap3A_694] masked %and3A_671 {strides = array<i32>} : memref<8208xi32, #tpu.memory_space<vmem>>, vector<16xi32>, vector<16xi1>
          tpu.vector_store %arg13[%swap3A_694], %add3A_693 masked %and3A_671 {strides = array<i32>} : memref<8208xi32, #tpu.memory_space<vmem>>, vector<16xi32>, vector<16xi1>
          %add3A_696 = arith.addi %add3A_659, %select_n3A_678 : vector<16xi32>
          %get3A_697 = arith.index_cast %scan3A_426 : i32 to index
          %get3A_698 = arith.constant 112 : index
          %get3A_699 = tpu.vector_load %arg11[%get3A_697, %get3A_698] {strides = array<i32>} : memref<128x128xf32, #tpu.memory_space<vmem>>, vector<16xf32>,
          %ge3A_700 = arith.cmpf oge, %get3A_699, %add3A_11 : vector<16xf32>
          %broadcast_in_dim3A_701 = vector.broadcast %lt3A_435 : i1 to vector<16xi1>
          %and3A_702 = arith.andi %ge3A_700, %broadcast_in_dim3A_701 : vector<16xi1>
          %all_reduce_population_count3A_703 = tpu.all_reduce %and3A_702 {dim = 0 : i64, kind = #tpu.reduction_kind<sum>} : vector<16xi1> -> vector<16xi32>
          %add3A_704 = arith.addi %add3A_696, %all_reduce_population_count3A_703 : vector<16xi32>
          %le3A_705 = arith.constant 16 : i32
          %le3A_706 = vector.broadcast %le3A_705 : i32 to vector<16xi32>
          %le3A_707 = arith.cmpi sle, %add3A_704, %le3A_706 : vector<16xi32>
          %and3A_708 = arith.andi %and3A_702, %le3A_707 : vector<16xi1>
          %add3A_709 = arith.addi %add3A_696, %all_reduce_population_count3A_703 : vector<16xi32>
          %le3A_710 = arith.constant 16 : i32
          %le3A_711 = vector.broadcast %le3A_710 : i32 to vector<16xi32>
          %le3A_712 = arith.cmpi sle, %add3A_709, %le3A_711 : vector<16xi32>
          %jit3A_713 = arith.constant 0 : i32
          %broadcast_in_dim3A_714 = vector.broadcast %jit3A_713 : i32 to vector<16xi32>
          %select_n3A_715 = arith.select %le3A_712, %all_reduce_population_count3A_703, %broadcast_in_dim3A_714 : vector<16xi1>, vector<16xi32>
          %convert_element_type3A_716 = arith.sitofp %add3A_696 : vector<16xi32> to vector<16xf32>
          %reduce_max3A_717 = arith.constant true
          %reduce_max3A_718 = vector.broadcast %reduce_max3A_717 : i1 to vector<16xi1>
          %reduce_max3A_719 = tpu.scan <max>, %convert_element_type3A_716 masked %reduce_max3A_718 : vector<16xf32>, vector<16xi1> -> vector<16xf32>
          %reduce_max3A_720 = vector.extract %reduce_max3A_719[15] : f32 from vector<16xf32>
          %convert_element_type3A_721 = arith.fptosi %reduce_max3A_720 : f32 to i32
          %mul3A_722 = arith.constant 16 : i32
          %mul3A_723 = arith.muli %add3A_429, %mul3A_722 : i32
          %add3A_724 = arith.addi %mul3A_723, %convert_element_type3A_721 : i32
          %swap3A_725 = arith.index_cast %add3A_724 : i32 to index
          %swap3A_726 = tpu.vector_load %arg12[%swap3A_725] masked %and3A_708 {strides = array<i32>} : memref<8208xf32, #tpu.memory_space<vmem>>, vector<16xf32>, vector<16xi1>
          tpu.vector_store %arg12[%swap3A_725], %get3A_699 masked %and3A_708 {strides = array<i32>} : memref<8208xf32, #tpu.memory_space<vmem>>, vector<16xf32>, vector<16xi1>
          %add3A_727 = arith.constant 112 : i32
          %add3A_728 = vector.broadcast %add3A_727 : i32 to vector<16xi32>
          %add3A_729 = arith.addi %mul3A_438, %add3A_728 : vector<16xi32>
          %add3A_730 = arith.addi %add3A_729, %iota3A : vector<16xi32>
          %swap3A_731 = arith.index_cast %add3A_724 : i32 to index
          %swap3A_732 = tpu.vector_load %arg13[%swap3A_731] masked %and3A_708 {strides = array<i32>} : memref<8208xi32, #tpu.memory_space<vmem>>, vector<16xi32>, vector<16xi1>
          tpu.vector_store %arg13[%swap3A_731], %add3A_730 masked %and3A_708 {strides = array<i32>} : memref<8208xi32, #tpu.memory_space<vmem>>, vector<16xi32>, vector<16xi1>
          %add3A_733 = arith.addi %add3A_696, %select_n3A_715 : vector<16xi32>
          %scan3A_734 = arith.constant 0 : i32
          scf.yield %scan3A_734 : i32
        }
        %scan3A_425 = arith.constant 128 : i32
      } else {
      }
      %min3A = arith.constant 512 : i32
      %min3A_121 = arith.minsi %scan3A_93, %min3A : i32
      %while3A = arith.constant 0 : i32
      %while3A_122 = arith.constant 0 : i32
      %while3A_123 = arith.subi %min3A_121, %while3A : i32
      %while3A_124 = arith.addi %while3A, %while3A_123 : i32
      %while3A_125 = arith.constant 1 : i32
      %while3A_126 = arith.divsi %while3A_123, %while3A_125 : i32
      %while3A_127 = arith.muli %while3A_126, %while3A_125 : i32
      %while3A_128 = arith.addi %while3A, %while3A_127 : i32
      %while3A_129 = arith.constant 1 : i32
      %while3A_130 = scf.for %while3A_411 = %while3A to %while3A_128 step %while3A_129 iter_args(%while3A_412 = %while3A_122) -> (i32)  : i32 {
        %mul3A_413 = arith.constant 16 : i32
        %mul3A_414 = arith.muli %while3A_411, %mul3A_413 : i32
        %get3A_415 = arith.index_cast %mul3A_414 : i32 to index
        %get3A_416 = tpu.vector_load %arg12[%get3A_415] {strides = array<i32>} : memref<8208xf32, #tpu.memory_space<vmem>>, vector<16xf32>,
        %mul3A_417 = arith.constant 16 : i32
        %mul3A_418 = arith.muli %while3A_411, %mul3A_417 : i32
        %get3A_419 = arith.index_cast %mul3A_418 : i32 to index
        %get3A_420 = tpu.vector_load %arg13[%get3A_419] {strides = array<i32>} : memref<8208xi32, #tpu.memory_space<vmem>>, vector<16xi32>,
        %broadcast_in_dim3A_421 = arith.constant 0xFF800000 : f32
        %broadcast_in_dim3A_422 = vector.broadcast %broadcast_in_dim3A_421 : f32 to vector<16xf32>
        %gt3A_423 = arith.cmpf ogt, %get3A_416, %broadcast_in_dim3A_422 : vector<16xf32>
        %broadcast_in_dim3A_424 = vector.broadcast %while3A_412 : i32 to vector<16xi32>
        %lt3A_425 = arith.constant 1008 : i32
        %lt3A_426 = vector.broadcast %lt3A_425 : i32 to vector<16xi32>
        %lt3A_427 = arith.cmpi slt, %broadcast_in_dim3A_424, %lt3A_426 : vector<16xi32>
        %and3A_428 = arith.andi %gt3A_423, %lt3A_427 : vector<16xi1>
        %swap3A_429 = arith.index_cast %while3A_412 : i32 to index
        %swap3A_430 = tpu.vector_load %arg14[%swap3A_429] masked %and3A_428 {strides = array<i32>} : memref<1040xf32, #tpu.memory_space<vmem>>, vector<16xf32>, vector<16xi1>
        tpu.vector_store %arg14[%swap3A_429], %get3A_416 masked %and3A_428 {strides = array<i32>} : memref<1040xf32, #tpu.memory_space<vmem>>, vector<16xf32>, vector<16xi1>
        %swap3A_431 = arith.index_cast %while3A_412 : i32 to index
        %swap3A_432 = tpu.vector_load %arg15[%swap3A_431] masked %and3A_428 {strides = array<i32>} : memref<1040xi32, #tpu.memory_space<vmem>>, vector<16xi32>, vector<16xi1>
        tpu.vector_store %arg15[%swap3A_431], %get3A_420 masked %and3A_428 {strides = array<i32>} : memref<1040xi32, #tpu.memory_space<vmem>>, vector<16xi32>, vector<16xi1>
        %all_reduce_population_count3A = tpu.all_reduce %and3A_428 {dim = 0 : i64, kind = #tpu.reduction_kind<sum>} : vector<16xi1> -> vector<16xi32>
        %convert_element_type3A_433 = arith.sitofp %all_reduce_population_count3A : vector<16xi32> to vector<16xf32>
        %reduce_max3A_434 = arith.constant true
        %reduce_max3A_435 = vector.broadcast %reduce_max3A_434 : i1 to vector<16xi1>
        %reduce_max3A_436 = tpu.scan <max>, %convert_element_type3A_433 masked %reduce_max3A_435 : vector<16xf32>, vector<16xi1> -> vector<16xf32>
        %reduce_max3A_437 = vector.extract %reduce_max3A_436[15] : f32 from vector<16xf32>
        %convert_element_type3A_438 = arith.fptosi %reduce_max3A_437 : f32 to i32
        %add3A_439 = arith.addi %while3A_412, %convert_element_type3A_438 : i32
        scf.yield %add3A_439 : i32
      }
      %while3A_131 = arith.constant 1 : i32
      %while3A_132 = scf.for %while3A_411 = %while3A_128 to %while3A_124 step %while3A_131 iter_args(%while3A_412 = %while3A_130) -> (i32)  : i32 {
        %mul3A_413 = arith.constant 16 : i32
        %mul3A_414 = arith.muli %while3A_411, %mul3A_413 : i32
        %get3A_415 = arith.index_cast %mul3A_414 : i32 to index
        %get3A_416 = tpu.vector_load %arg12[%get3A_415] {strides = array<i32>} : memref<8208xf32, #tpu.memory_space<vmem>>, vector<16xf32>,
        %mul3A_417 = arith.constant 16 : i32
        %mul3A_418 = arith.muli %while3A_411, %mul3A_417 : i32
        %get3A_419 = arith.index_cast %mul3A_418 : i32 to index
        %get3A_420 = tpu.vector_load %arg13[%get3A_419] {strides = array<i32>} : memref<8208xi32, #tpu.memory_space<vmem>>, vector<16xi32>,
        %broadcast_in_dim3A_421 = arith.constant 0xFF800000 : f32
        %broadcast_in_dim3A_422 = vector.broadcast %broadcast_in_dim3A_421 : f32 to vector<16xf32>
        %gt3A_423 = arith.cmpf ogt, %get3A_416, %broadcast_in_dim3A_422 : vector<16xf32>
        %broadcast_in_dim3A_424 = vector.broadcast %while3A_412 : i32 to vector<16xi32>
        %lt3A_425 = arith.constant 1008 : i32
        %lt3A_426 = vector.broadcast %lt3A_425 : i32 to vector<16xi32>
        %lt3A_427 = arith.cmpi slt, %broadcast_in_dim3A_424, %lt3A_426 : vector<16xi32>
        %and3A_428 = arith.andi %gt3A_423, %lt3A_427 : vector<16xi1>
        %swap3A_429 = arith.index_cast %while3A_412 : i32 to index
        %swap3A_430 = tpu.vector_load %arg14[%swap3A_429] masked %and3A_428 {strides = array<i32>} : memref<1040xf32, #tpu.memory_space<vmem>>, vector<16xf32>, vector<16xi1>
        tpu.vector_store %arg14[%swap3A_429], %get3A_416 masked %and3A_428 {strides = array<i32>} : memref<1040xf32, #tpu.memory_space<vmem>>, vector<16xf32>, vector<16xi1>
        %swap3A_431 = arith.index_cast %while3A_412 : i32 to index
        %swap3A_432 = tpu.vector_load %arg15[%swap3A_431] masked %and3A_428 {strides = array<i32>} : memref<1040xi32, #tpu.memory_space<vmem>>, vector<16xi32>, vector<16xi1>
        tpu.vector_store %arg15[%swap3A_431], %get3A_420 masked %and3A_428 {strides = array<i32>} : memref<1040xi32, #tpu.memory_space<vmem>>, vector<16xi32>, vector<16xi1>
        %all_reduce_population_count3A = tpu.all_reduce %and3A_428 {dim = 0 : i64, kind = #tpu.reduction_kind<sum>} : vector<16xi1> -> vector<16xi32>
        %convert_element_type3A_433 = arith.sitofp %all_reduce_population_count3A : vector<16xi32> to vector<16xf32>
        %reduce_max3A_434 = arith.constant true
        %reduce_max3A_435 = vector.broadcast %reduce_max3A_434 : i1 to vector<16xi1>
        %reduce_max3A_436 = tpu.scan <max>, %convert_element_type3A_433 masked %reduce_max3A_435 : vector<16xf32>, vector<16xi1> -> vector<16xf32>
        %reduce_max3A_437 = vector.extract %reduce_max3A_436[15] : f32 from vector<16xf32>
        %convert_element_type3A_438 = arith.fptosi %reduce_max3A_437 : f32 to i32
        %add3A_439 = arith.addi %while3A_412, %convert_element_type3A_438 : i32
        scf.yield %add3A_439 : i32
      }
      %add3A_133 = arith.constant 15 : i32
      %add3A_134 = arith.addi %while3A_132, %add3A_133 : i32
      %shift_right_arithmetic3A = arith.constant 4 : i32
      %shift_right_arithmetic3A_135 = arith.shrsi %add3A_134, %shift_right_arithmetic3A : i32
      %scan3A_136 = arith.constant 0 : i32
      %scan3A_137 = arith.constant 0 : i32
      %scan3A_138 = arith.constant 100 : i32
      %scan3A_139 = arith.addi %scan3A_137, %scan3A_138 : i32
      %scan3A_140 = arith.constant 1 : i32
      %scan3A_141 = scf.for %scan3A_411 = %scan3A_137 to %scan3A_139 step %scan3A_140 iter_args(%scan3A_412 = %scan3A_136) -> (i32)  : i32 {
        %broadcast_in_dim3A_413 = arith.constant 0xFF800000 : f32
        %broadcast_in_dim3A_414 = vector.broadcast %broadcast_in_dim3A_413 : f32 to vector<16xf32>
        %while3A_415 = arith.constant 0 : i32
        %while3A_416 = arith.subi %shift_right_arithmetic3A_135, %while3A_415 : i32
        %while3A_417 = arith.addi %while3A_415, %while3A_416 : i32
        %while3A_418 = arith.constant 1 : i32
        %while3A_419 = arith.divsi %while3A_416, %while3A_418 : i32
        %while3A_420 = arith.muli %while3A_419, %while3A_418 : i32
        %while3A_421 = arith.addi %while3A_415, %while3A_420 : i32
        %while3A_422 = arith.constant 1 : i32
        %while3A_423 = scf.for %while3A_482 = %while3A_415 to %while3A_421 step %while3A_422 iter_args(%while3A_483 = %broadcast_in_dim3A_414) -> (vector<16xf32>)  : i32 {
          %mul3A_484 = arith.constant 16 : i32
          %mul3A_485 = arith.muli %while3A_482, %mul3A_484 : i32
          %get3A_486 = arith.index_cast %mul3A_485 : i32 to index
          %get3A_487 = tpu.vector_load %arg14[%get3A_486] {strides = array<i32>} : memref<1040xf32, #tpu.memory_space<vmem>>, vector<16xf32>,
          %max3A = arith.maximumf %while3A_483, %get3A_487 : vector<16xf32>
          scf.yield %max3A : vector<16xf32>
        }
        %while3A_424 = arith.constant 1 : i32
        %while3A_425 = scf.for %while3A_482 = %while3A_421 to %while3A_417 step %while3A_424 iter_args(%while3A_483 = %while3A_423) -> (vector<16xf32>)  : i32 {
          %mul3A_484 = arith.constant 16 : i32
          %mul3A_485 = arith.muli %while3A_482, %mul3A_484 : i32
          %get3A_486 = arith.index_cast %mul3A_485 : i32 to index
          %get3A_487 = tpu.vector_load %arg14[%get3A_486] {strides = array<i32>} : memref<1040xf32, #tpu.memory_space<vmem>>, vector<16xf32>,
          %max3A = arith.maximumf %while3A_483, %get3A_487 : vector<16xf32>
          scf.yield %max3A : vector<16xf32>
        }
        %reduce_max3A_426 = arith.constant true
        %reduce_max3A_427 = vector.broadcast %reduce_max3A_426 : i1 to vector<16xi1>
        %reduce_max3A_428 = tpu.scan <max>, %while3A_425 masked %reduce_max3A_427 : vector<16xf32>, vector<16xi1> -> vector<16xf32>
        %reduce_max3A_429 = vector.extract %reduce_max3A_428[15] : f32 from vector<16xf32>
        %broadcast_in_dim3A_430 = arith.constant 1.07374182E+9 : f32
        %broadcast_in_dim3A_431 = vector.broadcast %broadcast_in_dim3A_430 : f32 to vector<16xf32>
        %while3A_432 = arith.constant 0 : i32
        %while3A_433 = arith.subi %shift_right_arithmetic3A_135, %while3A_432 : i32
        %while3A_434 = arith.addi %while3A_432, %while3A_433 : i32
        %while3A_435 = arith.constant 1 : i32
        %while3A_436 = arith.divsi %while3A_433, %while3A_435 : i32
        %while3A_437 = arith.muli %while3A_436, %while3A_435 : i32
        %while3A_438 = arith.addi %while3A_432, %while3A_437 : i32
        %while3A_439 = arith.constant 1 : i32
        %while3A_440 = scf.for %while3A_482 = %while3A_432 to %while3A_438 step %while3A_439 iter_args(%while3A_483 = %broadcast_in_dim3A_431) -> (vector<16xf32>)  : i32 {
          %mul3A_484 = arith.constant 16 : i32
          %mul3A_485 = arith.muli %while3A_482, %mul3A_484 : i32
          %get3A_486 = arith.index_cast %mul3A_485 : i32 to index
          %get3A_487 = tpu.vector_load %arg14[%get3A_486] {strides = array<i32>} : memref<1040xf32, #tpu.memory_space<vmem>>, vector<16xf32>,
          %mul3A_488 = arith.constant 16 : i32
          %mul3A_489 = arith.muli %while3A_482, %mul3A_488 : i32
          %get3A_490 = arith.index_cast %mul3A_489 : i32 to index
          %get3A_491 = tpu.vector_load %arg15[%get3A_490] {strides = array<i32>} : memref<1040xi32, #tpu.memory_space<vmem>>, vector<16xi32>,
          %convert_element_type3A_492 = arith.sitofp %get3A_491 : vector<16xi32> to vector<16xf32>
          %broadcast_in_dim3A_493 = vector.broadcast %reduce_max3A_429 : f32 to vector<16xf32>
          %eq3A_494 = arith.cmpf oeq, %get3A_487, %broadcast_in_dim3A_493 : vector<16xf32>
          %jit3A_495 = arith.constant 1.07374182E+9 : f32
          %broadcast_in_dim3A_496 = vector.broadcast %jit3A_495 : f32 to vector<16xf32>
          %select_n3A_497 = arith.select %eq3A_494, %convert_element_type3A_492, %broadcast_in_dim3A_496 : vector<16xi1>, vector<16xf32>
          %min3A_498 = arith.minimumf %while3A_483, %select_n3A_497 : vector<16xf32>
          scf.yield %min3A_498 : vector<16xf32>
        }
        %while3A_441 = arith.constant 1 : i32
        %while3A_442 = scf.for %while3A_482 = %while3A_438 to %while3A_434 step %while3A_441 iter_args(%while3A_483 = %while3A_440) -> (vector<16xf32>)  : i32 {
          %mul3A_484 = arith.constant 16 : i32
          %mul3A_485 = arith.muli %while3A_482, %mul3A_484 : i32
          %get3A_486 = arith.index_cast %mul3A_485 : i32 to index
          %get3A_487 = tpu.vector_load %arg14[%get3A_486] {strides = array<i32>} : memref<1040xf32, #tpu.memory_space<vmem>>, vector<16xf32>,
          %mul3A_488 = arith.constant 16 : i32
          %mul3A_489 = arith.muli %while3A_482, %mul3A_488 : i32
          %get3A_490 = arith.index_cast %mul3A_489 : i32 to index
          %get3A_491 = tpu.vector_load %arg15[%get3A_490] {strides = array<i32>} : memref<1040xi32, #tpu.memory_space<vmem>>, vector<16xi32>,
          %convert_element_type3A_492 = arith.sitofp %get3A_491 : vector<16xi32> to vector<16xf32>
          %broadcast_in_dim3A_493 = vector.broadcast %reduce_max3A_429 : f32 to vector<16xf32>
          %eq3A_494 = arith.cmpf oeq, %get3A_487, %broadcast_in_dim3A_493 : vector<16xf32>
          %jit3A_495 = arith.constant 1.07374182E+9 : f32
          %broadcast_in_dim3A_496 = vector.broadcast %jit3A_495 : f32 to vector<16xf32>
          %select_n3A_497 = arith.select %eq3A_494, %convert_element_type3A_492, %broadcast_in_dim3A_496 : vector<16xi1>, vector<16xf32>
          %min3A_498 = arith.minimumf %while3A_483, %select_n3A_497 : vector<16xf32>
          scf.yield %min3A_498 : vector<16xf32>
        }
        %reduce_min3A = arith.constant true
        %reduce_min3A_443 = vector.broadcast %reduce_min3A : i1 to vector<16xi1>
        %reduce_min3A_444 = tpu.scan <min>, %while3A_442 masked %reduce_min3A_443 : vector<16xf32>, vector<16xi1> -> vector<16xf32>
        %reduce_min3A_445 = vector.extract %reduce_min3A_444[15] : f32 from vector<16xf32>
        %convert_element_type3A_446 = arith.fptosi %reduce_min3A_445 : f32 to i32
        %shift_right_arithmetic3A_447 = arith.constant 4 : i32
        %shift_right_arithmetic3A_448 = arith.shrsi %scan3A_411, %shift_right_arithmetic3A_447 : i32
        %mul3A_449 = arith.constant 16 : i32
        %mul3A_450 = arith.muli %shift_right_arithmetic3A_448, %mul3A_449 : i32
        %and3A_451 = arith.constant 15 : i32
        %and3A_452 = arith.andi %scan3A_411, %and3A_451 : i32
        %get3A_453 = arith.index_cast %mul3A_450 : i32 to index
        %get3A_454 = tpu.vector_load %arg16[%get3A_453] {strides = array<i32>} : memref<128xf32, #tpu.memory_space<vmem>>, vector<16xf32>,
        %eq3A_455 = vector.broadcast %and3A_452 : i32 to vector<16xi32>
        %eq3A_456 = arith.cmpi eq, %iota3A, %eq3A_455 : vector<16xi32>
        %broadcast_in_dim3A_457 = vector.broadcast %reduce_max3A_429 : f32 to vector<16xf32>
        %select_n3A_458 = arith.select %eq3A_456, %broadcast_in_dim3A_457, %get3A_454 : vector<16xi1>, vector<16xf32>
        %swap3A_459 = arith.index_cast %mul3A_450 : i32 to index
        %swap3A_460 = tpu.vector_load %arg16[%swap3A_459] {strides = array<i32>} : memref<128xf32, #tpu.memory_space<vmem>>, vector<16xf32>,
        tpu.vector_store %arg16[%swap3A_459], %select_n3A_458 {strides = array<i32>} : memref<128xf32, #tpu.memory_space<vmem>>, vector<16xf32>,
        %get3A_461 = arith.index_cast %mul3A_450 : i32 to index
        %get3A_462 = tpu.vector_load %arg17[%get3A_461] {strides = array<i32>} : memref<128xi32, #tpu.memory_space<vmem>>, vector<16xi32>,
        %eq3A_463 = vector.broadcast %and3A_452 : i32 to vector<16xi32>
        %eq3A_464 = arith.cmpi eq, %iota3A, %eq3A_463 : vector<16xi32>
        %broadcast_in_dim3A_465 = vector.broadcast %convert_element_type3A_446 : i32 to vector<16xi32>
        %select_n3A_466 = arith.select %eq3A_464, %broadcast_in_dim3A_465, %get3A_462 : vector<16xi1>, vector<16xi32>
        %swap3A_467 = arith.index_cast %mul3A_450 : i32 to index
        %swap3A_468 = tpu.vector_load %arg17[%swap3A_467] {strides = array<i32>} : memref<128xi32, #tpu.memory_space<vmem>>, vector<16xi32>,
        tpu.vector_store %arg17[%swap3A_467], %select_n3A_466 {strides = array<i32>} : memref<128xi32, #tpu.memory_space<vmem>>, vector<16xi32>,
        %while3A_469 = arith.constant 0 : i32
        %while3A_470 = arith.constant 0 : i32
        %while3A_471 = arith.subi %shift_right_arithmetic3A_135, %while3A_469 : i32
        %while3A_472 = arith.addi %while3A_469, %while3A_471 : i32
        %while3A_473 = arith.constant 1 : i32
        %while3A_474 = arith.divsi %while3A_471, %while3A_473 : i32
        %while3A_475 = arith.muli %while3A_474, %while3A_473 : i32
        %while3A_476 = arith.addi %while3A_469, %while3A_475 : i32
        %while3A_477 = arith.constant 1 : i32
        %while3A_478 = scf.for %while3A_482 = %while3A_469 to %while3A_476 step %while3A_477 iter_args(%while3A_483 = %while3A_470) -> (i32)  : i32 {
          %mul3A_484 = arith.constant 16 : i32
          %mul3A_485 = arith.muli %while3A_482, %mul3A_484 : i32
          %get3A_486 = arith.index_cast %mul3A_485 : i32 to index
          %get3A_487 = tpu.vector_load %arg14[%get3A_486] {strides = array<i32>} : memref<1040xf32, #tpu.memory_space<vmem>>, vector<16xf32>,
          %mul3A_488 = arith.constant 16 : i32
          %mul3A_489 = arith.muli %while3A_482, %mul3A_488 : i32
          %get3A_490 = arith.index_cast %mul3A_489 : i32 to index
          %get3A_491 = tpu.vector_load %arg15[%get3A_490] {strides = array<i32>} : memref<1040xi32, #tpu.memory_space<vmem>>, vector<16xi32>,
          %broadcast_in_dim3A_492 = vector.broadcast %reduce_max3A_429 : f32 to vector<16xf32>
          %eq3A_493 = arith.cmpf oeq, %get3A_487, %broadcast_in_dim3A_492 : vector<16xf32>
          %broadcast_in_dim3A_494 = vector.broadcast %convert_element_type3A_446 : i32 to vector<16xi32>
          %eq3A_495 = arith.cmpi eq, %get3A_491, %broadcast_in_dim3A_494 : vector<16xi32>
          %and3A_496 = arith.andi %eq3A_493, %eq3A_495 : vector<16xi1>
          %jit3A_497 = arith.constant 0xFF800000 : f32
          %broadcast_in_dim3A_498 = vector.broadcast %jit3A_497 : f32 to vector<16xf32>
          %select_n3A_499 = arith.select %and3A_496, %broadcast_in_dim3A_498, %get3A_487 : vector<16xi1>, vector<16xf32>
          %mul3A_500 = arith.constant 16 : i32
          %mul3A_501 = arith.muli %while3A_482, %mul3A_500 : i32
          %swap3A_502 = arith.index_cast %mul3A_501 : i32 to index
          %swap3A_503 = tpu.vector_load %arg14[%swap3A_502] {strides = array<i32>} : memref<1040xf32, #tpu.memory_space<vmem>>, vector<16xf32>,
          tpu.vector_store %arg14[%swap3A_502], %select_n3A_499 {strides = array<i32>} : memref<1040xf32, #tpu.memory_space<vmem>>, vector<16xf32>,
          %while3A_504 = arith.constant 0 : i32
          scf.yield %while3A_504 : i32
        }
        %while3A_479 = arith.constant 1 : i32
        %while3A_480 = scf.for %while3A_482 = %while3A_476 to %while3A_472 step %while3A_479 iter_args(%while3A_483 = %while3A_478) -> (i32)  : i32 {
          %mul3A_484 = arith.constant 16 : i32
          %mul3A_485 = arith.muli %while3A_482, %mul3A_484 : i32
          %get3A_486 = arith.index_cast %mul3A_485 : i32 to index
          %get3A_487 = tpu.vector_load %arg14[%get3A_486] {strides = array<i32>} : memref<1040xf32, #tpu.memory_space<vmem>>, vector<16xf32>,
          %mul3A_488 = arith.constant 16 : i32
          %mul3A_489 = arith.muli %while3A_482, %mul3A_488 : i32
          %get3A_490 = arith.index_cast %mul3A_489 : i32 to index
          %get3A_491 = tpu.vector_load %arg15[%get3A_490] {strides = array<i32>} : memref<1040xi32, #tpu.memory_space<vmem>>, vector<16xi32>,
          %broadcast_in_dim3A_492 = vector.broadcast %reduce_max3A_429 : f32 to vector<16xf32>
          %eq3A_493 = arith.cmpf oeq, %get3A_487, %broadcast_in_dim3A_492 : vector<16xf32>
          %broadcast_in_dim3A_494 = vector.broadcast %convert_element_type3A_446 : i32 to vector<16xi32>
          %eq3A_495 = arith.cmpi eq, %get3A_491, %broadcast_in_dim3A_494 : vector<16xi32>
          %and3A_496 = arith.andi %eq3A_493, %eq3A_495 : vector<16xi1>
          %jit3A_497 = arith.constant 0xFF800000 : f32
          %broadcast_in_dim3A_498 = vector.broadcast %jit3A_497 : f32 to vector<16xf32>
          %select_n3A_499 = arith.select %and3A_496, %broadcast_in_dim3A_498, %get3A_487 : vector<16xi1>, vector<16xf32>
          %mul3A_500 = arith.constant 16 : i32
          %mul3A_501 = arith.muli %while3A_482, %mul3A_500 : i32
          %swap3A_502 = arith.index_cast %mul3A_501 : i32 to index
          %swap3A_503 = tpu.vector_load %arg14[%swap3A_502] {strides = array<i32>} : memref<1040xf32, #tpu.memory_space<vmem>>, vector<16xf32>,
          tpu.vector_store %arg14[%swap3A_502], %select_n3A_499 {strides = array<i32>} : memref<1040xf32, #tpu.memory_space<vmem>>, vector<16xf32>,
          %while3A_504 = arith.constant 0 : i32
          scf.yield %while3A_504 : i32
        }
        %scan3A_481 = arith.constant 0 : i32
        scf.yield %scan3A_481 : i32
      }
      %scan3A_142 = arith.constant 100 : i32
      %broadcast_in_dim3A_143 = arith.constant 0.000000e+00 : f32
      %broadcast_in_dim3A_144 = vector.broadcast %broadcast_in_dim3A_143 : f32 to vector<16xf32>
      %convert_element_type3A_145 = arith.sitofp %add3A : i32 to f32
      %add3A_146 = vector.broadcast %convert_element_type3A_145 : f32 to vector<16xf32>
      %add3A_147 = arith.addf %broadcast_in_dim3A_144, %add3A_146 : vector<16xf32>
      %get3A_148 = arith.constant 0 : index
      %get3A_149 = tpu.vector_load %arg17[%get3A_148] {strides = array<i32>} : memref<128xi32, #tpu.memory_space<vmem>>, vector<16xi32>,
      %shift_right_arithmetic3A_150 = arith.constant 18 : i32
      %shift_right_arithmetic3A_151 = vector.broadcast %shift_right_arithmetic3A_150 : i32 to vector<16xi32>
      %shift_right_arithmetic3A_152 = arith.shrsi %get3A_149, %shift_right_arithmetic3A_151 : vector<16xi32>
      %convert_element_type3A_153 = arith.sitofp %shift_right_arithmetic3A_152 : vector<16xi32> to vector<16xf32>
      %and3A = arith.constant 262143 : i32
      %and3A_154 = vector.broadcast %and3A : i32 to vector<16xi32>
      %and3A_155 = arith.andi %get3A_149, %and3A_154 : vector<16xi32>
      %shift_right_arithmetic3A_156 = arith.constant 9 : i32
      %shift_right_arithmetic3A_157 = vector.broadcast %shift_right_arithmetic3A_156 : i32 to vector<16xi32>
      %shift_right_arithmetic3A_158 = arith.shrsi %and3A_155, %shift_right_arithmetic3A_157 : vector<16xi32>
      %convert_element_type3A_159 = arith.sitofp %shift_right_arithmetic3A_158 : vector<16xi32> to vector<16xf32>
      %and3A_160 = arith.constant 511 : i32
      %and3A_161 = vector.broadcast %and3A_160 : i32 to vector<16xi32>
      %and3A_162 = arith.andi %and3A_155, %and3A_161 : vector<16xi32>
      %convert_element_type3A_163 = arith.sitofp %and3A_162 : vector<16xi32> to vector<16xf32>
      %swap3A_164 = arith.constant 0 : i32
      %swap3A_165 = arith.index_cast %swap3A_164 : i32 to index
      %swap3A_166 = arith.constant 0 : index
      %swap3A_167 = tpu.vector_load %arg18[%swap3A_165, %swap3A_166] {strides = array<i32>} : memref<4x128xf32, #tpu.memory_space<vmem>>, vector<16xf32>,
      tpu.vector_store %arg18[%swap3A_165, %swap3A_166], %add3A_147 {strides = array<i32>} : memref<4x128xf32, #tpu.memory_space<vmem>>, vector<16xf32>,
      %swap3A_168 = arith.constant 1 : i32
      %swap3A_169 = arith.index_cast %swap3A_168 : i32 to index
      %swap3A_170 = arith.constant 0 : index
      %swap3A_171 = tpu.vector_load %arg18[%swap3A_169, %swap3A_170] {strides = array<i32>} : memref<4x128xf32, #tpu.memory_space<vmem>>, vector<16xf32>,
      tpu.vector_store %arg18[%swap3A_169, %swap3A_170], %convert_element_type3A_163 {strides = array<i32>} : memref<4x128xf32, #tpu.memory_space<vmem>>, vector<16xf32>,
      %swap3A_172 = arith.constant 2 : i32
      %swap3A_173 = arith.index_cast %swap3A_172 : i32 to index
      %swap3A_174 = arith.constant 0 : index
      %swap3A_175 = tpu.vector_load %arg18[%swap3A_173, %swap3A_174] {strides = array<i32>} : memref<4x128xf32, #tpu.memory_space<vmem>>, vector<16xf32>,
      tpu.vector_store %arg18[%swap3A_173, %swap3A_174], %convert_element_type3A_159 {strides = array<i32>} : memref<4x128xf32, #tpu.memory_space<vmem>>, vector<16xf32>,
      %swap3A_176 = arith.constant 3 : i32
      %swap3A_177 = arith.index_cast %swap3A_176 : i32 to index
      %swap3A_178 = arith.constant 0 : index
      %swap3A_179 = tpu.vector_load %arg18[%swap3A_177, %swap3A_178] {strides = array<i32>} : memref<4x128xf32, #tpu.memory_space<vmem>>, vector<16xf32>,
      tpu.vector_store %arg18[%swap3A_177, %swap3A_178], %convert_element_type3A_153 {strides = array<i32>} : memref<4x128xf32, #tpu.memory_space<vmem>>, vector<16xf32>,
      %get3A_180 = arith.constant 16 : index
      %get3A_181 = tpu.vector_load %arg17[%get3A_180] {strides = array<i32>} : memref<128xi32, #tpu.memory_space<vmem>>, vector<16xi32>,
      %shift_right_arithmetic3A_182 = arith.constant 18 : i32
      %shift_right_arithmetic3A_183 = vector.broadcast %shift_right_arithmetic3A_182 : i32 to vector<16xi32>
      %shift_right_arithmetic3A_184 = arith.shrsi %get3A_181, %shift_right_arithmetic3A_183 : vector<16xi32>
      %convert_element_type3A_185 = arith.sitofp %shift_right_arithmetic3A_184 : vector<16xi32> to vector<16xf32>
      %and3A_186 = arith.constant 262143 : i32
      %and3A_187 = vector.broadcast %and3A_186 : i32 to vector<16xi32>
      %and3A_188 = arith.andi %get3A_181, %and3A_187 : vector<16xi32>
      %shift_right_arithmetic3A_189 = arith.constant 9 : i32
      %shift_right_arithmetic3A_190 = vector.broadcast %shift_right_arithmetic3A_189 : i32 to vector<16xi32>
      %shift_right_arithmetic3A_191 = arith.shrsi %and3A_188, %shift_right_arithmetic3A_190 : vector<16xi32>
      %convert_element_type3A_192 = arith.sitofp %shift_right_arithmetic3A_191 : vector<16xi32> to vector<16xf32>
      %and3A_193 = arith.constant 511 : i32
      %and3A_194 = vector.broadcast %and3A_193 : i32 to vector<16xi32>
      %and3A_195 = arith.andi %and3A_188, %and3A_194 : vector<16xi32>
      %convert_element_type3A_196 = arith.sitofp %and3A_195 : vector<16xi32> to vector<16xf32>
      %swap3A_197 = arith.constant 0 : i32
      %swap3A_198 = arith.index_cast %swap3A_197 : i32 to index
      %swap3A_199 = arith.constant 16 : index
      %swap3A_200 = tpu.vector_load %arg18[%swap3A_198, %swap3A_199] {strides = array<i32>} : memref<4x128xf32, #tpu.memory_space<vmem>>, vector<16xf32>,
      tpu.vector_store %arg18[%swap3A_198, %swap3A_199], %add3A_147 {strides = array<i32>} : memref<4x128xf32, #tpu.memory_space<vmem>>, vector<16xf32>,
      %swap3A_201 = arith.constant 1 : i32
      %swap3A_202 = arith.index_cast %swap3A_201 : i32 to index
      %swap3A_203 = arith.constant 16 : index
      %swap3A_204 = tpu.vector_load %arg18[%swap3A_202, %swap3A_203] {strides = array<i32>} : memref<4x128xf32, #tpu.memory_space<vmem>>, vector<16xf32>,
      tpu.vector_store %arg18[%swap3A_202, %swap3A_203], %convert_element_type3A_196 {strides = array<i32>} : memref<4x128xf32, #tpu.memory_space<vmem>>, vector<16xf32>,
      %swap3A_205 = arith.constant 2 : i32
      %swap3A_206 = arith.index_cast %swap3A_205 : i32 to index
      %swap3A_207 = arith.constant 16 : index
      %swap3A_208 = tpu.vector_load %arg18[%swap3A_206, %swap3A_207] {strides = array<i32>} : memref<4x128xf32, #tpu.memory_space<vmem>>, vector<16xf32>,
      tpu.vector_store %arg18[%swap3A_206, %swap3A_207], %convert_element_type3A_192 {strides = array<i32>} : memref<4x128xf32, #tpu.memory_space<vmem>>, vector<16xf32>,
      %swap3A_209 = arith.constant 3 : i32
      %swap3A_210 = arith.index_cast %swap3A_209 : i32 to index
      %swap3A_211 = arith.constant 16 : index
      %swap3A_212 = tpu.vector_load %arg18[%swap3A_210, %swap3A_211] {strides = array<i32>} : memref<4x128xf32, #tpu.memory_space<vmem>>, vector<16xf32>,
      tpu.vector_store %arg18[%swap3A_210, %swap3A_211], %convert_element_type3A_185 {strides = array<i32>} : memref<4x128xf32, #tpu.memory_space<vmem>>, vector<16xf32>,
      %get3A_213 = arith.constant 32 : index
      %get3A_214 = tpu.vector_load %arg17[%get3A_213] {strides = array<i32>} : memref<128xi32, #tpu.memory_space<vmem>>, vector<16xi32>,
      %shift_right_arithmetic3A_215 = arith.constant 18 : i32
      %shift_right_arithmetic3A_216 = vector.broadcast %shift_right_arithmetic3A_215 : i32 to vector<16xi32>
      %shift_right_arithmetic3A_217 = arith.shrsi %get3A_214, %shift_right_arithmetic3A_216 : vector<16xi32>
      %convert_element_type3A_218 = arith.sitofp %shift_right_arithmetic3A_217 : vector<16xi32> to vector<16xf32>
      %and3A_219 = arith.constant 262143 : i32
      %and3A_220 = vector.broadcast %and3A_219 : i32 to vector<16xi32>
      %and3A_221 = arith.andi %get3A_214, %and3A_220 : vector<16xi32>
      %shift_right_arithmetic3A_222 = arith.constant 9 : i32
      %shift_right_arithmetic3A_223 = vector.broadcast %shift_right_arithmetic3A_222 : i32 to vector<16xi32>
      %shift_right_arithmetic3A_224 = arith.shrsi %and3A_221, %shift_right_arithmetic3A_223 : vector<16xi32>
      %convert_element_type3A_225 = arith.sitofp %shift_right_arithmetic3A_224 : vector<16xi32> to vector<16xf32>
      %and3A_226 = arith.constant 511 : i32
      %and3A_227 = vector.broadcast %and3A_226 : i32 to vector<16xi32>
      %and3A_228 = arith.andi %and3A_221, %and3A_227 : vector<16xi32>
      %convert_element_type3A_229 = arith.sitofp %and3A_228 : vector<16xi32> to vector<16xf32>
      %swap3A_230 = arith.constant 0 : i32
      %swap3A_231 = arith.index_cast %swap3A_230 : i32 to index
      %swap3A_232 = arith.constant 32 : index
      %swap3A_233 = tpu.vector_load %arg18[%swap3A_231, %swap3A_232] {strides = array<i32>} : memref<4x128xf32, #tpu.memory_space<vmem>>, vector<16xf32>,
      tpu.vector_store %arg18[%swap3A_231, %swap3A_232], %add3A_147 {strides = array<i32>} : memref<4x128xf32, #tpu.memory_space<vmem>>, vector<16xf32>,
      %swap3A_234 = arith.constant 1 : i32
      %swap3A_235 = arith.index_cast %swap3A_234 : i32 to index
      %swap3A_236 = arith.constant 32 : index
      %swap3A_237 = tpu.vector_load %arg18[%swap3A_235, %swap3A_236] {strides = array<i32>} : memref<4x128xf32, #tpu.memory_space<vmem>>, vector<16xf32>,
      tpu.vector_store %arg18[%swap3A_235, %swap3A_236], %convert_element_type3A_229 {strides = array<i32>} : memref<4x128xf32, #tpu.memory_space<vmem>>, vector<16xf32>,
      %swap3A_238 = arith.constant 2 : i32
      %swap3A_239 = arith.index_cast %swap3A_238 : i32 to index
      %swap3A_240 = arith.constant 32 : index
      %swap3A_241 = tpu.vector_load %arg18[%swap3A_239, %swap3A_240] {strides = array<i32>} : memref<4x128xf32, #tpu.memory_space<vmem>>, vector<16xf32>,
      tpu.vector_store %arg18[%swap3A_239, %swap3A_240], %convert_element_type3A_225 {strides = array<i32>} : memref<4x128xf32, #tpu.memory_space<vmem>>, vector<16xf32>,
      %swap3A_242 = arith.constant 3 : i32
      %swap3A_243 = arith.index_cast %swap3A_242 : i32 to index
      %swap3A_244 = arith.constant 32 : index
      %swap3A_245 = tpu.vector_load %arg18[%swap3A_243, %swap3A_244] {strides = array<i32>} : memref<4x128xf32, #tpu.memory_space<vmem>>, vector<16xf32>,
      tpu.vector_store %arg18[%swap3A_243, %swap3A_244], %convert_element_type3A_218 {strides = array<i32>} : memref<4x128xf32, #tpu.memory_space<vmem>>, vector<16xf32>,
      %get3A_246 = arith.constant 48 : index
      %get3A_247 = tpu.vector_load %arg17[%get3A_246] {strides = array<i32>} : memref<128xi32, #tpu.memory_space<vmem>>, vector<16xi32>,
      %shift_right_arithmetic3A_248 = arith.constant 18 : i32
      %shift_right_arithmetic3A_249 = vector.broadcast %shift_right_arithmetic3A_248 : i32 to vector<16xi32>
      %shift_right_arithmetic3A_250 = arith.shrsi %get3A_247, %shift_right_arithmetic3A_249 : vector<16xi32>
      %convert_element_type3A_251 = arith.sitofp %shift_right_arithmetic3A_250 : vector<16xi32> to vector<16xf32>
      %and3A_252 = arith.constant 262143 : i32
      %and3A_253 = vector.broadcast %and3A_252 : i32 to vector<16xi32>
      %and3A_254 = arith.andi %get3A_247, %and3A_253 : vector<16xi32>
      %shift_right_arithmetic3A_255 = arith.constant 9 : i32
      %shift_right_arithmetic3A_256 = vector.broadcast %shift_right_arithmetic3A_255 : i32 to vector<16xi32>
      %shift_right_arithmetic3A_257 = arith.shrsi %and3A_254, %shift_right_arithmetic3A_256 : vector<16xi32>
      %convert_element_type3A_258 = arith.sitofp %shift_right_arithmetic3A_257 : vector<16xi32> to vector<16xf32>
      %and3A_259 = arith.constant 511 : i32
      %and3A_260 = vector.broadcast %and3A_259 : i32 to vector<16xi32>
      %and3A_261 = arith.andi %and3A_254, %and3A_260 : vector<16xi32>
      %convert_element_type3A_262 = arith.sitofp %and3A_261 : vector<16xi32> to vector<16xf32>
      %swap3A_263 = arith.constant 0 : i32
      %swap3A_264 = arith.index_cast %swap3A_263 : i32 to index
      %swap3A_265 = arith.constant 48 : index
      %swap3A_266 = tpu.vector_load %arg18[%swap3A_264, %swap3A_265] {strides = array<i32>} : memref<4x128xf32, #tpu.memory_space<vmem>>, vector<16xf32>,
      tpu.vector_store %arg18[%swap3A_264, %swap3A_265], %add3A_147 {strides = array<i32>} : memref<4x128xf32, #tpu.memory_space<vmem>>, vector<16xf32>,
      %swap3A_267 = arith.constant 1 : i32
      %swap3A_268 = arith.index_cast %swap3A_267 : i32 to index
      %swap3A_269 = arith.constant 48 : index
      %swap3A_270 = tpu.vector_load %arg18[%swap3A_268, %swap3A_269] {strides = array<i32>} : memref<4x128xf32, #tpu.memory_space<vmem>>, vector<16xf32>,
      tpu.vector_store %arg18[%swap3A_268, %swap3A_269], %convert_element_type3A_262 {strides = array<i32>} : memref<4x128xf32, #tpu.memory_space<vmem>>, vector<16xf32>,
      %swap3A_271 = arith.constant 2 : i32
      %swap3A_272 = arith.index_cast %swap3A_271 : i32 to index
      %swap3A_273 = arith.constant 48 : index
      %swap3A_274 = tpu.vector_load %arg18[%swap3A_272, %swap3A_273] {strides = array<i32>} : memref<4x128xf32, #tpu.memory_space<vmem>>, vector<16xf32>,
      tpu.vector_store %arg18[%swap3A_272, %swap3A_273], %convert_element_type3A_258 {strides = array<i32>} : memref<4x128xf32, #tpu.memory_space<vmem>>, vector<16xf32>,
      %swap3A_275 = arith.constant 3 : i32
      %swap3A_276 = arith.index_cast %swap3A_275 : i32 to index
      %swap3A_277 = arith.constant 48 : index
      %swap3A_278 = tpu.vector_load %arg18[%swap3A_276, %swap3A_277] {strides = array<i32>} : memref<4x128xf32, #tpu.memory_space<vmem>>, vector<16xf32>,
      tpu.vector_store %arg18[%swap3A_276, %swap3A_277], %convert_element_type3A_251 {strides = array<i32>} : memref<4x128xf32, #tpu.memory_space<vmem>>, vector<16xf32>,
      %get3A_279 = arith.constant 64 : index
      %get3A_280 = tpu.vector_load %arg17[%get3A_279] {strides = array<i32>} : memref<128xi32, #tpu.memory_space<vmem>>, vector<16xi32>,
      %shift_right_arithmetic3A_281 = arith.constant 18 : i32
      %shift_right_arithmetic3A_282 = vector.broadcast %shift_right_arithmetic3A_281 : i32 to vector<16xi32>
      %shift_right_arithmetic3A_283 = arith.shrsi %get3A_280, %shift_right_arithmetic3A_282 : vector<16xi32>
      %convert_element_type3A_284 = arith.sitofp %shift_right_arithmetic3A_283 : vector<16xi32> to vector<16xf32>
      %and3A_285 = arith.constant 262143 : i32
      %and3A_286 = vector.broadcast %and3A_285 : i32 to vector<16xi32>
      %and3A_287 = arith.andi %get3A_280, %and3A_286 : vector<16xi32>
      %shift_right_arithmetic3A_288 = arith.constant 9 : i32
      %shift_right_arithmetic3A_289 = vector.broadcast %shift_right_arithmetic3A_288 : i32 to vector<16xi32>
      %shift_right_arithmetic3A_290 = arith.shrsi %and3A_287, %shift_right_arithmetic3A_289 : vector<16xi32>
      %convert_element_type3A_291 = arith.sitofp %shift_right_arithmetic3A_290 : vector<16xi32> to vector<16xf32>
      %and3A_292 = arith.constant 511 : i32
      %and3A_293 = vector.broadcast %and3A_292 : i32 to vector<16xi32>
      %and3A_294 = arith.andi %and3A_287, %and3A_293 : vector<16xi32>
      %convert_element_type3A_295 = arith.sitofp %and3A_294 : vector<16xi32> to vector<16xf32>
      %swap3A_296 = arith.constant 0 : i32
      %swap3A_297 = arith.index_cast %swap3A_296 : i32 to index
      %swap3A_298 = arith.constant 64 : index
      %swap3A_299 = tpu.vector_load %arg18[%swap3A_297, %swap3A_298] {strides = array<i32>} : memref<4x128xf32, #tpu.memory_space<vmem>>, vector<16xf32>,
      tpu.vector_store %arg18[%swap3A_297, %swap3A_298], %add3A_147 {strides = array<i32>} : memref<4x128xf32, #tpu.memory_space<vmem>>, vector<16xf32>,
      %swap3A_300 = arith.constant 1 : i32
      %swap3A_301 = arith.index_cast %swap3A_300 : i32 to index
      %swap3A_302 = arith.constant 64 : index
      %swap3A_303 = tpu.vector_load %arg18[%swap3A_301, %swap3A_302] {strides = array<i32>} : memref<4x128xf32, #tpu.memory_space<vmem>>, vector<16xf32>,
      tpu.vector_store %arg18[%swap3A_301, %swap3A_302], %convert_element_type3A_295 {strides = array<i32>} : memref<4x128xf32, #tpu.memory_space<vmem>>, vector<16xf32>,
      %swap3A_304 = arith.constant 2 : i32
      %swap3A_305 = arith.index_cast %swap3A_304 : i32 to index
      %swap3A_306 = arith.constant 64 : index
      %swap3A_307 = tpu.vector_load %arg18[%swap3A_305, %swap3A_306] {strides = array<i32>} : memref<4x128xf32, #tpu.memory_space<vmem>>, vector<16xf32>,
      tpu.vector_store %arg18[%swap3A_305, %swap3A_306], %convert_element_type3A_291 {strides = array<i32>} : memref<4x128xf32, #tpu.memory_space<vmem>>, vector<16xf32>,
      %swap3A_308 = arith.constant 3 : i32
      %swap3A_309 = arith.index_cast %swap3A_308 : i32 to index
      %swap3A_310 = arith.constant 64 : index
      %swap3A_311 = tpu.vector_load %arg18[%swap3A_309, %swap3A_310] {strides = array<i32>} : memref<4x128xf32, #tpu.memory_space<vmem>>, vector<16xf32>,
      tpu.vector_store %arg18[%swap3A_309, %swap3A_310], %convert_element_type3A_284 {strides = array<i32>} : memref<4x128xf32, #tpu.memory_space<vmem>>, vector<16xf32>,
      %get3A_312 = arith.constant 80 : index
      %get3A_313 = tpu.vector_load %arg17[%get3A_312] {strides = array<i32>} : memref<128xi32, #tpu.memory_space<vmem>>, vector<16xi32>,
      %shift_right_arithmetic3A_314 = arith.constant 18 : i32
      %shift_right_arithmetic3A_315 = vector.broadcast %shift_right_arithmetic3A_314 : i32 to vector<16xi32>
      %shift_right_arithmetic3A_316 = arith.shrsi %get3A_313, %shift_right_arithmetic3A_315 : vector<16xi32>
      %convert_element_type3A_317 = arith.sitofp %shift_right_arithmetic3A_316 : vector<16xi32> to vector<16xf32>
      %and3A_318 = arith.constant 262143 : i32
      %and3A_319 = vector.broadcast %and3A_318 : i32 to vector<16xi32>
      %and3A_320 = arith.andi %get3A_313, %and3A_319 : vector<16xi32>
      %shift_right_arithmetic3A_321 = arith.constant 9 : i32
      %shift_right_arithmetic3A_322 = vector.broadcast %shift_right_arithmetic3A_321 : i32 to vector<16xi32>
      %shift_right_arithmetic3A_323 = arith.shrsi %and3A_320, %shift_right_arithmetic3A_322 : vector<16xi32>
      %convert_element_type3A_324 = arith.sitofp %shift_right_arithmetic3A_323 : vector<16xi32> to vector<16xf32>
      %and3A_325 = arith.constant 511 : i32
      %and3A_326 = vector.broadcast %and3A_325 : i32 to vector<16xi32>
      %and3A_327 = arith.andi %and3A_320, %and3A_326 : vector<16xi32>
      %convert_element_type3A_328 = arith.sitofp %and3A_327 : vector<16xi32> to vector<16xf32>
      %swap3A_329 = arith.constant 0 : i32
      %swap3A_330 = arith.index_cast %swap3A_329 : i32 to index
      %swap3A_331 = arith.constant 80 : index
      %swap3A_332 = tpu.vector_load %arg18[%swap3A_330, %swap3A_331] {strides = array<i32>} : memref<4x128xf32, #tpu.memory_space<vmem>>, vector<16xf32>,
      tpu.vector_store %arg18[%swap3A_330, %swap3A_331], %add3A_147 {strides = array<i32>} : memref<4x128xf32, #tpu.memory_space<vmem>>, vector<16xf32>,
      %swap3A_333 = arith.constant 1 : i32
      %swap3A_334 = arith.index_cast %swap3A_333 : i32 to index
      %swap3A_335 = arith.constant 80 : index
      %swap3A_336 = tpu.vector_load %arg18[%swap3A_334, %swap3A_335] {strides = array<i32>} : memref<4x128xf32, #tpu.memory_space<vmem>>, vector<16xf32>,
      tpu.vector_store %arg18[%swap3A_334, %swap3A_335], %convert_element_type3A_328 {strides = array<i32>} : memref<4x128xf32, #tpu.memory_space<vmem>>, vector<16xf32>,
      %swap3A_337 = arith.constant 2 : i32
      %swap3A_338 = arith.index_cast %swap3A_337 : i32 to index
      %swap3A_339 = arith.constant 80 : index
      %swap3A_340 = tpu.vector_load %arg18[%swap3A_338, %swap3A_339] {strides = array<i32>} : memref<4x128xf32, #tpu.memory_space<vmem>>, vector<16xf32>,
      tpu.vector_store %arg18[%swap3A_338, %swap3A_339], %convert_element_type3A_324 {strides = array<i32>} : memref<4x128xf32, #tpu.memory_space<vmem>>, vector<16xf32>,
      %swap3A_341 = arith.constant 3 : i32
      %swap3A_342 = arith.index_cast %swap3A_341 : i32 to index
      %swap3A_343 = arith.constant 80 : index
      %swap3A_344 = tpu.vector_load %arg18[%swap3A_342, %swap3A_343] {strides = array<i32>} : memref<4x128xf32, #tpu.memory_space<vmem>>, vector<16xf32>,
      tpu.vector_store %arg18[%swap3A_342, %swap3A_343], %convert_element_type3A_317 {strides = array<i32>} : memref<4x128xf32, #tpu.memory_space<vmem>>, vector<16xf32>,
      %get3A_345 = arith.constant 96 : index
      %get3A_346 = tpu.vector_load %arg17[%get3A_345] {strides = array<i32>} : memref<128xi32, #tpu.memory_space<vmem>>, vector<16xi32>,
      %shift_right_arithmetic3A_347 = arith.constant 18 : i32
      %shift_right_arithmetic3A_348 = vector.broadcast %shift_right_arithmetic3A_347 : i32 to vector<16xi32>
      %shift_right_arithmetic3A_349 = arith.shrsi %get3A_346, %shift_right_arithmetic3A_348 : vector<16xi32>
      %convert_element_type3A_350 = arith.sitofp %shift_right_arithmetic3A_349 : vector<16xi32> to vector<16xf32>
      %and3A_351 = arith.constant 262143 : i32
      %and3A_352 = vector.broadcast %and3A_351 : i32 to vector<16xi32>
      %and3A_353 = arith.andi %get3A_346, %and3A_352 : vector<16xi32>
      %shift_right_arithmetic3A_354 = arith.constant 9 : i32
      %shift_right_arithmetic3A_355 = vector.broadcast %shift_right_arithmetic3A_354 : i32 to vector<16xi32>
      %shift_right_arithmetic3A_356 = arith.shrsi %and3A_353, %shift_right_arithmetic3A_355 : vector<16xi32>
      %convert_element_type3A_357 = arith.sitofp %shift_right_arithmetic3A_356 : vector<16xi32> to vector<16xf32>
      %and3A_358 = arith.constant 511 : i32
      %and3A_359 = vector.broadcast %and3A_358 : i32 to vector<16xi32>
      %and3A_360 = arith.andi %and3A_353, %and3A_359 : vector<16xi32>
      %convert_element_type3A_361 = arith.sitofp %and3A_360 : vector<16xi32> to vector<16xf32>
      %swap3A_362 = arith.constant 0 : i32
      %swap3A_363 = arith.index_cast %swap3A_362 : i32 to index
      %swap3A_364 = arith.constant 96 : index
      %swap3A_365 = tpu.vector_load %arg18[%swap3A_363, %swap3A_364] {strides = array<i32>} : memref<4x128xf32, #tpu.memory_space<vmem>>, vector<16xf32>,
      tpu.vector_store %arg18[%swap3A_363, %swap3A_364], %add3A_147 {strides = array<i32>} : memref<4x128xf32, #tpu.memory_space<vmem>>, vector<16xf32>,
      %swap3A_366 = arith.constant 1 : i32
      %swap3A_367 = arith.index_cast %swap3A_366 : i32 to index
      %swap3A_368 = arith.constant 96 : index
      %swap3A_369 = tpu.vector_load %arg18[%swap3A_367, %swap3A_368] {strides = array<i32>} : memref<4x128xf32, #tpu.memory_space<vmem>>, vector<16xf32>,
      tpu.vector_store %arg18[%swap3A_367, %swap3A_368], %convert_element_type3A_361 {strides = array<i32>} : memref<4x128xf32, #tpu.memory_space<vmem>>, vector<16xf32>,
      %swap3A_370 = arith.constant 2 : i32
      %swap3A_371 = arith.index_cast %swap3A_370 : i32 to index
      %swap3A_372 = arith.constant 96 : index
      %swap3A_373 = tpu.vector_load %arg18[%swap3A_371, %swap3A_372] {strides = array<i32>} : memref<4x128xf32, #tpu.memory_space<vmem>>, vector<16xf32>,
      tpu.vector_store %arg18[%swap3A_371, %swap3A_372], %convert_element_type3A_357 {strides = array<i32>} : memref<4x128xf32, #tpu.memory_space<vmem>>, vector<16xf32>,
      %swap3A_374 = arith.constant 3 : i32
      %swap3A_375 = arith.index_cast %swap3A_374 : i32 to index
      %swap3A_376 = arith.constant 96 : index
      %swap3A_377 = tpu.vector_load %arg18[%swap3A_375, %swap3A_376] {strides = array<i32>} : memref<4x128xf32, #tpu.memory_space<vmem>>, vector<16xf32>,
      tpu.vector_store %arg18[%swap3A_375, %swap3A_376], %convert_element_type3A_350 {strides = array<i32>} : memref<4x128xf32, #tpu.memory_space<vmem>>, vector<16xf32>,
      %get3A_378 = arith.constant 112 : index
      %get3A_379 = tpu.vector_load %arg17[%get3A_378] {strides = array<i32>} : memref<128xi32, #tpu.memory_space<vmem>>, vector<16xi32>,
      %shift_right_arithmetic3A_380 = arith.constant 18 : i32
      %shift_right_arithmetic3A_381 = vector.broadcast %shift_right_arithmetic3A_380 : i32 to vector<16xi32>
      %shift_right_arithmetic3A_382 = arith.shrsi %get3A_379, %shift_right_arithmetic3A_381 : vector<16xi32>
      %convert_element_type3A_383 = arith.sitofp %shift_right_arithmetic3A_382 : vector<16xi32> to vector<16xf32>
      %and3A_384 = arith.constant 262143 : i32
      %and3A_385 = vector.broadcast %and3A_384 : i32 to vector<16xi32>
      %and3A_386 = arith.andi %get3A_379, %and3A_385 : vector<16xi32>
      %shift_right_arithmetic3A_387 = arith.constant 9 : i32
      %shift_right_arithmetic3A_388 = vector.broadcast %shift_right_arithmetic3A_387 : i32 to vector<16xi32>
      %shift_right_arithmetic3A_389 = arith.shrsi %and3A_386, %shift_right_arithmetic3A_388 : vector<16xi32>
      %convert_element_type3A_390 = arith.sitofp %shift_right_arithmetic3A_389 : vector<16xi32> to vector<16xf32>
      %and3A_391 = arith.constant 511 : i32
      %and3A_392 = vector.broadcast %and3A_391 : i32 to vector<16xi32>
      %and3A_393 = arith.andi %and3A_386, %and3A_392 : vector<16xi32>
      %convert_element_type3A_394 = arith.sitofp %and3A_393 : vector<16xi32> to vector<16xf32>
      %swap3A_395 = arith.constant 0 : i32
      %swap3A_396 = arith.index_cast %swap3A_395 : i32 to index
      %swap3A_397 = arith.constant 112 : index
      %swap3A_398 = tpu.vector_load %arg18[%swap3A_396, %swap3A_397] {strides = array<i32>} : memref<4x128xf32, #tpu.memory_space<vmem>>, vector<16xf32>,
      tpu.vector_store %arg18[%swap3A_396, %swap3A_397], %add3A_147 {strides = array<i32>} : memref<4x128xf32, #tpu.memory_space<vmem>>, vector<16xf32>,
      %swap3A_399 = arith.constant 1 : i32
      %swap3A_400 = arith.index_cast %swap3A_399 : i32 to index
      %swap3A_401 = arith.constant 112 : index
      %swap3A_402 = tpu.vector_load %arg18[%swap3A_400, %swap3A_401] {strides = array<i32>} : memref<4x128xf32, #tpu.memory_space<vmem>>, vector<16xf32>,
      tpu.vector_store %arg18[%swap3A_400, %swap3A_401], %convert_element_type3A_394 {strides = array<i32>} : memref<4x128xf32, #tpu.memory_space<vmem>>, vector<16xf32>,
      %swap3A_403 = arith.constant 2 : i32
      %swap3A_404 = arith.index_cast %swap3A_403 : i32 to index
      %swap3A_405 = arith.constant 112 : index
      %swap3A_406 = tpu.vector_load %arg18[%swap3A_404, %swap3A_405] {strides = array<i32>} : memref<4x128xf32, #tpu.memory_space<vmem>>, vector<16xf32>,
      tpu.vector_store %arg18[%swap3A_404, %swap3A_405], %convert_element_type3A_390 {strides = array<i32>} : memref<4x128xf32, #tpu.memory_space<vmem>>, vector<16xf32>,
      %swap3A_407 = arith.constant 3 : i32
      %swap3A_408 = arith.index_cast %swap3A_407 : i32 to index
      %swap3A_409 = arith.constant 112 : index
      %swap3A_410 = tpu.vector_load %arg18[%swap3A_408, %swap3A_409] {strides = array<i32>} : memref<4x128xf32, #tpu.memory_space<vmem>>, vector<16xf32>,
      tpu.vector_store %arg18[%swap3A_408, %swap3A_409], %convert_element_type3A_383 {strides = array<i32>} : memref<4x128xf32, #tpu.memory_space<vmem>>, vector<16xf32>,
      "tpu.region"() ({
        %run_scoped3A = tpu.sem_alloc : memref<!tpu.dma_semaphore, #tpu.memory_space<semaphore_mem>>
        %dma_start3A = arith.constant 0 : i32
        %dma_start3A_411 = tpu.memref_slice %arg5[%add3A, %dma_start3A] : memref<16x128xf32, #tpu.memory_space<hbm>> -> memref<1x128xf32, #tpu.memory_space<hbm>>
        %dma_start3A_412 = tpu.memref_squeeze %dma_start3A_411 : memref<1x128xf32, #tpu.memory_space<hbm>> -> memref<128xf32, #tpu.memory_space<hbm>>
        %dma_start3A_413 = arith.constant 0 : i32
        %dma_start3A_414 = tpu.memref_slice %arg5[%add3A, %dma_start3A_413] : memref<16x128xf32, #tpu.memory_space<hbm>> -> memref<1x128xf32, #tpu.memory_space<hbm>>
        %dma_start3A_415 = tpu.memref_squeeze %dma_start3A_414 : memref<1x128xf32, #tpu.memory_space<hbm>> -> memref<128xf32, #tpu.memory_space<hbm>>
        tpu.enqueue_dma source(%arg16 : memref<128xf32, #tpu.memory_space<vmem>>) target(%dma_start3A_415 : memref<128xf32, #tpu.memory_space<hbm>>) target_semaphore(%run_scoped3A : memref<!tpu.dma_semaphore, #tpu.memory_space<semaphore_mem>>)
        %dma_wait3A = arith.constant 0 : i32
        %dma_wait3A_416 = tpu.memref_slice %arg5[%add3A, %dma_wait3A] : memref<16x128xf32, #tpu.memory_space<hbm>> -> memref<1x128xf32, #tpu.memory_space<hbm>>
        %dma_wait3A_417 = tpu.memref_squeeze %dma_wait3A_416 : memref<1x128xf32, #tpu.memory_space<hbm>> -> memref<128xf32, #tpu.memory_space<hbm>>
        %dma_wait3A_418 = arith.constant 0 : i32
        %dma_wait3A_419 = tpu.memref_slice %arg5[%add3A, %dma_wait3A_418] : memref<16x128xf32, #tpu.memory_space<hbm>> -> memref<1x128xf32, #tpu.memory_space<hbm>>
        %dma_wait3A_420 = tpu.memref_squeeze %dma_wait3A_419 : memref<1x128xf32, #tpu.memory_space<hbm>> -> memref<128xf32, #tpu.memory_space<hbm>>
        tpu.wait_dma2 semaphore(%run_scoped3A : memref<!tpu.dma_semaphore, #tpu.memory_space<semaphore_mem>>) src(%arg16 : memref<128xf32, #tpu.memory_space<vmem>>) dst(%dma_wait3A_420 : memref<128xf32, #tpu.memory_space<hbm>>)
        tpu.yield
      }) : () -> ()
      "tpu.region"() ({
        %run_scoped3A = tpu.sem_alloc : memref<!tpu.dma_semaphore, #tpu.memory_space<semaphore_mem>>
        %dma_start3A = arith.constant 0 : i32
        %dma_start3A_411 = arith.constant 0 : i32
        %dma_start3A_412 = tpu.memref_slice %arg6[%add3A, %dma_start3A, %dma_start3A_411] : memref<16x4x128xf32, #tpu.memory_space<hbm>> -> memref<1x4x128xf32, #tpu.memory_space<hbm>>
        %dma_start3A_413 = tpu.memref_squeeze %dma_start3A_412 : memref<1x4x128xf32, #tpu.memory_space<hbm>> -> memref<4x128xf32, #tpu.memory_space<hbm>>
        %dma_start3A_414 = arith.constant 0 : i32
        %dma_start3A_415 = arith.constant 0 : i32
        %dma_start3A_416 = tpu.memref_slice %arg6[%add3A, %dma_start3A_414, %dma_start3A_415] : memref<16x4x128xf32, #tpu.memory_space<hbm>> -> memref<1x4x128xf32, #tpu.memory_space<hbm>>
        %dma_start3A_417 = tpu.memref_squeeze %dma_start3A_416 : memref<1x4x128xf32, #tpu.memory_space<hbm>> -> memref<4x128xf32, #tpu.memory_space<hbm>>
        tpu.enqueue_dma source(%arg18 : memref<4x128xf32, #tpu.memory_space<vmem>>) target(%dma_start3A_417 : memref<4x128xf32, #tpu.memory_space<hbm>>) target_semaphore(%run_scoped3A : memref<!tpu.dma_semaphore, #tpu.memory_space<semaphore_mem>>)
        %dma_wait3A = arith.constant 0 : i32
        %dma_wait3A_418 = arith.constant 0 : i32
        %dma_wait3A_419 = tpu.memref_slice %arg6[%add3A, %dma_wait3A, %dma_wait3A_418] : memref<16x4x128xf32, #tpu.memory_space<hbm>> -> memref<1x4x128xf32, #tpu.memory_space<hbm>>
        %dma_wait3A_420 = tpu.memref_squeeze %dma_wait3A_419 : memref<1x4x128xf32, #tpu.memory_space<hbm>> -> memref<4x128xf32, #tpu.memory_space<hbm>>
        %dma_wait3A_421 = arith.constant 0 : i32
        %dma_wait3A_422 = arith.constant 0 : i32
        %dma_wait3A_423 = tpu.memref_slice %arg6[%add3A, %dma_wait3A_421, %dma_wait3A_422] : memref<16x4x128xf32, #tpu.memory_space<hbm>> -> memref<1x4x128xf32, #tpu.memory_space<hbm>>
        %dma_wait3A_424 = tpu.memref_squeeze %dma_wait3A_423 : memref<1x4x128xf32, #tpu.memory_space<hbm>> -> memref<4x128xf32, #tpu.memory_space<hbm>>
        tpu.wait_dma2 semaphore(%run_scoped3A : memref<!tpu.dma_semaphore, #tpu.memory_space<semaphore_mem>>) src(%arg18 : memref<4x128xf32, #tpu.memory_space<vmem>>) dst(%dma_wait3A_424 : memref<4x128xf32, #tpu.memory_space<hbm>>)
        tpu.yield
      }) : () -> ()
    } else {
    }
    return
  }
}

module attributes {stable_mosaic.version = 14 : i64} {
  func.func @_maxima_body(%arg0: i32, %arg1: memref<1x1x2048x128xf32, #tpu.memory_space<vmem>>, %arg2: memref<1x1x2048x128xf32, #tpu.memory_space<vmem>>, %arg3: memref<1x1x2048x128xf32, #tpu.memory_space<vmem>>, %arg4: memref<1x1x2048x128xf32, #tpu.memory_space<vmem>>, %arg5: memref<1x64x128xf32, #tpu.memory_space<vmem>>, %arg6: memref<1x1x128xf32, #tpu.memory_space<vmem>>, %arg7: memref<1x8192x128xf32, #tpu.memory_space<vmem>>, %arg8: memref<64x128xf32, #tpu.memory_space<vmem>>, %arg9: memref<128x64xf32, #tpu.memory_space<vmem>>) attributes {dimension_semantics = [#tpu.dimension_semantics<arbitrary>], iteration_bounds = array<i64: 16>, scalar_prefetch = 0 : i64, scratch_operands = 2 : i64, tpu.core_type = #tpu.core_type<tc>, window_params = [{transform_indices = @transform_0, window_bounds = array<i64: 1, 1, 2048, 128>}, {transform_indices = @transform_1, window_bounds = array<i64: 1, 1, 2048, 128>}, {transform_indices = @transform_2, window_bounds = array<i64: 1, 1, 2048, 128>}, {transform_indices = @transform_3, window_bounds = array<i64: 1, 1, 2048, 128>}, {transform_indices = @transform_4, window_bounds = array<i64: 1, 64, 128>}, {transform_indices = @transform_5, window_bounds = array<i64: 1, 1, 128>}, {transform_indices = @transform_6, window_bounds = array<i64: 1, 8192, 128>}]} {
    %get3A = arith.constant 0 : index
    %get3A_0 = arith.constant 0 : index
    %get3A_1 = arith.constant 0 : index
    %get3A_2 = arith.constant 0 : index
    %get3A_3 = vector.load %arg1[%get3A, %get3A_0, %get3A_1, %get3A_2] : memref<1x1x2048x128xf32, #tpu.memory_space<vmem>>, vector<1x1x128x128xf32>
    %get3A_4 = vector.shape_cast %get3A_3 : vector<1x1x128x128xf32> to vector<128x128xf32>
    %swap3A = arith.constant 0 : index
    %swap3A_5 = arith.constant 0 : index
    %swap3A_6 = arith.constant 0 : index
    %swap3A_7 = vector.load %arg7[%swap3A, %swap3A_5, %swap3A_6] : memref<1x8192x128xf32, #tpu.memory_space<vmem>>, vector<1x128x128xf32>
    %swap3A_8 = vector.shape_cast %swap3A_7 : vector<1x128x128xf32> to vector<128x128xf32>
    %swap3A_9 = vector.shape_cast %get3A_4 : vector<128x128xf32> to vector<1x128x128xf32>
    tpu.vector_store %arg7[%swap3A, %swap3A_5, %swap3A_6], %swap3A_9 {strides = array<i32>} : memref<1x8192x128xf32, #tpu.memory_space<vmem>>, vector<1x128x128xf32>,
    %reduce_max3A = arith.constant dense<0xFF800000> : vector<128xf32>
    %reduce_max3A_10 = vector.multi_reduction <maximumf>, %get3A_4, %reduce_max3A [1] : vector<128x128xf32> to vector<128xf32>
    %broadcast_in_dim3A = vector.shape_cast %reduce_max3A_10 : vector<128xf32> to vector<128x1xf32>
    %swap3A_11 = arith.constant 0 : index
    %swap3A_12 = arith.constant 0 : index
    %swap3A_13 = vector.load %arg9[%swap3A_11, %swap3A_12] : memref<128x64xf32, #tpu.memory_space<vmem>>, vector<128x1xf32>
    tpu.vector_store %arg9[%swap3A_11, %swap3A_12], %broadcast_in_dim3A {strides = array<i32>} : memref<128x64xf32, #tpu.memory_space<vmem>>, vector<128x1xf32>,
    %reduce_max3A_14 = arith.constant dense<0xFF800000> : vector<128xf32>
    %reduce_max3A_15 = vector.multi_reduction <maximumf>, %get3A_4, %reduce_max3A_14 [0] : vector<128x128xf32> to vector<128xf32>
    %broadcast_in_dim3A_16 = vector.shape_cast %reduce_max3A_15 : vector<128xf32> to vector<1x128xf32>
    %swap3A_17 = arith.constant 0 : index
    %swap3A_18 = arith.constant 0 : index
    %swap3A_19 = vector.load %arg8[%swap3A_17, %swap3A_18] : memref<64x128xf32, #tpu.memory_space<vmem>>, vector<1x128xf32>
    tpu.vector_store %arg8[%swap3A_17, %swap3A_18], %broadcast_in_dim3A_16 {strides = array<i32>} : memref<64x128xf32, #tpu.memory_space<vmem>>, vector<1x128xf32>,
    %get3A_20 = arith.constant 0 : index
    %get3A_21 = arith.constant 0 : index
    %get3A_22 = arith.constant 128 : index
    %get3A_23 = arith.constant 0 : index
    %get3A_24 = vector.load %arg1[%get3A_20, %get3A_21, %get3A_22, %get3A_23] : memref<1x1x2048x128xf32, #tpu.memory_space<vmem>>, vector<1x1x128x128xf32>
    %get3A_25 = vector.shape_cast %get3A_24 : vector<1x1x128x128xf32> to vector<128x128xf32>
    %swap3A_26 = arith.constant 0 : index
    %swap3A_27 = arith.constant 128 : index
    %swap3A_28 = arith.constant 0 : index
    %swap3A_29 = vector.load %arg7[%swap3A_26, %swap3A_27, %swap3A_28] : memref<1x8192x128xf32, #tpu.memory_space<vmem>>, vector<1x128x128xf32>
    %swap3A_30 = vector.shape_cast %swap3A_29 : vector<1x128x128xf32> to vector<128x128xf32>
    %swap3A_31 = vector.shape_cast %get3A_25 : vector<128x128xf32> to vector<1x128x128xf32>
    tpu.vector_store %arg7[%swap3A_26, %swap3A_27, %swap3A_28], %swap3A_31 {strides = array<i32>} : memref<1x8192x128xf32, #tpu.memory_space<vmem>>, vector<1x128x128xf32>,
    %reduce_max3A_32 = arith.constant dense<0xFF800000> : vector<128xf32>
    %reduce_max3A_33 = vector.multi_reduction <maximumf>, %get3A_25, %reduce_max3A_32 [1] : vector<128x128xf32> to vector<128xf32>
    %broadcast_in_dim3A_34 = vector.shape_cast %reduce_max3A_33 : vector<128xf32> to vector<128x1xf32>
    %swap3A_35 = arith.constant 0 : index
    %swap3A_36 = arith.constant 1 : index
    %swap3A_37 = vector.load %arg9[%swap3A_35, %swap3A_36] : memref<128x64xf32, #tpu.memory_space<vmem>>, vector<128x1xf32>
    tpu.vector_store %arg9[%swap3A_35, %swap3A_36], %broadcast_in_dim3A_34 {strides = array<i32>} : memref<128x64xf32, #tpu.memory_space<vmem>>, vector<128x1xf32>,
    %reduce_max3A_38 = arith.constant dense<0xFF800000> : vector<128xf32>
    %reduce_max3A_39 = vector.multi_reduction <maximumf>, %get3A_25, %reduce_max3A_38 [0] : vector<128x128xf32> to vector<128xf32>
    %broadcast_in_dim3A_40 = vector.shape_cast %reduce_max3A_39 : vector<128xf32> to vector<1x128xf32>
    %swap3A_41 = arith.constant 1 : index
    %swap3A_42 = arith.constant 0 : index
    %swap3A_43 = vector.load %arg8[%swap3A_41, %swap3A_42] : memref<64x128xf32, #tpu.memory_space<vmem>>, vector<1x128xf32>
    tpu.vector_store %arg8[%swap3A_41, %swap3A_42], %broadcast_in_dim3A_40 {strides = array<i32>} : memref<64x128xf32, #tpu.memory_space<vmem>>, vector<1x128xf32>,
    %get3A_44 = arith.constant 0 : index
    %get3A_45 = arith.constant 0 : index
    %get3A_46 = arith.constant 256 : index
    %get3A_47 = arith.constant 0 : index
    %get3A_48 = vector.load %arg1[%get3A_44, %get3A_45, %get3A_46, %get3A_47] : memref<1x1x2048x128xf32, #tpu.memory_space<vmem>>, vector<1x1x128x128xf32>
    %get3A_49 = vector.shape_cast %get3A_48 : vector<1x1x128x128xf32> to vector<128x128xf32>
    %swap3A_50 = arith.constant 0 : index
    %swap3A_51 = arith.constant 256 : index
    %swap3A_52 = arith.constant 0 : index
    %swap3A_53 = vector.load %arg7[%swap3A_50, %swap3A_51, %swap3A_52] : memref<1x8192x128xf32, #tpu.memory_space<vmem>>, vector<1x128x128xf32>
    %swap3A_54 = vector.shape_cast %swap3A_53 : vector<1x128x128xf32> to vector<128x128xf32>
    %swap3A_55 = vector.shape_cast %get3A_49 : vector<128x128xf32> to vector<1x128x128xf32>
    tpu.vector_store %arg7[%swap3A_50, %swap3A_51, %swap3A_52], %swap3A_55 {strides = array<i32>} : memref<1x8192x128xf32, #tpu.memory_space<vmem>>, vector<1x128x128xf32>,
    %reduce_max3A_56 = arith.constant dense<0xFF800000> : vector<128xf32>
    %reduce_max3A_57 = vector.multi_reduction <maximumf>, %get3A_49, %reduce_max3A_56 [1] : vector<128x128xf32> to vector<128xf32>
    %broadcast_in_dim3A_58 = vector.shape_cast %reduce_max3A_57 : vector<128xf32> to vector<128x1xf32>
    %swap3A_59 = arith.constant 0 : index
    %swap3A_60 = arith.constant 2 : index
    %swap3A_61 = vector.load %arg9[%swap3A_59, %swap3A_60] : memref<128x64xf32, #tpu.memory_space<vmem>>, vector<128x1xf32>
    tpu.vector_store %arg9[%swap3A_59, %swap3A_60], %broadcast_in_dim3A_58 {strides = array<i32>} : memref<128x64xf32, #tpu.memory_space<vmem>>, vector<128x1xf32>,
    %reduce_max3A_62 = arith.constant dense<0xFF800000> : vector<128xf32>
    %reduce_max3A_63 = vector.multi_reduction <maximumf>, %get3A_49, %reduce_max3A_62 [0] : vector<128x128xf32> to vector<128xf32>
    %broadcast_in_dim3A_64 = vector.shape_cast %reduce_max3A_63 : vector<128xf32> to vector<1x128xf32>
    %swap3A_65 = arith.constant 2 : index
    %swap3A_66 = arith.constant 0 : index
    %swap3A_67 = vector.load %arg8[%swap3A_65, %swap3A_66] : memref<64x128xf32, #tpu.memory_space<vmem>>, vector<1x128xf32>
    tpu.vector_store %arg8[%swap3A_65, %swap3A_66], %broadcast_in_dim3A_64 {strides = array<i32>} : memref<64x128xf32, #tpu.memory_space<vmem>>, vector<1x128xf32>,
    %get3A_68 = arith.constant 0 : index
    %get3A_69 = arith.constant 0 : index
    %get3A_70 = arith.constant 384 : index
    %get3A_71 = arith.constant 0 : index
    %get3A_72 = vector.load %arg1[%get3A_68, %get3A_69, %get3A_70, %get3A_71] : memref<1x1x2048x128xf32, #tpu.memory_space<vmem>>, vector<1x1x128x128xf32>
    %get3A_73 = vector.shape_cast %get3A_72 : vector<1x1x128x128xf32> to vector<128x128xf32>
    %swap3A_74 = arith.constant 0 : index
    %swap3A_75 = arith.constant 384 : index
    %swap3A_76 = arith.constant 0 : index
    %swap3A_77 = vector.load %arg7[%swap3A_74, %swap3A_75, %swap3A_76] : memref<1x8192x128xf32, #tpu.memory_space<vmem>>, vector<1x128x128xf32>
    %swap3A_78 = vector.shape_cast %swap3A_77 : vector<1x128x128xf32> to vector<128x128xf32>
    %swap3A_79 = vector.shape_cast %get3A_73 : vector<128x128xf32> to vector<1x128x128xf32>
    tpu.vector_store %arg7[%swap3A_74, %swap3A_75, %swap3A_76], %swap3A_79 {strides = array<i32>} : memref<1x8192x128xf32, #tpu.memory_space<vmem>>, vector<1x128x128xf32>,
    %reduce_max3A_80 = arith.constant dense<0xFF800000> : vector<128xf32>
    %reduce_max3A_81 = vector.multi_reduction <maximumf>, %get3A_73, %reduce_max3A_80 [1] : vector<128x128xf32> to vector<128xf32>
    %broadcast_in_dim3A_82 = vector.shape_cast %reduce_max3A_81 : vector<128xf32> to vector<128x1xf32>
    %swap3A_83 = arith.constant 0 : index
    %swap3A_84 = arith.constant 3 : index
    %swap3A_85 = vector.load %arg9[%swap3A_83, %swap3A_84] : memref<128x64xf32, #tpu.memory_space<vmem>>, vector<128x1xf32>
    tpu.vector_store %arg9[%swap3A_83, %swap3A_84], %broadcast_in_dim3A_82 {strides = array<i32>} : memref<128x64xf32, #tpu.memory_space<vmem>>, vector<128x1xf32>,
    %reduce_max3A_86 = arith.constant dense<0xFF800000> : vector<128xf32>
    %reduce_max3A_87 = vector.multi_reduction <maximumf>, %get3A_73, %reduce_max3A_86 [0] : vector<128x128xf32> to vector<128xf32>
    %broadcast_in_dim3A_88 = vector.shape_cast %reduce_max3A_87 : vector<128xf32> to vector<1x128xf32>
    %swap3A_89 = arith.constant 3 : index
    %swap3A_90 = arith.constant 0 : index
    %swap3A_91 = vector.load %arg8[%swap3A_89, %swap3A_90] : memref<64x128xf32, #tpu.memory_space<vmem>>, vector<1x128xf32>
    tpu.vector_store %arg8[%swap3A_89, %swap3A_90], %broadcast_in_dim3A_88 {strides = array<i32>} : memref<64x128xf32, #tpu.memory_space<vmem>>, vector<1x128xf32>,
    %get3A_92 = arith.constant 0 : index
    %get3A_93 = arith.constant 0 : index
    %get3A_94 = arith.constant 512 : index
    %get3A_95 = arith.constant 0 : index
    %get3A_96 = vector.load %arg1[%get3A_92, %get3A_93, %get3A_94, %get3A_95] : memref<1x1x2048x128xf32, #tpu.memory_space<vmem>>, vector<1x1x128x128xf32>
    %get3A_97 = vector.shape_cast %get3A_96 : vector<1x1x128x128xf32> to vector<128x128xf32>
    %swap3A_98 = arith.constant 0 : index
    %swap3A_99 = arith.constant 512 : index
    %swap3A_100 = arith.constant 0 : index
    %swap3A_101 = vector.load %arg7[%swap3A_98, %swap3A_99, %swap3A_100] : memref<1x8192x128xf32, #tpu.memory_space<vmem>>, vector<1x128x128xf32>
    %swap3A_102 = vector.shape_cast %swap3A_101 : vector<1x128x128xf32> to vector<128x128xf32>
    %swap3A_103 = vector.shape_cast %get3A_97 : vector<128x128xf32> to vector<1x128x128xf32>
    tpu.vector_store %arg7[%swap3A_98, %swap3A_99, %swap3A_100], %swap3A_103 {strides = array<i32>} : memref<1x8192x128xf32, #tpu.memory_space<vmem>>, vector<1x128x128xf32>,
    %reduce_max3A_104 = arith.constant dense<0xFF800000> : vector<128xf32>
    %reduce_max3A_105 = vector.multi_reduction <maximumf>, %get3A_97, %reduce_max3A_104 [1] : vector<128x128xf32> to vector<128xf32>
    %broadcast_in_dim3A_106 = vector.shape_cast %reduce_max3A_105 : vector<128xf32> to vector<128x1xf32>
    %swap3A_107 = arith.constant 0 : index
    %swap3A_108 = arith.constant 4 : index
    %swap3A_109 = vector.load %arg9[%swap3A_107, %swap3A_108] : memref<128x64xf32, #tpu.memory_space<vmem>>, vector<128x1xf32>
    tpu.vector_store %arg9[%swap3A_107, %swap3A_108], %broadcast_in_dim3A_106 {strides = array<i32>} : memref<128x64xf32, #tpu.memory_space<vmem>>, vector<128x1xf32>,
    %reduce_max3A_110 = arith.constant dense<0xFF800000> : vector<128xf32>
    %reduce_max3A_111 = vector.multi_reduction <maximumf>, %get3A_97, %reduce_max3A_110 [0] : vector<128x128xf32> to vector<128xf32>
    %broadcast_in_dim3A_112 = vector.shape_cast %reduce_max3A_111 : vector<128xf32> to vector<1x128xf32>
    %swap3A_113 = arith.constant 4 : index
    %swap3A_114 = arith.constant 0 : index
    %swap3A_115 = vector.load %arg8[%swap3A_113, %swap3A_114] : memref<64x128xf32, #tpu.memory_space<vmem>>, vector<1x128xf32>
    tpu.vector_store %arg8[%swap3A_113, %swap3A_114], %broadcast_in_dim3A_112 {strides = array<i32>} : memref<64x128xf32, #tpu.memory_space<vmem>>, vector<1x128xf32>,
    %get3A_116 = arith.constant 0 : index
    %get3A_117 = arith.constant 0 : index
    %get3A_118 = arith.constant 640 : index
    %get3A_119 = arith.constant 0 : index
    %get3A_120 = vector.load %arg1[%get3A_116, %get3A_117, %get3A_118, %get3A_119] : memref<1x1x2048x128xf32, #tpu.memory_space<vmem>>, vector<1x1x128x128xf32>
    %get3A_121 = vector.shape_cast %get3A_120 : vector<1x1x128x128xf32> to vector<128x128xf32>
    %swap3A_122 = arith.constant 0 : index
    %swap3A_123 = arith.constant 640 : index
    %swap3A_124 = arith.constant 0 : index
    %swap3A_125 = vector.load %arg7[%swap3A_122, %swap3A_123, %swap3A_124] : memref<1x8192x128xf32, #tpu.memory_space<vmem>>, vector<1x128x128xf32>
    %swap3A_126 = vector.shape_cast %swap3A_125 : vector<1x128x128xf32> to vector<128x128xf32>
    %swap3A_127 = vector.shape_cast %get3A_121 : vector<128x128xf32> to vector<1x128x128xf32>
    tpu.vector_store %arg7[%swap3A_122, %swap3A_123, %swap3A_124], %swap3A_127 {strides = array<i32>} : memref<1x8192x128xf32, #tpu.memory_space<vmem>>, vector<1x128x128xf32>,
    %reduce_max3A_128 = arith.constant dense<0xFF800000> : vector<128xf32>
    %reduce_max3A_129 = vector.multi_reduction <maximumf>, %get3A_121, %reduce_max3A_128 [1] : vector<128x128xf32> to vector<128xf32>
    %broadcast_in_dim3A_130 = vector.shape_cast %reduce_max3A_129 : vector<128xf32> to vector<128x1xf32>
    %swap3A_131 = arith.constant 0 : index
    %swap3A_132 = arith.constant 5 : index
    %swap3A_133 = vector.load %arg9[%swap3A_131, %swap3A_132] : memref<128x64xf32, #tpu.memory_space<vmem>>, vector<128x1xf32>
    tpu.vector_store %arg9[%swap3A_131, %swap3A_132], %broadcast_in_dim3A_130 {strides = array<i32>} : memref<128x64xf32, #tpu.memory_space<vmem>>, vector<128x1xf32>,
    %reduce_max3A_134 = arith.constant dense<0xFF800000> : vector<128xf32>
    %reduce_max3A_135 = vector.multi_reduction <maximumf>, %get3A_121, %reduce_max3A_134 [0] : vector<128x128xf32> to vector<128xf32>
    %broadcast_in_dim3A_136 = vector.shape_cast %reduce_max3A_135 : vector<128xf32> to vector<1x128xf32>
    %swap3A_137 = arith.constant 5 : index
    %swap3A_138 = arith.constant 0 : index
    %swap3A_139 = vector.load %arg8[%swap3A_137, %swap3A_138] : memref<64x128xf32, #tpu.memory_space<vmem>>, vector<1x128xf32>
    tpu.vector_store %arg8[%swap3A_137, %swap3A_138], %broadcast_in_dim3A_136 {strides = array<i32>} : memref<64x128xf32, #tpu.memory_space<vmem>>, vector<1x128xf32>,
    %get3A_140 = arith.constant 0 : index
    %get3A_141 = arith.constant 0 : index
    %get3A_142 = arith.constant 768 : index
    %get3A_143 = arith.constant 0 : index
    %get3A_144 = vector.load %arg1[%get3A_140, %get3A_141, %get3A_142, %get3A_143] : memref<1x1x2048x128xf32, #tpu.memory_space<vmem>>, vector<1x1x128x128xf32>
    %get3A_145 = vector.shape_cast %get3A_144 : vector<1x1x128x128xf32> to vector<128x128xf32>
    %swap3A_146 = arith.constant 0 : index
    %swap3A_147 = arith.constant 768 : index
    %swap3A_148 = arith.constant 0 : index
    %swap3A_149 = vector.load %arg7[%swap3A_146, %swap3A_147, %swap3A_148] : memref<1x8192x128xf32, #tpu.memory_space<vmem>>, vector<1x128x128xf32>
    %swap3A_150 = vector.shape_cast %swap3A_149 : vector<1x128x128xf32> to vector<128x128xf32>
    %swap3A_151 = vector.shape_cast %get3A_145 : vector<128x128xf32> to vector<1x128x128xf32>
    tpu.vector_store %arg7[%swap3A_146, %swap3A_147, %swap3A_148], %swap3A_151 {strides = array<i32>} : memref<1x8192x128xf32, #tpu.memory_space<vmem>>, vector<1x128x128xf32>,
    %reduce_max3A_152 = arith.constant dense<0xFF800000> : vector<128xf32>
    %reduce_max3A_153 = vector.multi_reduction <maximumf>, %get3A_145, %reduce_max3A_152 [1] : vector<128x128xf32> to vector<128xf32>
    %broadcast_in_dim3A_154 = vector.shape_cast %reduce_max3A_153 : vector<128xf32> to vector<128x1xf32>
    %swap3A_155 = arith.constant 0 : index
    %swap3A_156 = arith.constant 6 : index
    %swap3A_157 = vector.load %arg9[%swap3A_155, %swap3A_156] : memref<128x64xf32, #tpu.memory_space<vmem>>, vector<128x1xf32>
    tpu.vector_store %arg9[%swap3A_155, %swap3A_156], %broadcast_in_dim3A_154 {strides = array<i32>} : memref<128x64xf32, #tpu.memory_space<vmem>>, vector<128x1xf32>,
    %reduce_max3A_158 = arith.constant dense<0xFF800000> : vector<128xf32>
    %reduce_max3A_159 = vector.multi_reduction <maximumf>, %get3A_145, %reduce_max3A_158 [0] : vector<128x128xf32> to vector<128xf32>
    %broadcast_in_dim3A_160 = vector.shape_cast %reduce_max3A_159 : vector<128xf32> to vector<1x128xf32>
    %swap3A_161 = arith.constant 6 : index
    %swap3A_162 = arith.constant 0 : index
    %swap3A_163 = vector.load %arg8[%swap3A_161, %swap3A_162] : memref<64x128xf32, #tpu.memory_space<vmem>>, vector<1x128xf32>
    tpu.vector_store %arg8[%swap3A_161, %swap3A_162], %broadcast_in_dim3A_160 {strides = array<i32>} : memref<64x128xf32, #tpu.memory_space<vmem>>, vector<1x128xf32>,
    %get3A_164 = arith.constant 0 : index
    %get3A_165 = arith.constant 0 : index
    %get3A_166 = arith.constant 896 : index
    %get3A_167 = arith.constant 0 : index
    %get3A_168 = vector.load %arg1[%get3A_164, %get3A_165, %get3A_166, %get3A_167] : memref<1x1x2048x128xf32, #tpu.memory_space<vmem>>, vector<1x1x128x128xf32>
    %get3A_169 = vector.shape_cast %get3A_168 : vector<1x1x128x128xf32> to vector<128x128xf32>
    %swap3A_170 = arith.constant 0 : index
    %swap3A_171 = arith.constant 896 : index
    %swap3A_172 = arith.constant 0 : index
    %swap3A_173 = vector.load %arg7[%swap3A_170, %swap3A_171, %swap3A_172] : memref<1x8192x128xf32, #tpu.memory_space<vmem>>, vector<1x128x128xf32>
    %swap3A_174 = vector.shape_cast %swap3A_173 : vector<1x128x128xf32> to vector<128x128xf32>
    %swap3A_175 = vector.shape_cast %get3A_169 : vector<128x128xf32> to vector<1x128x128xf32>
    tpu.vector_store %arg7[%swap3A_170, %swap3A_171, %swap3A_172], %swap3A_175 {strides = array<i32>} : memref<1x8192x128xf32, #tpu.memory_space<vmem>>, vector<1x128x128xf32>,
    %reduce_max3A_176 = arith.constant dense<0xFF800000> : vector<128xf32>
    %reduce_max3A_177 = vector.multi_reduction <maximumf>, %get3A_169, %reduce_max3A_176 [1] : vector<128x128xf32> to vector<128xf32>
    %broadcast_in_dim3A_178 = vector.shape_cast %reduce_max3A_177 : vector<128xf32> to vector<128x1xf32>
    %swap3A_179 = arith.constant 0 : index
    %swap3A_180 = arith.constant 7 : index
    %swap3A_181 = vector.load %arg9[%swap3A_179, %swap3A_180] : memref<128x64xf32, #tpu.memory_space<vmem>>, vector<128x1xf32>
    tpu.vector_store %arg9[%swap3A_179, %swap3A_180], %broadcast_in_dim3A_178 {strides = array<i32>} : memref<128x64xf32, #tpu.memory_space<vmem>>, vector<128x1xf32>,
    %reduce_max3A_182 = arith.constant dense<0xFF800000> : vector<128xf32>
    %reduce_max3A_183 = vector.multi_reduction <maximumf>, %get3A_169, %reduce_max3A_182 [0] : vector<128x128xf32> to vector<128xf32>
    %broadcast_in_dim3A_184 = vector.shape_cast %reduce_max3A_183 : vector<128xf32> to vector<1x128xf32>
    %swap3A_185 = arith.constant 7 : index
    %swap3A_186 = arith.constant 0 : index
    %swap3A_187 = vector.load %arg8[%swap3A_185, %swap3A_186] : memref<64x128xf32, #tpu.memory_space<vmem>>, vector<1x128xf32>
    tpu.vector_store %arg8[%swap3A_185, %swap3A_186], %broadcast_in_dim3A_184 {strides = array<i32>} : memref<64x128xf32, #tpu.memory_space<vmem>>, vector<1x128xf32>,
    %get3A_188 = arith.constant 0 : index
    %get3A_189 = arith.constant 0 : index
    %get3A_190 = arith.constant 1024 : index
    %get3A_191 = arith.constant 0 : index
    %get3A_192 = vector.load %arg1[%get3A_188, %get3A_189, %get3A_190, %get3A_191] : memref<1x1x2048x128xf32, #tpu.memory_space<vmem>>, vector<1x1x128x128xf32>
    %get3A_193 = vector.shape_cast %get3A_192 : vector<1x1x128x128xf32> to vector<128x128xf32>
    %swap3A_194 = arith.constant 0 : index
    %swap3A_195 = arith.constant 1024 : index
    %swap3A_196 = arith.constant 0 : index
    %swap3A_197 = vector.load %arg7[%swap3A_194, %swap3A_195, %swap3A_196] : memref<1x8192x128xf32, #tpu.memory_space<vmem>>, vector<1x128x128xf32>
    %swap3A_198 = vector.shape_cast %swap3A_197 : vector<1x128x128xf32> to vector<128x128xf32>
    %swap3A_199 = vector.shape_cast %get3A_193 : vector<128x128xf32> to vector<1x128x128xf32>
    tpu.vector_store %arg7[%swap3A_194, %swap3A_195, %swap3A_196], %swap3A_199 {strides = array<i32>} : memref<1x8192x128xf32, #tpu.memory_space<vmem>>, vector<1x128x128xf32>,
    %reduce_max3A_200 = arith.constant dense<0xFF800000> : vector<128xf32>
    %reduce_max3A_201 = vector.multi_reduction <maximumf>, %get3A_193, %reduce_max3A_200 [1] : vector<128x128xf32> to vector<128xf32>
    %broadcast_in_dim3A_202 = vector.shape_cast %reduce_max3A_201 : vector<128xf32> to vector<128x1xf32>
    %swap3A_203 = arith.constant 0 : index
    %swap3A_204 = arith.constant 8 : index
    %swap3A_205 = vector.load %arg9[%swap3A_203, %swap3A_204] : memref<128x64xf32, #tpu.memory_space<vmem>>, vector<128x1xf32>
    tpu.vector_store %arg9[%swap3A_203, %swap3A_204], %broadcast_in_dim3A_202 {strides = array<i32>} : memref<128x64xf32, #tpu.memory_space<vmem>>, vector<128x1xf32>,
    %reduce_max3A_206 = arith.constant dense<0xFF800000> : vector<128xf32>
    %reduce_max3A_207 = vector.multi_reduction <maximumf>, %get3A_193, %reduce_max3A_206 [0] : vector<128x128xf32> to vector<128xf32>
    %broadcast_in_dim3A_208 = vector.shape_cast %reduce_max3A_207 : vector<128xf32> to vector<1x128xf32>
    %swap3A_209 = arith.constant 8 : index
    %swap3A_210 = arith.constant 0 : index
    %swap3A_211 = vector.load %arg8[%swap3A_209, %swap3A_210] : memref<64x128xf32, #tpu.memory_space<vmem>>, vector<1x128xf32>
    tpu.vector_store %arg8[%swap3A_209, %swap3A_210], %broadcast_in_dim3A_208 {strides = array<i32>} : memref<64x128xf32, #tpu.memory_space<vmem>>, vector<1x128xf32>,
    %get3A_212 = arith.constant 0 : index
    %get3A_213 = arith.constant 0 : index
    %get3A_214 = arith.constant 1152 : index
    %get3A_215 = arith.constant 0 : index
    %get3A_216 = vector.load %arg1[%get3A_212, %get3A_213, %get3A_214, %get3A_215] : memref<1x1x2048x128xf32, #tpu.memory_space<vmem>>, vector<1x1x128x128xf32>
    %get3A_217 = vector.shape_cast %get3A_216 : vector<1x1x128x128xf32> to vector<128x128xf32>
    %swap3A_218 = arith.constant 0 : index
    %swap3A_219 = arith.constant 1152 : index
    %swap3A_220 = arith.constant 0 : index
    %swap3A_221 = vector.load %arg7[%swap3A_218, %swap3A_219, %swap3A_220] : memref<1x8192x128xf32, #tpu.memory_space<vmem>>, vector<1x128x128xf32>
    %swap3A_222 = vector.shape_cast %swap3A_221 : vector<1x128x128xf32> to vector<128x128xf32>
    %swap3A_223 = vector.shape_cast %get3A_217 : vector<128x128xf32> to vector<1x128x128xf32>
    tpu.vector_store %arg7[%swap3A_218, %swap3A_219, %swap3A_220], %swap3A_223 {strides = array<i32>} : memref<1x8192x128xf32, #tpu.memory_space<vmem>>, vector<1x128x128xf32>,
    %reduce_max3A_224 = arith.constant dense<0xFF800000> : vector<128xf32>
    %reduce_max3A_225 = vector.multi_reduction <maximumf>, %get3A_217, %reduce_max3A_224 [1] : vector<128x128xf32> to vector<128xf32>
    %broadcast_in_dim3A_226 = vector.shape_cast %reduce_max3A_225 : vector<128xf32> to vector<128x1xf32>
    %swap3A_227 = arith.constant 0 : index
    %swap3A_228 = arith.constant 9 : index
    %swap3A_229 = vector.load %arg9[%swap3A_227, %swap3A_228] : memref<128x64xf32, #tpu.memory_space<vmem>>, vector<128x1xf32>
    tpu.vector_store %arg9[%swap3A_227, %swap3A_228], %broadcast_in_dim3A_226 {strides = array<i32>} : memref<128x64xf32, #tpu.memory_space<vmem>>, vector<128x1xf32>,
    %reduce_max3A_230 = arith.constant dense<0xFF800000> : vector<128xf32>
    %reduce_max3A_231 = vector.multi_reduction <maximumf>, %get3A_217, %reduce_max3A_230 [0] : vector<128x128xf32> to vector<128xf32>
    %broadcast_in_dim3A_232 = vector.shape_cast %reduce_max3A_231 : vector<128xf32> to vector<1x128xf32>
    %swap3A_233 = arith.constant 9 : index
    %swap3A_234 = arith.constant 0 : index
    %swap3A_235 = vector.load %arg8[%swap3A_233, %swap3A_234] : memref<64x128xf32, #tpu.memory_space<vmem>>, vector<1x128xf32>
    tpu.vector_store %arg8[%swap3A_233, %swap3A_234], %broadcast_in_dim3A_232 {strides = array<i32>} : memref<64x128xf32, #tpu.memory_space<vmem>>, vector<1x128xf32>,
    %get3A_236 = arith.constant 0 : index
    %get3A_237 = arith.constant 0 : index
    %get3A_238 = arith.constant 1280 : index
    %get3A_239 = arith.constant 0 : index
    %get3A_240 = vector.load %arg1[%get3A_236, %get3A_237, %get3A_238, %get3A_239] : memref<1x1x2048x128xf32, #tpu.memory_space<vmem>>, vector<1x1x128x128xf32>
    %get3A_241 = vector.shape_cast %get3A_240 : vector<1x1x128x128xf32> to vector<128x128xf32>
    %swap3A_242 = arith.constant 0 : index
    %swap3A_243 = arith.constant 1280 : index
    %swap3A_244 = arith.constant 0 : index
    %swap3A_245 = vector.load %arg7[%swap3A_242, %swap3A_243, %swap3A_244] : memref<1x8192x128xf32, #tpu.memory_space<vmem>>, vector<1x128x128xf32>
    %swap3A_246 = vector.shape_cast %swap3A_245 : vector<1x128x128xf32> to vector<128x128xf32>
    %swap3A_247 = vector.shape_cast %get3A_241 : vector<128x128xf32> to vector<1x128x128xf32>
    tpu.vector_store %arg7[%swap3A_242, %swap3A_243, %swap3A_244], %swap3A_247 {strides = array<i32>} : memref<1x8192x128xf32, #tpu.memory_space<vmem>>, vector<1x128x128xf32>,
    %reduce_max3A_248 = arith.constant dense<0xFF800000> : vector<128xf32>
    %reduce_max3A_249 = vector.multi_reduction <maximumf>, %get3A_241, %reduce_max3A_248 [1] : vector<128x128xf32> to vector<128xf32>
    %broadcast_in_dim3A_250 = vector.shape_cast %reduce_max3A_249 : vector<128xf32> to vector<128x1xf32>
    %swap3A_251 = arith.constant 0 : index
    %swap3A_252 = arith.constant 10 : index
    %swap3A_253 = vector.load %arg9[%swap3A_251, %swap3A_252] : memref<128x64xf32, #tpu.memory_space<vmem>>, vector<128x1xf32>
    tpu.vector_store %arg9[%swap3A_251, %swap3A_252], %broadcast_in_dim3A_250 {strides = array<i32>} : memref<128x64xf32, #tpu.memory_space<vmem>>, vector<128x1xf32>,
    %reduce_max3A_254 = arith.constant dense<0xFF800000> : vector<128xf32>
    %reduce_max3A_255 = vector.multi_reduction <maximumf>, %get3A_241, %reduce_max3A_254 [0] : vector<128x128xf32> to vector<128xf32>
    %broadcast_in_dim3A_256 = vector.shape_cast %reduce_max3A_255 : vector<128xf32> to vector<1x128xf32>
    %swap3A_257 = arith.constant 10 : index
    %swap3A_258 = arith.constant 0 : index
    %swap3A_259 = vector.load %arg8[%swap3A_257, %swap3A_258] : memref<64x128xf32, #tpu.memory_space<vmem>>, vector<1x128xf32>
    tpu.vector_store %arg8[%swap3A_257, %swap3A_258], %broadcast_in_dim3A_256 {strides = array<i32>} : memref<64x128xf32, #tpu.memory_space<vmem>>, vector<1x128xf32>,
    %get3A_260 = arith.constant 0 : index
    %get3A_261 = arith.constant 0 : index
    %get3A_262 = arith.constant 1408 : index
    %get3A_263 = arith.constant 0 : index
    %get3A_264 = vector.load %arg1[%get3A_260, %get3A_261, %get3A_262, %get3A_263] : memref<1x1x2048x128xf32, #tpu.memory_space<vmem>>, vector<1x1x128x128xf32>
    %get3A_265 = vector.shape_cast %get3A_264 : vector<1x1x128x128xf32> to vector<128x128xf32>
    %swap3A_266 = arith.constant 0 : index
    %swap3A_267 = arith.constant 1408 : index
    %swap3A_268 = arith.constant 0 : index
    %swap3A_269 = vector.load %arg7[%swap3A_266, %swap3A_267, %swap3A_268] : memref<1x8192x128xf32, #tpu.memory_space<vmem>>, vector<1x128x128xf32>
    %swap3A_270 = vector.shape_cast %swap3A_269 : vector<1x128x128xf32> to vector<128x128xf32>
    %swap3A_271 = vector.shape_cast %get3A_265 : vector<128x128xf32> to vector<1x128x128xf32>
    tpu.vector_store %arg7[%swap3A_266, %swap3A_267, %swap3A_268], %swap3A_271 {strides = array<i32>} : memref<1x8192x128xf32, #tpu.memory_space<vmem>>, vector<1x128x128xf32>,
    %reduce_max3A_272 = arith.constant dense<0xFF800000> : vector<128xf32>
    %reduce_max3A_273 = vector.multi_reduction <maximumf>, %get3A_265, %reduce_max3A_272 [1] : vector<128x128xf32> to vector<128xf32>
    %broadcast_in_dim3A_274 = vector.shape_cast %reduce_max3A_273 : vector<128xf32> to vector<128x1xf32>
    %swap3A_275 = arith.constant 0 : index
    %swap3A_276 = arith.constant 11 : index
    %swap3A_277 = vector.load %arg9[%swap3A_275, %swap3A_276] : memref<128x64xf32, #tpu.memory_space<vmem>>, vector<128x1xf32>
    tpu.vector_store %arg9[%swap3A_275, %swap3A_276], %broadcast_in_dim3A_274 {strides = array<i32>} : memref<128x64xf32, #tpu.memory_space<vmem>>, vector<128x1xf32>,
    %reduce_max3A_278 = arith.constant dense<0xFF800000> : vector<128xf32>
    %reduce_max3A_279 = vector.multi_reduction <maximumf>, %get3A_265, %reduce_max3A_278 [0] : vector<128x128xf32> to vector<128xf32>
    %broadcast_in_dim3A_280 = vector.shape_cast %reduce_max3A_279 : vector<128xf32> to vector<1x128xf32>
    %swap3A_281 = arith.constant 11 : index
    %swap3A_282 = arith.constant 0 : index
    %swap3A_283 = vector.load %arg8[%swap3A_281, %swap3A_282] : memref<64x128xf32, #tpu.memory_space<vmem>>, vector<1x128xf32>
    tpu.vector_store %arg8[%swap3A_281, %swap3A_282], %broadcast_in_dim3A_280 {strides = array<i32>} : memref<64x128xf32, #tpu.memory_space<vmem>>, vector<1x128xf32>,
    %get3A_284 = arith.constant 0 : index
    %get3A_285 = arith.constant 0 : index
    %get3A_286 = arith.constant 1536 : index
    %get3A_287 = arith.constant 0 : index
    %get3A_288 = vector.load %arg1[%get3A_284, %get3A_285, %get3A_286, %get3A_287] : memref<1x1x2048x128xf32, #tpu.memory_space<vmem>>, vector<1x1x128x128xf32>
    %get3A_289 = vector.shape_cast %get3A_288 : vector<1x1x128x128xf32> to vector<128x128xf32>
    %swap3A_290 = arith.constant 0 : index
    %swap3A_291 = arith.constant 1536 : index
    %swap3A_292 = arith.constant 0 : index
    %swap3A_293 = vector.load %arg7[%swap3A_290, %swap3A_291, %swap3A_292] : memref<1x8192x128xf32, #tpu.memory_space<vmem>>, vector<1x128x128xf32>
    %swap3A_294 = vector.shape_cast %swap3A_293 : vector<1x128x128xf32> to vector<128x128xf32>
    %swap3A_295 = vector.shape_cast %get3A_289 : vector<128x128xf32> to vector<1x128x128xf32>
    tpu.vector_store %arg7[%swap3A_290, %swap3A_291, %swap3A_292], %swap3A_295 {strides = array<i32>} : memref<1x8192x128xf32, #tpu.memory_space<vmem>>, vector<1x128x128xf32>,
    %reduce_max3A_296 = arith.constant dense<0xFF800000> : vector<128xf32>
    %reduce_max3A_297 = vector.multi_reduction <maximumf>, %get3A_289, %reduce_max3A_296 [1] : vector<128x128xf32> to vector<128xf32>
    %broadcast_in_dim3A_298 = vector.shape_cast %reduce_max3A_297 : vector<128xf32> to vector<128x1xf32>
    %swap3A_299 = arith.constant 0 : index
    %swap3A_300 = arith.constant 12 : index
    %swap3A_301 = vector.load %arg9[%swap3A_299, %swap3A_300] : memref<128x64xf32, #tpu.memory_space<vmem>>, vector<128x1xf32>
    tpu.vector_store %arg9[%swap3A_299, %swap3A_300], %broadcast_in_dim3A_298 {strides = array<i32>} : memref<128x64xf32, #tpu.memory_space<vmem>>, vector<128x1xf32>,
    %reduce_max3A_302 = arith.constant dense<0xFF800000> : vector<128xf32>
    %reduce_max3A_303 = vector.multi_reduction <maximumf>, %get3A_289, %reduce_max3A_302 [0] : vector<128x128xf32> to vector<128xf32>
    %broadcast_in_dim3A_304 = vector.shape_cast %reduce_max3A_303 : vector<128xf32> to vector<1x128xf32>
    %swap3A_305 = arith.constant 12 : index
    %swap3A_306 = arith.constant 0 : index
    %swap3A_307 = vector.load %arg8[%swap3A_305, %swap3A_306] : memref<64x128xf32, #tpu.memory_space<vmem>>, vector<1x128xf32>
    tpu.vector_store %arg8[%swap3A_305, %swap3A_306], %broadcast_in_dim3A_304 {strides = array<i32>} : memref<64x128xf32, #tpu.memory_space<vmem>>, vector<1x128xf32>,
    %get3A_308 = arith.constant 0 : index
    %get3A_309 = arith.constant 0 : index
    %get3A_310 = arith.constant 1664 : index
    %get3A_311 = arith.constant 0 : index
    %get3A_312 = vector.load %arg1[%get3A_308, %get3A_309, %get3A_310, %get3A_311] : memref<1x1x2048x128xf32, #tpu.memory_space<vmem>>, vector<1x1x128x128xf32>
    %get3A_313 = vector.shape_cast %get3A_312 : vector<1x1x128x128xf32> to vector<128x128xf32>
    %swap3A_314 = arith.constant 0 : index
    %swap3A_315 = arith.constant 1664 : index
    %swap3A_316 = arith.constant 0 : index
    %swap3A_317 = vector.load %arg7[%swap3A_314, %swap3A_315, %swap3A_316] : memref<1x8192x128xf32, #tpu.memory_space<vmem>>, vector<1x128x128xf32>
    %swap3A_318 = vector.shape_cast %swap3A_317 : vector<1x128x128xf32> to vector<128x128xf32>
    %swap3A_319 = vector.shape_cast %get3A_313 : vector<128x128xf32> to vector<1x128x128xf32>
    tpu.vector_store %arg7[%swap3A_314, %swap3A_315, %swap3A_316], %swap3A_319 {strides = array<i32>} : memref<1x8192x128xf32, #tpu.memory_space<vmem>>, vector<1x128x128xf32>,
    %reduce_max3A_320 = arith.constant dense<0xFF800000> : vector<128xf32>
    %reduce_max3A_321 = vector.multi_reduction <maximumf>, %get3A_313, %reduce_max3A_320 [1] : vector<128x128xf32> to vector<128xf32>
    %broadcast_in_dim3A_322 = vector.shape_cast %reduce_max3A_321 : vector<128xf32> to vector<128x1xf32>
    %swap3A_323 = arith.constant 0 : index
    %swap3A_324 = arith.constant 13 : index
    %swap3A_325 = vector.load %arg9[%swap3A_323, %swap3A_324] : memref<128x64xf32, #tpu.memory_space<vmem>>, vector<128x1xf32>
    tpu.vector_store %arg9[%swap3A_323, %swap3A_324], %broadcast_in_dim3A_322 {strides = array<i32>} : memref<128x64xf32, #tpu.memory_space<vmem>>, vector<128x1xf32>,
    %reduce_max3A_326 = arith.constant dense<0xFF800000> : vector<128xf32>
    %reduce_max3A_327 = vector.multi_reduction <maximumf>, %get3A_313, %reduce_max3A_326 [0] : vector<128x128xf32> to vector<128xf32>
    %broadcast_in_dim3A_328 = vector.shape_cast %reduce_max3A_327 : vector<128xf32> to vector<1x128xf32>
    %swap3A_329 = arith.constant 13 : index
    %swap3A_330 = arith.constant 0 : index
    %swap3A_331 = vector.load %arg8[%swap3A_329, %swap3A_330] : memref<64x128xf32, #tpu.memory_space<vmem>>, vector<1x128xf32>
    tpu.vector_store %arg8[%swap3A_329, %swap3A_330], %broadcast_in_dim3A_328 {strides = array<i32>} : memref<64x128xf32, #tpu.memory_space<vmem>>, vector<1x128xf32>,
    %get3A_332 = arith.constant 0 : index
    %get3A_333 = arith.constant 0 : index
    %get3A_334 = arith.constant 1792 : index
    %get3A_335 = arith.constant 0 : index
    %get3A_336 = vector.load %arg1[%get3A_332, %get3A_333, %get3A_334, %get3A_335] : memref<1x1x2048x128xf32, #tpu.memory_space<vmem>>, vector<1x1x128x128xf32>
    %get3A_337 = vector.shape_cast %get3A_336 : vector<1x1x128x128xf32> to vector<128x128xf32>
    %swap3A_338 = arith.constant 0 : index
    %swap3A_339 = arith.constant 1792 : index
    %swap3A_340 = arith.constant 0 : index
    %swap3A_341 = vector.load %arg7[%swap3A_338, %swap3A_339, %swap3A_340] : memref<1x8192x128xf32, #tpu.memory_space<vmem>>, vector<1x128x128xf32>
    %swap3A_342 = vector.shape_cast %swap3A_341 : vector<1x128x128xf32> to vector<128x128xf32>
    %swap3A_343 = vector.shape_cast %get3A_337 : vector<128x128xf32> to vector<1x128x128xf32>
    tpu.vector_store %arg7[%swap3A_338, %swap3A_339, %swap3A_340], %swap3A_343 {strides = array<i32>} : memref<1x8192x128xf32, #tpu.memory_space<vmem>>, vector<1x128x128xf32>,
    %reduce_max3A_344 = arith.constant dense<0xFF800000> : vector<128xf32>
    %reduce_max3A_345 = vector.multi_reduction <maximumf>, %get3A_337, %reduce_max3A_344 [1] : vector<128x128xf32> to vector<128xf32>
    %broadcast_in_dim3A_346 = vector.shape_cast %reduce_max3A_345 : vector<128xf32> to vector<128x1xf32>
    %swap3A_347 = arith.constant 0 : index
    %swap3A_348 = arith.constant 14 : index
    %swap3A_349 = vector.load %arg9[%swap3A_347, %swap3A_348] : memref<128x64xf32, #tpu.memory_space<vmem>>, vector<128x1xf32>
    tpu.vector_store %arg9[%swap3A_347, %swap3A_348], %broadcast_in_dim3A_346 {strides = array<i32>} : memref<128x64xf32, #tpu.memory_space<vmem>>, vector<128x1xf32>,
    %reduce_max3A_350 = arith.constant dense<0xFF800000> : vector<128xf32>
    %reduce_max3A_351 = vector.multi_reduction <maximumf>, %get3A_337, %reduce_max3A_350 [0] : vector<128x128xf32> to vector<128xf32>
    %broadcast_in_dim3A_352 = vector.shape_cast %reduce_max3A_351 : vector<128xf32> to vector<1x128xf32>
    %swap3A_353 = arith.constant 14 : index
    %swap3A_354 = arith.constant 0 : index
    %swap3A_355 = vector.load %arg8[%swap3A_353, %swap3A_354] : memref<64x128xf32, #tpu.memory_space<vmem>>, vector<1x128xf32>
    tpu.vector_store %arg8[%swap3A_353, %swap3A_354], %broadcast_in_dim3A_352 {strides = array<i32>} : memref<64x128xf32, #tpu.memory_space<vmem>>, vector<1x128xf32>,
    %get3A_356 = arith.constant 0 : index
    %get3A_357 = arith.constant 0 : index
    %get3A_358 = arith.constant 1920 : index
    %get3A_359 = arith.constant 0 : index
    %get3A_360 = vector.load %arg1[%get3A_356, %get3A_357, %get3A_358, %get3A_359] : memref<1x1x2048x128xf32, #tpu.memory_space<vmem>>, vector<1x1x128x128xf32>
    %get3A_361 = vector.shape_cast %get3A_360 : vector<1x1x128x128xf32> to vector<128x128xf32>
    %swap3A_362 = arith.constant 0 : index
    %swap3A_363 = arith.constant 1920 : index
    %swap3A_364 = arith.constant 0 : index
    %swap3A_365 = vector.load %arg7[%swap3A_362, %swap3A_363, %swap3A_364] : memref<1x8192x128xf32, #tpu.memory_space<vmem>>, vector<1x128x128xf32>
    %swap3A_366 = vector.shape_cast %swap3A_365 : vector<1x128x128xf32> to vector<128x128xf32>
    %swap3A_367 = vector.shape_cast %get3A_361 : vector<128x128xf32> to vector<1x128x128xf32>
    tpu.vector_store %arg7[%swap3A_362, %swap3A_363, %swap3A_364], %swap3A_367 {strides = array<i32>} : memref<1x8192x128xf32, #tpu.memory_space<vmem>>, vector<1x128x128xf32>,
    %reduce_max3A_368 = arith.constant dense<0xFF800000> : vector<128xf32>
    %reduce_max3A_369 = vector.multi_reduction <maximumf>, %get3A_361, %reduce_max3A_368 [1] : vector<128x128xf32> to vector<128xf32>
    %broadcast_in_dim3A_370 = vector.shape_cast %reduce_max3A_369 : vector<128xf32> to vector<128x1xf32>
    %swap3A_371 = arith.constant 0 : index
    %swap3A_372 = arith.constant 15 : index
    %swap3A_373 = vector.load %arg9[%swap3A_371, %swap3A_372] : memref<128x64xf32, #tpu.memory_space<vmem>>, vector<128x1xf32>
    tpu.vector_store %arg9[%swap3A_371, %swap3A_372], %broadcast_in_dim3A_370 {strides = array<i32>} : memref<128x64xf32, #tpu.memory_space<vmem>>, vector<128x1xf32>,
    %reduce_max3A_374 = arith.constant dense<0xFF800000> : vector<128xf32>
    %reduce_max3A_375 = vector.multi_reduction <maximumf>, %get3A_361, %reduce_max3A_374 [0] : vector<128x128xf32> to vector<128xf32>
    %broadcast_in_dim3A_376 = vector.shape_cast %reduce_max3A_375 : vector<128xf32> to vector<1x128xf32>
    %swap3A_377 = arith.constant 15 : index
    %swap3A_378 = arith.constant 0 : index
    %swap3A_379 = vector.load %arg8[%swap3A_377, %swap3A_378] : memref<64x128xf32, #tpu.memory_space<vmem>>, vector<1x128xf32>
    tpu.vector_store %arg8[%swap3A_377, %swap3A_378], %broadcast_in_dim3A_376 {strides = array<i32>} : memref<64x128xf32, #tpu.memory_space<vmem>>, vector<1x128xf32>,
    %get3A_380 = arith.constant 0 : index
    %get3A_381 = arith.constant 0 : index
    %get3A_382 = arith.constant 0 : index
    %get3A_383 = arith.constant 0 : index
    %get3A_384 = vector.load %arg2[%get3A_380, %get3A_381, %get3A_382, %get3A_383] : memref<1x1x2048x128xf32, #tpu.memory_space<vmem>>, vector<1x1x128x128xf32>
    %get3A_385 = vector.shape_cast %get3A_384 : vector<1x1x128x128xf32> to vector<128x128xf32>
    %swap3A_386 = arith.constant 0 : index
    %swap3A_387 = arith.constant 2048 : index
    %swap3A_388 = arith.constant 0 : index
    %swap3A_389 = vector.load %arg7[%swap3A_386, %swap3A_387, %swap3A_388] : memref<1x8192x128xf32, #tpu.memory_space<vmem>>, vector<1x128x128xf32>
    %swap3A_390 = vector.shape_cast %swap3A_389 : vector<1x128x128xf32> to vector<128x128xf32>
    %swap3A_391 = vector.shape_cast %get3A_385 : vector<128x128xf32> to vector<1x128x128xf32>
    tpu.vector_store %arg7[%swap3A_386, %swap3A_387, %swap3A_388], %swap3A_391 {strides = array<i32>} : memref<1x8192x128xf32, #tpu.memory_space<vmem>>, vector<1x128x128xf32>,
    %reduce_max3A_392 = arith.constant dense<0xFF800000> : vector<128xf32>
    %reduce_max3A_393 = vector.multi_reduction <maximumf>, %get3A_385, %reduce_max3A_392 [1] : vector<128x128xf32> to vector<128xf32>
    %broadcast_in_dim3A_394 = vector.shape_cast %reduce_max3A_393 : vector<128xf32> to vector<128x1xf32>
    %swap3A_395 = arith.constant 0 : index
    %swap3A_396 = arith.constant 16 : index
    %swap3A_397 = vector.load %arg9[%swap3A_395, %swap3A_396] : memref<128x64xf32, #tpu.memory_space<vmem>>, vector<128x1xf32>
    tpu.vector_store %arg9[%swap3A_395, %swap3A_396], %broadcast_in_dim3A_394 {strides = array<i32>} : memref<128x64xf32, #tpu.memory_space<vmem>>, vector<128x1xf32>,
    %reduce_max3A_398 = arith.constant dense<0xFF800000> : vector<128xf32>
    %reduce_max3A_399 = vector.multi_reduction <maximumf>, %get3A_385, %reduce_max3A_398 [0] : vector<128x128xf32> to vector<128xf32>
    %broadcast_in_dim3A_400 = vector.shape_cast %reduce_max3A_399 : vector<128xf32> to vector<1x128xf32>
    %swap3A_401 = arith.constant 16 : index
    %swap3A_402 = arith.constant 0 : index
    %swap3A_403 = vector.load %arg8[%swap3A_401, %swap3A_402] : memref<64x128xf32, #tpu.memory_space<vmem>>, vector<1x128xf32>
    tpu.vector_store %arg8[%swap3A_401, %swap3A_402], %broadcast_in_dim3A_400 {strides = array<i32>} : memref<64x128xf32, #tpu.memory_space<vmem>>, vector<1x128xf32>,
    %get3A_404 = arith.constant 0 : index
    %get3A_405 = arith.constant 0 : index
    %get3A_406 = arith.constant 128 : index
    %get3A_407 = arith.constant 0 : index
    %get3A_408 = vector.load %arg2[%get3A_404, %get3A_405, %get3A_406, %get3A_407] : memref<1x1x2048x128xf32, #tpu.memory_space<vmem>>, vector<1x1x128x128xf32>
    %get3A_409 = vector.shape_cast %get3A_408 : vector<1x1x128x128xf32> to vector<128x128xf32>
    %swap3A_410 = arith.constant 0 : index
    %swap3A_411 = arith.constant 2176 : index
    %swap3A_412 = arith.constant 0 : index
    %swap3A_413 = vector.load %arg7[%swap3A_410, %swap3A_411, %swap3A_412] : memref<1x8192x128xf32, #tpu.memory_space<vmem>>, vector<1x128x128xf32>
    %swap3A_414 = vector.shape_cast %swap3A_413 : vector<1x128x128xf32> to vector<128x128xf32>
    %swap3A_415 = vector.shape_cast %get3A_409 : vector<128x128xf32> to vector<1x128x128xf32>
    tpu.vector_store %arg7[%swap3A_410, %swap3A_411, %swap3A_412], %swap3A_415 {strides = array<i32>} : memref<1x8192x128xf32, #tpu.memory_space<vmem>>, vector<1x128x128xf32>,
    %reduce_max3A_416 = arith.constant dense<0xFF800000> : vector<128xf32>
    %reduce_max3A_417 = vector.multi_reduction <maximumf>, %get3A_409, %reduce_max3A_416 [1] : vector<128x128xf32> to vector<128xf32>
    %broadcast_in_dim3A_418 = vector.shape_cast %reduce_max3A_417 : vector<128xf32> to vector<128x1xf32>
    %swap3A_419 = arith.constant 0 : index
    %swap3A_420 = arith.constant 17 : index
    %swap3A_421 = vector.load %arg9[%swap3A_419, %swap3A_420] : memref<128x64xf32, #tpu.memory_space<vmem>>, vector<128x1xf32>
    tpu.vector_store %arg9[%swap3A_419, %swap3A_420], %broadcast_in_dim3A_418 {strides = array<i32>} : memref<128x64xf32, #tpu.memory_space<vmem>>, vector<128x1xf32>,
    %reduce_max3A_422 = arith.constant dense<0xFF800000> : vector<128xf32>
    %reduce_max3A_423 = vector.multi_reduction <maximumf>, %get3A_409, %reduce_max3A_422 [0] : vector<128x128xf32> to vector<128xf32>
    %broadcast_in_dim3A_424 = vector.shape_cast %reduce_max3A_423 : vector<128xf32> to vector<1x128xf32>
    %swap3A_425 = arith.constant 17 : index
    %swap3A_426 = arith.constant 0 : index
    %swap3A_427 = vector.load %arg8[%swap3A_425, %swap3A_426] : memref<64x128xf32, #tpu.memory_space<vmem>>, vector<1x128xf32>
    tpu.vector_store %arg8[%swap3A_425, %swap3A_426], %broadcast_in_dim3A_424 {strides = array<i32>} : memref<64x128xf32, #tpu.memory_space<vmem>>, vector<1x128xf32>,
    %get3A_428 = arith.constant 0 : index
    %get3A_429 = arith.constant 0 : index
    %get3A_430 = arith.constant 256 : index
    %get3A_431 = arith.constant 0 : index
    %get3A_432 = vector.load %arg2[%get3A_428, %get3A_429, %get3A_430, %get3A_431] : memref<1x1x2048x128xf32, #tpu.memory_space<vmem>>, vector<1x1x128x128xf32>
    %get3A_433 = vector.shape_cast %get3A_432 : vector<1x1x128x128xf32> to vector<128x128xf32>
    %swap3A_434 = arith.constant 0 : index
    %swap3A_435 = arith.constant 2304 : index
    %swap3A_436 = arith.constant 0 : index
    %swap3A_437 = vector.load %arg7[%swap3A_434, %swap3A_435, %swap3A_436] : memref<1x8192x128xf32, #tpu.memory_space<vmem>>, vector<1x128x128xf32>
    %swap3A_438 = vector.shape_cast %swap3A_437 : vector<1x128x128xf32> to vector<128x128xf32>
    %swap3A_439 = vector.shape_cast %get3A_433 : vector<128x128xf32> to vector<1x128x128xf32>
    tpu.vector_store %arg7[%swap3A_434, %swap3A_435, %swap3A_436], %swap3A_439 {strides = array<i32>} : memref<1x8192x128xf32, #tpu.memory_space<vmem>>, vector<1x128x128xf32>,
    %reduce_max3A_440 = arith.constant dense<0xFF800000> : vector<128xf32>
    %reduce_max3A_441 = vector.multi_reduction <maximumf>, %get3A_433, %reduce_max3A_440 [1] : vector<128x128xf32> to vector<128xf32>
    %broadcast_in_dim3A_442 = vector.shape_cast %reduce_max3A_441 : vector<128xf32> to vector<128x1xf32>
    %swap3A_443 = arith.constant 0 : index
    %swap3A_444 = arith.constant 18 : index
    %swap3A_445 = vector.load %arg9[%swap3A_443, %swap3A_444] : memref<128x64xf32, #tpu.memory_space<vmem>>, vector<128x1xf32>
    tpu.vector_store %arg9[%swap3A_443, %swap3A_444], %broadcast_in_dim3A_442 {strides = array<i32>} : memref<128x64xf32, #tpu.memory_space<vmem>>, vector<128x1xf32>,
    %reduce_max3A_446 = arith.constant dense<0xFF800000> : vector<128xf32>
    %reduce_max3A_447 = vector.multi_reduction <maximumf>, %get3A_433, %reduce_max3A_446 [0] : vector<128x128xf32> to vector<128xf32>
    %broadcast_in_dim3A_448 = vector.shape_cast %reduce_max3A_447 : vector<128xf32> to vector<1x128xf32>
    %swap3A_449 = arith.constant 18 : index
    %swap3A_450 = arith.constant 0 : index
    %swap3A_451 = vector.load %arg8[%swap3A_449, %swap3A_450] : memref<64x128xf32, #tpu.memory_space<vmem>>, vector<1x128xf32>
    tpu.vector_store %arg8[%swap3A_449, %swap3A_450], %broadcast_in_dim3A_448 {strides = array<i32>} : memref<64x128xf32, #tpu.memory_space<vmem>>, vector<1x128xf32>,
    %get3A_452 = arith.constant 0 : index
    %get3A_453 = arith.constant 0 : index
    %get3A_454 = arith.constant 384 : index
    %get3A_455 = arith.constant 0 : index
    %get3A_456 = vector.load %arg2[%get3A_452, %get3A_453, %get3A_454, %get3A_455] : memref<1x1x2048x128xf32, #tpu.memory_space<vmem>>, vector<1x1x128x128xf32>
    %get3A_457 = vector.shape_cast %get3A_456 : vector<1x1x128x128xf32> to vector<128x128xf32>
    %swap3A_458 = arith.constant 0 : index
    %swap3A_459 = arith.constant 2432 : index
    %swap3A_460 = arith.constant 0 : index
    %swap3A_461 = vector.load %arg7[%swap3A_458, %swap3A_459, %swap3A_460] : memref<1x8192x128xf32, #tpu.memory_space<vmem>>, vector<1x128x128xf32>
    %swap3A_462 = vector.shape_cast %swap3A_461 : vector<1x128x128xf32> to vector<128x128xf32>
    %swap3A_463 = vector.shape_cast %get3A_457 : vector<128x128xf32> to vector<1x128x128xf32>
    tpu.vector_store %arg7[%swap3A_458, %swap3A_459, %swap3A_460], %swap3A_463 {strides = array<i32>} : memref<1x8192x128xf32, #tpu.memory_space<vmem>>, vector<1x128x128xf32>,
    %reduce_max3A_464 = arith.constant dense<0xFF800000> : vector<128xf32>
    %reduce_max3A_465 = vector.multi_reduction <maximumf>, %get3A_457, %reduce_max3A_464 [1] : vector<128x128xf32> to vector<128xf32>
    %broadcast_in_dim3A_466 = vector.shape_cast %reduce_max3A_465 : vector<128xf32> to vector<128x1xf32>
    %swap3A_467 = arith.constant 0 : index
    %swap3A_468 = arith.constant 19 : index
    %swap3A_469 = vector.load %arg9[%swap3A_467, %swap3A_468] : memref<128x64xf32, #tpu.memory_space<vmem>>, vector<128x1xf32>
    tpu.vector_store %arg9[%swap3A_467, %swap3A_468], %broadcast_in_dim3A_466 {strides = array<i32>} : memref<128x64xf32, #tpu.memory_space<vmem>>, vector<128x1xf32>,
    %reduce_max3A_470 = arith.constant dense<0xFF800000> : vector<128xf32>
    %reduce_max3A_471 = vector.multi_reduction <maximumf>, %get3A_457, %reduce_max3A_470 [0] : vector<128x128xf32> to vector<128xf32>
    %broadcast_in_dim3A_472 = vector.shape_cast %reduce_max3A_471 : vector<128xf32> to vector<1x128xf32>
    %swap3A_473 = arith.constant 19 : index
    %swap3A_474 = arith.constant 0 : index
    %swap3A_475 = vector.load %arg8[%swap3A_473, %swap3A_474] : memref<64x128xf32, #tpu.memory_space<vmem>>, vector<1x128xf32>
    tpu.vector_store %arg8[%swap3A_473, %swap3A_474], %broadcast_in_dim3A_472 {strides = array<i32>} : memref<64x128xf32, #tpu.memory_space<vmem>>, vector<1x128xf32>,
    %get3A_476 = arith.constant 0 : index
    %get3A_477 = arith.constant 0 : index
    %get3A_478 = arith.constant 512 : index
    %get3A_479 = arith.constant 0 : index
    %get3A_480 = vector.load %arg2[%get3A_476, %get3A_477, %get3A_478, %get3A_479] : memref<1x1x2048x128xf32, #tpu.memory_space<vmem>>, vector<1x1x128x128xf32>
    %get3A_481 = vector.shape_cast %get3A_480 : vector<1x1x128x128xf32> to vector<128x128xf32>
    %swap3A_482 = arith.constant 0 : index
    %swap3A_483 = arith.constant 2560 : index
    %swap3A_484 = arith.constant 0 : index
    %swap3A_485 = vector.load %arg7[%swap3A_482, %swap3A_483, %swap3A_484] : memref<1x8192x128xf32, #tpu.memory_space<vmem>>, vector<1x128x128xf32>
    %swap3A_486 = vector.shape_cast %swap3A_485 : vector<1x128x128xf32> to vector<128x128xf32>
    %swap3A_487 = vector.shape_cast %get3A_481 : vector<128x128xf32> to vector<1x128x128xf32>
    tpu.vector_store %arg7[%swap3A_482, %swap3A_483, %swap3A_484], %swap3A_487 {strides = array<i32>} : memref<1x8192x128xf32, #tpu.memory_space<vmem>>, vector<1x128x128xf32>,
    %reduce_max3A_488 = arith.constant dense<0xFF800000> : vector<128xf32>
    %reduce_max3A_489 = vector.multi_reduction <maximumf>, %get3A_481, %reduce_max3A_488 [1] : vector<128x128xf32> to vector<128xf32>
    %broadcast_in_dim3A_490 = vector.shape_cast %reduce_max3A_489 : vector<128xf32> to vector<128x1xf32>
    %swap3A_491 = arith.constant 0 : index
    %swap3A_492 = arith.constant 20 : index
    %swap3A_493 = vector.load %arg9[%swap3A_491, %swap3A_492] : memref<128x64xf32, #tpu.memory_space<vmem>>, vector<128x1xf32>
    tpu.vector_store %arg9[%swap3A_491, %swap3A_492], %broadcast_in_dim3A_490 {strides = array<i32>} : memref<128x64xf32, #tpu.memory_space<vmem>>, vector<128x1xf32>,
    %reduce_max3A_494 = arith.constant dense<0xFF800000> : vector<128xf32>
    %reduce_max3A_495 = vector.multi_reduction <maximumf>, %get3A_481, %reduce_max3A_494 [0] : vector<128x128xf32> to vector<128xf32>
    %broadcast_in_dim3A_496 = vector.shape_cast %reduce_max3A_495 : vector<128xf32> to vector<1x128xf32>
    %swap3A_497 = arith.constant 20 : index
    %swap3A_498 = arith.constant 0 : index
    %swap3A_499 = vector.load %arg8[%swap3A_497, %swap3A_498] : memref<64x128xf32, #tpu.memory_space<vmem>>, vector<1x128xf32>
    tpu.vector_store %arg8[%swap3A_497, %swap3A_498], %broadcast_in_dim3A_496 {strides = array<i32>} : memref<64x128xf32, #tpu.memory_space<vmem>>, vector<1x128xf32>,
    %get3A_500 = arith.constant 0 : index
    %get3A_501 = arith.constant 0 : index
    %get3A_502 = arith.constant 640 : index
    %get3A_503 = arith.constant 0 : index
    %get3A_504 = vector.load %arg2[%get3A_500, %get3A_501, %get3A_502, %get3A_503] : memref<1x1x2048x128xf32, #tpu.memory_space<vmem>>, vector<1x1x128x128xf32>
    %get3A_505 = vector.shape_cast %get3A_504 : vector<1x1x128x128xf32> to vector<128x128xf32>
    %swap3A_506 = arith.constant 0 : index
    %swap3A_507 = arith.constant 2688 : index
    %swap3A_508 = arith.constant 0 : index
    %swap3A_509 = vector.load %arg7[%swap3A_506, %swap3A_507, %swap3A_508] : memref<1x8192x128xf32, #tpu.memory_space<vmem>>, vector<1x128x128xf32>
    %swap3A_510 = vector.shape_cast %swap3A_509 : vector<1x128x128xf32> to vector<128x128xf32>
    %swap3A_511 = vector.shape_cast %get3A_505 : vector<128x128xf32> to vector<1x128x128xf32>
    tpu.vector_store %arg7[%swap3A_506, %swap3A_507, %swap3A_508], %swap3A_511 {strides = array<i32>} : memref<1x8192x128xf32, #tpu.memory_space<vmem>>, vector<1x128x128xf32>,
    %reduce_max3A_512 = arith.constant dense<0xFF800000> : vector<128xf32>
    %reduce_max3A_513 = vector.multi_reduction <maximumf>, %get3A_505, %reduce_max3A_512 [1] : vector<128x128xf32> to vector<128xf32>
    %broadcast_in_dim3A_514 = vector.shape_cast %reduce_max3A_513 : vector<128xf32> to vector<128x1xf32>
    %swap3A_515 = arith.constant 0 : index
    %swap3A_516 = arith.constant 21 : index
    %swap3A_517 = vector.load %arg9[%swap3A_515, %swap3A_516] : memref<128x64xf32, #tpu.memory_space<vmem>>, vector<128x1xf32>
    tpu.vector_store %arg9[%swap3A_515, %swap3A_516], %broadcast_in_dim3A_514 {strides = array<i32>} : memref<128x64xf32, #tpu.memory_space<vmem>>, vector<128x1xf32>,
    %reduce_max3A_518 = arith.constant dense<0xFF800000> : vector<128xf32>
    %reduce_max3A_519 = vector.multi_reduction <maximumf>, %get3A_505, %reduce_max3A_518 [0] : vector<128x128xf32> to vector<128xf32>
    %broadcast_in_dim3A_520 = vector.shape_cast %reduce_max3A_519 : vector<128xf32> to vector<1x128xf32>
    %swap3A_521 = arith.constant 21 : index
    %swap3A_522 = arith.constant 0 : index
    %swap3A_523 = vector.load %arg8[%swap3A_521, %swap3A_522] : memref<64x128xf32, #tpu.memory_space<vmem>>, vector<1x128xf32>
    tpu.vector_store %arg8[%swap3A_521, %swap3A_522], %broadcast_in_dim3A_520 {strides = array<i32>} : memref<64x128xf32, #tpu.memory_space<vmem>>, vector<1x128xf32>,
    %get3A_524 = arith.constant 0 : index
    %get3A_525 = arith.constant 0 : index
    %get3A_526 = arith.constant 768 : index
    %get3A_527 = arith.constant 0 : index
    %get3A_528 = vector.load %arg2[%get3A_524, %get3A_525, %get3A_526, %get3A_527] : memref<1x1x2048x128xf32, #tpu.memory_space<vmem>>, vector<1x1x128x128xf32>
    %get3A_529 = vector.shape_cast %get3A_528 : vector<1x1x128x128xf32> to vector<128x128xf32>
    %swap3A_530 = arith.constant 0 : index
    %swap3A_531 = arith.constant 2816 : index
    %swap3A_532 = arith.constant 0 : index
    %swap3A_533 = vector.load %arg7[%swap3A_530, %swap3A_531, %swap3A_532] : memref<1x8192x128xf32, #tpu.memory_space<vmem>>, vector<1x128x128xf32>
    %swap3A_534 = vector.shape_cast %swap3A_533 : vector<1x128x128xf32> to vector<128x128xf32>
    %swap3A_535 = vector.shape_cast %get3A_529 : vector<128x128xf32> to vector<1x128x128xf32>
    tpu.vector_store %arg7[%swap3A_530, %swap3A_531, %swap3A_532], %swap3A_535 {strides = array<i32>} : memref<1x8192x128xf32, #tpu.memory_space<vmem>>, vector<1x128x128xf32>,
    %reduce_max3A_536 = arith.constant dense<0xFF800000> : vector<128xf32>
    %reduce_max3A_537 = vector.multi_reduction <maximumf>, %get3A_529, %reduce_max3A_536 [1] : vector<128x128xf32> to vector<128xf32>
    %broadcast_in_dim3A_538 = vector.shape_cast %reduce_max3A_537 : vector<128xf32> to vector<128x1xf32>
    %swap3A_539 = arith.constant 0 : index
    %swap3A_540 = arith.constant 22 : index
    %swap3A_541 = vector.load %arg9[%swap3A_539, %swap3A_540] : memref<128x64xf32, #tpu.memory_space<vmem>>, vector<128x1xf32>
    tpu.vector_store %arg9[%swap3A_539, %swap3A_540], %broadcast_in_dim3A_538 {strides = array<i32>} : memref<128x64xf32, #tpu.memory_space<vmem>>, vector<128x1xf32>,
    %reduce_max3A_542 = arith.constant dense<0xFF800000> : vector<128xf32>
    %reduce_max3A_543 = vector.multi_reduction <maximumf>, %get3A_529, %reduce_max3A_542 [0] : vector<128x128xf32> to vector<128xf32>
    %broadcast_in_dim3A_544 = vector.shape_cast %reduce_max3A_543 : vector<128xf32> to vector<1x128xf32>
    %swap3A_545 = arith.constant 22 : index
    %swap3A_546 = arith.constant 0 : index
    %swap3A_547 = vector.load %arg8[%swap3A_545, %swap3A_546] : memref<64x128xf32, #tpu.memory_space<vmem>>, vector<1x128xf32>
    tpu.vector_store %arg8[%swap3A_545, %swap3A_546], %broadcast_in_dim3A_544 {strides = array<i32>} : memref<64x128xf32, #tpu.memory_space<vmem>>, vector<1x128xf32>,
    %get3A_548 = arith.constant 0 : index
    %get3A_549 = arith.constant 0 : index
    %get3A_550 = arith.constant 896 : index
    %get3A_551 = arith.constant 0 : index
    %get3A_552 = vector.load %arg2[%get3A_548, %get3A_549, %get3A_550, %get3A_551] : memref<1x1x2048x128xf32, #tpu.memory_space<vmem>>, vector<1x1x128x128xf32>
    %get3A_553 = vector.shape_cast %get3A_552 : vector<1x1x128x128xf32> to vector<128x128xf32>
    %swap3A_554 = arith.constant 0 : index
    %swap3A_555 = arith.constant 2944 : index
    %swap3A_556 = arith.constant 0 : index
    %swap3A_557 = vector.load %arg7[%swap3A_554, %swap3A_555, %swap3A_556] : memref<1x8192x128xf32, #tpu.memory_space<vmem>>, vector<1x128x128xf32>
    %swap3A_558 = vector.shape_cast %swap3A_557 : vector<1x128x128xf32> to vector<128x128xf32>
    %swap3A_559 = vector.shape_cast %get3A_553 : vector<128x128xf32> to vector<1x128x128xf32>
    tpu.vector_store %arg7[%swap3A_554, %swap3A_555, %swap3A_556], %swap3A_559 {strides = array<i32>} : memref<1x8192x128xf32, #tpu.memory_space<vmem>>, vector<1x128x128xf32>,
    %reduce_max3A_560 = arith.constant dense<0xFF800000> : vector<128xf32>
    %reduce_max3A_561 = vector.multi_reduction <maximumf>, %get3A_553, %reduce_max3A_560 [1] : vector<128x128xf32> to vector<128xf32>
    %broadcast_in_dim3A_562 = vector.shape_cast %reduce_max3A_561 : vector<128xf32> to vector<128x1xf32>
    %swap3A_563 = arith.constant 0 : index
    %swap3A_564 = arith.constant 23 : index
    %swap3A_565 = vector.load %arg9[%swap3A_563, %swap3A_564] : memref<128x64xf32, #tpu.memory_space<vmem>>, vector<128x1xf32>
    tpu.vector_store %arg9[%swap3A_563, %swap3A_564], %broadcast_in_dim3A_562 {strides = array<i32>} : memref<128x64xf32, #tpu.memory_space<vmem>>, vector<128x1xf32>,
    %reduce_max3A_566 = arith.constant dense<0xFF800000> : vector<128xf32>
    %reduce_max3A_567 = vector.multi_reduction <maximumf>, %get3A_553, %reduce_max3A_566 [0] : vector<128x128xf32> to vector<128xf32>
    %broadcast_in_dim3A_568 = vector.shape_cast %reduce_max3A_567 : vector<128xf32> to vector<1x128xf32>
    %swap3A_569 = arith.constant 23 : index
    %swap3A_570 = arith.constant 0 : index
    %swap3A_571 = vector.load %arg8[%swap3A_569, %swap3A_570] : memref<64x128xf32, #tpu.memory_space<vmem>>, vector<1x128xf32>
    tpu.vector_store %arg8[%swap3A_569, %swap3A_570], %broadcast_in_dim3A_568 {strides = array<i32>} : memref<64x128xf32, #tpu.memory_space<vmem>>, vector<1x128xf32>,
    %get3A_572 = arith.constant 0 : index
    %get3A_573 = arith.constant 0 : index
    %get3A_574 = arith.constant 1024 : index
    %get3A_575 = arith.constant 0 : index
    %get3A_576 = vector.load %arg2[%get3A_572, %get3A_573, %get3A_574, %get3A_575] : memref<1x1x2048x128xf32, #tpu.memory_space<vmem>>, vector<1x1x128x128xf32>
    %get3A_577 = vector.shape_cast %get3A_576 : vector<1x1x128x128xf32> to vector<128x128xf32>
    %swap3A_578 = arith.constant 0 : index
    %swap3A_579 = arith.constant 3072 : index
    %swap3A_580 = arith.constant 0 : index
    %swap3A_581 = vector.load %arg7[%swap3A_578, %swap3A_579, %swap3A_580] : memref<1x8192x128xf32, #tpu.memory_space<vmem>>, vector<1x128x128xf32>
    %swap3A_582 = vector.shape_cast %swap3A_581 : vector<1x128x128xf32> to vector<128x128xf32>
    %swap3A_583 = vector.shape_cast %get3A_577 : vector<128x128xf32> to vector<1x128x128xf32>
    tpu.vector_store %arg7[%swap3A_578, %swap3A_579, %swap3A_580], %swap3A_583 {strides = array<i32>} : memref<1x8192x128xf32, #tpu.memory_space<vmem>>, vector<1x128x128xf32>,
    %reduce_max3A_584 = arith.constant dense<0xFF800000> : vector<128xf32>
    %reduce_max3A_585 = vector.multi_reduction <maximumf>, %get3A_577, %reduce_max3A_584 [1] : vector<128x128xf32> to vector<128xf32>
    %broadcast_in_dim3A_586 = vector.shape_cast %reduce_max3A_585 : vector<128xf32> to vector<128x1xf32>
    %swap3A_587 = arith.constant 0 : index
    %swap3A_588 = arith.constant 24 : index
    %swap3A_589 = vector.load %arg9[%swap3A_587, %swap3A_588] : memref<128x64xf32, #tpu.memory_space<vmem>>, vector<128x1xf32>
    tpu.vector_store %arg9[%swap3A_587, %swap3A_588], %broadcast_in_dim3A_586 {strides = array<i32>} : memref<128x64xf32, #tpu.memory_space<vmem>>, vector<128x1xf32>,
    %reduce_max3A_590 = arith.constant dense<0xFF800000> : vector<128xf32>
    %reduce_max3A_591 = vector.multi_reduction <maximumf>, %get3A_577, %reduce_max3A_590 [0] : vector<128x128xf32> to vector<128xf32>
    %broadcast_in_dim3A_592 = vector.shape_cast %reduce_max3A_591 : vector<128xf32> to vector<1x128xf32>
    %swap3A_593 = arith.constant 24 : index
    %swap3A_594 = arith.constant 0 : index
    %swap3A_595 = vector.load %arg8[%swap3A_593, %swap3A_594] : memref<64x128xf32, #tpu.memory_space<vmem>>, vector<1x128xf32>
    tpu.vector_store %arg8[%swap3A_593, %swap3A_594], %broadcast_in_dim3A_592 {strides = array<i32>} : memref<64x128xf32, #tpu.memory_space<vmem>>, vector<1x128xf32>,
    %get3A_596 = arith.constant 0 : index
    %get3A_597 = arith.constant 0 : index
    %get3A_598 = arith.constant 1152 : index
    %get3A_599 = arith.constant 0 : index
    %get3A_600 = vector.load %arg2[%get3A_596, %get3A_597, %get3A_598, %get3A_599] : memref<1x1x2048x128xf32, #tpu.memory_space<vmem>>, vector<1x1x128x128xf32>
    %get3A_601 = vector.shape_cast %get3A_600 : vector<1x1x128x128xf32> to vector<128x128xf32>
    %swap3A_602 = arith.constant 0 : index
    %swap3A_603 = arith.constant 3200 : index
    %swap3A_604 = arith.constant 0 : index
    %swap3A_605 = vector.load %arg7[%swap3A_602, %swap3A_603, %swap3A_604] : memref<1x8192x128xf32, #tpu.memory_space<vmem>>, vector<1x128x128xf32>
    %swap3A_606 = vector.shape_cast %swap3A_605 : vector<1x128x128xf32> to vector<128x128xf32>
    %swap3A_607 = vector.shape_cast %get3A_601 : vector<128x128xf32> to vector<1x128x128xf32>
    tpu.vector_store %arg7[%swap3A_602, %swap3A_603, %swap3A_604], %swap3A_607 {strides = array<i32>} : memref<1x8192x128xf32, #tpu.memory_space<vmem>>, vector<1x128x128xf32>,
    %reduce_max3A_608 = arith.constant dense<0xFF800000> : vector<128xf32>
    %reduce_max3A_609 = vector.multi_reduction <maximumf>, %get3A_601, %reduce_max3A_608 [1] : vector<128x128xf32> to vector<128xf32>
    %broadcast_in_dim3A_610 = vector.shape_cast %reduce_max3A_609 : vector<128xf32> to vector<128x1xf32>
    %swap3A_611 = arith.constant 0 : index
    %swap3A_612 = arith.constant 25 : index
    %swap3A_613 = vector.load %arg9[%swap3A_611, %swap3A_612] : memref<128x64xf32, #tpu.memory_space<vmem>>, vector<128x1xf32>
    tpu.vector_store %arg9[%swap3A_611, %swap3A_612], %broadcast_in_dim3A_610 {strides = array<i32>} : memref<128x64xf32, #tpu.memory_space<vmem>>, vector<128x1xf32>,
    %reduce_max3A_614 = arith.constant dense<0xFF800000> : vector<128xf32>
    %reduce_max3A_615 = vector.multi_reduction <maximumf>, %get3A_601, %reduce_max3A_614 [0] : vector<128x128xf32> to vector<128xf32>
    %broadcast_in_dim3A_616 = vector.shape_cast %reduce_max3A_615 : vector<128xf32> to vector<1x128xf32>
    %swap3A_617 = arith.constant 25 : index
    %swap3A_618 = arith.constant 0 : index
    %swap3A_619 = vector.load %arg8[%swap3A_617, %swap3A_618] : memref<64x128xf32, #tpu.memory_space<vmem>>, vector<1x128xf32>
    tpu.vector_store %arg8[%swap3A_617, %swap3A_618], %broadcast_in_dim3A_616 {strides = array<i32>} : memref<64x128xf32, #tpu.memory_space<vmem>>, vector<1x128xf32>,
    %get3A_620 = arith.constant 0 : index
    %get3A_621 = arith.constant 0 : index
    %get3A_622 = arith.constant 1280 : index
    %get3A_623 = arith.constant 0 : index
    %get3A_624 = vector.load %arg2[%get3A_620, %get3A_621, %get3A_622, %get3A_623] : memref<1x1x2048x128xf32, #tpu.memory_space<vmem>>, vector<1x1x128x128xf32>
    %get3A_625 = vector.shape_cast %get3A_624 : vector<1x1x128x128xf32> to vector<128x128xf32>
    %swap3A_626 = arith.constant 0 : index
    %swap3A_627 = arith.constant 3328 : index
    %swap3A_628 = arith.constant 0 : index
    %swap3A_629 = vector.load %arg7[%swap3A_626, %swap3A_627, %swap3A_628] : memref<1x8192x128xf32, #tpu.memory_space<vmem>>, vector<1x128x128xf32>
    %swap3A_630 = vector.shape_cast %swap3A_629 : vector<1x128x128xf32> to vector<128x128xf32>
    %swap3A_631 = vector.shape_cast %get3A_625 : vector<128x128xf32> to vector<1x128x128xf32>
    tpu.vector_store %arg7[%swap3A_626, %swap3A_627, %swap3A_628], %swap3A_631 {strides = array<i32>} : memref<1x8192x128xf32, #tpu.memory_space<vmem>>, vector<1x128x128xf32>,
    %reduce_max3A_632 = arith.constant dense<0xFF800000> : vector<128xf32>
    %reduce_max3A_633 = vector.multi_reduction <maximumf>, %get3A_625, %reduce_max3A_632 [1] : vector<128x128xf32> to vector<128xf32>
    %broadcast_in_dim3A_634 = vector.shape_cast %reduce_max3A_633 : vector<128xf32> to vector<128x1xf32>
    %swap3A_635 = arith.constant 0 : index
    %swap3A_636 = arith.constant 26 : index
    %swap3A_637 = vector.load %arg9[%swap3A_635, %swap3A_636] : memref<128x64xf32, #tpu.memory_space<vmem>>, vector<128x1xf32>
    tpu.vector_store %arg9[%swap3A_635, %swap3A_636], %broadcast_in_dim3A_634 {strides = array<i32>} : memref<128x64xf32, #tpu.memory_space<vmem>>, vector<128x1xf32>,
    %reduce_max3A_638 = arith.constant dense<0xFF800000> : vector<128xf32>
    %reduce_max3A_639 = vector.multi_reduction <maximumf>, %get3A_625, %reduce_max3A_638 [0] : vector<128x128xf32> to vector<128xf32>
    %broadcast_in_dim3A_640 = vector.shape_cast %reduce_max3A_639 : vector<128xf32> to vector<1x128xf32>
    %swap3A_641 = arith.constant 26 : index
    %swap3A_642 = arith.constant 0 : index
    %swap3A_643 = vector.load %arg8[%swap3A_641, %swap3A_642] : memref<64x128xf32, #tpu.memory_space<vmem>>, vector<1x128xf32>
    tpu.vector_store %arg8[%swap3A_641, %swap3A_642], %broadcast_in_dim3A_640 {strides = array<i32>} : memref<64x128xf32, #tpu.memory_space<vmem>>, vector<1x128xf32>,
    %get3A_644 = arith.constant 0 : index
    %get3A_645 = arith.constant 0 : index
    %get3A_646 = arith.constant 1408 : index
    %get3A_647 = arith.constant 0 : index
    %get3A_648 = vector.load %arg2[%get3A_644, %get3A_645, %get3A_646, %get3A_647] : memref<1x1x2048x128xf32, #tpu.memory_space<vmem>>, vector<1x1x128x128xf32>
    %get3A_649 = vector.shape_cast %get3A_648 : vector<1x1x128x128xf32> to vector<128x128xf32>
    %swap3A_650 = arith.constant 0 : index
    %swap3A_651 = arith.constant 3456 : index
    %swap3A_652 = arith.constant 0 : index
    %swap3A_653 = vector.load %arg7[%swap3A_650, %swap3A_651, %swap3A_652] : memref<1x8192x128xf32, #tpu.memory_space<vmem>>, vector<1x128x128xf32>
    %swap3A_654 = vector.shape_cast %swap3A_653 : vector<1x128x128xf32> to vector<128x128xf32>
    %swap3A_655 = vector.shape_cast %get3A_649 : vector<128x128xf32> to vector<1x128x128xf32>
    tpu.vector_store %arg7[%swap3A_650, %swap3A_651, %swap3A_652], %swap3A_655 {strides = array<i32>} : memref<1x8192x128xf32, #tpu.memory_space<vmem>>, vector<1x128x128xf32>,
    %reduce_max3A_656 = arith.constant dense<0xFF800000> : vector<128xf32>
    %reduce_max3A_657 = vector.multi_reduction <maximumf>, %get3A_649, %reduce_max3A_656 [1] : vector<128x128xf32> to vector<128xf32>
    %broadcast_in_dim3A_658 = vector.shape_cast %reduce_max3A_657 : vector<128xf32> to vector<128x1xf32>
    %swap3A_659 = arith.constant 0 : index
    %swap3A_660 = arith.constant 27 : index
    %swap3A_661 = vector.load %arg9[%swap3A_659, %swap3A_660] : memref<128x64xf32, #tpu.memory_space<vmem>>, vector<128x1xf32>
    tpu.vector_store %arg9[%swap3A_659, %swap3A_660], %broadcast_in_dim3A_658 {strides = array<i32>} : memref<128x64xf32, #tpu.memory_space<vmem>>, vector<128x1xf32>,
    %reduce_max3A_662 = arith.constant dense<0xFF800000> : vector<128xf32>
    %reduce_max3A_663 = vector.multi_reduction <maximumf>, %get3A_649, %reduce_max3A_662 [0] : vector<128x128xf32> to vector<128xf32>
    %broadcast_in_dim3A_664 = vector.shape_cast %reduce_max3A_663 : vector<128xf32> to vector<1x128xf32>
    %swap3A_665 = arith.constant 27 : index
    %swap3A_666 = arith.constant 0 : index
    %swap3A_667 = vector.load %arg8[%swap3A_665, %swap3A_666] : memref<64x128xf32, #tpu.memory_space<vmem>>, vector<1x128xf32>
    tpu.vector_store %arg8[%swap3A_665, %swap3A_666], %broadcast_in_dim3A_664 {strides = array<i32>} : memref<64x128xf32, #tpu.memory_space<vmem>>, vector<1x128xf32>,
    %get3A_668 = arith.constant 0 : index
    %get3A_669 = arith.constant 0 : index
    %get3A_670 = arith.constant 1536 : index
    %get3A_671 = arith.constant 0 : index
    %get3A_672 = vector.load %arg2[%get3A_668, %get3A_669, %get3A_670, %get3A_671] : memref<1x1x2048x128xf32, #tpu.memory_space<vmem>>, vector<1x1x128x128xf32>
    %get3A_673 = vector.shape_cast %get3A_672 : vector<1x1x128x128xf32> to vector<128x128xf32>
    %swap3A_674 = arith.constant 0 : index
    %swap3A_675 = arith.constant 3584 : index
    %swap3A_676 = arith.constant 0 : index
    %swap3A_677 = vector.load %arg7[%swap3A_674, %swap3A_675, %swap3A_676] : memref<1x8192x128xf32, #tpu.memory_space<vmem>>, vector<1x128x128xf32>
    %swap3A_678 = vector.shape_cast %swap3A_677 : vector<1x128x128xf32> to vector<128x128xf32>
    %swap3A_679 = vector.shape_cast %get3A_673 : vector<128x128xf32> to vector<1x128x128xf32>
    tpu.vector_store %arg7[%swap3A_674, %swap3A_675, %swap3A_676], %swap3A_679 {strides = array<i32>} : memref<1x8192x128xf32, #tpu.memory_space<vmem>>, vector<1x128x128xf32>,
    %reduce_max3A_680 = arith.constant dense<0xFF800000> : vector<128xf32>
    %reduce_max3A_681 = vector.multi_reduction <maximumf>, %get3A_673, %reduce_max3A_680 [1] : vector<128x128xf32> to vector<128xf32>
    %broadcast_in_dim3A_682 = vector.shape_cast %reduce_max3A_681 : vector<128xf32> to vector<128x1xf32>
    %swap3A_683 = arith.constant 0 : index
    %swap3A_684 = arith.constant 28 : index
    %swap3A_685 = vector.load %arg9[%swap3A_683, %swap3A_684] : memref<128x64xf32, #tpu.memory_space<vmem>>, vector<128x1xf32>
    tpu.vector_store %arg9[%swap3A_683, %swap3A_684], %broadcast_in_dim3A_682 {strides = array<i32>} : memref<128x64xf32, #tpu.memory_space<vmem>>, vector<128x1xf32>,
    %reduce_max3A_686 = arith.constant dense<0xFF800000> : vector<128xf32>
    %reduce_max3A_687 = vector.multi_reduction <maximumf>, %get3A_673, %reduce_max3A_686 [0] : vector<128x128xf32> to vector<128xf32>
    %broadcast_in_dim3A_688 = vector.shape_cast %reduce_max3A_687 : vector<128xf32> to vector<1x128xf32>
    %swap3A_689 = arith.constant 28 : index
    %swap3A_690 = arith.constant 0 : index
    %swap3A_691 = vector.load %arg8[%swap3A_689, %swap3A_690] : memref<64x128xf32, #tpu.memory_space<vmem>>, vector<1x128xf32>
    tpu.vector_store %arg8[%swap3A_689, %swap3A_690], %broadcast_in_dim3A_688 {strides = array<i32>} : memref<64x128xf32, #tpu.memory_space<vmem>>, vector<1x128xf32>,
    %get3A_692 = arith.constant 0 : index
    %get3A_693 = arith.constant 0 : index
    %get3A_694 = arith.constant 1664 : index
    %get3A_695 = arith.constant 0 : index
    %get3A_696 = vector.load %arg2[%get3A_692, %get3A_693, %get3A_694, %get3A_695] : memref<1x1x2048x128xf32, #tpu.memory_space<vmem>>, vector<1x1x128x128xf32>
    %get3A_697 = vector.shape_cast %get3A_696 : vector<1x1x128x128xf32> to vector<128x128xf32>
    %swap3A_698 = arith.constant 0 : index
    %swap3A_699 = arith.constant 3712 : index
    %swap3A_700 = arith.constant 0 : index
    %swap3A_701 = vector.load %arg7[%swap3A_698, %swap3A_699, %swap3A_700] : memref<1x8192x128xf32, #tpu.memory_space<vmem>>, vector<1x128x128xf32>
    %swap3A_702 = vector.shape_cast %swap3A_701 : vector<1x128x128xf32> to vector<128x128xf32>
    %swap3A_703 = vector.shape_cast %get3A_697 : vector<128x128xf32> to vector<1x128x128xf32>
    tpu.vector_store %arg7[%swap3A_698, %swap3A_699, %swap3A_700], %swap3A_703 {strides = array<i32>} : memref<1x8192x128xf32, #tpu.memory_space<vmem>>, vector<1x128x128xf32>,
    %reduce_max3A_704 = arith.constant dense<0xFF800000> : vector<128xf32>
    %reduce_max3A_705 = vector.multi_reduction <maximumf>, %get3A_697, %reduce_max3A_704 [1] : vector<128x128xf32> to vector<128xf32>
    %broadcast_in_dim3A_706 = vector.shape_cast %reduce_max3A_705 : vector<128xf32> to vector<128x1xf32>
    %swap3A_707 = arith.constant 0 : index
    %swap3A_708 = arith.constant 29 : index
    %swap3A_709 = vector.load %arg9[%swap3A_707, %swap3A_708] : memref<128x64xf32, #tpu.memory_space<vmem>>, vector<128x1xf32>
    tpu.vector_store %arg9[%swap3A_707, %swap3A_708], %broadcast_in_dim3A_706 {strides = array<i32>} : memref<128x64xf32, #tpu.memory_space<vmem>>, vector<128x1xf32>,
    %reduce_max3A_710 = arith.constant dense<0xFF800000> : vector<128xf32>
    %reduce_max3A_711 = vector.multi_reduction <maximumf>, %get3A_697, %reduce_max3A_710 [0] : vector<128x128xf32> to vector<128xf32>
    %broadcast_in_dim3A_712 = vector.shape_cast %reduce_max3A_711 : vector<128xf32> to vector<1x128xf32>
    %swap3A_713 = arith.constant 29 : index
    %swap3A_714 = arith.constant 0 : index
    %swap3A_715 = vector.load %arg8[%swap3A_713, %swap3A_714] : memref<64x128xf32, #tpu.memory_space<vmem>>, vector<1x128xf32>
    tpu.vector_store %arg8[%swap3A_713, %swap3A_714], %broadcast_in_dim3A_712 {strides = array<i32>} : memref<64x128xf32, #tpu.memory_space<vmem>>, vector<1x128xf32>,
    %get3A_716 = arith.constant 0 : index
    %get3A_717 = arith.constant 0 : index
    %get3A_718 = arith.constant 1792 : index
    %get3A_719 = arith.constant 0 : index
    %get3A_720 = vector.load %arg2[%get3A_716, %get3A_717, %get3A_718, %get3A_719] : memref<1x1x2048x128xf32, #tpu.memory_space<vmem>>, vector<1x1x128x128xf32>
    %get3A_721 = vector.shape_cast %get3A_720 : vector<1x1x128x128xf32> to vector<128x128xf32>
    %swap3A_722 = arith.constant 0 : index
    %swap3A_723 = arith.constant 3840 : index
    %swap3A_724 = arith.constant 0 : index
    %swap3A_725 = vector.load %arg7[%swap3A_722, %swap3A_723, %swap3A_724] : memref<1x8192x128xf32, #tpu.memory_space<vmem>>, vector<1x128x128xf32>
    %swap3A_726 = vector.shape_cast %swap3A_725 : vector<1x128x128xf32> to vector<128x128xf32>
    %swap3A_727 = vector.shape_cast %get3A_721 : vector<128x128xf32> to vector<1x128x128xf32>
    tpu.vector_store %arg7[%swap3A_722, %swap3A_723, %swap3A_724], %swap3A_727 {strides = array<i32>} : memref<1x8192x128xf32, #tpu.memory_space<vmem>>, vector<1x128x128xf32>,
    %reduce_max3A_728 = arith.constant dense<0xFF800000> : vector<128xf32>
    %reduce_max3A_729 = vector.multi_reduction <maximumf>, %get3A_721, %reduce_max3A_728 [1] : vector<128x128xf32> to vector<128xf32>
    %broadcast_in_dim3A_730 = vector.shape_cast %reduce_max3A_729 : vector<128xf32> to vector<128x1xf32>
    %swap3A_731 = arith.constant 0 : index
    %swap3A_732 = arith.constant 30 : index
    %swap3A_733 = vector.load %arg9[%swap3A_731, %swap3A_732] : memref<128x64xf32, #tpu.memory_space<vmem>>, vector<128x1xf32>
    tpu.vector_store %arg9[%swap3A_731, %swap3A_732], %broadcast_in_dim3A_730 {strides = array<i32>} : memref<128x64xf32, #tpu.memory_space<vmem>>, vector<128x1xf32>,
    %reduce_max3A_734 = arith.constant dense<0xFF800000> : vector<128xf32>
    %reduce_max3A_735 = vector.multi_reduction <maximumf>, %get3A_721, %reduce_max3A_734 [0] : vector<128x128xf32> to vector<128xf32>
    %broadcast_in_dim3A_736 = vector.shape_cast %reduce_max3A_735 : vector<128xf32> to vector<1x128xf32>
    %swap3A_737 = arith.constant 30 : index
    %swap3A_738 = arith.constant 0 : index
    %swap3A_739 = vector.load %arg8[%swap3A_737, %swap3A_738] : memref<64x128xf32, #tpu.memory_space<vmem>>, vector<1x128xf32>
    tpu.vector_store %arg8[%swap3A_737, %swap3A_738], %broadcast_in_dim3A_736 {strides = array<i32>} : memref<64x128xf32, #tpu.memory_space<vmem>>, vector<1x128xf32>,
    %get3A_740 = arith.constant 0 : index
    %get3A_741 = arith.constant 0 : index
    %get3A_742 = arith.constant 1920 : index
    %get3A_743 = arith.constant 0 : index
    %get3A_744 = vector.load %arg2[%get3A_740, %get3A_741, %get3A_742, %get3A_743] : memref<1x1x2048x128xf32, #tpu.memory_space<vmem>>, vector<1x1x128x128xf32>
    %get3A_745 = vector.shape_cast %get3A_744 : vector<1x1x128x128xf32> to vector<128x128xf32>
    %swap3A_746 = arith.constant 0 : index
    %swap3A_747 = arith.constant 3968 : index
    %swap3A_748 = arith.constant 0 : index
    %swap3A_749 = vector.load %arg7[%swap3A_746, %swap3A_747, %swap3A_748] : memref<1x8192x128xf32, #tpu.memory_space<vmem>>, vector<1x128x128xf32>
    %swap3A_750 = vector.shape_cast %swap3A_749 : vector<1x128x128xf32> to vector<128x128xf32>
    %swap3A_751 = vector.shape_cast %get3A_745 : vector<128x128xf32> to vector<1x128x128xf32>
    tpu.vector_store %arg7[%swap3A_746, %swap3A_747, %swap3A_748], %swap3A_751 {strides = array<i32>} : memref<1x8192x128xf32, #tpu.memory_space<vmem>>, vector<1x128x128xf32>,
    %reduce_max3A_752 = arith.constant dense<0xFF800000> : vector<128xf32>
    %reduce_max3A_753 = vector.multi_reduction <maximumf>, %get3A_745, %reduce_max3A_752 [1] : vector<128x128xf32> to vector<128xf32>
    %broadcast_in_dim3A_754 = vector.shape_cast %reduce_max3A_753 : vector<128xf32> to vector<128x1xf32>
    %swap3A_755 = arith.constant 0 : index
    %swap3A_756 = arith.constant 31 : index
    %swap3A_757 = vector.load %arg9[%swap3A_755, %swap3A_756] : memref<128x64xf32, #tpu.memory_space<vmem>>, vector<128x1xf32>
    tpu.vector_store %arg9[%swap3A_755, %swap3A_756], %broadcast_in_dim3A_754 {strides = array<i32>} : memref<128x64xf32, #tpu.memory_space<vmem>>, vector<128x1xf32>,
    %reduce_max3A_758 = arith.constant dense<0xFF800000> : vector<128xf32>
    %reduce_max3A_759 = vector.multi_reduction <maximumf>, %get3A_745, %reduce_max3A_758 [0] : vector<128x128xf32> to vector<128xf32>
    %broadcast_in_dim3A_760 = vector.shape_cast %reduce_max3A_759 : vector<128xf32> to vector<1x128xf32>
    %swap3A_761 = arith.constant 31 : index
    %swap3A_762 = arith.constant 0 : index
    %swap3A_763 = vector.load %arg8[%swap3A_761, %swap3A_762] : memref<64x128xf32, #tpu.memory_space<vmem>>, vector<1x128xf32>
    tpu.vector_store %arg8[%swap3A_761, %swap3A_762], %broadcast_in_dim3A_760 {strides = array<i32>} : memref<64x128xf32, #tpu.memory_space<vmem>>, vector<1x128xf32>,
    %get3A_764 = arith.constant 0 : index
    %get3A_765 = arith.constant 0 : index
    %get3A_766 = arith.constant 0 : index
    %get3A_767 = arith.constant 0 : index
    %get3A_768 = vector.load %arg3[%get3A_764, %get3A_765, %get3A_766, %get3A_767] : memref<1x1x2048x128xf32, #tpu.memory_space<vmem>>, vector<1x1x128x128xf32>
    %get3A_769 = vector.shape_cast %get3A_768 : vector<1x1x128x128xf32> to vector<128x128xf32>
    %swap3A_770 = arith.constant 0 : index
    %swap3A_771 = arith.constant 4096 : index
    %swap3A_772 = arith.constant 0 : index
    %swap3A_773 = vector.load %arg7[%swap3A_770, %swap3A_771, %swap3A_772] : memref<1x8192x128xf32, #tpu.memory_space<vmem>>, vector<1x128x128xf32>
    %swap3A_774 = vector.shape_cast %swap3A_773 : vector<1x128x128xf32> to vector<128x128xf32>
    %swap3A_775 = vector.shape_cast %get3A_769 : vector<128x128xf32> to vector<1x128x128xf32>
    tpu.vector_store %arg7[%swap3A_770, %swap3A_771, %swap3A_772], %swap3A_775 {strides = array<i32>} : memref<1x8192x128xf32, #tpu.memory_space<vmem>>, vector<1x128x128xf32>,
    %reduce_max3A_776 = arith.constant dense<0xFF800000> : vector<128xf32>
    %reduce_max3A_777 = vector.multi_reduction <maximumf>, %get3A_769, %reduce_max3A_776 [1] : vector<128x128xf32> to vector<128xf32>
    %broadcast_in_dim3A_778 = vector.shape_cast %reduce_max3A_777 : vector<128xf32> to vector<128x1xf32>
    %swap3A_779 = arith.constant 0 : index
    %swap3A_780 = arith.constant 32 : index
    %swap3A_781 = vector.load %arg9[%swap3A_779, %swap3A_780] : memref<128x64xf32, #tpu.memory_space<vmem>>, vector<128x1xf32>
    tpu.vector_store %arg9[%swap3A_779, %swap3A_780], %broadcast_in_dim3A_778 {strides = array<i32>} : memref<128x64xf32, #tpu.memory_space<vmem>>, vector<128x1xf32>,
    %reduce_max3A_782 = arith.constant dense<0xFF800000> : vector<128xf32>
    %reduce_max3A_783 = vector.multi_reduction <maximumf>, %get3A_769, %reduce_max3A_782 [0] : vector<128x128xf32> to vector<128xf32>
    %broadcast_in_dim3A_784 = vector.shape_cast %reduce_max3A_783 : vector<128xf32> to vector<1x128xf32>
    %swap3A_785 = arith.constant 32 : index
    %swap3A_786 = arith.constant 0 : index
    %swap3A_787 = vector.load %arg8[%swap3A_785, %swap3A_786] : memref<64x128xf32, #tpu.memory_space<vmem>>, vector<1x128xf32>
    tpu.vector_store %arg8[%swap3A_785, %swap3A_786], %broadcast_in_dim3A_784 {strides = array<i32>} : memref<64x128xf32, #tpu.memory_space<vmem>>, vector<1x128xf32>,
    %get3A_788 = arith.constant 0 : index
    %get3A_789 = arith.constant 0 : index
    %get3A_790 = arith.constant 128 : index
    %get3A_791 = arith.constant 0 : index
    %get3A_792 = vector.load %arg3[%get3A_788, %get3A_789, %get3A_790, %get3A_791] : memref<1x1x2048x128xf32, #tpu.memory_space<vmem>>, vector<1x1x128x128xf32>
    %get3A_793 = vector.shape_cast %get3A_792 : vector<1x1x128x128xf32> to vector<128x128xf32>
    %swap3A_794 = arith.constant 0 : index
    %swap3A_795 = arith.constant 4224 : index
    %swap3A_796 = arith.constant 0 : index
    %swap3A_797 = vector.load %arg7[%swap3A_794, %swap3A_795, %swap3A_796] : memref<1x8192x128xf32, #tpu.memory_space<vmem>>, vector<1x128x128xf32>
    %swap3A_798 = vector.shape_cast %swap3A_797 : vector<1x128x128xf32> to vector<128x128xf32>
    %swap3A_799 = vector.shape_cast %get3A_793 : vector<128x128xf32> to vector<1x128x128xf32>
    tpu.vector_store %arg7[%swap3A_794, %swap3A_795, %swap3A_796], %swap3A_799 {strides = array<i32>} : memref<1x8192x128xf32, #tpu.memory_space<vmem>>, vector<1x128x128xf32>,
    %reduce_max3A_800 = arith.constant dense<0xFF800000> : vector<128xf32>
    %reduce_max3A_801 = vector.multi_reduction <maximumf>, %get3A_793, %reduce_max3A_800 [1] : vector<128x128xf32> to vector<128xf32>
    %broadcast_in_dim3A_802 = vector.shape_cast %reduce_max3A_801 : vector<128xf32> to vector<128x1xf32>
    %swap3A_803 = arith.constant 0 : index
    %swap3A_804 = arith.constant 33 : index
    %swap3A_805 = vector.load %arg9[%swap3A_803, %swap3A_804] : memref<128x64xf32, #tpu.memory_space<vmem>>, vector<128x1xf32>
    tpu.vector_store %arg9[%swap3A_803, %swap3A_804], %broadcast_in_dim3A_802 {strides = array<i32>} : memref<128x64xf32, #tpu.memory_space<vmem>>, vector<128x1xf32>,
    %reduce_max3A_806 = arith.constant dense<0xFF800000> : vector<128xf32>
    %reduce_max3A_807 = vector.multi_reduction <maximumf>, %get3A_793, %reduce_max3A_806 [0] : vector<128x128xf32> to vector<128xf32>
    %broadcast_in_dim3A_808 = vector.shape_cast %reduce_max3A_807 : vector<128xf32> to vector<1x128xf32>
    %swap3A_809 = arith.constant 33 : index
    %swap3A_810 = arith.constant 0 : index
    %swap3A_811 = vector.load %arg8[%swap3A_809, %swap3A_810] : memref<64x128xf32, #tpu.memory_space<vmem>>, vector<1x128xf32>
    tpu.vector_store %arg8[%swap3A_809, %swap3A_810], %broadcast_in_dim3A_808 {strides = array<i32>} : memref<64x128xf32, #tpu.memory_space<vmem>>, vector<1x128xf32>,
    %get3A_812 = arith.constant 0 : index
    %get3A_813 = arith.constant 0 : index
    %get3A_814 = arith.constant 256 : index
    %get3A_815 = arith.constant 0 : index
    %get3A_816 = vector.load %arg3[%get3A_812, %get3A_813, %get3A_814, %get3A_815] : memref<1x1x2048x128xf32, #tpu.memory_space<vmem>>, vector<1x1x128x128xf32>
    %get3A_817 = vector.shape_cast %get3A_816 : vector<1x1x128x128xf32> to vector<128x128xf32>
    %swap3A_818 = arith.constant 0 : index
    %swap3A_819 = arith.constant 4352 : index
    %swap3A_820 = arith.constant 0 : index
    %swap3A_821 = vector.load %arg7[%swap3A_818, %swap3A_819, %swap3A_820] : memref<1x8192x128xf32, #tpu.memory_space<vmem>>, vector<1x128x128xf32>
    %swap3A_822 = vector.shape_cast %swap3A_821 : vector<1x128x128xf32> to vector<128x128xf32>
    %swap3A_823 = vector.shape_cast %get3A_817 : vector<128x128xf32> to vector<1x128x128xf32>
    tpu.vector_store %arg7[%swap3A_818, %swap3A_819, %swap3A_820], %swap3A_823 {strides = array<i32>} : memref<1x8192x128xf32, #tpu.memory_space<vmem>>, vector<1x128x128xf32>,
    %reduce_max3A_824 = arith.constant dense<0xFF800000> : vector<128xf32>
    %reduce_max3A_825 = vector.multi_reduction <maximumf>, %get3A_817, %reduce_max3A_824 [1] : vector<128x128xf32> to vector<128xf32>
    %broadcast_in_dim3A_826 = vector.shape_cast %reduce_max3A_825 : vector<128xf32> to vector<128x1xf32>
    %swap3A_827 = arith.constant 0 : index
    %swap3A_828 = arith.constant 34 : index
    %swap3A_829 = vector.load %arg9[%swap3A_827, %swap3A_828] : memref<128x64xf32, #tpu.memory_space<vmem>>, vector<128x1xf32>
    tpu.vector_store %arg9[%swap3A_827, %swap3A_828], %broadcast_in_dim3A_826 {strides = array<i32>} : memref<128x64xf32, #tpu.memory_space<vmem>>, vector<128x1xf32>,
    %reduce_max3A_830 = arith.constant dense<0xFF800000> : vector<128xf32>
    %reduce_max3A_831 = vector.multi_reduction <maximumf>, %get3A_817, %reduce_max3A_830 [0] : vector<128x128xf32> to vector<128xf32>
    %broadcast_in_dim3A_832 = vector.shape_cast %reduce_max3A_831 : vector<128xf32> to vector<1x128xf32>
    %swap3A_833 = arith.constant 34 : index
    %swap3A_834 = arith.constant 0 : index
    %swap3A_835 = vector.load %arg8[%swap3A_833, %swap3A_834] : memref<64x128xf32, #tpu.memory_space<vmem>>, vector<1x128xf32>
    tpu.vector_store %arg8[%swap3A_833, %swap3A_834], %broadcast_in_dim3A_832 {strides = array<i32>} : memref<64x128xf32, #tpu.memory_space<vmem>>, vector<1x128xf32>,
    %get3A_836 = arith.constant 0 : index
    %get3A_837 = arith.constant 0 : index
    %get3A_838 = arith.constant 384 : index
    %get3A_839 = arith.constant 0 : index
    %get3A_840 = vector.load %arg3[%get3A_836, %get3A_837, %get3A_838, %get3A_839] : memref<1x1x2048x128xf32, #tpu.memory_space<vmem>>, vector<1x1x128x128xf32>
    %get3A_841 = vector.shape_cast %get3A_840 : vector<1x1x128x128xf32> to vector<128x128xf32>
    %swap3A_842 = arith.constant 0 : index
    %swap3A_843 = arith.constant 4480 : index
    %swap3A_844 = arith.constant 0 : index
    %swap3A_845 = vector.load %arg7[%swap3A_842, %swap3A_843, %swap3A_844] : memref<1x8192x128xf32, #tpu.memory_space<vmem>>, vector<1x128x128xf32>
    %swap3A_846 = vector.shape_cast %swap3A_845 : vector<1x128x128xf32> to vector<128x128xf32>
    %swap3A_847 = vector.shape_cast %get3A_841 : vector<128x128xf32> to vector<1x128x128xf32>
    tpu.vector_store %arg7[%swap3A_842, %swap3A_843, %swap3A_844], %swap3A_847 {strides = array<i32>} : memref<1x8192x128xf32, #tpu.memory_space<vmem>>, vector<1x128x128xf32>,
    %reduce_max3A_848 = arith.constant dense<0xFF800000> : vector<128xf32>
    %reduce_max3A_849 = vector.multi_reduction <maximumf>, %get3A_841, %reduce_max3A_848 [1] : vector<128x128xf32> to vector<128xf32>
    %broadcast_in_dim3A_850 = vector.shape_cast %reduce_max3A_849 : vector<128xf32> to vector<128x1xf32>
    %swap3A_851 = arith.constant 0 : index
    %swap3A_852 = arith.constant 35 : index
    %swap3A_853 = vector.load %arg9[%swap3A_851, %swap3A_852] : memref<128x64xf32, #tpu.memory_space<vmem>>, vector<128x1xf32>
    tpu.vector_store %arg9[%swap3A_851, %swap3A_852], %broadcast_in_dim3A_850 {strides = array<i32>} : memref<128x64xf32, #tpu.memory_space<vmem>>, vector<128x1xf32>,
    %reduce_max3A_854 = arith.constant dense<0xFF800000> : vector<128xf32>
    %reduce_max3A_855 = vector.multi_reduction <maximumf>, %get3A_841, %reduce_max3A_854 [0] : vector<128x128xf32> to vector<128xf32>
    %broadcast_in_dim3A_856 = vector.shape_cast %reduce_max3A_855 : vector<128xf32> to vector<1x128xf32>
    %swap3A_857 = arith.constant 35 : index
    %swap3A_858 = arith.constant 0 : index
    %swap3A_859 = vector.load %arg8[%swap3A_857, %swap3A_858] : memref<64x128xf32, #tpu.memory_space<vmem>>, vector<1x128xf32>
    tpu.vector_store %arg8[%swap3A_857, %swap3A_858], %broadcast_in_dim3A_856 {strides = array<i32>} : memref<64x128xf32, #tpu.memory_space<vmem>>, vector<1x128xf32>,
    %get3A_860 = arith.constant 0 : index
    %get3A_861 = arith.constant 0 : index
    %get3A_862 = arith.constant 512 : index
    %get3A_863 = arith.constant 0 : index
    %get3A_864 = vector.load %arg3[%get3A_860, %get3A_861, %get3A_862, %get3A_863] : memref<1x1x2048x128xf32, #tpu.memory_space<vmem>>, vector<1x1x128x128xf32>
    %get3A_865 = vector.shape_cast %get3A_864 : vector<1x1x128x128xf32> to vector<128x128xf32>
    %swap3A_866 = arith.constant 0 : index
    %swap3A_867 = arith.constant 4608 : index
    %swap3A_868 = arith.constant 0 : index
    %swap3A_869 = vector.load %arg7[%swap3A_866, %swap3A_867, %swap3A_868] : memref<1x8192x128xf32, #tpu.memory_space<vmem>>, vector<1x128x128xf32>
    %swap3A_870 = vector.shape_cast %swap3A_869 : vector<1x128x128xf32> to vector<128x128xf32>
    %swap3A_871 = vector.shape_cast %get3A_865 : vector<128x128xf32> to vector<1x128x128xf32>
    tpu.vector_store %arg7[%swap3A_866, %swap3A_867, %swap3A_868], %swap3A_871 {strides = array<i32>} : memref<1x8192x128xf32, #tpu.memory_space<vmem>>, vector<1x128x128xf32>,
    %reduce_max3A_872 = arith.constant dense<0xFF800000> : vector<128xf32>
    %reduce_max3A_873 = vector.multi_reduction <maximumf>, %get3A_865, %reduce_max3A_872 [1] : vector<128x128xf32> to vector<128xf32>
    %broadcast_in_dim3A_874 = vector.shape_cast %reduce_max3A_873 : vector<128xf32> to vector<128x1xf32>
    %swap3A_875 = arith.constant 0 : index
    %swap3A_876 = arith.constant 36 : index
    %swap3A_877 = vector.load %arg9[%swap3A_875, %swap3A_876] : memref<128x64xf32, #tpu.memory_space<vmem>>, vector<128x1xf32>
    tpu.vector_store %arg9[%swap3A_875, %swap3A_876], %broadcast_in_dim3A_874 {strides = array<i32>} : memref<128x64xf32, #tpu.memory_space<vmem>>, vector<128x1xf32>,
    %reduce_max3A_878 = arith.constant dense<0xFF800000> : vector<128xf32>
    %reduce_max3A_879 = vector.multi_reduction <maximumf>, %get3A_865, %reduce_max3A_878 [0] : vector<128x128xf32> to vector<128xf32>
    %broadcast_in_dim3A_880 = vector.shape_cast %reduce_max3A_879 : vector<128xf32> to vector<1x128xf32>
    %swap3A_881 = arith.constant 36 : index
    %swap3A_882 = arith.constant 0 : index
    %swap3A_883 = vector.load %arg8[%swap3A_881, %swap3A_882] : memref<64x128xf32, #tpu.memory_space<vmem>>, vector<1x128xf32>
    tpu.vector_store %arg8[%swap3A_881, %swap3A_882], %broadcast_in_dim3A_880 {strides = array<i32>} : memref<64x128xf32, #tpu.memory_space<vmem>>, vector<1x128xf32>,
    %get3A_884 = arith.constant 0 : index
    %get3A_885 = arith.constant 0 : index
    %get3A_886 = arith.constant 640 : index
    %get3A_887 = arith.constant 0 : index
    %get3A_888 = vector.load %arg3[%get3A_884, %get3A_885, %get3A_886, %get3A_887] : memref<1x1x2048x128xf32, #tpu.memory_space<vmem>>, vector<1x1x128x128xf32>
    %get3A_889 = vector.shape_cast %get3A_888 : vector<1x1x128x128xf32> to vector<128x128xf32>
    %swap3A_890 = arith.constant 0 : index
    %swap3A_891 = arith.constant 4736 : index
    %swap3A_892 = arith.constant 0 : index
    %swap3A_893 = vector.load %arg7[%swap3A_890, %swap3A_891, %swap3A_892] : memref<1x8192x128xf32, #tpu.memory_space<vmem>>, vector<1x128x128xf32>
    %swap3A_894 = vector.shape_cast %swap3A_893 : vector<1x128x128xf32> to vector<128x128xf32>
    %swap3A_895 = vector.shape_cast %get3A_889 : vector<128x128xf32> to vector<1x128x128xf32>
    tpu.vector_store %arg7[%swap3A_890, %swap3A_891, %swap3A_892], %swap3A_895 {strides = array<i32>} : memref<1x8192x128xf32, #tpu.memory_space<vmem>>, vector<1x128x128xf32>,
    %reduce_max3A_896 = arith.constant dense<0xFF800000> : vector<128xf32>
    %reduce_max3A_897 = vector.multi_reduction <maximumf>, %get3A_889, %reduce_max3A_896 [1] : vector<128x128xf32> to vector<128xf32>
    %broadcast_in_dim3A_898 = vector.shape_cast %reduce_max3A_897 : vector<128xf32> to vector<128x1xf32>
    %swap3A_899 = arith.constant 0 : index
    %swap3A_900 = arith.constant 37 : index
    %swap3A_901 = vector.load %arg9[%swap3A_899, %swap3A_900] : memref<128x64xf32, #tpu.memory_space<vmem>>, vector<128x1xf32>
    tpu.vector_store %arg9[%swap3A_899, %swap3A_900], %broadcast_in_dim3A_898 {strides = array<i32>} : memref<128x64xf32, #tpu.memory_space<vmem>>, vector<128x1xf32>,
    %reduce_max3A_902 = arith.constant dense<0xFF800000> : vector<128xf32>
    %reduce_max3A_903 = vector.multi_reduction <maximumf>, %get3A_889, %reduce_max3A_902 [0] : vector<128x128xf32> to vector<128xf32>
    %broadcast_in_dim3A_904 = vector.shape_cast %reduce_max3A_903 : vector<128xf32> to vector<1x128xf32>
    %swap3A_905 = arith.constant 37 : index
    %swap3A_906 = arith.constant 0 : index
    %swap3A_907 = vector.load %arg8[%swap3A_905, %swap3A_906] : memref<64x128xf32, #tpu.memory_space<vmem>>, vector<1x128xf32>
    tpu.vector_store %arg8[%swap3A_905, %swap3A_906], %broadcast_in_dim3A_904 {strides = array<i32>} : memref<64x128xf32, #tpu.memory_space<vmem>>, vector<1x128xf32>,
    %get3A_908 = arith.constant 0 : index
    %get3A_909 = arith.constant 0 : index
    %get3A_910 = arith.constant 768 : index
    %get3A_911 = arith.constant 0 : index
    %get3A_912 = vector.load %arg3[%get3A_908, %get3A_909, %get3A_910, %get3A_911] : memref<1x1x2048x128xf32, #tpu.memory_space<vmem>>, vector<1x1x128x128xf32>
    %get3A_913 = vector.shape_cast %get3A_912 : vector<1x1x128x128xf32> to vector<128x128xf32>
    %swap3A_914 = arith.constant 0 : index
    %swap3A_915 = arith.constant 4864 : index
    %swap3A_916 = arith.constant 0 : index
    %swap3A_917 = vector.load %arg7[%swap3A_914, %swap3A_915, %swap3A_916] : memref<1x8192x128xf32, #tpu.memory_space<vmem>>, vector<1x128x128xf32>
    %swap3A_918 = vector.shape_cast %swap3A_917 : vector<1x128x128xf32> to vector<128x128xf32>
    %swap3A_919 = vector.shape_cast %get3A_913 : vector<128x128xf32> to vector<1x128x128xf32>
    tpu.vector_store %arg7[%swap3A_914, %swap3A_915, %swap3A_916], %swap3A_919 {strides = array<i32>} : memref<1x8192x128xf32, #tpu.memory_space<vmem>>, vector<1x128x128xf32>,
    %reduce_max3A_920 = arith.constant dense<0xFF800000> : vector<128xf32>
    %reduce_max3A_921 = vector.multi_reduction <maximumf>, %get3A_913, %reduce_max3A_920 [1] : vector<128x128xf32> to vector<128xf32>
    %broadcast_in_dim3A_922 = vector.shape_cast %reduce_max3A_921 : vector<128xf32> to vector<128x1xf32>
    %swap3A_923 = arith.constant 0 : index
    %swap3A_924 = arith.constant 38 : index
    %swap3A_925 = vector.load %arg9[%swap3A_923, %swap3A_924] : memref<128x64xf32, #tpu.memory_space<vmem>>, vector<128x1xf32>
    tpu.vector_store %arg9[%swap3A_923, %swap3A_924], %broadcast_in_dim3A_922 {strides = array<i32>} : memref<128x64xf32, #tpu.memory_space<vmem>>, vector<128x1xf32>,
    %reduce_max3A_926 = arith.constant dense<0xFF800000> : vector<128xf32>
    %reduce_max3A_927 = vector.multi_reduction <maximumf>, %get3A_913, %reduce_max3A_926 [0] : vector<128x128xf32> to vector<128xf32>
    %broadcast_in_dim3A_928 = vector.shape_cast %reduce_max3A_927 : vector<128xf32> to vector<1x128xf32>
    %swap3A_929 = arith.constant 38 : index
    %swap3A_930 = arith.constant 0 : index
    %swap3A_931 = vector.load %arg8[%swap3A_929, %swap3A_930] : memref<64x128xf32, #tpu.memory_space<vmem>>, vector<1x128xf32>
    tpu.vector_store %arg8[%swap3A_929, %swap3A_930], %broadcast_in_dim3A_928 {strides = array<i32>} : memref<64x128xf32, #tpu.memory_space<vmem>>, vector<1x128xf32>,
    %get3A_932 = arith.constant 0 : index
    %get3A_933 = arith.constant 0 : index
    %get3A_934 = arith.constant 896 : index
    %get3A_935 = arith.constant 0 : index
    %get3A_936 = vector.load %arg3[%get3A_932, %get3A_933, %get3A_934, %get3A_935] : memref<1x1x2048x128xf32, #tpu.memory_space<vmem>>, vector<1x1x128x128xf32>
    %get3A_937 = vector.shape_cast %get3A_936 : vector<1x1x128x128xf32> to vector<128x128xf32>
    %swap3A_938 = arith.constant 0 : index
    %swap3A_939 = arith.constant 4992 : index
    %swap3A_940 = arith.constant 0 : index
    %swap3A_941 = vector.load %arg7[%swap3A_938, %swap3A_939, %swap3A_940] : memref<1x8192x128xf32, #tpu.memory_space<vmem>>, vector<1x128x128xf32>
    %swap3A_942 = vector.shape_cast %swap3A_941 : vector<1x128x128xf32> to vector<128x128xf32>
    %swap3A_943 = vector.shape_cast %get3A_937 : vector<128x128xf32> to vector<1x128x128xf32>
    tpu.vector_store %arg7[%swap3A_938, %swap3A_939, %swap3A_940], %swap3A_943 {strides = array<i32>} : memref<1x8192x128xf32, #tpu.memory_space<vmem>>, vector<1x128x128xf32>,
    %reduce_max3A_944 = arith.constant dense<0xFF800000> : vector<128xf32>
    %reduce_max3A_945 = vector.multi_reduction <maximumf>, %get3A_937, %reduce_max3A_944 [1] : vector<128x128xf32> to vector<128xf32>
    %broadcast_in_dim3A_946 = vector.shape_cast %reduce_max3A_945 : vector<128xf32> to vector<128x1xf32>
    %swap3A_947 = arith.constant 0 : index
    %swap3A_948 = arith.constant 39 : index
    %swap3A_949 = vector.load %arg9[%swap3A_947, %swap3A_948] : memref<128x64xf32, #tpu.memory_space<vmem>>, vector<128x1xf32>
    tpu.vector_store %arg9[%swap3A_947, %swap3A_948], %broadcast_in_dim3A_946 {strides = array<i32>} : memref<128x64xf32, #tpu.memory_space<vmem>>, vector<128x1xf32>,
    %reduce_max3A_950 = arith.constant dense<0xFF800000> : vector<128xf32>
    %reduce_max3A_951 = vector.multi_reduction <maximumf>, %get3A_937, %reduce_max3A_950 [0] : vector<128x128xf32> to vector<128xf32>
    %broadcast_in_dim3A_952 = vector.shape_cast %reduce_max3A_951 : vector<128xf32> to vector<1x128xf32>
    %swap3A_953 = arith.constant 39 : index
    %swap3A_954 = arith.constant 0 : index
    %swap3A_955 = vector.load %arg8[%swap3A_953, %swap3A_954] : memref<64x128xf32, #tpu.memory_space<vmem>>, vector<1x128xf32>
    tpu.vector_store %arg8[%swap3A_953, %swap3A_954], %broadcast_in_dim3A_952 {strides = array<i32>} : memref<64x128xf32, #tpu.memory_space<vmem>>, vector<1x128xf32>,
    %get3A_956 = arith.constant 0 : index
    %get3A_957 = arith.constant 0 : index
    %get3A_958 = arith.constant 1024 : index
    %get3A_959 = arith.constant 0 : index
    %get3A_960 = vector.load %arg3[%get3A_956, %get3A_957, %get3A_958, %get3A_959] : memref<1x1x2048x128xf32, #tpu.memory_space<vmem>>, vector<1x1x128x128xf32>
    %get3A_961 = vector.shape_cast %get3A_960 : vector<1x1x128x128xf32> to vector<128x128xf32>
    %swap3A_962 = arith.constant 0 : index
    %swap3A_963 = arith.constant 5120 : index
    %swap3A_964 = arith.constant 0 : index
    %swap3A_965 = vector.load %arg7[%swap3A_962, %swap3A_963, %swap3A_964] : memref<1x8192x128xf32, #tpu.memory_space<vmem>>, vector<1x128x128xf32>
    %swap3A_966 = vector.shape_cast %swap3A_965 : vector<1x128x128xf32> to vector<128x128xf32>
    %swap3A_967 = vector.shape_cast %get3A_961 : vector<128x128xf32> to vector<1x128x128xf32>
    tpu.vector_store %arg7[%swap3A_962, %swap3A_963, %swap3A_964], %swap3A_967 {strides = array<i32>} : memref<1x8192x128xf32, #tpu.memory_space<vmem>>, vector<1x128x128xf32>,
    %reduce_max3A_968 = arith.constant dense<0xFF800000> : vector<128xf32>
    %reduce_max3A_969 = vector.multi_reduction <maximumf>, %get3A_961, %reduce_max3A_968 [1] : vector<128x128xf32> to vector<128xf32>
    %broadcast_in_dim3A_970 = vector.shape_cast %reduce_max3A_969 : vector<128xf32> to vector<128x1xf32>
    %swap3A_971 = arith.constant 0 : index
    %swap3A_972 = arith.constant 40 : index
    %swap3A_973 = vector.load %arg9[%swap3A_971, %swap3A_972] : memref<128x64xf32, #tpu.memory_space<vmem>>, vector<128x1xf32>
    tpu.vector_store %arg9[%swap3A_971, %swap3A_972], %broadcast_in_dim3A_970 {strides = array<i32>} : memref<128x64xf32, #tpu.memory_space<vmem>>, vector<128x1xf32>,
    %reduce_max3A_974 = arith.constant dense<0xFF800000> : vector<128xf32>
    %reduce_max3A_975 = vector.multi_reduction <maximumf>, %get3A_961, %reduce_max3A_974 [0] : vector<128x128xf32> to vector<128xf32>
    %broadcast_in_dim3A_976 = vector.shape_cast %reduce_max3A_975 : vector<128xf32> to vector<1x128xf32>
    %swap3A_977 = arith.constant 40 : index
    %swap3A_978 = arith.constant 0 : index
    %swap3A_979 = vector.load %arg8[%swap3A_977, %swap3A_978] : memref<64x128xf32, #tpu.memory_space<vmem>>, vector<1x128xf32>
    tpu.vector_store %arg8[%swap3A_977, %swap3A_978], %broadcast_in_dim3A_976 {strides = array<i32>} : memref<64x128xf32, #tpu.memory_space<vmem>>, vector<1x128xf32>,
    %get3A_980 = arith.constant 0 : index
    %get3A_981 = arith.constant 0 : index
    %get3A_982 = arith.constant 1152 : index
    %get3A_983 = arith.constant 0 : index
    %get3A_984 = vector.load %arg3[%get3A_980, %get3A_981, %get3A_982, %get3A_983] : memref<1x1x2048x128xf32, #tpu.memory_space<vmem>>, vector<1x1x128x128xf32>
    %get3A_985 = vector.shape_cast %get3A_984 : vector<1x1x128x128xf32> to vector<128x128xf32>
    %swap3A_986 = arith.constant 0 : index
    %swap3A_987 = arith.constant 5248 : index
    %swap3A_988 = arith.constant 0 : index
    %swap3A_989 = vector.load %arg7[%swap3A_986, %swap3A_987, %swap3A_988] : memref<1x8192x128xf32, #tpu.memory_space<vmem>>, vector<1x128x128xf32>
    %swap3A_990 = vector.shape_cast %swap3A_989 : vector<1x128x128xf32> to vector<128x128xf32>
    %swap3A_991 = vector.shape_cast %get3A_985 : vector<128x128xf32> to vector<1x128x128xf32>
    tpu.vector_store %arg7[%swap3A_986, %swap3A_987, %swap3A_988], %swap3A_991 {strides = array<i32>} : memref<1x8192x128xf32, #tpu.memory_space<vmem>>, vector<1x128x128xf32>,
    %reduce_max3A_992 = arith.constant dense<0xFF800000> : vector<128xf32>
    %reduce_max3A_993 = vector.multi_reduction <maximumf>, %get3A_985, %reduce_max3A_992 [1] : vector<128x128xf32> to vector<128xf32>
    %broadcast_in_dim3A_994 = vector.shape_cast %reduce_max3A_993 : vector<128xf32> to vector<128x1xf32>
    %swap3A_995 = arith.constant 0 : index
    %swap3A_996 = arith.constant 41 : index
    %swap3A_997 = vector.load %arg9[%swap3A_995, %swap3A_996] : memref<128x64xf32, #tpu.memory_space<vmem>>, vector<128x1xf32>
    tpu.vector_store %arg9[%swap3A_995, %swap3A_996], %broadcast_in_dim3A_994 {strides = array<i32>} : memref<128x64xf32, #tpu.memory_space<vmem>>, vector<128x1xf32>,
    %reduce_max3A_998 = arith.constant dense<0xFF800000> : vector<128xf32>
    %reduce_max3A_999 = vector.multi_reduction <maximumf>, %get3A_985, %reduce_max3A_998 [0] : vector<128x128xf32> to vector<128xf32>
    %broadcast_in_dim3A_1000 = vector.shape_cast %reduce_max3A_999 : vector<128xf32> to vector<1x128xf32>
    %swap3A_1001 = arith.constant 41 : index
    %swap3A_1002 = arith.constant 0 : index
    %swap3A_1003 = vector.load %arg8[%swap3A_1001, %swap3A_1002] : memref<64x128xf32, #tpu.memory_space<vmem>>, vector<1x128xf32>
    tpu.vector_store %arg8[%swap3A_1001, %swap3A_1002], %broadcast_in_dim3A_1000 {strides = array<i32>} : memref<64x128xf32, #tpu.memory_space<vmem>>, vector<1x128xf32>,
    %get3A_1004 = arith.constant 0 : index
    %get3A_1005 = arith.constant 0 : index
    %get3A_1006 = arith.constant 1280 : index
    %get3A_1007 = arith.constant 0 : index
    %get3A_1008 = vector.load %arg3[%get3A_1004, %get3A_1005, %get3A_1006, %get3A_1007] : memref<1x1x2048x128xf32, #tpu.memory_space<vmem>>, vector<1x1x128x128xf32>
    %get3A_1009 = vector.shape_cast %get3A_1008 : vector<1x1x128x128xf32> to vector<128x128xf32>
    %swap3A_1010 = arith.constant 0 : index
    %swap3A_1011 = arith.constant 5376 : index
    %swap3A_1012 = arith.constant 0 : index
    %swap3A_1013 = vector.load %arg7[%swap3A_1010, %swap3A_1011, %swap3A_1012] : memref<1x8192x128xf32, #tpu.memory_space<vmem>>, vector<1x128x128xf32>
    %swap3A_1014 = vector.shape_cast %swap3A_1013 : vector<1x128x128xf32> to vector<128x128xf32>
    %swap3A_1015 = vector.shape_cast %get3A_1009 : vector<128x128xf32> to vector<1x128x128xf32>
    tpu.vector_store %arg7[%swap3A_1010, %swap3A_1011, %swap3A_1012], %swap3A_1015 {strides = array<i32>} : memref<1x8192x128xf32, #tpu.memory_space<vmem>>, vector<1x128x128xf32>,
    %reduce_max3A_1016 = arith.constant dense<0xFF800000> : vector<128xf32>
    %reduce_max3A_1017 = vector.multi_reduction <maximumf>, %get3A_1009, %reduce_max3A_1016 [1] : vector<128x128xf32> to vector<128xf32>
    %broadcast_in_dim3A_1018 = vector.shape_cast %reduce_max3A_1017 : vector<128xf32> to vector<128x1xf32>
    %swap3A_1019 = arith.constant 0 : index
    %swap3A_1020 = arith.constant 42 : index
    %swap3A_1021 = vector.load %arg9[%swap3A_1019, %swap3A_1020] : memref<128x64xf32, #tpu.memory_space<vmem>>, vector<128x1xf32>
    tpu.vector_store %arg9[%swap3A_1019, %swap3A_1020], %broadcast_in_dim3A_1018 {strides = array<i32>} : memref<128x64xf32, #tpu.memory_space<vmem>>, vector<128x1xf32>,
    %reduce_max3A_1022 = arith.constant dense<0xFF800000> : vector<128xf32>
    %reduce_max3A_1023 = vector.multi_reduction <maximumf>, %get3A_1009, %reduce_max3A_1022 [0] : vector<128x128xf32> to vector<128xf32>
    %broadcast_in_dim3A_1024 = vector.shape_cast %reduce_max3A_1023 : vector<128xf32> to vector<1x128xf32>
    %swap3A_1025 = arith.constant 42 : index
    %swap3A_1026 = arith.constant 0 : index
    %swap3A_1027 = vector.load %arg8[%swap3A_1025, %swap3A_1026] : memref<64x128xf32, #tpu.memory_space<vmem>>, vector<1x128xf32>
    tpu.vector_store %arg8[%swap3A_1025, %swap3A_1026], %broadcast_in_dim3A_1024 {strides = array<i32>} : memref<64x128xf32, #tpu.memory_space<vmem>>, vector<1x128xf32>,
    %get3A_1028 = arith.constant 0 : index
    %get3A_1029 = arith.constant 0 : index
    %get3A_1030 = arith.constant 1408 : index
    %get3A_1031 = arith.constant 0 : index
    %get3A_1032 = vector.load %arg3[%get3A_1028, %get3A_1029, %get3A_1030, %get3A_1031] : memref<1x1x2048x128xf32, #tpu.memory_space<vmem>>, vector<1x1x128x128xf32>
    %get3A_1033 = vector.shape_cast %get3A_1032 : vector<1x1x128x128xf32> to vector<128x128xf32>
    %swap3A_1034 = arith.constant 0 : index
    %swap3A_1035 = arith.constant 5504 : index
    %swap3A_1036 = arith.constant 0 : index
    %swap3A_1037 = vector.load %arg7[%swap3A_1034, %swap3A_1035, %swap3A_1036] : memref<1x8192x128xf32, #tpu.memory_space<vmem>>, vector<1x128x128xf32>
    %swap3A_1038 = vector.shape_cast %swap3A_1037 : vector<1x128x128xf32> to vector<128x128xf32>
    %swap3A_1039 = vector.shape_cast %get3A_1033 : vector<128x128xf32> to vector<1x128x128xf32>
    tpu.vector_store %arg7[%swap3A_1034, %swap3A_1035, %swap3A_1036], %swap3A_1039 {strides = array<i32>} : memref<1x8192x128xf32, #tpu.memory_space<vmem>>, vector<1x128x128xf32>,
    %reduce_max3A_1040 = arith.constant dense<0xFF800000> : vector<128xf32>
    %reduce_max3A_1041 = vector.multi_reduction <maximumf>, %get3A_1033, %reduce_max3A_1040 [1] : vector<128x128xf32> to vector<128xf32>
    %broadcast_in_dim3A_1042 = vector.shape_cast %reduce_max3A_1041 : vector<128xf32> to vector<128x1xf32>
    %swap3A_1043 = arith.constant 0 : index
    %swap3A_1044 = arith.constant 43 : index
    %swap3A_1045 = vector.load %arg9[%swap3A_1043, %swap3A_1044] : memref<128x64xf32, #tpu.memory_space<vmem>>, vector<128x1xf32>
    tpu.vector_store %arg9[%swap3A_1043, %swap3A_1044], %broadcast_in_dim3A_1042 {strides = array<i32>} : memref<128x64xf32, #tpu.memory_space<vmem>>, vector<128x1xf32>,
    %reduce_max3A_1046 = arith.constant dense<0xFF800000> : vector<128xf32>
    %reduce_max3A_1047 = vector.multi_reduction <maximumf>, %get3A_1033, %reduce_max3A_1046 [0] : vector<128x128xf32> to vector<128xf32>
    %broadcast_in_dim3A_1048 = vector.shape_cast %reduce_max3A_1047 : vector<128xf32> to vector<1x128xf32>
    %swap3A_1049 = arith.constant 43 : index
    %swap3A_1050 = arith.constant 0 : index
    %swap3A_1051 = vector.load %arg8[%swap3A_1049, %swap3A_1050] : memref<64x128xf32, #tpu.memory_space<vmem>>, vector<1x128xf32>
    tpu.vector_store %arg8[%swap3A_1049, %swap3A_1050], %broadcast_in_dim3A_1048 {strides = array<i32>} : memref<64x128xf32, #tpu.memory_space<vmem>>, vector<1x128xf32>,
    %get3A_1052 = arith.constant 0 : index
    %get3A_1053 = arith.constant 0 : index
    %get3A_1054 = arith.constant 1536 : index
    %get3A_1055 = arith.constant 0 : index
    %get3A_1056 = vector.load %arg3[%get3A_1052, %get3A_1053, %get3A_1054, %get3A_1055] : memref<1x1x2048x128xf32, #tpu.memory_space<vmem>>, vector<1x1x128x128xf32>
    %get3A_1057 = vector.shape_cast %get3A_1056 : vector<1x1x128x128xf32> to vector<128x128xf32>
    %swap3A_1058 = arith.constant 0 : index
    %swap3A_1059 = arith.constant 5632 : index
    %swap3A_1060 = arith.constant 0 : index
    %swap3A_1061 = vector.load %arg7[%swap3A_1058, %swap3A_1059, %swap3A_1060] : memref<1x8192x128xf32, #tpu.memory_space<vmem>>, vector<1x128x128xf32>
    %swap3A_1062 = vector.shape_cast %swap3A_1061 : vector<1x128x128xf32> to vector<128x128xf32>
    %swap3A_1063 = vector.shape_cast %get3A_1057 : vector<128x128xf32> to vector<1x128x128xf32>
    tpu.vector_store %arg7[%swap3A_1058, %swap3A_1059, %swap3A_1060], %swap3A_1063 {strides = array<i32>} : memref<1x8192x128xf32, #tpu.memory_space<vmem>>, vector<1x128x128xf32>,
    %reduce_max3A_1064 = arith.constant dense<0xFF800000> : vector<128xf32>
    %reduce_max3A_1065 = vector.multi_reduction <maximumf>, %get3A_1057, %reduce_max3A_1064 [1] : vector<128x128xf32> to vector<128xf32>
    %broadcast_in_dim3A_1066 = vector.shape_cast %reduce_max3A_1065 : vector<128xf32> to vector<128x1xf32>
    %swap3A_1067 = arith.constant 0 : index
    %swap3A_1068 = arith.constant 44 : index
    %swap3A_1069 = vector.load %arg9[%swap3A_1067, %swap3A_1068] : memref<128x64xf32, #tpu.memory_space<vmem>>, vector<128x1xf32>
    tpu.vector_store %arg9[%swap3A_1067, %swap3A_1068], %broadcast_in_dim3A_1066 {strides = array<i32>} : memref<128x64xf32, #tpu.memory_space<vmem>>, vector<128x1xf32>,
    %reduce_max3A_1070 = arith.constant dense<0xFF800000> : vector<128xf32>
    %reduce_max3A_1071 = vector.multi_reduction <maximumf>, %get3A_1057, %reduce_max3A_1070 [0] : vector<128x128xf32> to vector<128xf32>
    %broadcast_in_dim3A_1072 = vector.shape_cast %reduce_max3A_1071 : vector<128xf32> to vector<1x128xf32>
    %swap3A_1073 = arith.constant 44 : index
    %swap3A_1074 = arith.constant 0 : index
    %swap3A_1075 = vector.load %arg8[%swap3A_1073, %swap3A_1074] : memref<64x128xf32, #tpu.memory_space<vmem>>, vector<1x128xf32>
    tpu.vector_store %arg8[%swap3A_1073, %swap3A_1074], %broadcast_in_dim3A_1072 {strides = array<i32>} : memref<64x128xf32, #tpu.memory_space<vmem>>, vector<1x128xf32>,
    %get3A_1076 = arith.constant 0 : index
    %get3A_1077 = arith.constant 0 : index
    %get3A_1078 = arith.constant 1664 : index
    %get3A_1079 = arith.constant 0 : index
    %get3A_1080 = vector.load %arg3[%get3A_1076, %get3A_1077, %get3A_1078, %get3A_1079] : memref<1x1x2048x128xf32, #tpu.memory_space<vmem>>, vector<1x1x128x128xf32>
    %get3A_1081 = vector.shape_cast %get3A_1080 : vector<1x1x128x128xf32> to vector<128x128xf32>
    %swap3A_1082 = arith.constant 0 : index
    %swap3A_1083 = arith.constant 5760 : index
    %swap3A_1084 = arith.constant 0 : index
    %swap3A_1085 = vector.load %arg7[%swap3A_1082, %swap3A_1083, %swap3A_1084] : memref<1x8192x128xf32, #tpu.memory_space<vmem>>, vector<1x128x128xf32>
    %swap3A_1086 = vector.shape_cast %swap3A_1085 : vector<1x128x128xf32> to vector<128x128xf32>
    %swap3A_1087 = vector.shape_cast %get3A_1081 : vector<128x128xf32> to vector<1x128x128xf32>
    tpu.vector_store %arg7[%swap3A_1082, %swap3A_1083, %swap3A_1084], %swap3A_1087 {strides = array<i32>} : memref<1x8192x128xf32, #tpu.memory_space<vmem>>, vector<1x128x128xf32>,
    %reduce_max3A_1088 = arith.constant dense<0xFF800000> : vector<128xf32>
    %reduce_max3A_1089 = vector.multi_reduction <maximumf>, %get3A_1081, %reduce_max3A_1088 [1] : vector<128x128xf32> to vector<128xf32>
    %broadcast_in_dim3A_1090 = vector.shape_cast %reduce_max3A_1089 : vector<128xf32> to vector<128x1xf32>
    %swap3A_1091 = arith.constant 0 : index
    %swap3A_1092 = arith.constant 45 : index
    %swap3A_1093 = vector.load %arg9[%swap3A_1091, %swap3A_1092] : memref<128x64xf32, #tpu.memory_space<vmem>>, vector<128x1xf32>
    tpu.vector_store %arg9[%swap3A_1091, %swap3A_1092], %broadcast_in_dim3A_1090 {strides = array<i32>} : memref<128x64xf32, #tpu.memory_space<vmem>>, vector<128x1xf32>,
    %reduce_max3A_1094 = arith.constant dense<0xFF800000> : vector<128xf32>
    %reduce_max3A_1095 = vector.multi_reduction <maximumf>, %get3A_1081, %reduce_max3A_1094 [0] : vector<128x128xf32> to vector<128xf32>
    %broadcast_in_dim3A_1096 = vector.shape_cast %reduce_max3A_1095 : vector<128xf32> to vector<1x128xf32>
    %swap3A_1097 = arith.constant 45 : index
    %swap3A_1098 = arith.constant 0 : index
    %swap3A_1099 = vector.load %arg8[%swap3A_1097, %swap3A_1098] : memref<64x128xf32, #tpu.memory_space<vmem>>, vector<1x128xf32>
    tpu.vector_store %arg8[%swap3A_1097, %swap3A_1098], %broadcast_in_dim3A_1096 {strides = array<i32>} : memref<64x128xf32, #tpu.memory_space<vmem>>, vector<1x128xf32>,
    %get3A_1100 = arith.constant 0 : index
    %get3A_1101 = arith.constant 0 : index
    %get3A_1102 = arith.constant 1792 : index
    %get3A_1103 = arith.constant 0 : index
    %get3A_1104 = vector.load %arg3[%get3A_1100, %get3A_1101, %get3A_1102, %get3A_1103] : memref<1x1x2048x128xf32, #tpu.memory_space<vmem>>, vector<1x1x128x128xf32>
    %get3A_1105 = vector.shape_cast %get3A_1104 : vector<1x1x128x128xf32> to vector<128x128xf32>
    %swap3A_1106 = arith.constant 0 : index
    %swap3A_1107 = arith.constant 5888 : index
    %swap3A_1108 = arith.constant 0 : index
    %swap3A_1109 = vector.load %arg7[%swap3A_1106, %swap3A_1107, %swap3A_1108] : memref<1x8192x128xf32, #tpu.memory_space<vmem>>, vector<1x128x128xf32>
    %swap3A_1110 = vector.shape_cast %swap3A_1109 : vector<1x128x128xf32> to vector<128x128xf32>
    %swap3A_1111 = vector.shape_cast %get3A_1105 : vector<128x128xf32> to vector<1x128x128xf32>
    tpu.vector_store %arg7[%swap3A_1106, %swap3A_1107, %swap3A_1108], %swap3A_1111 {strides = array<i32>} : memref<1x8192x128xf32, #tpu.memory_space<vmem>>, vector<1x128x128xf32>,
    %reduce_max3A_1112 = arith.constant dense<0xFF800000> : vector<128xf32>
    %reduce_max3A_1113 = vector.multi_reduction <maximumf>, %get3A_1105, %reduce_max3A_1112 [1] : vector<128x128xf32> to vector<128xf32>
    %broadcast_in_dim3A_1114 = vector.shape_cast %reduce_max3A_1113 : vector<128xf32> to vector<128x1xf32>
    %swap3A_1115 = arith.constant 0 : index
    %swap3A_1116 = arith.constant 46 : index
    %swap3A_1117 = vector.load %arg9[%swap3A_1115, %swap3A_1116] : memref<128x64xf32, #tpu.memory_space<vmem>>, vector<128x1xf32>
    tpu.vector_store %arg9[%swap3A_1115, %swap3A_1116], %broadcast_in_dim3A_1114 {strides = array<i32>} : memref<128x64xf32, #tpu.memory_space<vmem>>, vector<128x1xf32>,
    %reduce_max3A_1118 = arith.constant dense<0xFF800000> : vector<128xf32>
    %reduce_max3A_1119 = vector.multi_reduction <maximumf>, %get3A_1105, %reduce_max3A_1118 [0] : vector<128x128xf32> to vector<128xf32>
    %broadcast_in_dim3A_1120 = vector.shape_cast %reduce_max3A_1119 : vector<128xf32> to vector<1x128xf32>
    %swap3A_1121 = arith.constant 46 : index
    %swap3A_1122 = arith.constant 0 : index
    %swap3A_1123 = vector.load %arg8[%swap3A_1121, %swap3A_1122] : memref<64x128xf32, #tpu.memory_space<vmem>>, vector<1x128xf32>
    tpu.vector_store %arg8[%swap3A_1121, %swap3A_1122], %broadcast_in_dim3A_1120 {strides = array<i32>} : memref<64x128xf32, #tpu.memory_space<vmem>>, vector<1x128xf32>,
    %get3A_1124 = arith.constant 0 : index
    %get3A_1125 = arith.constant 0 : index
    %get3A_1126 = arith.constant 1920 : index
    %get3A_1127 = arith.constant 0 : index
    %get3A_1128 = vector.load %arg3[%get3A_1124, %get3A_1125, %get3A_1126, %get3A_1127] : memref<1x1x2048x128xf32, #tpu.memory_space<vmem>>, vector<1x1x128x128xf32>
    %get3A_1129 = vector.shape_cast %get3A_1128 : vector<1x1x128x128xf32> to vector<128x128xf32>
    %swap3A_1130 = arith.constant 0 : index
    %swap3A_1131 = arith.constant 6016 : index
    %swap3A_1132 = arith.constant 0 : index
    %swap3A_1133 = vector.load %arg7[%swap3A_1130, %swap3A_1131, %swap3A_1132] : memref<1x8192x128xf32, #tpu.memory_space<vmem>>, vector<1x128x128xf32>
    %swap3A_1134 = vector.shape_cast %swap3A_1133 : vector<1x128x128xf32> to vector<128x128xf32>
    %swap3A_1135 = vector.shape_cast %get3A_1129 : vector<128x128xf32> to vector<1x128x128xf32>
    tpu.vector_store %arg7[%swap3A_1130, %swap3A_1131, %swap3A_1132], %swap3A_1135 {strides = array<i32>} : memref<1x8192x128xf32, #tpu.memory_space<vmem>>, vector<1x128x128xf32>,
    %reduce_max3A_1136 = arith.constant dense<0xFF800000> : vector<128xf32>
    %reduce_max3A_1137 = vector.multi_reduction <maximumf>, %get3A_1129, %reduce_max3A_1136 [1] : vector<128x128xf32> to vector<128xf32>
    %broadcast_in_dim3A_1138 = vector.shape_cast %reduce_max3A_1137 : vector<128xf32> to vector<128x1xf32>
    %swap3A_1139 = arith.constant 0 : index
    %swap3A_1140 = arith.constant 47 : index
    %swap3A_1141 = vector.load %arg9[%swap3A_1139, %swap3A_1140] : memref<128x64xf32, #tpu.memory_space<vmem>>, vector<128x1xf32>
    tpu.vector_store %arg9[%swap3A_1139, %swap3A_1140], %broadcast_in_dim3A_1138 {strides = array<i32>} : memref<128x64xf32, #tpu.memory_space<vmem>>, vector<128x1xf32>,
    %reduce_max3A_1142 = arith.constant dense<0xFF800000> : vector<128xf32>
    %reduce_max3A_1143 = vector.multi_reduction <maximumf>, %get3A_1129, %reduce_max3A_1142 [0] : vector<128x128xf32> to vector<128xf32>
    %broadcast_in_dim3A_1144 = vector.shape_cast %reduce_max3A_1143 : vector<128xf32> to vector<1x128xf32>
    %swap3A_1145 = arith.constant 47 : index
    %swap3A_1146 = arith.constant 0 : index
    %swap3A_1147 = vector.load %arg8[%swap3A_1145, %swap3A_1146] : memref<64x128xf32, #tpu.memory_space<vmem>>, vector<1x128xf32>
    tpu.vector_store %arg8[%swap3A_1145, %swap3A_1146], %broadcast_in_dim3A_1144 {strides = array<i32>} : memref<64x128xf32, #tpu.memory_space<vmem>>, vector<1x128xf32>,
    %get3A_1148 = arith.constant 0 : index
    %get3A_1149 = arith.constant 0 : index
    %get3A_1150 = arith.constant 0 : index
    %get3A_1151 = arith.constant 0 : index
    %get3A_1152 = vector.load %arg4[%get3A_1148, %get3A_1149, %get3A_1150, %get3A_1151] : memref<1x1x2048x128xf32, #tpu.memory_space<vmem>>, vector<1x1x128x128xf32>
    %get3A_1153 = vector.shape_cast %get3A_1152 : vector<1x1x128x128xf32> to vector<128x128xf32>
    %swap3A_1154 = arith.constant 0 : index
    %swap3A_1155 = arith.constant 6144 : index
    %swap3A_1156 = arith.constant 0 : index
    %swap3A_1157 = vector.load %arg7[%swap3A_1154, %swap3A_1155, %swap3A_1156] : memref<1x8192x128xf32, #tpu.memory_space<vmem>>, vector<1x128x128xf32>
    %swap3A_1158 = vector.shape_cast %swap3A_1157 : vector<1x128x128xf32> to vector<128x128xf32>
    %swap3A_1159 = vector.shape_cast %get3A_1153 : vector<128x128xf32> to vector<1x128x128xf32>
    tpu.vector_store %arg7[%swap3A_1154, %swap3A_1155, %swap3A_1156], %swap3A_1159 {strides = array<i32>} : memref<1x8192x128xf32, #tpu.memory_space<vmem>>, vector<1x128x128xf32>,
    %reduce_max3A_1160 = arith.constant dense<0xFF800000> : vector<128xf32>
    %reduce_max3A_1161 = vector.multi_reduction <maximumf>, %get3A_1153, %reduce_max3A_1160 [1] : vector<128x128xf32> to vector<128xf32>
    %broadcast_in_dim3A_1162 = vector.shape_cast %reduce_max3A_1161 : vector<128xf32> to vector<128x1xf32>
    %swap3A_1163 = arith.constant 0 : index
    %swap3A_1164 = arith.constant 48 : index
    %swap3A_1165 = vector.load %arg9[%swap3A_1163, %swap3A_1164] : memref<128x64xf32, #tpu.memory_space<vmem>>, vector<128x1xf32>
    tpu.vector_store %arg9[%swap3A_1163, %swap3A_1164], %broadcast_in_dim3A_1162 {strides = array<i32>} : memref<128x64xf32, #tpu.memory_space<vmem>>, vector<128x1xf32>,
    %reduce_max3A_1166 = arith.constant dense<0xFF800000> : vector<128xf32>
    %reduce_max3A_1167 = vector.multi_reduction <maximumf>, %get3A_1153, %reduce_max3A_1166 [0] : vector<128x128xf32> to vector<128xf32>
    %broadcast_in_dim3A_1168 = vector.shape_cast %reduce_max3A_1167 : vector<128xf32> to vector<1x128xf32>
    %swap3A_1169 = arith.constant 48 : index
    %swap3A_1170 = arith.constant 0 : index
    %swap3A_1171 = vector.load %arg8[%swap3A_1169, %swap3A_1170] : memref<64x128xf32, #tpu.memory_space<vmem>>, vector<1x128xf32>
    tpu.vector_store %arg8[%swap3A_1169, %swap3A_1170], %broadcast_in_dim3A_1168 {strides = array<i32>} : memref<64x128xf32, #tpu.memory_space<vmem>>, vector<1x128xf32>,
    %get3A_1172 = arith.constant 0 : index
    %get3A_1173 = arith.constant 0 : index
    %get3A_1174 = arith.constant 128 : index
    %get3A_1175 = arith.constant 0 : index
    %get3A_1176 = vector.load %arg4[%get3A_1172, %get3A_1173, %get3A_1174, %get3A_1175] : memref<1x1x2048x128xf32, #tpu.memory_space<vmem>>, vector<1x1x128x128xf32>
    %get3A_1177 = vector.shape_cast %get3A_1176 : vector<1x1x128x128xf32> to vector<128x128xf32>
    %swap3A_1178 = arith.constant 0 : index
    %swap3A_1179 = arith.constant 6272 : index
    %swap3A_1180 = arith.constant 0 : index
    %swap3A_1181 = vector.load %arg7[%swap3A_1178, %swap3A_1179, %swap3A_1180] : memref<1x8192x128xf32, #tpu.memory_space<vmem>>, vector<1x128x128xf32>
    %swap3A_1182 = vector.shape_cast %swap3A_1181 : vector<1x128x128xf32> to vector<128x128xf32>
    %swap3A_1183 = vector.shape_cast %get3A_1177 : vector<128x128xf32> to vector<1x128x128xf32>
    tpu.vector_store %arg7[%swap3A_1178, %swap3A_1179, %swap3A_1180], %swap3A_1183 {strides = array<i32>} : memref<1x8192x128xf32, #tpu.memory_space<vmem>>, vector<1x128x128xf32>,
    %reduce_max3A_1184 = arith.constant dense<0xFF800000> : vector<128xf32>
    %reduce_max3A_1185 = vector.multi_reduction <maximumf>, %get3A_1177, %reduce_max3A_1184 [1] : vector<128x128xf32> to vector<128xf32>
    %broadcast_in_dim3A_1186 = vector.shape_cast %reduce_max3A_1185 : vector<128xf32> to vector<128x1xf32>
    %swap3A_1187 = arith.constant 0 : index
    %swap3A_1188 = arith.constant 49 : index
    %swap3A_1189 = vector.load %arg9[%swap3A_1187, %swap3A_1188] : memref<128x64xf32, #tpu.memory_space<vmem>>, vector<128x1xf32>
    tpu.vector_store %arg9[%swap3A_1187, %swap3A_1188], %broadcast_in_dim3A_1186 {strides = array<i32>} : memref<128x64xf32, #tpu.memory_space<vmem>>, vector<128x1xf32>,
    %reduce_max3A_1190 = arith.constant dense<0xFF800000> : vector<128xf32>
    %reduce_max3A_1191 = vector.multi_reduction <maximumf>, %get3A_1177, %reduce_max3A_1190 [0] : vector<128x128xf32> to vector<128xf32>
    %broadcast_in_dim3A_1192 = vector.shape_cast %reduce_max3A_1191 : vector<128xf32> to vector<1x128xf32>
    %swap3A_1193 = arith.constant 49 : index
    %swap3A_1194 = arith.constant 0 : index
    %swap3A_1195 = vector.load %arg8[%swap3A_1193, %swap3A_1194] : memref<64x128xf32, #tpu.memory_space<vmem>>, vector<1x128xf32>
    tpu.vector_store %arg8[%swap3A_1193, %swap3A_1194], %broadcast_in_dim3A_1192 {strides = array<i32>} : memref<64x128xf32, #tpu.memory_space<vmem>>, vector<1x128xf32>,
    %get3A_1196 = arith.constant 0 : index
    %get3A_1197 = arith.constant 0 : index
    %get3A_1198 = arith.constant 256 : index
    %get3A_1199 = arith.constant 0 : index
    %get3A_1200 = vector.load %arg4[%get3A_1196, %get3A_1197, %get3A_1198, %get3A_1199] : memref<1x1x2048x128xf32, #tpu.memory_space<vmem>>, vector<1x1x128x128xf32>
    %get3A_1201 = vector.shape_cast %get3A_1200 : vector<1x1x128x128xf32> to vector<128x128xf32>
    %swap3A_1202 = arith.constant 0 : index
    %swap3A_1203 = arith.constant 6400 : index
    %swap3A_1204 = arith.constant 0 : index
    %swap3A_1205 = vector.load %arg7[%swap3A_1202, %swap3A_1203, %swap3A_1204] : memref<1x8192x128xf32, #tpu.memory_space<vmem>>, vector<1x128x128xf32>
    %swap3A_1206 = vector.shape_cast %swap3A_1205 : vector<1x128x128xf32> to vector<128x128xf32>
    %swap3A_1207 = vector.shape_cast %get3A_1201 : vector<128x128xf32> to vector<1x128x128xf32>
    tpu.vector_store %arg7[%swap3A_1202, %swap3A_1203, %swap3A_1204], %swap3A_1207 {strides = array<i32>} : memref<1x8192x128xf32, #tpu.memory_space<vmem>>, vector<1x128x128xf32>,
    %reduce_max3A_1208 = arith.constant dense<0xFF800000> : vector<128xf32>
    %reduce_max3A_1209 = vector.multi_reduction <maximumf>, %get3A_1201, %reduce_max3A_1208 [1] : vector<128x128xf32> to vector<128xf32>
    %broadcast_in_dim3A_1210 = vector.shape_cast %reduce_max3A_1209 : vector<128xf32> to vector<128x1xf32>
    %swap3A_1211 = arith.constant 0 : index
    %swap3A_1212 = arith.constant 50 : index
    %swap3A_1213 = vector.load %arg9[%swap3A_1211, %swap3A_1212] : memref<128x64xf32, #tpu.memory_space<vmem>>, vector<128x1xf32>
    tpu.vector_store %arg9[%swap3A_1211, %swap3A_1212], %broadcast_in_dim3A_1210 {strides = array<i32>} : memref<128x64xf32, #tpu.memory_space<vmem>>, vector<128x1xf32>,
    %reduce_max3A_1214 = arith.constant dense<0xFF800000> : vector<128xf32>
    %reduce_max3A_1215 = vector.multi_reduction <maximumf>, %get3A_1201, %reduce_max3A_1214 [0] : vector<128x128xf32> to vector<128xf32>
    %broadcast_in_dim3A_1216 = vector.shape_cast %reduce_max3A_1215 : vector<128xf32> to vector<1x128xf32>
    %swap3A_1217 = arith.constant 50 : index
    %swap3A_1218 = arith.constant 0 : index
    %swap3A_1219 = vector.load %arg8[%swap3A_1217, %swap3A_1218] : memref<64x128xf32, #tpu.memory_space<vmem>>, vector<1x128xf32>
    tpu.vector_store %arg8[%swap3A_1217, %swap3A_1218], %broadcast_in_dim3A_1216 {strides = array<i32>} : memref<64x128xf32, #tpu.memory_space<vmem>>, vector<1x128xf32>,
    %get3A_1220 = arith.constant 0 : index
    %get3A_1221 = arith.constant 0 : index
    %get3A_1222 = arith.constant 384 : index
    %get3A_1223 = arith.constant 0 : index
    %get3A_1224 = vector.load %arg4[%get3A_1220, %get3A_1221, %get3A_1222, %get3A_1223] : memref<1x1x2048x128xf32, #tpu.memory_space<vmem>>, vector<1x1x128x128xf32>
    %get3A_1225 = vector.shape_cast %get3A_1224 : vector<1x1x128x128xf32> to vector<128x128xf32>
    %swap3A_1226 = arith.constant 0 : index
    %swap3A_1227 = arith.constant 6528 : index
    %swap3A_1228 = arith.constant 0 : index
    %swap3A_1229 = vector.load %arg7[%swap3A_1226, %swap3A_1227, %swap3A_1228] : memref<1x8192x128xf32, #tpu.memory_space<vmem>>, vector<1x128x128xf32>
    %swap3A_1230 = vector.shape_cast %swap3A_1229 : vector<1x128x128xf32> to vector<128x128xf32>
    %swap3A_1231 = vector.shape_cast %get3A_1225 : vector<128x128xf32> to vector<1x128x128xf32>
    tpu.vector_store %arg7[%swap3A_1226, %swap3A_1227, %swap3A_1228], %swap3A_1231 {strides = array<i32>} : memref<1x8192x128xf32, #tpu.memory_space<vmem>>, vector<1x128x128xf32>,
    %reduce_max3A_1232 = arith.constant dense<0xFF800000> : vector<128xf32>
    %reduce_max3A_1233 = vector.multi_reduction <maximumf>, %get3A_1225, %reduce_max3A_1232 [1] : vector<128x128xf32> to vector<128xf32>
    %broadcast_in_dim3A_1234 = vector.shape_cast %reduce_max3A_1233 : vector<128xf32> to vector<128x1xf32>
    %swap3A_1235 = arith.constant 0 : index
    %swap3A_1236 = arith.constant 51 : index
    %swap3A_1237 = vector.load %arg9[%swap3A_1235, %swap3A_1236] : memref<128x64xf32, #tpu.memory_space<vmem>>, vector<128x1xf32>
    tpu.vector_store %arg9[%swap3A_1235, %swap3A_1236], %broadcast_in_dim3A_1234 {strides = array<i32>} : memref<128x64xf32, #tpu.memory_space<vmem>>, vector<128x1xf32>,
    %reduce_max3A_1238 = arith.constant dense<0xFF800000> : vector<128xf32>
    %reduce_max3A_1239 = vector.multi_reduction <maximumf>, %get3A_1225, %reduce_max3A_1238 [0] : vector<128x128xf32> to vector<128xf32>
    %broadcast_in_dim3A_1240 = vector.shape_cast %reduce_max3A_1239 : vector<128xf32> to vector<1x128xf32>
    %swap3A_1241 = arith.constant 51 : index
    %swap3A_1242 = arith.constant 0 : index
    %swap3A_1243 = vector.load %arg8[%swap3A_1241, %swap3A_1242] : memref<64x128xf32, #tpu.memory_space<vmem>>, vector<1x128xf32>
    tpu.vector_store %arg8[%swap3A_1241, %swap3A_1242], %broadcast_in_dim3A_1240 {strides = array<i32>} : memref<64x128xf32, #tpu.memory_space<vmem>>, vector<1x128xf32>,
    %get3A_1244 = arith.constant 0 : index
    %get3A_1245 = arith.constant 0 : index
    %get3A_1246 = arith.constant 512 : index
    %get3A_1247 = arith.constant 0 : index
    %get3A_1248 = vector.load %arg4[%get3A_1244, %get3A_1245, %get3A_1246, %get3A_1247] : memref<1x1x2048x128xf32, #tpu.memory_space<vmem>>, vector<1x1x128x128xf32>
    %get3A_1249 = vector.shape_cast %get3A_1248 : vector<1x1x128x128xf32> to vector<128x128xf32>
    %swap3A_1250 = arith.constant 0 : index
    %swap3A_1251 = arith.constant 6656 : index
    %swap3A_1252 = arith.constant 0 : index
    %swap3A_1253 = vector.load %arg7[%swap3A_1250, %swap3A_1251, %swap3A_1252] : memref<1x8192x128xf32, #tpu.memory_space<vmem>>, vector<1x128x128xf32>
    %swap3A_1254 = vector.shape_cast %swap3A_1253 : vector<1x128x128xf32> to vector<128x128xf32>
    %swap3A_1255 = vector.shape_cast %get3A_1249 : vector<128x128xf32> to vector<1x128x128xf32>
    tpu.vector_store %arg7[%swap3A_1250, %swap3A_1251, %swap3A_1252], %swap3A_1255 {strides = array<i32>} : memref<1x8192x128xf32, #tpu.memory_space<vmem>>, vector<1x128x128xf32>,
    %reduce_max3A_1256 = arith.constant dense<0xFF800000> : vector<128xf32>
    %reduce_max3A_1257 = vector.multi_reduction <maximumf>, %get3A_1249, %reduce_max3A_1256 [1] : vector<128x128xf32> to vector<128xf32>
    %broadcast_in_dim3A_1258 = vector.shape_cast %reduce_max3A_1257 : vector<128xf32> to vector<128x1xf32>
    %swap3A_1259 = arith.constant 0 : index
    %swap3A_1260 = arith.constant 52 : index
    %swap3A_1261 = vector.load %arg9[%swap3A_1259, %swap3A_1260] : memref<128x64xf32, #tpu.memory_space<vmem>>, vector<128x1xf32>
    tpu.vector_store %arg9[%swap3A_1259, %swap3A_1260], %broadcast_in_dim3A_1258 {strides = array<i32>} : memref<128x64xf32, #tpu.memory_space<vmem>>, vector<128x1xf32>,
    %reduce_max3A_1262 = arith.constant dense<0xFF800000> : vector<128xf32>
    %reduce_max3A_1263 = vector.multi_reduction <maximumf>, %get3A_1249, %reduce_max3A_1262 [0] : vector<128x128xf32> to vector<128xf32>
    %broadcast_in_dim3A_1264 = vector.shape_cast %reduce_max3A_1263 : vector<128xf32> to vector<1x128xf32>
    %swap3A_1265 = arith.constant 52 : index
    %swap3A_1266 = arith.constant 0 : index
    %swap3A_1267 = vector.load %arg8[%swap3A_1265, %swap3A_1266] : memref<64x128xf32, #tpu.memory_space<vmem>>, vector<1x128xf32>
    tpu.vector_store %arg8[%swap3A_1265, %swap3A_1266], %broadcast_in_dim3A_1264 {strides = array<i32>} : memref<64x128xf32, #tpu.memory_space<vmem>>, vector<1x128xf32>,
    %get3A_1268 = arith.constant 0 : index
    %get3A_1269 = arith.constant 0 : index
    %get3A_1270 = arith.constant 640 : index
    %get3A_1271 = arith.constant 0 : index
    %get3A_1272 = vector.load %arg4[%get3A_1268, %get3A_1269, %get3A_1270, %get3A_1271] : memref<1x1x2048x128xf32, #tpu.memory_space<vmem>>, vector<1x1x128x128xf32>
    %get3A_1273 = vector.shape_cast %get3A_1272 : vector<1x1x128x128xf32> to vector<128x128xf32>
    %swap3A_1274 = arith.constant 0 : index
    %swap3A_1275 = arith.constant 6784 : index
    %swap3A_1276 = arith.constant 0 : index
    %swap3A_1277 = vector.load %arg7[%swap3A_1274, %swap3A_1275, %swap3A_1276] : memref<1x8192x128xf32, #tpu.memory_space<vmem>>, vector<1x128x128xf32>
    %swap3A_1278 = vector.shape_cast %swap3A_1277 : vector<1x128x128xf32> to vector<128x128xf32>
    %swap3A_1279 = vector.shape_cast %get3A_1273 : vector<128x128xf32> to vector<1x128x128xf32>
    tpu.vector_store %arg7[%swap3A_1274, %swap3A_1275, %swap3A_1276], %swap3A_1279 {strides = array<i32>} : memref<1x8192x128xf32, #tpu.memory_space<vmem>>, vector<1x128x128xf32>,
    %reduce_max3A_1280 = arith.constant dense<0xFF800000> : vector<128xf32>
    %reduce_max3A_1281 = vector.multi_reduction <maximumf>, %get3A_1273, %reduce_max3A_1280 [1] : vector<128x128xf32> to vector<128xf32>
    %broadcast_in_dim3A_1282 = vector.shape_cast %reduce_max3A_1281 : vector<128xf32> to vector<128x1xf32>
    %swap3A_1283 = arith.constant 0 : index
    %swap3A_1284 = arith.constant 53 : index
    %swap3A_1285 = vector.load %arg9[%swap3A_1283, %swap3A_1284] : memref<128x64xf32, #tpu.memory_space<vmem>>, vector<128x1xf32>
    tpu.vector_store %arg9[%swap3A_1283, %swap3A_1284], %broadcast_in_dim3A_1282 {strides = array<i32>} : memref<128x64xf32, #tpu.memory_space<vmem>>, vector<128x1xf32>,
    %reduce_max3A_1286 = arith.constant dense<0xFF800000> : vector<128xf32>
    %reduce_max3A_1287 = vector.multi_reduction <maximumf>, %get3A_1273, %reduce_max3A_1286 [0] : vector<128x128xf32> to vector<128xf32>
    %broadcast_in_dim3A_1288 = vector.shape_cast %reduce_max3A_1287 : vector<128xf32> to vector<1x128xf32>
    %swap3A_1289 = arith.constant 53 : index
    %swap3A_1290 = arith.constant 0 : index
    %swap3A_1291 = vector.load %arg8[%swap3A_1289, %swap3A_1290] : memref<64x128xf32, #tpu.memory_space<vmem>>, vector<1x128xf32>
    tpu.vector_store %arg8[%swap3A_1289, %swap3A_1290], %broadcast_in_dim3A_1288 {strides = array<i32>} : memref<64x128xf32, #tpu.memory_space<vmem>>, vector<1x128xf32>,
    %get3A_1292 = arith.constant 0 : index
    %get3A_1293 = arith.constant 0 : index
    %get3A_1294 = arith.constant 768 : index
    %get3A_1295 = arith.constant 0 : index
    %get3A_1296 = vector.load %arg4[%get3A_1292, %get3A_1293, %get3A_1294, %get3A_1295] : memref<1x1x2048x128xf32, #tpu.memory_space<vmem>>, vector<1x1x128x128xf32>
    %get3A_1297 = vector.shape_cast %get3A_1296 : vector<1x1x128x128xf32> to vector<128x128xf32>
    %swap3A_1298 = arith.constant 0 : index
    %swap3A_1299 = arith.constant 6912 : index
    %swap3A_1300 = arith.constant 0 : index
    %swap3A_1301 = vector.load %arg7[%swap3A_1298, %swap3A_1299, %swap3A_1300] : memref<1x8192x128xf32, #tpu.memory_space<vmem>>, vector<1x128x128xf32>
    %swap3A_1302 = vector.shape_cast %swap3A_1301 : vector<1x128x128xf32> to vector<128x128xf32>
    %swap3A_1303 = vector.shape_cast %get3A_1297 : vector<128x128xf32> to vector<1x128x128xf32>
    tpu.vector_store %arg7[%swap3A_1298, %swap3A_1299, %swap3A_1300], %swap3A_1303 {strides = array<i32>} : memref<1x8192x128xf32, #tpu.memory_space<vmem>>, vector<1x128x128xf32>,
    %reduce_max3A_1304 = arith.constant dense<0xFF800000> : vector<128xf32>
    %reduce_max3A_1305 = vector.multi_reduction <maximumf>, %get3A_1297, %reduce_max3A_1304 [1] : vector<128x128xf32> to vector<128xf32>
    %broadcast_in_dim3A_1306 = vector.shape_cast %reduce_max3A_1305 : vector<128xf32> to vector<128x1xf32>
    %swap3A_1307 = arith.constant 0 : index
    %swap3A_1308 = arith.constant 54 : index
    %swap3A_1309 = vector.load %arg9[%swap3A_1307, %swap3A_1308] : memref<128x64xf32, #tpu.memory_space<vmem>>, vector<128x1xf32>
    tpu.vector_store %arg9[%swap3A_1307, %swap3A_1308], %broadcast_in_dim3A_1306 {strides = array<i32>} : memref<128x64xf32, #tpu.memory_space<vmem>>, vector<128x1xf32>,
    %reduce_max3A_1310 = arith.constant dense<0xFF800000> : vector<128xf32>
    %reduce_max3A_1311 = vector.multi_reduction <maximumf>, %get3A_1297, %reduce_max3A_1310 [0] : vector<128x128xf32> to vector<128xf32>
    %broadcast_in_dim3A_1312 = vector.shape_cast %reduce_max3A_1311 : vector<128xf32> to vector<1x128xf32>
    %swap3A_1313 = arith.constant 54 : index
    %swap3A_1314 = arith.constant 0 : index
    %swap3A_1315 = vector.load %arg8[%swap3A_1313, %swap3A_1314] : memref<64x128xf32, #tpu.memory_space<vmem>>, vector<1x128xf32>
    tpu.vector_store %arg8[%swap3A_1313, %swap3A_1314], %broadcast_in_dim3A_1312 {strides = array<i32>} : memref<64x128xf32, #tpu.memory_space<vmem>>, vector<1x128xf32>,
    %get3A_1316 = arith.constant 0 : index
    %get3A_1317 = arith.constant 0 : index
    %get3A_1318 = arith.constant 896 : index
    %get3A_1319 = arith.constant 0 : index
    %get3A_1320 = vector.load %arg4[%get3A_1316, %get3A_1317, %get3A_1318, %get3A_1319] : memref<1x1x2048x128xf32, #tpu.memory_space<vmem>>, vector<1x1x128x128xf32>
    %get3A_1321 = vector.shape_cast %get3A_1320 : vector<1x1x128x128xf32> to vector<128x128xf32>
    %swap3A_1322 = arith.constant 0 : index
    %swap3A_1323 = arith.constant 7040 : index
    %swap3A_1324 = arith.constant 0 : index
    %swap3A_1325 = vector.load %arg7[%swap3A_1322, %swap3A_1323, %swap3A_1324] : memref<1x8192x128xf32, #tpu.memory_space<vmem>>, vector<1x128x128xf32>
    %swap3A_1326 = vector.shape_cast %swap3A_1325 : vector<1x128x128xf32> to vector<128x128xf32>
    %swap3A_1327 = vector.shape_cast %get3A_1321 : vector<128x128xf32> to vector<1x128x128xf32>
    tpu.vector_store %arg7[%swap3A_1322, %swap3A_1323, %swap3A_1324], %swap3A_1327 {strides = array<i32>} : memref<1x8192x128xf32, #tpu.memory_space<vmem>>, vector<1x128x128xf32>,
    %reduce_max3A_1328 = arith.constant dense<0xFF800000> : vector<128xf32>
    %reduce_max3A_1329 = vector.multi_reduction <maximumf>, %get3A_1321, %reduce_max3A_1328 [1] : vector<128x128xf32> to vector<128xf32>
    %broadcast_in_dim3A_1330 = vector.shape_cast %reduce_max3A_1329 : vector<128xf32> to vector<128x1xf32>
    %swap3A_1331 = arith.constant 0 : index
    %swap3A_1332 = arith.constant 55 : index
    %swap3A_1333 = vector.load %arg9[%swap3A_1331, %swap3A_1332] : memref<128x64xf32, #tpu.memory_space<vmem>>, vector<128x1xf32>
    tpu.vector_store %arg9[%swap3A_1331, %swap3A_1332], %broadcast_in_dim3A_1330 {strides = array<i32>} : memref<128x64xf32, #tpu.memory_space<vmem>>, vector<128x1xf32>,
    %reduce_max3A_1334 = arith.constant dense<0xFF800000> : vector<128xf32>
    %reduce_max3A_1335 = vector.multi_reduction <maximumf>, %get3A_1321, %reduce_max3A_1334 [0] : vector<128x128xf32> to vector<128xf32>
    %broadcast_in_dim3A_1336 = vector.shape_cast %reduce_max3A_1335 : vector<128xf32> to vector<1x128xf32>
    %swap3A_1337 = arith.constant 55 : index
    %swap3A_1338 = arith.constant 0 : index
    %swap3A_1339 = vector.load %arg8[%swap3A_1337, %swap3A_1338] : memref<64x128xf32, #tpu.memory_space<vmem>>, vector<1x128xf32>
    tpu.vector_store %arg8[%swap3A_1337, %swap3A_1338], %broadcast_in_dim3A_1336 {strides = array<i32>} : memref<64x128xf32, #tpu.memory_space<vmem>>, vector<1x128xf32>,
    %get3A_1340 = arith.constant 0 : index
    %get3A_1341 = arith.constant 0 : index
    %get3A_1342 = arith.constant 1024 : index
    %get3A_1343 = arith.constant 0 : index
    %get3A_1344 = vector.load %arg4[%get3A_1340, %get3A_1341, %get3A_1342, %get3A_1343] : memref<1x1x2048x128xf32, #tpu.memory_space<vmem>>, vector<1x1x128x128xf32>
    %get3A_1345 = vector.shape_cast %get3A_1344 : vector<1x1x128x128xf32> to vector<128x128xf32>
    %swap3A_1346 = arith.constant 0 : index
    %swap3A_1347 = arith.constant 7168 : index
    %swap3A_1348 = arith.constant 0 : index
    %swap3A_1349 = vector.load %arg7[%swap3A_1346, %swap3A_1347, %swap3A_1348] : memref<1x8192x128xf32, #tpu.memory_space<vmem>>, vector<1x128x128xf32>
    %swap3A_1350 = vector.shape_cast %swap3A_1349 : vector<1x128x128xf32> to vector<128x128xf32>
    %swap3A_1351 = vector.shape_cast %get3A_1345 : vector<128x128xf32> to vector<1x128x128xf32>
    tpu.vector_store %arg7[%swap3A_1346, %swap3A_1347, %swap3A_1348], %swap3A_1351 {strides = array<i32>} : memref<1x8192x128xf32, #tpu.memory_space<vmem>>, vector<1x128x128xf32>,
    %reduce_max3A_1352 = arith.constant dense<0xFF800000> : vector<128xf32>
    %reduce_max3A_1353 = vector.multi_reduction <maximumf>, %get3A_1345, %reduce_max3A_1352 [1] : vector<128x128xf32> to vector<128xf32>
    %broadcast_in_dim3A_1354 = vector.shape_cast %reduce_max3A_1353 : vector<128xf32> to vector<128x1xf32>
    %swap3A_1355 = arith.constant 0 : index
    %swap3A_1356 = arith.constant 56 : index
    %swap3A_1357 = vector.load %arg9[%swap3A_1355, %swap3A_1356] : memref<128x64xf32, #tpu.memory_space<vmem>>, vector<128x1xf32>
    tpu.vector_store %arg9[%swap3A_1355, %swap3A_1356], %broadcast_in_dim3A_1354 {strides = array<i32>} : memref<128x64xf32, #tpu.memory_space<vmem>>, vector<128x1xf32>,
    %reduce_max3A_1358 = arith.constant dense<0xFF800000> : vector<128xf32>
    %reduce_max3A_1359 = vector.multi_reduction <maximumf>, %get3A_1345, %reduce_max3A_1358 [0] : vector<128x128xf32> to vector<128xf32>
    %broadcast_in_dim3A_1360 = vector.shape_cast %reduce_max3A_1359 : vector<128xf32> to vector<1x128xf32>
    %swap3A_1361 = arith.constant 56 : index
    %swap3A_1362 = arith.constant 0 : index
    %swap3A_1363 = vector.load %arg8[%swap3A_1361, %swap3A_1362] : memref<64x128xf32, #tpu.memory_space<vmem>>, vector<1x128xf32>
    tpu.vector_store %arg8[%swap3A_1361, %swap3A_1362], %broadcast_in_dim3A_1360 {strides = array<i32>} : memref<64x128xf32, #tpu.memory_space<vmem>>, vector<1x128xf32>,
    %get3A_1364 = arith.constant 0 : index
    %get3A_1365 = arith.constant 0 : index
    %get3A_1366 = arith.constant 1152 : index
    %get3A_1367 = arith.constant 0 : index
    %get3A_1368 = vector.load %arg4[%get3A_1364, %get3A_1365, %get3A_1366, %get3A_1367] : memref<1x1x2048x128xf32, #tpu.memory_space<vmem>>, vector<1x1x128x128xf32>
    %get3A_1369 = vector.shape_cast %get3A_1368 : vector<1x1x128x128xf32> to vector<128x128xf32>
    %swap3A_1370 = arith.constant 0 : index
    %swap3A_1371 = arith.constant 7296 : index
    %swap3A_1372 = arith.constant 0 : index
    %swap3A_1373 = vector.load %arg7[%swap3A_1370, %swap3A_1371, %swap3A_1372] : memref<1x8192x128xf32, #tpu.memory_space<vmem>>, vector<1x128x128xf32>
    %swap3A_1374 = vector.shape_cast %swap3A_1373 : vector<1x128x128xf32> to vector<128x128xf32>
    %swap3A_1375 = vector.shape_cast %get3A_1369 : vector<128x128xf32> to vector<1x128x128xf32>
    tpu.vector_store %arg7[%swap3A_1370, %swap3A_1371, %swap3A_1372], %swap3A_1375 {strides = array<i32>} : memref<1x8192x128xf32, #tpu.memory_space<vmem>>, vector<1x128x128xf32>,
    %reduce_max3A_1376 = arith.constant dense<0xFF800000> : vector<128xf32>
    %reduce_max3A_1377 = vector.multi_reduction <maximumf>, %get3A_1369, %reduce_max3A_1376 [1] : vector<128x128xf32> to vector<128xf32>
    %broadcast_in_dim3A_1378 = vector.shape_cast %reduce_max3A_1377 : vector<128xf32> to vector<128x1xf32>
    %swap3A_1379 = arith.constant 0 : index
    %swap3A_1380 = arith.constant 57 : index
    %swap3A_1381 = vector.load %arg9[%swap3A_1379, %swap3A_1380] : memref<128x64xf32, #tpu.memory_space<vmem>>, vector<128x1xf32>
    tpu.vector_store %arg9[%swap3A_1379, %swap3A_1380], %broadcast_in_dim3A_1378 {strides = array<i32>} : memref<128x64xf32, #tpu.memory_space<vmem>>, vector<128x1xf32>,
    %reduce_max3A_1382 = arith.constant dense<0xFF800000> : vector<128xf32>
    %reduce_max3A_1383 = vector.multi_reduction <maximumf>, %get3A_1369, %reduce_max3A_1382 [0] : vector<128x128xf32> to vector<128xf32>
    %broadcast_in_dim3A_1384 = vector.shape_cast %reduce_max3A_1383 : vector<128xf32> to vector<1x128xf32>
    %swap3A_1385 = arith.constant 57 : index
    %swap3A_1386 = arith.constant 0 : index
    %swap3A_1387 = vector.load %arg8[%swap3A_1385, %swap3A_1386] : memref<64x128xf32, #tpu.memory_space<vmem>>, vector<1x128xf32>
    tpu.vector_store %arg8[%swap3A_1385, %swap3A_1386], %broadcast_in_dim3A_1384 {strides = array<i32>} : memref<64x128xf32, #tpu.memory_space<vmem>>, vector<1x128xf32>,
    %get3A_1388 = arith.constant 0 : index
    %get3A_1389 = arith.constant 0 : index
    %get3A_1390 = arith.constant 1280 : index
    %get3A_1391 = arith.constant 0 : index
    %get3A_1392 = vector.load %arg4[%get3A_1388, %get3A_1389, %get3A_1390, %get3A_1391] : memref<1x1x2048x128xf32, #tpu.memory_space<vmem>>, vector<1x1x128x128xf32>
    %get3A_1393 = vector.shape_cast %get3A_1392 : vector<1x1x128x128xf32> to vector<128x128xf32>
    %swap3A_1394 = arith.constant 0 : index
    %swap3A_1395 = arith.constant 7424 : index
    %swap3A_1396 = arith.constant 0 : index
    %swap3A_1397 = vector.load %arg7[%swap3A_1394, %swap3A_1395, %swap3A_1396] : memref<1x8192x128xf32, #tpu.memory_space<vmem>>, vector<1x128x128xf32>
    %swap3A_1398 = vector.shape_cast %swap3A_1397 : vector<1x128x128xf32> to vector<128x128xf32>
    %swap3A_1399 = vector.shape_cast %get3A_1393 : vector<128x128xf32> to vector<1x128x128xf32>
    tpu.vector_store %arg7[%swap3A_1394, %swap3A_1395, %swap3A_1396], %swap3A_1399 {strides = array<i32>} : memref<1x8192x128xf32, #tpu.memory_space<vmem>>, vector<1x128x128xf32>,
    %reduce_max3A_1400 = arith.constant dense<0xFF800000> : vector<128xf32>
    %reduce_max3A_1401 = vector.multi_reduction <maximumf>, %get3A_1393, %reduce_max3A_1400 [1] : vector<128x128xf32> to vector<128xf32>
    %broadcast_in_dim3A_1402 = vector.shape_cast %reduce_max3A_1401 : vector<128xf32> to vector<128x1xf32>
    %swap3A_1403 = arith.constant 0 : index
    %swap3A_1404 = arith.constant 58 : index
    %swap3A_1405 = vector.load %arg9[%swap3A_1403, %swap3A_1404] : memref<128x64xf32, #tpu.memory_space<vmem>>, vector<128x1xf32>
    tpu.vector_store %arg9[%swap3A_1403, %swap3A_1404], %broadcast_in_dim3A_1402 {strides = array<i32>} : memref<128x64xf32, #tpu.memory_space<vmem>>, vector<128x1xf32>,
    %reduce_max3A_1406 = arith.constant dense<0xFF800000> : vector<128xf32>
    %reduce_max3A_1407 = vector.multi_reduction <maximumf>, %get3A_1393, %reduce_max3A_1406 [0] : vector<128x128xf32> to vector<128xf32>
    %broadcast_in_dim3A_1408 = vector.shape_cast %reduce_max3A_1407 : vector<128xf32> to vector<1x128xf32>
    %swap3A_1409 = arith.constant 58 : index
    %swap3A_1410 = arith.constant 0 : index
    %swap3A_1411 = vector.load %arg8[%swap3A_1409, %swap3A_1410] : memref<64x128xf32, #tpu.memory_space<vmem>>, vector<1x128xf32>
    tpu.vector_store %arg8[%swap3A_1409, %swap3A_1410], %broadcast_in_dim3A_1408 {strides = array<i32>} : memref<64x128xf32, #tpu.memory_space<vmem>>, vector<1x128xf32>,
    %get3A_1412 = arith.constant 0 : index
    %get3A_1413 = arith.constant 0 : index
    %get3A_1414 = arith.constant 1408 : index
    %get3A_1415 = arith.constant 0 : index
    %get3A_1416 = vector.load %arg4[%get3A_1412, %get3A_1413, %get3A_1414, %get3A_1415] : memref<1x1x2048x128xf32, #tpu.memory_space<vmem>>, vector<1x1x128x128xf32>
    %get3A_1417 = vector.shape_cast %get3A_1416 : vector<1x1x128x128xf32> to vector<128x128xf32>
    %swap3A_1418 = arith.constant 0 : index
    %swap3A_1419 = arith.constant 7552 : index
    %swap3A_1420 = arith.constant 0 : index
    %swap3A_1421 = vector.load %arg7[%swap3A_1418, %swap3A_1419, %swap3A_1420] : memref<1x8192x128xf32, #tpu.memory_space<vmem>>, vector<1x128x128xf32>
    %swap3A_1422 = vector.shape_cast %swap3A_1421 : vector<1x128x128xf32> to vector<128x128xf32>
    %swap3A_1423 = vector.shape_cast %get3A_1417 : vector<128x128xf32> to vector<1x128x128xf32>
    tpu.vector_store %arg7[%swap3A_1418, %swap3A_1419, %swap3A_1420], %swap3A_1423 {strides = array<i32>} : memref<1x8192x128xf32, #tpu.memory_space<vmem>>, vector<1x128x128xf32>,
    %reduce_max3A_1424 = arith.constant dense<0xFF800000> : vector<128xf32>
    %reduce_max3A_1425 = vector.multi_reduction <maximumf>, %get3A_1417, %reduce_max3A_1424 [1] : vector<128x128xf32> to vector<128xf32>
    %broadcast_in_dim3A_1426 = vector.shape_cast %reduce_max3A_1425 : vector<128xf32> to vector<128x1xf32>
    %swap3A_1427 = arith.constant 0 : index
    %swap3A_1428 = arith.constant 59 : index
    %swap3A_1429 = vector.load %arg9[%swap3A_1427, %swap3A_1428] : memref<128x64xf32, #tpu.memory_space<vmem>>, vector<128x1xf32>
    tpu.vector_store %arg9[%swap3A_1427, %swap3A_1428], %broadcast_in_dim3A_1426 {strides = array<i32>} : memref<128x64xf32, #tpu.memory_space<vmem>>, vector<128x1xf32>,
    %reduce_max3A_1430 = arith.constant dense<0xFF800000> : vector<128xf32>
    %reduce_max3A_1431 = vector.multi_reduction <maximumf>, %get3A_1417, %reduce_max3A_1430 [0] : vector<128x128xf32> to vector<128xf32>
    %broadcast_in_dim3A_1432 = vector.shape_cast %reduce_max3A_1431 : vector<128xf32> to vector<1x128xf32>
    %swap3A_1433 = arith.constant 59 : index
    %swap3A_1434 = arith.constant 0 : index
    %swap3A_1435 = vector.load %arg8[%swap3A_1433, %swap3A_1434] : memref<64x128xf32, #tpu.memory_space<vmem>>, vector<1x128xf32>
    tpu.vector_store %arg8[%swap3A_1433, %swap3A_1434], %broadcast_in_dim3A_1432 {strides = array<i32>} : memref<64x128xf32, #tpu.memory_space<vmem>>, vector<1x128xf32>,
    %get3A_1436 = arith.constant 0 : index
    %get3A_1437 = arith.constant 0 : index
    %get3A_1438 = arith.constant 1536 : index
    %get3A_1439 = arith.constant 0 : index
    %get3A_1440 = vector.load %arg4[%get3A_1436, %get3A_1437, %get3A_1438, %get3A_1439] : memref<1x1x2048x128xf32, #tpu.memory_space<vmem>>, vector<1x1x128x128xf32>
    %get3A_1441 = vector.shape_cast %get3A_1440 : vector<1x1x128x128xf32> to vector<128x128xf32>
    %swap3A_1442 = arith.constant 0 : index
    %swap3A_1443 = arith.constant 7680 : index
    %swap3A_1444 = arith.constant 0 : index
    %swap3A_1445 = vector.load %arg7[%swap3A_1442, %swap3A_1443, %swap3A_1444] : memref<1x8192x128xf32, #tpu.memory_space<vmem>>, vector<1x128x128xf32>
    %swap3A_1446 = vector.shape_cast %swap3A_1445 : vector<1x128x128xf32> to vector<128x128xf32>
    %swap3A_1447 = vector.shape_cast %get3A_1441 : vector<128x128xf32> to vector<1x128x128xf32>
    tpu.vector_store %arg7[%swap3A_1442, %swap3A_1443, %swap3A_1444], %swap3A_1447 {strides = array<i32>} : memref<1x8192x128xf32, #tpu.memory_space<vmem>>, vector<1x128x128xf32>,
    %reduce_max3A_1448 = arith.constant dense<0xFF800000> : vector<128xf32>
    %reduce_max3A_1449 = vector.multi_reduction <maximumf>, %get3A_1441, %reduce_max3A_1448 [1] : vector<128x128xf32> to vector<128xf32>
    %broadcast_in_dim3A_1450 = vector.shape_cast %reduce_max3A_1449 : vector<128xf32> to vector<128x1xf32>
    %swap3A_1451 = arith.constant 0 : index
    %swap3A_1452 = arith.constant 60 : index
    %swap3A_1453 = vector.load %arg9[%swap3A_1451, %swap3A_1452] : memref<128x64xf32, #tpu.memory_space<vmem>>, vector<128x1xf32>
    tpu.vector_store %arg9[%swap3A_1451, %swap3A_1452], %broadcast_in_dim3A_1450 {strides = array<i32>} : memref<128x64xf32, #tpu.memory_space<vmem>>, vector<128x1xf32>,
    %reduce_max3A_1454 = arith.constant dense<0xFF800000> : vector<128xf32>
    %reduce_max3A_1455 = vector.multi_reduction <maximumf>, %get3A_1441, %reduce_max3A_1454 [0] : vector<128x128xf32> to vector<128xf32>
    %broadcast_in_dim3A_1456 = vector.shape_cast %reduce_max3A_1455 : vector<128xf32> to vector<1x128xf32>
    %swap3A_1457 = arith.constant 60 : index
    %swap3A_1458 = arith.constant 0 : index
    %swap3A_1459 = vector.load %arg8[%swap3A_1457, %swap3A_1458] : memref<64x128xf32, #tpu.memory_space<vmem>>, vector<1x128xf32>
    tpu.vector_store %arg8[%swap3A_1457, %swap3A_1458], %broadcast_in_dim3A_1456 {strides = array<i32>} : memref<64x128xf32, #tpu.memory_space<vmem>>, vector<1x128xf32>,
    %get3A_1460 = arith.constant 0 : index
    %get3A_1461 = arith.constant 0 : index
    %get3A_1462 = arith.constant 1664 : index
    %get3A_1463 = arith.constant 0 : index
    %get3A_1464 = vector.load %arg4[%get3A_1460, %get3A_1461, %get3A_1462, %get3A_1463] : memref<1x1x2048x128xf32, #tpu.memory_space<vmem>>, vector<1x1x128x128xf32>
    %get3A_1465 = vector.shape_cast %get3A_1464 : vector<1x1x128x128xf32> to vector<128x128xf32>
    %swap3A_1466 = arith.constant 0 : index
    %swap3A_1467 = arith.constant 7808 : index
    %swap3A_1468 = arith.constant 0 : index
    %swap3A_1469 = vector.load %arg7[%swap3A_1466, %swap3A_1467, %swap3A_1468] : memref<1x8192x128xf32, #tpu.memory_space<vmem>>, vector<1x128x128xf32>
    %swap3A_1470 = vector.shape_cast %swap3A_1469 : vector<1x128x128xf32> to vector<128x128xf32>
    %swap3A_1471 = vector.shape_cast %get3A_1465 : vector<128x128xf32> to vector<1x128x128xf32>
    tpu.vector_store %arg7[%swap3A_1466, %swap3A_1467, %swap3A_1468], %swap3A_1471 {strides = array<i32>} : memref<1x8192x128xf32, #tpu.memory_space<vmem>>, vector<1x128x128xf32>,
    %reduce_max3A_1472 = arith.constant dense<0xFF800000> : vector<128xf32>
    %reduce_max3A_1473 = vector.multi_reduction <maximumf>, %get3A_1465, %reduce_max3A_1472 [1] : vector<128x128xf32> to vector<128xf32>
    %broadcast_in_dim3A_1474 = vector.shape_cast %reduce_max3A_1473 : vector<128xf32> to vector<128x1xf32>
    %swap3A_1475 = arith.constant 0 : index
    %swap3A_1476 = arith.constant 61 : index
    %swap3A_1477 = vector.load %arg9[%swap3A_1475, %swap3A_1476] : memref<128x64xf32, #tpu.memory_space<vmem>>, vector<128x1xf32>
    tpu.vector_store %arg9[%swap3A_1475, %swap3A_1476], %broadcast_in_dim3A_1474 {strides = array<i32>} : memref<128x64xf32, #tpu.memory_space<vmem>>, vector<128x1xf32>,
    %reduce_max3A_1478 = arith.constant dense<0xFF800000> : vector<128xf32>
    %reduce_max3A_1479 = vector.multi_reduction <maximumf>, %get3A_1465, %reduce_max3A_1478 [0] : vector<128x128xf32> to vector<128xf32>
    %broadcast_in_dim3A_1480 = vector.shape_cast %reduce_max3A_1479 : vector<128xf32> to vector<1x128xf32>
    %swap3A_1481 = arith.constant 61 : index
    %swap3A_1482 = arith.constant 0 : index
    %swap3A_1483 = vector.load %arg8[%swap3A_1481, %swap3A_1482] : memref<64x128xf32, #tpu.memory_space<vmem>>, vector<1x128xf32>
    tpu.vector_store %arg8[%swap3A_1481, %swap3A_1482], %broadcast_in_dim3A_1480 {strides = array<i32>} : memref<64x128xf32, #tpu.memory_space<vmem>>, vector<1x128xf32>,
    %get3A_1484 = arith.constant 0 : index
    %get3A_1485 = arith.constant 0 : index
    %get3A_1486 = arith.constant 1792 : index
    %get3A_1487 = arith.constant 0 : index
    %get3A_1488 = vector.load %arg4[%get3A_1484, %get3A_1485, %get3A_1486, %get3A_1487] : memref<1x1x2048x128xf32, #tpu.memory_space<vmem>>, vector<1x1x128x128xf32>
    %get3A_1489 = vector.shape_cast %get3A_1488 : vector<1x1x128x128xf32> to vector<128x128xf32>
    %swap3A_1490 = arith.constant 0 : index
    %swap3A_1491 = arith.constant 7936 : index
    %swap3A_1492 = arith.constant 0 : index
    %swap3A_1493 = vector.load %arg7[%swap3A_1490, %swap3A_1491, %swap3A_1492] : memref<1x8192x128xf32, #tpu.memory_space<vmem>>, vector<1x128x128xf32>
    %swap3A_1494 = vector.shape_cast %swap3A_1493 : vector<1x128x128xf32> to vector<128x128xf32>
    %swap3A_1495 = vector.shape_cast %get3A_1489 : vector<128x128xf32> to vector<1x128x128xf32>
    tpu.vector_store %arg7[%swap3A_1490, %swap3A_1491, %swap3A_1492], %swap3A_1495 {strides = array<i32>} : memref<1x8192x128xf32, #tpu.memory_space<vmem>>, vector<1x128x128xf32>,
    %reduce_max3A_1496 = arith.constant dense<0xFF800000> : vector<128xf32>
    %reduce_max3A_1497 = vector.multi_reduction <maximumf>, %get3A_1489, %reduce_max3A_1496 [1] : vector<128x128xf32> to vector<128xf32>
    %broadcast_in_dim3A_1498 = vector.shape_cast %reduce_max3A_1497 : vector<128xf32> to vector<128x1xf32>
    %swap3A_1499 = arith.constant 0 : index
    %swap3A_1500 = arith.constant 62 : index
    %swap3A_1501 = vector.load %arg9[%swap3A_1499, %swap3A_1500] : memref<128x64xf32, #tpu.memory_space<vmem>>, vector<128x1xf32>
    tpu.vector_store %arg9[%swap3A_1499, %swap3A_1500], %broadcast_in_dim3A_1498 {strides = array<i32>} : memref<128x64xf32, #tpu.memory_space<vmem>>, vector<128x1xf32>,
    %reduce_max3A_1502 = arith.constant dense<0xFF800000> : vector<128xf32>
    %reduce_max3A_1503 = vector.multi_reduction <maximumf>, %get3A_1489, %reduce_max3A_1502 [0] : vector<128x128xf32> to vector<128xf32>
    %broadcast_in_dim3A_1504 = vector.shape_cast %reduce_max3A_1503 : vector<128xf32> to vector<1x128xf32>
    %swap3A_1505 = arith.constant 62 : index
    %swap3A_1506 = arith.constant 0 : index
    %swap3A_1507 = vector.load %arg8[%swap3A_1505, %swap3A_1506] : memref<64x128xf32, #tpu.memory_space<vmem>>, vector<1x128xf32>
    tpu.vector_store %arg8[%swap3A_1505, %swap3A_1506], %broadcast_in_dim3A_1504 {strides = array<i32>} : memref<64x128xf32, #tpu.memory_space<vmem>>, vector<1x128xf32>,
    %get3A_1508 = arith.constant 0 : index
    %get3A_1509 = arith.constant 0 : index
    %get3A_1510 = arith.constant 1920 : index
    %get3A_1511 = arith.constant 0 : index
    %get3A_1512 = vector.load %arg4[%get3A_1508, %get3A_1509, %get3A_1510, %get3A_1511] : memref<1x1x2048x128xf32, #tpu.memory_space<vmem>>, vector<1x1x128x128xf32>
    %get3A_1513 = vector.shape_cast %get3A_1512 : vector<1x1x128x128xf32> to vector<128x128xf32>
    %swap3A_1514 = arith.constant 0 : index
    %swap3A_1515 = arith.constant 8064 : index
    %swap3A_1516 = arith.constant 0 : index
    %swap3A_1517 = vector.load %arg7[%swap3A_1514, %swap3A_1515, %swap3A_1516] : memref<1x8192x128xf32, #tpu.memory_space<vmem>>, vector<1x128x128xf32>
    %swap3A_1518 = vector.shape_cast %swap3A_1517 : vector<1x128x128xf32> to vector<128x128xf32>
    %swap3A_1519 = vector.shape_cast %get3A_1513 : vector<128x128xf32> to vector<1x128x128xf32>
    tpu.vector_store %arg7[%swap3A_1514, %swap3A_1515, %swap3A_1516], %swap3A_1519 {strides = array<i32>} : memref<1x8192x128xf32, #tpu.memory_space<vmem>>, vector<1x128x128xf32>,
    %reduce_max3A_1520 = arith.constant dense<0xFF800000> : vector<128xf32>
    %reduce_max3A_1521 = vector.multi_reduction <maximumf>, %get3A_1513, %reduce_max3A_1520 [1] : vector<128x128xf32> to vector<128xf32>
    %broadcast_in_dim3A_1522 = vector.shape_cast %reduce_max3A_1521 : vector<128xf32> to vector<128x1xf32>
    %swap3A_1523 = arith.constant 0 : index
    %swap3A_1524 = arith.constant 63 : index
    %swap3A_1525 = vector.load %arg9[%swap3A_1523, %swap3A_1524] : memref<128x64xf32, #tpu.memory_space<vmem>>, vector<128x1xf32>
    tpu.vector_store %arg9[%swap3A_1523, %swap3A_1524], %broadcast_in_dim3A_1522 {strides = array<i32>} : memref<128x64xf32, #tpu.memory_space<vmem>>, vector<128x1xf32>,
    %reduce_max3A_1526 = arith.constant dense<0xFF800000> : vector<128xf32>
    %reduce_max3A_1527 = vector.multi_reduction <maximumf>, %get3A_1513, %reduce_max3A_1526 [0] : vector<128x128xf32> to vector<128xf32>
    %broadcast_in_dim3A_1528 = vector.shape_cast %reduce_max3A_1527 : vector<128xf32> to vector<1x128xf32>
    %swap3A_1529 = arith.constant 63 : index
    %swap3A_1530 = arith.constant 0 : index
    %swap3A_1531 = vector.load %arg8[%swap3A_1529, %swap3A_1530] : memref<64x128xf32, #tpu.memory_space<vmem>>, vector<1x128xf32>
    tpu.vector_store %arg8[%swap3A_1529, %swap3A_1530], %broadcast_in_dim3A_1528 {strides = array<i32>} : memref<64x128xf32, #tpu.memory_space<vmem>>, vector<1x128xf32>,
    %get3A_1532 = arith.constant 0 : index
    %get3A_1533 = arith.constant 0 : index
    %get3A_1534 = vector.load %arg9[%get3A_1532, %get3A_1533] : memref<128x64xf32, #tpu.memory_space<vmem>>, vector<128x64xf32>
    %transpose3A = tpu.transpose %get3A_1534, [1, 0] : vector<128x64xf32> -> vector<64x128xf32>
    %swap3A_1535 = arith.constant 0 : index
    %swap3A_1536 = arith.constant 0 : index
    %swap3A_1537 = arith.constant 0 : index
    %swap3A_1538 = vector.load %arg5[%swap3A_1535, %swap3A_1536, %swap3A_1537] : memref<1x64x128xf32, #tpu.memory_space<vmem>>, vector<1x64x128xf32>
    %swap3A_1539 = vector.shape_cast %swap3A_1538 : vector<1x64x128xf32> to vector<64x128xf32>
    %swap3A_1540 = vector.shape_cast %transpose3A : vector<64x128xf32> to vector<1x64x128xf32>
    tpu.vector_store %arg5[%swap3A_1535, %swap3A_1536, %swap3A_1537], %swap3A_1540 {strides = array<i32>} : memref<1x64x128xf32, #tpu.memory_space<vmem>>, vector<1x64x128xf32>,
    %get3A_1541 = arith.constant 0 : index
    %get3A_1542 = arith.constant 0 : index
    %get3A_1543 = vector.load %arg8[%get3A_1541, %get3A_1542] : memref<64x128xf32, #tpu.memory_space<vmem>>, vector<64x128xf32>
    %ge3A = arith.constant 0.000000e+00 : f32
    %ge3A_1544 = vector.broadcast %ge3A : f32 to vector<64x128xf32>
    %ge3A_1545 = arith.cmpf oge, %get3A_1543, %ge3A_1544 : vector<64x128xf32>
    %jit3A = arith.constant 1.000000e+00 : f32
    %jit3A_1546 = arith.constant 0.000000e+00 : f32
    %broadcast_in_dim3A_1547 = vector.broadcast %jit3A : f32 to vector<64x128xf32>
    %broadcast_in_dim3A_1548 = vector.broadcast %jit3A_1546 : f32 to vector<64x128xf32>
    %select_n3A = arith.select %ge3A_1545, %broadcast_in_dim3A_1547, %broadcast_in_dim3A_1548 : vector<64x128xi1>, vector<64x128xf32>
    %reduce_sum3A = vector.shape_cast %select_n3A : vector<64x128xf32> to vector<1x64x128xf32>
    %reduce_sum3A_1549 = arith.constant dense<0.000000e+00> : vector<1xf32>
    %reduce_sum3A_1550 = vector.multi_reduction <add>, %reduce_sum3A, %reduce_sum3A_1549 [1, 2] : vector<1x64x128xf32> to vector<1xf32>
    %reduce_sum3A_1551 = vector.shape_cast %reduce_sum3A_1550 : vector<1xf32> to vector<1x1x1xf32>
    %reduce_sum3A_1552 = vector.extract %reduce_sum3A_1551[0, 0, 0] : f32 from vector<1x1x1xf32>
    %ge3A_1553 = arith.constant 1.000000e+02 : f32
    %ge3A_1554 = arith.cmpf oge, %reduce_sum3A_1552, %ge3A_1553 : f32
    %jit3A_1555 = arith.constant 0 : i32
    %jit3A_1556 = arith.constant -2147483648 : i32
    %select_n3A_1557 = arith.select %ge3A_1554, %jit3A_1555, %jit3A_1556 : i32
    %or3A = arith.constant 1073741824 : i32
    %or3A_1558 = arith.ori %select_n3A_1557, %or3A : i32
    %ge3A_1559 = arith.constant 0 : i32
    %ge3A_1560 = arith.cmpi sge, %or3A_1558, %ge3A_1559 : i32
    %xor3A = arith.constant 2147483647 : i32
    %xor3A_1561 = arith.xori %or3A_1558, %xor3A : i32
    %select_n3A_1562 = arith.select %ge3A_1560, %or3A_1558, %xor3A_1561 : i32
    %bitcast_convert_type3A = arith.bitcast %select_n3A_1562 : i32 to f32
    %ge3A_1563 = vector.broadcast %bitcast_convert_type3A : f32 to vector<64x128xf32>
    %ge3A_1564 = arith.cmpf oge, %get3A_1543, %ge3A_1563 : vector<64x128xf32>
    %jit3A_1565 = arith.constant 1.000000e+00 : f32
    %jit3A_1566 = arith.constant 0.000000e+00 : f32
    %broadcast_in_dim3A_1567 = vector.broadcast %jit3A_1565 : f32 to vector<64x128xf32>
    %broadcast_in_dim3A_1568 = vector.broadcast %jit3A_1566 : f32 to vector<64x128xf32>
    %select_n3A_1569 = arith.select %ge3A_1564, %broadcast_in_dim3A_1567, %broadcast_in_dim3A_1568 : vector<64x128xi1>, vector<64x128xf32>
    %reduce_sum3A_1570 = vector.shape_cast %select_n3A_1569 : vector<64x128xf32> to vector<1x64x128xf32>
    %reduce_sum3A_1571 = arith.constant dense<0.000000e+00> : vector<1xf32>
    %reduce_sum3A_1572 = vector.multi_reduction <add>, %reduce_sum3A_1570, %reduce_sum3A_1571 [1, 2] : vector<1x64x128xf32> to vector<1xf32>
    %reduce_sum3A_1573 = vector.shape_cast %reduce_sum3A_1572 : vector<1xf32> to vector<1x1x1xf32>
    %reduce_sum3A_1574 = vector.extract %reduce_sum3A_1573[0, 0, 0] : f32 from vector<1x1x1xf32>
    %ge3A_1575 = arith.constant 1.000000e+02 : f32
    %ge3A_1576 = arith.cmpf oge, %reduce_sum3A_1574, %ge3A_1575 : f32
    %select_n3A_1577 = arith.select %ge3A_1576, %or3A_1558, %select_n3A_1557 : i32
    %or3A_1578 = arith.constant 536870912 : i32
    %or3A_1579 = arith.ori %select_n3A_1577, %or3A_1578 : i32
    %ge3A_1580 = arith.constant 0 : i32
    %ge3A_1581 = arith.cmpi sge, %or3A_1579, %ge3A_1580 : i32
    %xor3A_1582 = arith.constant 2147483647 : i32
    %xor3A_1583 = arith.xori %or3A_1579, %xor3A_1582 : i32
    %select_n3A_1584 = arith.select %ge3A_1581, %or3A_1579, %xor3A_1583 : i32
    %bitcast_convert_type3A_1585 = arith.bitcast %select_n3A_1584 : i32 to f32
    %ge3A_1586 = vector.broadcast %bitcast_convert_type3A_1585 : f32 to vector<64x128xf32>
    %ge3A_1587 = arith.cmpf oge, %get3A_1543, %ge3A_1586 : vector<64x128xf32>
    %jit3A_1588 = arith.constant 1.000000e+00 : f32
    %jit3A_1589 = arith.constant 0.000000e+00 : f32
    %broadcast_in_dim3A_1590 = vector.broadcast %jit3A_1588 : f32 to vector<64x128xf32>
    %broadcast_in_dim3A_1591 = vector.broadcast %jit3A_1589 : f32 to vector<64x128xf32>
    %select_n3A_1592 = arith.select %ge3A_1587, %broadcast_in_dim3A_1590, %broadcast_in_dim3A_1591 : vector<64x128xi1>, vector<64x128xf32>
    %reduce_sum3A_1593 = vector.shape_cast %select_n3A_1592 : vector<64x128xf32> to vector<1x64x128xf32>
    %reduce_sum3A_1594 = arith.constant dense<0.000000e+00> : vector<1xf32>
    %reduce_sum3A_1595 = vector.multi_reduction <add>, %reduce_sum3A_1593, %reduce_sum3A_1594 [1, 2] : vector<1x64x128xf32> to vector<1xf32>
    %reduce_sum3A_1596 = vector.shape_cast %reduce_sum3A_1595 : vector<1xf32> to vector<1x1x1xf32>
    %reduce_sum3A_1597 = vector.extract %reduce_sum3A_1596[0, 0, 0] : f32 from vector<1x1x1xf32>
    %ge3A_1598 = arith.constant 1.000000e+02 : f32
    %ge3A_1599 = arith.cmpf oge, %reduce_sum3A_1597, %ge3A_1598 : f32
    %select_n3A_1600 = arith.select %ge3A_1599, %or3A_1579, %select_n3A_1577 : i32
    %or3A_1601 = arith.constant 268435456 : i32
    %or3A_1602 = arith.ori %select_n3A_1600, %or3A_1601 : i32
    %ge3A_1603 = arith.constant 0 : i32
    %ge3A_1604 = arith.cmpi sge, %or3A_1602, %ge3A_1603 : i32
    %xor3A_1605 = arith.constant 2147483647 : i32
    %xor3A_1606 = arith.xori %or3A_1602, %xor3A_1605 : i32
    %select_n3A_1607 = arith.select %ge3A_1604, %or3A_1602, %xor3A_1606 : i32
    %bitcast_convert_type3A_1608 = arith.bitcast %select_n3A_1607 : i32 to f32
    %ge3A_1609 = vector.broadcast %bitcast_convert_type3A_1608 : f32 to vector<64x128xf32>
    %ge3A_1610 = arith.cmpf oge, %get3A_1543, %ge3A_1609 : vector<64x128xf32>
    %jit3A_1611 = arith.constant 1.000000e+00 : f32
    %jit3A_1612 = arith.constant 0.000000e+00 : f32
    %broadcast_in_dim3A_1613 = vector.broadcast %jit3A_1611 : f32 to vector<64x128xf32>
    %broadcast_in_dim3A_1614 = vector.broadcast %jit3A_1612 : f32 to vector<64x128xf32>
    %select_n3A_1615 = arith.select %ge3A_1610, %broadcast_in_dim3A_1613, %broadcast_in_dim3A_1614 : vector<64x128xi1>, vector<64x128xf32>
    %reduce_sum3A_1616 = vector.shape_cast %select_n3A_1615 : vector<64x128xf32> to vector<1x64x128xf32>
    %reduce_sum3A_1617 = arith.constant dense<0.000000e+00> : vector<1xf32>
    %reduce_sum3A_1618 = vector.multi_reduction <add>, %reduce_sum3A_1616, %reduce_sum3A_1617 [1, 2] : vector<1x64x128xf32> to vector<1xf32>
    %reduce_sum3A_1619 = vector.shape_cast %reduce_sum3A_1618 : vector<1xf32> to vector<1x1x1xf32>
    %reduce_sum3A_1620 = vector.extract %reduce_sum3A_1619[0, 0, 0] : f32 from vector<1x1x1xf32>
    %ge3A_1621 = arith.constant 1.000000e+02 : f32
    %ge3A_1622 = arith.cmpf oge, %reduce_sum3A_1620, %ge3A_1621 : f32
    %select_n3A_1623 = arith.select %ge3A_1622, %or3A_1602, %select_n3A_1600 : i32
    %or3A_1624 = arith.constant 134217728 : i32
    %or3A_1625 = arith.ori %select_n3A_1623, %or3A_1624 : i32
    %ge3A_1626 = arith.constant 0 : i32
    %ge3A_1627 = arith.cmpi sge, %or3A_1625, %ge3A_1626 : i32
    %xor3A_1628 = arith.constant 2147483647 : i32
    %xor3A_1629 = arith.xori %or3A_1625, %xor3A_1628 : i32
    %select_n3A_1630 = arith.select %ge3A_1627, %or3A_1625, %xor3A_1629 : i32
    %bitcast_convert_type3A_1631 = arith.bitcast %select_n3A_1630 : i32 to f32
    %ge3A_1632 = vector.broadcast %bitcast_convert_type3A_1631 : f32 to vector<64x128xf32>
    %ge3A_1633 = arith.cmpf oge, %get3A_1543, %ge3A_1632 : vector<64x128xf32>
    %jit3A_1634 = arith.constant 1.000000e+00 : f32
    %jit3A_1635 = arith.constant 0.000000e+00 : f32
    %broadcast_in_dim3A_1636 = vector.broadcast %jit3A_1634 : f32 to vector<64x128xf32>
    %broadcast_in_dim3A_1637 = vector.broadcast %jit3A_1635 : f32 to vector<64x128xf32>
    %select_n3A_1638 = arith.select %ge3A_1633, %broadcast_in_dim3A_1636, %broadcast_in_dim3A_1637 : vector<64x128xi1>, vector<64x128xf32>
    %reduce_sum3A_1639 = vector.shape_cast %select_n3A_1638 : vector<64x128xf32> to vector<1x64x128xf32>
    %reduce_sum3A_1640 = arith.constant dense<0.000000e+00> : vector<1xf32>
    %reduce_sum3A_1641 = vector.multi_reduction <add>, %reduce_sum3A_1639, %reduce_sum3A_1640 [1, 2] : vector<1x64x128xf32> to vector<1xf32>
    %reduce_sum3A_1642 = vector.shape_cast %reduce_sum3A_1641 : vector<1xf32> to vector<1x1x1xf32>
    %reduce_sum3A_1643 = vector.extract %reduce_sum3A_1642[0, 0, 0] : f32 from vector<1x1x1xf32>
    %ge3A_1644 = arith.constant 1.000000e+02 : f32
    %ge3A_1645 = arith.cmpf oge, %reduce_sum3A_1643, %ge3A_1644 : f32
    %select_n3A_1646 = arith.select %ge3A_1645, %or3A_1625, %select_n3A_1623 : i32
    %or3A_1647 = arith.constant 67108864 : i32
    %or3A_1648 = arith.ori %select_n3A_1646, %or3A_1647 : i32
    %ge3A_1649 = arith.constant 0 : i32
    %ge3A_1650 = arith.cmpi sge, %or3A_1648, %ge3A_1649 : i32
    %xor3A_1651 = arith.constant 2147483647 : i32
    %xor3A_1652 = arith.xori %or3A_1648, %xor3A_1651 : i32
    %select_n3A_1653 = arith.select %ge3A_1650, %or3A_1648, %xor3A_1652 : i32
    %bitcast_convert_type3A_1654 = arith.bitcast %select_n3A_1653 : i32 to f32
    %ge3A_1655 = vector.broadcast %bitcast_convert_type3A_1654 : f32 to vector<64x128xf32>
    %ge3A_1656 = arith.cmpf oge, %get3A_1543, %ge3A_1655 : vector<64x128xf32>
    %jit3A_1657 = arith.constant 1.000000e+00 : f32
    %jit3A_1658 = arith.constant 0.000000e+00 : f32
    %broadcast_in_dim3A_1659 = vector.broadcast %jit3A_1657 : f32 to vector<64x128xf32>
    %broadcast_in_dim3A_1660 = vector.broadcast %jit3A_1658 : f32 to vector<64x128xf32>
    %select_n3A_1661 = arith.select %ge3A_1656, %broadcast_in_dim3A_1659, %broadcast_in_dim3A_1660 : vector<64x128xi1>, vector<64x128xf32>
    %reduce_sum3A_1662 = vector.shape_cast %select_n3A_1661 : vector<64x128xf32> to vector<1x64x128xf32>
    %reduce_sum3A_1663 = arith.constant dense<0.000000e+00> : vector<1xf32>
    %reduce_sum3A_1664 = vector.multi_reduction <add>, %reduce_sum3A_1662, %reduce_sum3A_1663 [1, 2] : vector<1x64x128xf32> to vector<1xf32>
    %reduce_sum3A_1665 = vector.shape_cast %reduce_sum3A_1664 : vector<1xf32> to vector<1x1x1xf32>
    %reduce_sum3A_1666 = vector.extract %reduce_sum3A_1665[0, 0, 0] : f32 from vector<1x1x1xf32>
    %ge3A_1667 = arith.constant 1.000000e+02 : f32
    %ge3A_1668 = arith.cmpf oge, %reduce_sum3A_1666, %ge3A_1667 : f32
    %select_n3A_1669 = arith.select %ge3A_1668, %or3A_1648, %select_n3A_1646 : i32
    %or3A_1670 = arith.constant 33554432 : i32
    %or3A_1671 = arith.ori %select_n3A_1669, %or3A_1670 : i32
    %ge3A_1672 = arith.constant 0 : i32
    %ge3A_1673 = arith.cmpi sge, %or3A_1671, %ge3A_1672 : i32
    %xor3A_1674 = arith.constant 2147483647 : i32
    %xor3A_1675 = arith.xori %or3A_1671, %xor3A_1674 : i32
    %select_n3A_1676 = arith.select %ge3A_1673, %or3A_1671, %xor3A_1675 : i32
    %bitcast_convert_type3A_1677 = arith.bitcast %select_n3A_1676 : i32 to f32
    %ge3A_1678 = vector.broadcast %bitcast_convert_type3A_1677 : f32 to vector<64x128xf32>
    %ge3A_1679 = arith.cmpf oge, %get3A_1543, %ge3A_1678 : vector<64x128xf32>
    %jit3A_1680 = arith.constant 1.000000e+00 : f32
    %jit3A_1681 = arith.constant 0.000000e+00 : f32
    %broadcast_in_dim3A_1682 = vector.broadcast %jit3A_1680 : f32 to vector<64x128xf32>
    %broadcast_in_dim3A_1683 = vector.broadcast %jit3A_1681 : f32 to vector<64x128xf32>
    %select_n3A_1684 = arith.select %ge3A_1679, %broadcast_in_dim3A_1682, %broadcast_in_dim3A_1683 : vector<64x128xi1>, vector<64x128xf32>
    %reduce_sum3A_1685 = vector.shape_cast %select_n3A_1684 : vector<64x128xf32> to vector<1x64x128xf32>
    %reduce_sum3A_1686 = arith.constant dense<0.000000e+00> : vector<1xf32>
    %reduce_sum3A_1687 = vector.multi_reduction <add>, %reduce_sum3A_1685, %reduce_sum3A_1686 [1, 2] : vector<1x64x128xf32> to vector<1xf32>
    %reduce_sum3A_1688 = vector.shape_cast %reduce_sum3A_1687 : vector<1xf32> to vector<1x1x1xf32>
    %reduce_sum3A_1689 = vector.extract %reduce_sum3A_1688[0, 0, 0] : f32 from vector<1x1x1xf32>
    %ge3A_1690 = arith.constant 1.000000e+02 : f32
    %ge3A_1691 = arith.cmpf oge, %reduce_sum3A_1689, %ge3A_1690 : f32
    %select_n3A_1692 = arith.select %ge3A_1691, %or3A_1671, %select_n3A_1669 : i32
    %or3A_1693 = arith.constant 16777216 : i32
    %or3A_1694 = arith.ori %select_n3A_1692, %or3A_1693 : i32
    %ge3A_1695 = arith.constant 0 : i32
    %ge3A_1696 = arith.cmpi sge, %or3A_1694, %ge3A_1695 : i32
    %xor3A_1697 = arith.constant 2147483647 : i32
    %xor3A_1698 = arith.xori %or3A_1694, %xor3A_1697 : i32
    %select_n3A_1699 = arith.select %ge3A_1696, %or3A_1694, %xor3A_1698 : i32
    %bitcast_convert_type3A_1700 = arith.bitcast %select_n3A_1699 : i32 to f32
    %ge3A_1701 = vector.broadcast %bitcast_convert_type3A_1700 : f32 to vector<64x128xf32>
    %ge3A_1702 = arith.cmpf oge, %get3A_1543, %ge3A_1701 : vector<64x128xf32>
    %jit3A_1703 = arith.constant 1.000000e+00 : f32
    %jit3A_1704 = arith.constant 0.000000e+00 : f32
    %broadcast_in_dim3A_1705 = vector.broadcast %jit3A_1703 : f32 to vector<64x128xf32>
    %broadcast_in_dim3A_1706 = vector.broadcast %jit3A_1704 : f32 to vector<64x128xf32>
    %select_n3A_1707 = arith.select %ge3A_1702, %broadcast_in_dim3A_1705, %broadcast_in_dim3A_1706 : vector<64x128xi1>, vector<64x128xf32>
    %reduce_sum3A_1708 = vector.shape_cast %select_n3A_1707 : vector<64x128xf32> to vector<1x64x128xf32>
    %reduce_sum3A_1709 = arith.constant dense<0.000000e+00> : vector<1xf32>
    %reduce_sum3A_1710 = vector.multi_reduction <add>, %reduce_sum3A_1708, %reduce_sum3A_1709 [1, 2] : vector<1x64x128xf32> to vector<1xf32>
    %reduce_sum3A_1711 = vector.shape_cast %reduce_sum3A_1710 : vector<1xf32> to vector<1x1x1xf32>
    %reduce_sum3A_1712 = vector.extract %reduce_sum3A_1711[0, 0, 0] : f32 from vector<1x1x1xf32>
    %ge3A_1713 = arith.constant 1.000000e+02 : f32
    %ge3A_1714 = arith.cmpf oge, %reduce_sum3A_1712, %ge3A_1713 : f32
    %select_n3A_1715 = arith.select %ge3A_1714, %or3A_1694, %select_n3A_1692 : i32
    %or3A_1716 = arith.constant 8388608 : i32
    %or3A_1717 = arith.ori %select_n3A_1715, %or3A_1716 : i32
    %ge3A_1718 = arith.constant 0 : i32
    %ge3A_1719 = arith.cmpi sge, %or3A_1717, %ge3A_1718 : i32
    %xor3A_1720 = arith.constant 2147483647 : i32
    %xor3A_1721 = arith.xori %or3A_1717, %xor3A_1720 : i32
    %select_n3A_1722 = arith.select %ge3A_1719, %or3A_1717, %xor3A_1721 : i32
    %bitcast_convert_type3A_1723 = arith.bitcast %select_n3A_1722 : i32 to f32
    %ge3A_1724 = vector.broadcast %bitcast_convert_type3A_1723 : f32 to vector<64x128xf32>
    %ge3A_1725 = arith.cmpf oge, %get3A_1543, %ge3A_1724 : vector<64x128xf32>
    %jit3A_1726 = arith.constant 1.000000e+00 : f32
    %jit3A_1727 = arith.constant 0.000000e+00 : f32
    %broadcast_in_dim3A_1728 = vector.broadcast %jit3A_1726 : f32 to vector<64x128xf32>
    %broadcast_in_dim3A_1729 = vector.broadcast %jit3A_1727 : f32 to vector<64x128xf32>
    %select_n3A_1730 = arith.select %ge3A_1725, %broadcast_in_dim3A_1728, %broadcast_in_dim3A_1729 : vector<64x128xi1>, vector<64x128xf32>
    %reduce_sum3A_1731 = vector.shape_cast %select_n3A_1730 : vector<64x128xf32> to vector<1x64x128xf32>
    %reduce_sum3A_1732 = arith.constant dense<0.000000e+00> : vector<1xf32>
    %reduce_sum3A_1733 = vector.multi_reduction <add>, %reduce_sum3A_1731, %reduce_sum3A_1732 [1, 2] : vector<1x64x128xf32> to vector<1xf32>
    %reduce_sum3A_1734 = vector.shape_cast %reduce_sum3A_1733 : vector<1xf32> to vector<1x1x1xf32>
    %reduce_sum3A_1735 = vector.extract %reduce_sum3A_1734[0, 0, 0] : f32 from vector<1x1x1xf32>
    %ge3A_1736 = arith.constant 1.000000e+02 : f32
    %ge3A_1737 = arith.cmpf oge, %reduce_sum3A_1735, %ge3A_1736 : f32
    %select_n3A_1738 = arith.select %ge3A_1737, %or3A_1717, %select_n3A_1715 : i32
    %or3A_1739 = arith.constant 4194304 : i32
    %or3A_1740 = arith.ori %select_n3A_1738, %or3A_1739 : i32
    %ge3A_1741 = arith.constant 0 : i32
    %ge3A_1742 = arith.cmpi sge, %or3A_1740, %ge3A_1741 : i32
    %xor3A_1743 = arith.constant 2147483647 : i32
    %xor3A_1744 = arith.xori %or3A_1740, %xor3A_1743 : i32
    %select_n3A_1745 = arith.select %ge3A_1742, %or3A_1740, %xor3A_1744 : i32
    %bitcast_convert_type3A_1746 = arith.bitcast %select_n3A_1745 : i32 to f32
    %ge3A_1747 = vector.broadcast %bitcast_convert_type3A_1746 : f32 to vector<64x128xf32>
    %ge3A_1748 = arith.cmpf oge, %get3A_1543, %ge3A_1747 : vector<64x128xf32>
    %jit3A_1749 = arith.constant 1.000000e+00 : f32
    %jit3A_1750 = arith.constant 0.000000e+00 : f32
    %broadcast_in_dim3A_1751 = vector.broadcast %jit3A_1749 : f32 to vector<64x128xf32>
    %broadcast_in_dim3A_1752 = vector.broadcast %jit3A_1750 : f32 to vector<64x128xf32>
    %select_n3A_1753 = arith.select %ge3A_1748, %broadcast_in_dim3A_1751, %broadcast_in_dim3A_1752 : vector<64x128xi1>, vector<64x128xf32>
    %reduce_sum3A_1754 = vector.shape_cast %select_n3A_1753 : vector<64x128xf32> to vector<1x64x128xf32>
    %reduce_sum3A_1755 = arith.constant dense<0.000000e+00> : vector<1xf32>
    %reduce_sum3A_1756 = vector.multi_reduction <add>, %reduce_sum3A_1754, %reduce_sum3A_1755 [1, 2] : vector<1x64x128xf32> to vector<1xf32>
    %reduce_sum3A_1757 = vector.shape_cast %reduce_sum3A_1756 : vector<1xf32> to vector<1x1x1xf32>
    %reduce_sum3A_1758 = vector.extract %reduce_sum3A_1757[0, 0, 0] : f32 from vector<1x1x1xf32>
    %ge3A_1759 = arith.constant 1.000000e+02 : f32
    %ge3A_1760 = arith.cmpf oge, %reduce_sum3A_1758, %ge3A_1759 : f32
    %select_n3A_1761 = arith.select %ge3A_1760, %or3A_1740, %select_n3A_1738 : i32
    %or3A_1762 = arith.constant 2097152 : i32
    %or3A_1763 = arith.ori %select_n3A_1761, %or3A_1762 : i32
    %ge3A_1764 = arith.constant 0 : i32
    %ge3A_1765 = arith.cmpi sge, %or3A_1763, %ge3A_1764 : i32
    %xor3A_1766 = arith.constant 2147483647 : i32
    %xor3A_1767 = arith.xori %or3A_1763, %xor3A_1766 : i32
    %select_n3A_1768 = arith.select %ge3A_1765, %or3A_1763, %xor3A_1767 : i32
    %bitcast_convert_type3A_1769 = arith.bitcast %select_n3A_1768 : i32 to f32
    %ge3A_1770 = vector.broadcast %bitcast_convert_type3A_1769 : f32 to vector<64x128xf32>
    %ge3A_1771 = arith.cmpf oge, %get3A_1543, %ge3A_1770 : vector<64x128xf32>
    %jit3A_1772 = arith.constant 1.000000e+00 : f32
    %jit3A_1773 = arith.constant 0.000000e+00 : f32
    %broadcast_in_dim3A_1774 = vector.broadcast %jit3A_1772 : f32 to vector<64x128xf32>
    %broadcast_in_dim3A_1775 = vector.broadcast %jit3A_1773 : f32 to vector<64x128xf32>
    %select_n3A_1776 = arith.select %ge3A_1771, %broadcast_in_dim3A_1774, %broadcast_in_dim3A_1775 : vector<64x128xi1>, vector<64x128xf32>
    %reduce_sum3A_1777 = vector.shape_cast %select_n3A_1776 : vector<64x128xf32> to vector<1x64x128xf32>
    %reduce_sum3A_1778 = arith.constant dense<0.000000e+00> : vector<1xf32>
    %reduce_sum3A_1779 = vector.multi_reduction <add>, %reduce_sum3A_1777, %reduce_sum3A_1778 [1, 2] : vector<1x64x128xf32> to vector<1xf32>
    %reduce_sum3A_1780 = vector.shape_cast %reduce_sum3A_1779 : vector<1xf32> to vector<1x1x1xf32>
    %reduce_sum3A_1781 = vector.extract %reduce_sum3A_1780[0, 0, 0] : f32 from vector<1x1x1xf32>
    %ge3A_1782 = arith.constant 1.000000e+02 : f32
    %ge3A_1783 = arith.cmpf oge, %reduce_sum3A_1781, %ge3A_1782 : f32
    %select_n3A_1784 = arith.select %ge3A_1783, %or3A_1763, %select_n3A_1761 : i32
    %or3A_1785 = arith.constant 1048576 : i32
    %or3A_1786 = arith.ori %select_n3A_1784, %or3A_1785 : i32
    %ge3A_1787 = arith.constant 0 : i32
    %ge3A_1788 = arith.cmpi sge, %or3A_1786, %ge3A_1787 : i32
    %xor3A_1789 = arith.constant 2147483647 : i32
    %xor3A_1790 = arith.xori %or3A_1786, %xor3A_1789 : i32
    %select_n3A_1791 = arith.select %ge3A_1788, %or3A_1786, %xor3A_1790 : i32
    %bitcast_convert_type3A_1792 = arith.bitcast %select_n3A_1791 : i32 to f32
    %ge3A_1793 = vector.broadcast %bitcast_convert_type3A_1792 : f32 to vector<64x128xf32>
    %ge3A_1794 = arith.cmpf oge, %get3A_1543, %ge3A_1793 : vector<64x128xf32>
    %jit3A_1795 = arith.constant 1.000000e+00 : f32
    %jit3A_1796 = arith.constant 0.000000e+00 : f32
    %broadcast_in_dim3A_1797 = vector.broadcast %jit3A_1795 : f32 to vector<64x128xf32>
    %broadcast_in_dim3A_1798 = vector.broadcast %jit3A_1796 : f32 to vector<64x128xf32>
    %select_n3A_1799 = arith.select %ge3A_1794, %broadcast_in_dim3A_1797, %broadcast_in_dim3A_1798 : vector<64x128xi1>, vector<64x128xf32>
    %reduce_sum3A_1800 = vector.shape_cast %select_n3A_1799 : vector<64x128xf32> to vector<1x64x128xf32>
    %reduce_sum3A_1801 = arith.constant dense<0.000000e+00> : vector<1xf32>
    %reduce_sum3A_1802 = vector.multi_reduction <add>, %reduce_sum3A_1800, %reduce_sum3A_1801 [1, 2] : vector<1x64x128xf32> to vector<1xf32>
    %reduce_sum3A_1803 = vector.shape_cast %reduce_sum3A_1802 : vector<1xf32> to vector<1x1x1xf32>
    %reduce_sum3A_1804 = vector.extract %reduce_sum3A_1803[0, 0, 0] : f32 from vector<1x1x1xf32>
    %ge3A_1805 = arith.constant 1.000000e+02 : f32
    %ge3A_1806 = arith.cmpf oge, %reduce_sum3A_1804, %ge3A_1805 : f32
    %select_n3A_1807 = arith.select %ge3A_1806, %or3A_1786, %select_n3A_1784 : i32
    %or3A_1808 = arith.constant 524288 : i32
    %or3A_1809 = arith.ori %select_n3A_1807, %or3A_1808 : i32
    %ge3A_1810 = arith.constant 0 : i32
    %ge3A_1811 = arith.cmpi sge, %or3A_1809, %ge3A_1810 : i32
    %xor3A_1812 = arith.constant 2147483647 : i32
    %xor3A_1813 = arith.xori %or3A_1809, %xor3A_1812 : i32
    %select_n3A_1814 = arith.select %ge3A_1811, %or3A_1809, %xor3A_1813 : i32
    %bitcast_convert_type3A_1815 = arith.bitcast %select_n3A_1814 : i32 to f32
    %ge3A_1816 = vector.broadcast %bitcast_convert_type3A_1815 : f32 to vector<64x128xf32>
    %ge3A_1817 = arith.cmpf oge, %get3A_1543, %ge3A_1816 : vector<64x128xf32>
    %jit3A_1818 = arith.constant 1.000000e+00 : f32
    %jit3A_1819 = arith.constant 0.000000e+00 : f32
    %broadcast_in_dim3A_1820 = vector.broadcast %jit3A_1818 : f32 to vector<64x128xf32>
    %broadcast_in_dim3A_1821 = vector.broadcast %jit3A_1819 : f32 to vector<64x128xf32>
    %select_n3A_1822 = arith.select %ge3A_1817, %broadcast_in_dim3A_1820, %broadcast_in_dim3A_1821 : vector<64x128xi1>, vector<64x128xf32>
    %reduce_sum3A_1823 = vector.shape_cast %select_n3A_1822 : vector<64x128xf32> to vector<1x64x128xf32>
    %reduce_sum3A_1824 = arith.constant dense<0.000000e+00> : vector<1xf32>
    %reduce_sum3A_1825 = vector.multi_reduction <add>, %reduce_sum3A_1823, %reduce_sum3A_1824 [1, 2] : vector<1x64x128xf32> to vector<1xf32>
    %reduce_sum3A_1826 = vector.shape_cast %reduce_sum3A_1825 : vector<1xf32> to vector<1x1x1xf32>
    %reduce_sum3A_1827 = vector.extract %reduce_sum3A_1826[0, 0, 0] : f32 from vector<1x1x1xf32>
    %ge3A_1828 = arith.constant 1.000000e+02 : f32
    %ge3A_1829 = arith.cmpf oge, %reduce_sum3A_1827, %ge3A_1828 : f32
    %select_n3A_1830 = arith.select %ge3A_1829, %or3A_1809, %select_n3A_1807 : i32
    %or3A_1831 = arith.constant 262144 : i32
    %or3A_1832 = arith.ori %select_n3A_1830, %or3A_1831 : i32
    %ge3A_1833 = arith.constant 0 : i32
    %ge3A_1834 = arith.cmpi sge, %or3A_1832, %ge3A_1833 : i32
    %xor3A_1835 = arith.constant 2147483647 : i32
    %xor3A_1836 = arith.xori %or3A_1832, %xor3A_1835 : i32
    %select_n3A_1837 = arith.select %ge3A_1834, %or3A_1832, %xor3A_1836 : i32
    %bitcast_convert_type3A_1838 = arith.bitcast %select_n3A_1837 : i32 to f32
    %ge3A_1839 = vector.broadcast %bitcast_convert_type3A_1838 : f32 to vector<64x128xf32>
    %ge3A_1840 = arith.cmpf oge, %get3A_1543, %ge3A_1839 : vector<64x128xf32>
    %jit3A_1841 = arith.constant 1.000000e+00 : f32
    %jit3A_1842 = arith.constant 0.000000e+00 : f32
    %broadcast_in_dim3A_1843 = vector.broadcast %jit3A_1841 : f32 to vector<64x128xf32>
    %broadcast_in_dim3A_1844 = vector.broadcast %jit3A_1842 : f32 to vector<64x128xf32>
    %select_n3A_1845 = arith.select %ge3A_1840, %broadcast_in_dim3A_1843, %broadcast_in_dim3A_1844 : vector<64x128xi1>, vector<64x128xf32>
    %reduce_sum3A_1846 = vector.shape_cast %select_n3A_1845 : vector<64x128xf32> to vector<1x64x128xf32>
    %reduce_sum3A_1847 = arith.constant dense<0.000000e+00> : vector<1xf32>
    %reduce_sum3A_1848 = vector.multi_reduction <add>, %reduce_sum3A_1846, %reduce_sum3A_1847 [1, 2] : vector<1x64x128xf32> to vector<1xf32>
    %reduce_sum3A_1849 = vector.shape_cast %reduce_sum3A_1848 : vector<1xf32> to vector<1x1x1xf32>
    %reduce_sum3A_1850 = vector.extract %reduce_sum3A_1849[0, 0, 0] : f32 from vector<1x1x1xf32>
    %ge3A_1851 = arith.constant 1.000000e+02 : f32
    %ge3A_1852 = arith.cmpf oge, %reduce_sum3A_1850, %ge3A_1851 : f32
    %select_n3A_1853 = arith.select %ge3A_1852, %or3A_1832, %select_n3A_1830 : i32
    %or3A_1854 = arith.constant 131072 : i32
    %or3A_1855 = arith.ori %select_n3A_1853, %or3A_1854 : i32
    %ge3A_1856 = arith.constant 0 : i32
    %ge3A_1857 = arith.cmpi sge, %or3A_1855, %ge3A_1856 : i32
    %xor3A_1858 = arith.constant 2147483647 : i32
    %xor3A_1859 = arith.xori %or3A_1855, %xor3A_1858 : i32
    %select_n3A_1860 = arith.select %ge3A_1857, %or3A_1855, %xor3A_1859 : i32
    %bitcast_convert_type3A_1861 = arith.bitcast %select_n3A_1860 : i32 to f32
    %ge3A_1862 = vector.broadcast %bitcast_convert_type3A_1861 : f32 to vector<64x128xf32>
    %ge3A_1863 = arith.cmpf oge, %get3A_1543, %ge3A_1862 : vector<64x128xf32>
    %jit3A_1864 = arith.constant 1.000000e+00 : f32
    %jit3A_1865 = arith.constant 0.000000e+00 : f32
    %broadcast_in_dim3A_1866 = vector.broadcast %jit3A_1864 : f32 to vector<64x128xf32>
    %broadcast_in_dim3A_1867 = vector.broadcast %jit3A_1865 : f32 to vector<64x128xf32>
    %select_n3A_1868 = arith.select %ge3A_1863, %broadcast_in_dim3A_1866, %broadcast_in_dim3A_1867 : vector<64x128xi1>, vector<64x128xf32>
    %reduce_sum3A_1869 = vector.shape_cast %select_n3A_1868 : vector<64x128xf32> to vector<1x64x128xf32>
    %reduce_sum3A_1870 = arith.constant dense<0.000000e+00> : vector<1xf32>
    %reduce_sum3A_1871 = vector.multi_reduction <add>, %reduce_sum3A_1869, %reduce_sum3A_1870 [1, 2] : vector<1x64x128xf32> to vector<1xf32>
    %reduce_sum3A_1872 = vector.shape_cast %reduce_sum3A_1871 : vector<1xf32> to vector<1x1x1xf32>
    %reduce_sum3A_1873 = vector.extract %reduce_sum3A_1872[0, 0, 0] : f32 from vector<1x1x1xf32>
    %ge3A_1874 = arith.constant 1.000000e+02 : f32
    %ge3A_1875 = arith.cmpf oge, %reduce_sum3A_1873, %ge3A_1874 : f32
    %select_n3A_1876 = arith.select %ge3A_1875, %or3A_1855, %select_n3A_1853 : i32
    %ge3A_1877 = arith.constant 0 : i32
    %ge3A_1878 = arith.cmpi sge, %select_n3A_1876, %ge3A_1877 : i32
    %xor3A_1879 = arith.constant 2147483647 : i32
    %xor3A_1880 = arith.xori %select_n3A_1876, %xor3A_1879 : i32
    %select_n3A_1881 = arith.select %ge3A_1878, %select_n3A_1876, %xor3A_1880 : i32
    %bitcast_convert_type3A_1882 = arith.bitcast %select_n3A_1881 : i32 to f32
    %broadcast_in_dim3A_1883 = arith.constant 1.000000e+00 : f32
    %broadcast_in_dim3A_1884 = vector.broadcast %broadcast_in_dim3A_1883 : f32 to vector<1x128xf32>
    %mul3A = vector.broadcast %bitcast_convert_type3A_1882 : f32 to vector<1x128xf32>
    %mul3A_1885 = arith.mulf %broadcast_in_dim3A_1884, %mul3A : vector<1x128xf32>
    %swap3A_1886 = arith.constant 0 : index
    %swap3A_1887 = arith.constant 0 : index
    %swap3A_1888 = arith.constant 0 : index
    %swap3A_1889 = vector.load %arg6[%swap3A_1886, %swap3A_1887, %swap3A_1888] : memref<1x1x128xf32, #tpu.memory_space<vmem>>, vector<1x1x128xf32>
    %swap3A_1890 = vector.shape_cast %swap3A_1889 : vector<1x1x128xf32> to vector<1x128xf32>
    %swap3A_1891 = vector.shape_cast %mul3A_1885 : vector<1x128xf32> to vector<1x1x128xf32>
    tpu.vector_store %arg6[%swap3A_1886, %swap3A_1887, %swap3A_1888], %swap3A_1891 {strides = array<i32>} : memref<1x1x128xf32, #tpu.memory_space<vmem>>, vector<1x1x128xf32>,
    return
  }
  func.func @transform_0(%arg0: i32) -> (i32, i32, i32, i32) {
    %c0_i32 = arith.constant 0 : i32
    %c0_i32_0 = arith.constant 0 : i32
    %c0_i32_1 = arith.constant 0 : i32
    %c0_i32_2 = arith.constant 0 : i32
    return %arg0, %c0_i32, %c0_i32_0, %c0_i32_1 : i32, i32, i32, i32
  }
  func.func @transform_1(%arg0: i32) -> (i32, i32, i32, i32) {
    %c1_i32 = arith.constant 1 : i32
    %c0_i32 = arith.constant 0 : i32
    %c0_i32_0 = arith.constant 0 : i32
    %c0_i32_1 = arith.constant 0 : i32
    return %arg0, %c1_i32, %c0_i32, %c0_i32_0 : i32, i32, i32, i32
  }
  func.func @transform_2(%arg0: i32) -> (i32, i32, i32, i32) {
    %c2_i32 = arith.constant 2 : i32
    %c0_i32 = arith.constant 0 : i32
    %c0_i32_0 = arith.constant 0 : i32
    %c0_i32_1 = arith.constant 0 : i32
    return %arg0, %c2_i32, %c0_i32, %c0_i32_0 : i32, i32, i32, i32
  }
  func.func @transform_3(%arg0: i32) -> (i32, i32, i32, i32) {
    %c3_i32 = arith.constant 3 : i32
    %c0_i32 = arith.constant 0 : i32
    %c0_i32_0 = arith.constant 0 : i32
    %c0_i32_1 = arith.constant 0 : i32
    return %arg0, %c3_i32, %c0_i32, %c0_i32_0 : i32, i32, i32, i32
  }
  func.func @transform_4(%arg0: i32) -> (i32, i32, i32) {
    %c0_i32 = arith.constant 0 : i32
    %c0_i32_0 = arith.constant 0 : i32
    %c0_i32_1 = arith.constant 0 : i32
    return %arg0, %c0_i32, %c0_i32_0 : i32, i32, i32
  }
  func.func @transform_5(%arg0: i32) -> (i32, i32, i32) {
    %c0_i32 = arith.constant 0 : i32
    %c0_i32_0 = arith.constant 0 : i32
    %c0_i32_1 = arith.constant 0 : i32
    return %arg0, %c0_i32, %c0_i32_0 : i32, i32, i32
  }
  func.func @transform_6(%arg0: i32) -> (i32, i32, i32) {
    %c0_i32 = arith.constant 0 : i32
    %c0_i32_0 = arith.constant 0 : i32
    %c0_i32_1 = arith.constant 0 : i32
    return %arg0, %c0_i32, %c0_i32_0 : i32, i32, i32
  }
}

</mosaic_0001>

<sc_bundles>
// kernel: kernel.4.cloned.1.call-start
scs
__scs_entry_jumppad:
0x0: {  	(pc) =	sbr.rel $0x88, $3  }
0x1: {  	(tag) =	ssettag $0x0;
	lr =	simm.s32 $0x1  }
0x2: {  	[smem:$0x3F9F] =	sst lr;
	_ =	strace $0xD0000000  }
0x3: {  	_ = 	snop  }
0x4: {  	_ = 	snop  }
0x5: {  	_ = 	snop  }
0x6: {  	_ = 	snop  }
0x7: {  	_ = 	snop  }
__scs_overlays_trampoline_lowered:
0x8: {  	[smem:$0x3FAE] =	sst s0  }
0x9: {  	[smem:$0x3FAF] =	sst s1  }
0xa: {  	[smem:$0x3FB0] =	sst s2  }
0xb: {  	[smem:$0x3FB1] =	sst s3  }
0xc: {  	[smem:$0x3FB2] =	sst s4  }
0xd: {  	[smem:$0x3FB3] =	sst s5  }
0xe: {  	[smem:$0x3FB4] =	sst s6  }
0xf: {  	[smem:$0x3FB5] =	sst s7  }
0x10: {  	[smem:$0x3FB6] =	sst s8  }
0x11: {  	[smem:$0x3FB7] =	sst s9;
	s0 =	simm.s32 @!p0 $0x0  }
0x12: {  	s1 =	sld [smem:$0x3F9D];
	s0 =	simm.s32 @p0 $0x1  }
0x13: {  	[smem:$0x3FB8] =	sst s0;
	s0 =	simm.s32 @!p1 $0x0  }
0x14: {  	s2 =	sld [smem:$0x3F9C];
	s0 =	simm.s32 @p1 $0x1  }
0x15: {  	[smem:$0x3FB9] =	sst s0;
	s0 =	simm.s32 @!p2 $0x0  }
0x16: {  	s3 =	sld [smem:$0x3FDB];
	s0 =	simm.s32 @p2 $0x1  }
0x17: {  	s4 =	simm.s32 $0x1BF5;
	[smem:$0x3FBB] =	sst s0  }
0x18: {  	s0 =	sld [smem:$0x3F9E];
	_ =	swait.ge [sflag:s4], $0x0  }
0x19: {  	s7 =	sld [smem:$0x3F9F]  }
0x1a: {  	s8 =	sadd.s32 $0xFFFFE003, lr  }
0x1b: {  	s9 =	sadd.s32 $0xFFFFFEF7, lr;
	s5 =	simm.s32 $0xFFFFFFFF;
	p2 =	slt.u32 s8, $0xFFFFF086  }
0x1c: {  	p1 =	slt.u32 s9, $0xF7A;
	s5 =	simm.s32 @!p2 $0x0  }
0x1d: {  	s5 =	simm.s32 @p1 $0x1;
	p0 =	seq.s32 s7, s2  }
0x1e: {  	s7 =	smul.u32 @!p0 $0xF7A, s2;
	p2 =	seq.s32 @!p0 s5, $0x0  }
0x1f: {  	s9 =	smul.u32 $0xF7A, s1;
	s8 =	simm.s32 @!p0 $0x1BF5;
	p2 =	por !p2, p0  }
0x20: {  	[sflag:s8] =	ssyncset.s32 @!p0 $0xFFFFF086;
	s6 =	sadd.s32 @!p0 s3, s7;
	s7 =	simm.s32 @!p0 $0x108  }
0x21: {  	s3 =	sadd.s32 s3, s9;
	s6 =	sadd.s32 @!p0 $0x88, s6;
	s7 =	simm.s32 @p2 $0x1082  }
0x22: {  	[simem:s7], [sflag:s8] =	dma.local @!p0 [hbm:s6], $0xF7A  }
0x23: {  	s9 =	sor.u32 $0xD0000000, s2;
	s6 =	simm.s32 $0x108;
	_ =	swait.ge @!p0 [sflag:s8], $0x0  }
0x24: {  	s3 =	sadd.s32 $0x88, s3;
	s6 =	simm.s32 @!p1 $0x1082;
	[sflag:s4] =	ssyncset.s32 $0xFFFFF086  }
0x25: {  	[simem:s6], [sflag:s4] =	dma.local [hbm:s3], $0xF7A  }
0x26: {  	[smem:$0x3F9F] =	sst s1;
	(tag) =	ssettag s2;
	_ =	strace s9  }
0x27: {  	s1 =	sld [smem:$0x3FAF]  }
0x28: {  	s2 =	sld [smem:$0x3FB0]  }
0x29: {  	s4 =	sld [smem:$0x3FB2]  }
0x2a: {  	p0 =	seq.s32 s5, $0x0;
	s5 =	sld [smem:$0x3FB3]  }
0x2b: {  	s6 =	sld [smem:$0x3FB4]  }
0x2c: {  	s7 =	sld [smem:$0x3FB5]  }
0x2d: {  	s3 =	simm.s32 $0x108;
	s8 =	sld [smem:$0x3FB6]  }
0x2e: {  	s3 =	simm.s32 @!p0 $0x1082;
	s9 =	sld [smem:$0x3FB7]  }
0x2f: {  	lr =	sadd.s32 s0, s3;
	s0 =	sld [smem:$0x3FAE]  }
0x30: {  	s3 =	sld [smem:$0x3FB1]  }
0x31: {  	[smem:$0x3FBA] =	sst s10  }
0x32: {  	s10 =	sld [smem:$0x3FB8];
	_ =	sdelay $0x3  }
0x33: {  	p0 =	seq.s32 s10, $0x1;
	s10 =	sld [smem:$0x3FBA];
	_ =	sdelay $0x3  }
0x34: {  	[smem:$0x3FBA] =	sst s10  }
0x35: {  	s10 =	sld [smem:$0x3FB9];
	_ =	sdelay $0x3  }
0x36: {  	p1 =	seq.s32 s10, $0x1;
	s10 =	sld [smem:$0x3FBA];
	_ =	sdelay $0x3  }
0x37: {  	[smem:$0x3FBA] =	sst s10  }
0x38: {  	s10 =	sld [smem:$0x3FBB]  }
0x39: {  	_ = 	snop;
	(pc) =	sbr.ind lr, $3  }
0x3a: {  	_ = 	snop  }
0x3b: {  	_ = 	snop  }
0x3c: {  	p2 =	seq.s32 s10, $0x1;
	s10 =	sld [smem:$0x3FBA]  }
0x3d: {  	_ =	shalt  }
0x3e: {  	_ =	shalt  }
0x3f: {  	_ =	shalt  }
0x40: {  	_ =	shalt  }
0x41: {  	_ =	shalt  }
0x42: {  	_ =	shalt  }
0x43: {  	_ =	shalt  }
0x44: {  	_ =	shalt  }
0x45: {  	_ =	shalt  }
0x46: {  	_ =	shalt  }
0x47: {  	_ =	shalt  }
0x48: {  	_ =	shalt  }
0x49: {  	_ =	shalt  }
0x4a: {  	_ =	shalt  }
0x4b: {  	_ =	shalt  }
0x4c: {  	_ =	shalt  }
0x4d: {  	_ =	shalt  }
0x4e: {  	_ =	shalt  }
0x4f: {  	_ =	shalt  }
0x50: {  	_ =	shalt  }
0x51: {  	_ =	shalt  }
0x52: {  	_ =	shalt  }
0x53: {  	_ =	shalt  }
0x54: {  	_ =	shalt  }
0x55: {  	_ =	shalt  }
0x56: {  	_ =	shalt  }
0x57: {  	_ =	shalt  }
0x58: {  	_ =	shalt  }
0x59: {  	_ =	shalt  }
0x5a: {  	_ =	shalt  }
0x5b: {  	_ =	shalt  }
0x5c: {  	_ =	shalt  }
0x5d: {  	_ =	shalt  }
0x5e: {  	_ =	shalt  }
0x5f: {  	_ =	shalt  }
0x60: {  	_ =	shalt  }
0x61: {  	_ =	shalt  }
0x62: {  	_ =	shalt  }
0x63: {  	_ =	shalt  }
0x64: {  	_ =	shalt  }
0x65: {  	_ =	shalt  }
0x66: {  	_ =	shalt  }
0x67: {  	_ =	shalt  }
0x68: {  	_ =	shalt  }
0x69: {  	_ =	shalt  }
0x6a: {  	_ =	shalt  }
0x6b: {  	_ =	shalt  }
0x6c: {  	_ =	shalt  }
0x6d: {  	_ =	shalt  }
0x6e: {  	_ =	shalt  }
0x6f: {  	_ =	shalt  }
0x70: {  	_ =	shalt  }
0x71: {  	_ =	shalt  }
0x72: {  	_ =	shalt  }
0x73: {  	_ =	shalt  }
0x74: {  	_ =	shalt  }
0x75: {  	_ =	shalt  }
0x76: {  	_ =	shalt  }
0x77: {  	_ =	shalt  }
0x78: {  	_ =	shalt  }
0x79: {  	_ =	shalt  }
0x7a: {  	_ =	shalt  }
0x7b: {  	_ =	shalt  }
0x7c: {  	_ =	shalt  }
0x7d: {  	_ =	shalt  }
0x7e: {  	_ =	shalt  }
0x7f: {  	_ =	shalt  }
0x80: {  	_ =	shalt  }
0x81: {  	_ =	shalt  }
0x82: {  	_ =	shalt  }
0x83: {  	_ =	shalt  }
0x84: {  	_ =	shalt  }
0x85: {  	_ =	shalt  }
0x86: {  	_ =	shalt  }
0x87: {  	_ =	shalt  }
.Lfunc_end0:
.L_simem_size_0:
called_computation_lowered:
.L_overlay_start_0:
0x88: {  	s2 =	sld [smem:$0x3FD9]  }
0x89: {  	s3 =	sld [smem:$0x3FFE];
	_ =	sdelay $0x1  }
0x8a: {  	s1 =	srdreg.scid  }
0x8b: {  	s0 =	sand.u32 $0x1, s1  }
0x8c: {  	s14 =	sshll.u32 s0, $0xA;
	s2 =	sadd.s32 s3, s2  }
0x8d: {  	s2 =	sadd.s32 s2, s14  }
0x8e: {  	[smem:$0x3FC6] =	sst s2  }
0x8f: {  	_ = 	snop  }
0x90: {  	s2 =	sld [smem:$0x3FD0];
	_ =	sdelay $0x2  }
0x91: {  	s15 =	simm.s32 $0xA;
	s4 =	simm.s32 $0x10  }
0x92: {  	[smem:s4], [sflag:s15] =	dma.local [hbm:s2], $0x1  }
0x93: {  	_ =	swait.eq [sflag:s15], $0x1  }
0x94: {  	[sflag:s15] =	ssyncset.done $0x0  }
0x95: {  	s16 =	sld [smem:$0x11];
	[sflag:s15] =	ssyncadd.s32 $0xFFFFFFFF  }
0x96: {  	s17 =	sld [smem:$0x12];
	(tm) =	ssettm $0x1  }
0x97: {  	s18 =	sld [smem:$0x3FFB];
	_ =	sdelay $0x3  }
0x98: {  	_ =	strace s18  }
0x99: {  	s4 =	sld [smem:$0x3FFC];
	_ =	sdelay $0x3  }
0x9a: {  	_ =	strace s4  }
0x9b: {  	s4 =	sld [smem:$0x3FFD];
	_ =	sdelay $0x3  }
0x9c: {  	_ =	strace s4  }
0x9d: {  	_ =	strace $0x8FFFFFFF  }
0x9e: {  	s19 =	sld [smem:$0x3FDB];
	_ =	sdelay $0x1  }
0x9f: {  	s5 =	simm.s32 $_scs_section_size  }
0xa0: {  	s6 =	simm.s32 $_size__tile_overlayer_lowered;
	s7 =	simm.s32 $_tile_overlayer_lowered  }
0xa1: {  	s22 =	simm.s32 $0x1BFF;
	s21 =	sshll.u32 s7, $0x1;
	s4 =	sadd.s32 s5, s19  }
0xa2: {  	s8 =	simm.s32 $0x0;
	s20 =	sshll.u32 s6, $0x1;
	s6 =	sadd.s32 s21, s4  }
0xa3: {  	[timem:s8], [sflag:s22] =	dma.local [hbm:s6], s20  }
0xa4: {  	_ =	swait.ge [sflag:s22], s20  }
0xa5: {  	s5 =	ssub.s32 $0x0, s20;
	[sflag:s22] =	ssyncset.done $0x0  }
0xa6: {  	[sflag:s22] =	ssyncadd.s32 s5;
	_ =	sdelay $0x1  }
0xa7: {  	s23 =	simm.s32 $0x1B8B  }
0xa8: {  	_ =	swait.ge [sflag:s23], $0x1  }
0xa9: {  	[sflag:s23] =	ssyncset.done $0x0  }
0xaa: {  	s25 =	simm.s32 $0x1B8E;
	s24 =	sld [smem:$0x3FFE];
	[sflag:s23] =	ssyncadd.s32 $0xFFFFFFFF  }
0xab: {  	s26 =	simm.s32 $execute0_lowered;
	[smem:$0x3FD2] =	sst s25  }
0xac: {  	s6 =	sshll.u32 s26, $0x1;
	_ =	strace $0x80000046;
	[dreg:$0x1] =	wrdreg $0xFFFFFFFF  }
0xad: {  	s28 =	simm.s32 $_size_execute0_lowered;
	s4 =	sadd.s32 s4, s6;
	[dreg:$0x0] =	wrdreg $0x0  }
0xae: {  	s6 =	sshll.u32 s28, $0x1;
	[dreg:$0x2] =	wrdreg s4  }
0xaf: {  	[dreg:$0x3] =	wrdreg s6  }
0xb0: {  	[dreg:$0x4] =	wrdreg $0xC0  }
0xb1: {  	_ =	task [dreg:s8], $0x5FFFF  }
0xb2: {  	[dreg:$0x1] =	wrdreg $0xFFFFFFFF  }
0xb3: {  	[dreg:$0x0] =	wrdreg $0x60  }
0xb4: {  	[dreg:$0x2] =	wrdreg s24  }
0xb5: {  	[dreg:$0x3] =	wrdreg s16  }
0xb6: {  	[dreg:$0x4] =	wrdreg s17  }
0xb7: {  	[dreg:$0x5] =	wrdreg $0x9  }
0xb8: {  	_ =	task.clear_ibuf [dreg:s8], $0x6FFFF;
	_ =	strace $0x90000046  }
0xb9: {  	s29 =	simm.s32 $0x9;
	_ =	strace $0x80000048  }
0xba: {  	_ =	swait.ge [sflag:s29], $0x1  }
0xbb: {  	[sflag:s29] =	ssyncadd.s32 $0xFFFFFFFF  }
0xbc: {  	_ =	strace $0x90000048  }
0xbd: {  	_ =	sfence  }
0xbe: {  	s30 =	sld [smem:$0x0];
	_ =	sdelay $0x2  }
0xbf: {  	s31 =	sshll.u32 s1, $0xD;
	s1 =	sshrl.u32 s1, $0x2  }
0xc0: {  	s3 =	sand.u32 $0x4000, s31;
	s1 =	sadd.s32 s1, s30  }
0xc1: {  	s0 =	sor.u32 s3, s0;
	s1 =	sshll.u32 s1, $0x11  }
0xc2: {  	s0 =	sor.u32 s1, s0  }
0xc3: {  	s0 =	sadd.s32 $0x8F2B, s0  }
0xc4: {  	[sflag:s0] =	ssyncadd.remote.s32 $0x1  }
0xc5: {  	_ =	sfence.sel $0xFFFF  }
0xc6: {  	[dreg:$0x0] =	wrdreg $0xFFFFFFFF;
	(pc) =	sbr.abs _section_cstart, $3  }
0xc7: {  	[dreg:$0x1] =	wrdreg $0xFFFFFFFF  }
0xc8: {  	_ =	task.clear_ibuf [dreg:s8], $0x2FFFF;
	_ =	strace $0x9FFFFFFF  }
0xc9: {  	(tm) =	ssettm $0x7FFFFFFF  }
tec
execute0_lowered:
.L_overlay_start_1:
0x0: {  	(tag) =	ssettag $0x1  }
0x1: {  	s3 =	rddreg [dreg:$0x0]  }
0x2: {  	s1 =	rddreg [dreg:$0x1];
	s2 =	simm.s32 $0x0  }
0x3: {  	[smem:$0x7FF] =	sst s2  }
0x4: {  	s0 =	rddreg [dreg:$0x2];
	v0 =	vimm.f32 $0.0e+00;
	_ =	strace $0x80000047  }
0x5: {  	(xrf0) =	vmax.scan.msk.f32 $0xffff, v0;
	_ =	sdelay $0x5  }
0x6: {  	v1, _, _ =	vpop (xrf0)  }
0x7: {  	(v2sf) =	vpush v1, $0xF;
	_ =	sdelay $0x8  }
0x8: {  	s4 =	stileid.u32  }
0x9: {  	p0 =	sgt.u32 s4, $0x7  }
.Ltmp0:
0xa: {  	_ = 	snop;
	(pc) =	sbr.rel @p0 .LBB2_43-.Ltmp0, $2  }
0xb: {  	_ =	sdelay $0x2  }
0xc: {  	s5 =	spop (v2sf)  }
0xd: {  	s4 =	srdreg.scid  }
0xe: {  	s10 =	stileid.u32;
	s8 =	sadd.s32 $0x400600, s3;
	s12 =	scvt.f32.s32 s5  }
0xf: {  	s29 =	simm.s32 $0xAE80;
	s30 =	simm.s32 $0xAF80;
	s31 =	simm.s32 $0x0  }
0x10: {  	s6 =	sand.u32 $0x1, s4;
	s7 =	sshll.u32 s10, $0x1;
	s10 =	sshrl.u32 s10, $0x2  }
0x11: {  	s4 =	sadd.s32 $0x600, s3;
	s9 =	sor.u32 s6, s7;
	s13 =	sshll.u32 s10, $0xA  }
0x12: {  	s10 =	sshll.u32 s10, $0x10;
	s15 =	ssub.s32 $0x2, s6;
	s19 =	sshll.u32 s12, $0x2  }
0x13: {  	s7 =	sshll.u32 s9, $0x6;
	s11 =	sshll.u32 s9, $0x7;
	s17 =	sshll.u32 s9, $0xD  }
0x14: {  	s18 =	scvt.s32.f32 s9;
	s16 =	sshrl.u32 s15, $0x1;
	s20 =	sshra.s32 s19, $0x2  }
0x15: {  	s21 =	sadd.s32 $0x2000, s19;
	s23 =	sadd.s32 $0x4000, s19;
	s26 =	sadd.s32 s7, s3  }
0x16: {  	s28 =	sand.u32 $0x380, s11;
	s22 =	sshra.s32 s21, $0x2;
	s3 =	sadd.s32 $0x6000, s19  }
0x17: {  	s24 =	sshra.s32 s23, $0x2;
	v2 =	vmov s17;
	s17 =	simm.s32 $0x80;
	s19 =	simm.s32 $0x2  }
0x18: {  	v1 =	vimm.f32 $-Inf;
	s23 =	simm.s32 $0x1;
	s14 =	sor.u32 s13, s28;
	s7 =	sor.u32 s10, s28  }
0x19: {  	(xrf0) =	vmax.scan.msk.f32 $0xffff, v1;
	s6 =	sadd.s32 $0x404600, s26;
	s11 =	sadd.s32 $0x6480, s22;
	s12 =	sadd.s32 $0x8500, s22  }
0x1a: {  	s3 =	sshra.s32 s3, $0x2;
	s25 =	sadd.s32 $0x6480, s24;
	v3 =	vmov s18;
	s18 =	simm.s32 $0x400  }
0x1b: {  	s22 =	simm.s32 $0x2480;
	s5 =	sshrl.u32 s14, $0x3;
	s7 =	sshrl.u32 s7, $0x3  }
.Ltmp1:
0x1c: {  	v4 =	vlaneseq.u32;
	v6 =	vimm.s32 $0x40000000;
	[dreg:$0x4] =	wrdreg s25;
	s14 =	sadd.s32 $0x8500, s24;
	(pc) =	sbr.rel .LBB2_2-.Ltmp1, $4  }
0x1d: {  	vm1 =	vmxor vm1, vm1;
	v8 =	vor.u32 $0x10, v4;
	v9 =	vor.u32 $0x20, v4;
	s26 =	sadd.s32 $0x6480, s3;
	s28 =	sadd.s32 $0x8500, s3;
	s24 =	simm.s32 $0x2080  }
0x1e: {  	v10 =	vor.u32 $0x30, v4;
	v11 =	vor.u32 $0x40, v4;
	v12 =	vor.u32 $0x50, v4;
	s5 =	sadd.s32 s0, s5;
	s0 =	ssub.s32 s15, s16;
	s7 =	sadd.s32 s8, s7  }
0x1f: {  	v13 =	vor.u32 $0x60, v4;
	v14 =	vor.u32 $0x70, v4;
	v7 =	vmov s9;
	s15 =	sadd.s32 $0x6480, s20;
	s16 =	sadd.s32 $0x8500, s20;
	[dreg:$0x5] =	wrdreg s26;
	v5, _, _ =	vpop (xrf0)  }
0x20: {  	vm0 =	veq.s32 v7, v4;
	v7 =	vimm.s32 $0x0;
	[dreg:$0x6] =	wrdreg s28;
	s20 =	simm.s32 $0x2000;
	s8 =	smax.u32 s0, $0x1;
	v5 =	vbroadcast v5, $0xF  }
.LBB2_42:
0x21: {  	v15 =	vld [tilespmem:$0xAF00];
	_ =	sdelay $0x2  }
0x22: {  	v16 =	vld [tilespmem:$0xAF10];
	_ =	sdelay $0x1  }
0x23: {  	v17 =	vshrl.u32 v15, $0x9;
	v18 =	vand.u32 $0x1FF, v15;
	v15 =	vshra.s32 v15, $0x12  }
0x24: {  	v19 =	vld [tilespmem:$0xAF20];
	[tilespmem:$0xAF80] =	vst v3;
	v15 =	vcvt.s32.f32 v15  }
0x25: {  	[tilespmem:$0xAF90] =	vst v3  }
0x26: {  	[tilespmem:$0xB100] =	vst v15;
	v15 =	vshra.s32 v16, $0x12  }
0x27: {  	v41 =	vld [tilespmem:$0xAF30];
	[tilespmem:$0xAFA0] =	vst v3;
	v15 =	vcvt.s32.f32 v15  }
0x28: {  	[tilespmem:$0xAFB0] =	vst v3  }
0x29: {  	[tilespmem:$0xB110] =	vst v15;
	v15 =	vshra.s32 v19, $0x12  }
0x2a: {  	v47 =	vld [tilespmem:$0xAF40];
	[tilespmem:$0xAFC0] =	vst v3;
	v15 =	vcvt.s32.f32 v15  }
0x2b: {  	[tilespmem:$0xAFD0] =	vst v3  }
0x2c: {  	[tilespmem:$0xB120] =	vst v15;
	v15 =	vshra.s32 v41, $0x12  }
0x2d: {  	v52 =	vld [tilespmem:$0xAF50];
	[tilespmem:$0xAFE0] =	vst v3;
	v15 =	vcvt.s32.f32 v15  }
0x2e: {  	[tilespmem:$0xAFF0] =	vst v3;
	v20 =	vand.u32 $0x1FF, v16;
	v18 =	vcvt.s32.f32 v18  }
0x2f: {  	v40 =	vcvt.s32.f32 v20;
	[tilespmem:$0xB130] =	vst v15;
	v15 =	vshra.s32 v47, $0x12  }
0x30: {  	v44 =	vand.u32 $0x1FF, v19;
	[tilespmem:$0xB000] =	vst v18;
	v15 =	vcvt.s32.f32 v15  }
0x31: {  	v59 =	vld [tilespmem:$0xAF60];
	v43 =	vshrl.u32 v19, $0x9;
	v49 =	vand.u32 $0x1FF, v41;
	v46 =	vcvt.s32.f32 v44;
	[tilespmem:$0xB010] =	vst v40  }
0x32: {  	v45 =	vand.u32 $0x1FF, v43;
	v51 =	vcvt.s32.f32 v49;
	[tilespmem:$0xB140] =	vst v15;
	v15 =	vshrl.u32 v52, $0x9  }
0x33: {  	v38 =	vshrl.u32 v16, $0x9;
	v16 =	vcvt.s32.f32 v45;
	[tilespmem:$0xB020] =	vst v46;
	v15 =	vand.u32 $0x1FF, v15  }
0x34: {  	v48 =	vshrl.u32 v41, $0x9;
	v54 =	vand.u32 $0x1FF, v47;
	[tilespmem:$0xB030] =	vst v51;
	v15 =	vcvt.s32.f32 v15  }
0x35: {  	v50 =	vand.u32 $0x1FF, v48;
	v56 =	vcvt.s32.f32 v54;
	[tilespmem:$0xB0A0] =	vst v16  }
0x36: {  	v16 =	vcvt.s32.f32 v50;
	[tilespmem:$0xB0D0] =	vst v15;
	v15 =	vand.u32 $0x1FF, v59  }
0x37: {  	v53 =	vshrl.u32 v47, $0x9;
	v57 =	vand.u32 $0x1FF, v52;
	[tilespmem:$0xB040] =	vst v56;
	v15 =	vcvt.s32.f32 v15  }
0x38: {  	v55 =	vand.u32 $0x1FF, v53;
	v58 =	vcvt.s32.f32 v57;
	[tilespmem:$0xB0B0] =	vst v16  }
0x39: {  	v17 =	vand.u32 $0x1FF, v17;
	v16 =	vcvt.s32.f32 v55;
	[tilespmem:$0xB060] =	vst v15;
	v15 =	vld [tilespmem:$0xAF70]  }
0x3a: {  	v60 =	vshra.s32 v52, $0x12;
	v17 =	vcvt.s32.f32 v17;
	[tilespmem:$0xB050] =	vst v58  }
0x3b: {  	v39 =	vand.u32 $0x1FF, v38;
	[tilespmem:$0xB0C0] =	vst v16;
	v16 =	vcvt.s32.f32 v60  }
0x3c: {  	v61 =	vshrl.u32 v59, $0x9;
	v42 =	vcvt.s32.f32 v39;
	[tilespmem:$0xB080] =	vst v17;
	v17 =	vshra.s32 v59, $0x12  }
0x3d: {  	v17 =	vcvt.s32.f32 v17;
	[tilespmem:$0xB150] =	vst v16;
	v16 =	vand.u32 $0x1FF, v61  }
0x3e: {  	[tilespmem:$0xB090] =	vst v42;
	v16 =	vcvt.s32.f32 v16;
	v63 =	vand.u32 $0x1FF, v15  }
0x3f: {  	[tilespmem:$0xB160] =	vst v17;
	v62 =	vshrl.u32 v15, $0x9;
	v15 =	vshra.s32 v15, $0x12;
	v17 =	vcvt.s32.f32 v63  }
0x40: {  	[tilespmem:$0xB0E0] =	vst v16;
	v16 =	vand.u32 $0x1FF, v62;
	v15 =	vcvt.s32.f32 v15  }
0x41: {  	v16 =	vcvt.s32.f32 v16;
	[tilespmem:$0xB070] =	vst v17  }
0x42: {  	[tilespmem:$0xB170] =	vst v15  }
0x43: {  	[tilespmem:$0xB0F0] =	vst v16  }
0x44: {  	[hbm4b:s5+s2] =	stream.linear.scatter [tilespmem:s29], [sflag:$0x2], $0x80, $0x38;
	[tilespmem:$0xB180] =	vst v63  }
0x45: {  	s31 =	sadd.s32 $0x1, s31;
	_ =	swait.ge [sflag:s19], $0x80  }
0x46: {  	p0 =	sne.s32 s31, s8;
	[sflag:s19] =	ssyncset.done $0x0  }
.Ltmp2:
0x47: {  	[sflag:s19] =	ssyncadd.s32 $0xFFFFFF80;
	(pc) =	sbr.rel @!p0 .LBB2_43-.Ltmp2, $4  }
0x48: {  	[hbm4b:s6+s2] =	stream.linear.scatter [tilespmem:s30], [sflag:$0x2], $0x200, $0x38;
	[tilespmem:$0xB180] =	vst v63  }
0x49: {  	_ =	swait.ge [sflag:s19], $0x200  }
0x4a: {  	[sflag:s19] =	ssyncset.done $0x0  }
0x4b: {  	[sflag:s19] =	ssyncadd.s32 $0xFFFFFE00  }
.LBB2_2:
0x4c: {  	s0 =	simm.s32 $0x0  }
0x4d: {  	[tilespmem:s0], [sflag:$0x2] =	stream.strided.gather [hbm4b:s7+s17], $0x2000, s18, s17, $0x38;
	[tilespmem:$0xB180] =	vst v63  }
0x4e: {  	_ =	swait.ge [sflag:s19], $0x2000  }
0x4f: {  	[sflag:s19] =	ssyncset.done $0x0  }
0x50: {  	[sflag:s19] =	ssyncadd.s32 $0xFFFFE000  }
0x51: {  	[tilespmem:s20], [sflag:$0x2] =	stream.linear.gather [hbm4b:s1+s0], $0x80, $0x38;
	[tilespmem:$0xB180] =	vst v63  }
0x52: {  	_ =	swait.ge [sflag:s19], $0x80  }
0x53: {  	[sflag:s19] =	ssyncset.done $0x0  }
0x54: {  	[sflag:s19] =	ssyncadd.s32 $0xFFFFFF80  }
0x55: {  	s3 =	simm.s32 $0x0;
	s0 =	simm.s32 $0x40;
	v15 =	vld [tilespmem:$0x2000]  }
.LBB2_3:
0x56: {  	p0 =	sne.s32 s0, $0x8000;
	[tilespmem:s3+$0x6480] =	vst v1;
	s3 =	smov.u32 s0;
	s0 =	sadd.s32 $0x40, s0  }
.Ltmp3:
0x57: {  	(pc) =	sbr.rel @p0 .LBB2_3-.Ltmp3, $2  }
0x58: {  	_ =	sdelay $0x2  }
0x59: {  	s3 =	sshra.s32 s3, $0x2  }
0x5a: {  	[tilespmem:s3+$0x6480] =	vst v1;
	s0 =	simm.s32 $0x40;
	s3 =	simm.s32 $0x0  }
.LBB2_5:
0x5b: {  	p0 =	sne.s32 s0, $0x1000;
	[tilespmem:s3+$0xA580] =	vst v1;
	s9 =	smov.u32 s0;
	s0 =	sadd.s32 $0x40, s0  }
.Ltmp4:
0x5c: {  	[tilespmem:s3+$0xAA00] =	vst v6;
	(pc) =	sbr.rel @p0 .LBB2_5-.Ltmp4, $2  }
0x5d: {  	_ =	sdelay $0x2  }
0x5e: {  	s3 =	sshra.s32 s9, $0x2  }
0x5f: {  	[tilespmem:s3+$0xA580] =	vst v1  }
0x60: {  	[tilespmem:s3+$0xAA00] =	vst v6  }
0x61: {  	[tilespmem:$0xAE80] =	vst v0  }
0x62: {  	[tilespmem:$0xAF00] =	vst v7  }
0x63: {  	[tilespmem:$0xAE90] =	vst v0  }
0x64: {  	[tilespmem:$0xAF10] =	vst v7  }
0x65: {  	[tilespmem:$0xAEA0] =	vst v0  }
0x66: {  	[tilespmem:$0xAF20] =	vst v7  }
0x67: {  	[tilespmem:$0xAEB0] =	vst v0  }
0x68: {  	[tilespmem:$0xAF30] =	vst v7  }
0x69: {  	[tilespmem:$0xAEC0] =	vst v0  }
0x6a: {  	v15 =	vnsel vm0, $0xFF800000, v15;
	[tilespmem:$0xAF40] =	vst v7  }
0x6b: {  	(xrf0) =	vmax.scan.msk.f32 $0xffff, v15;
	[tilespmem:$0xAED0] =	vst v0  }
0x6c: {  	[tilespmem:$0xAF50] =	vst v7  }
0x6d: {  	[tilespmem:$0xAEE0] =	vst v0  }
0x6e: {  	[tilespmem:$0xAF60] =	vst v7  }
0x6f: {  	[tilespmem:$0xAEF0] =	vst v0  }
0x70: {  	s0 =	simm.s32 $0x0;
	[tilespmem:$0xAF70] =	vst v7  }
0x71: {  	v16 =	vld [tilespmem:s0+$0x0];
	v15, _, _ =	vpop (xrf0)  }
0x72: {  	v15 =	vadd.f32 $0.0e+00, v15;
	_ =	sdelay $0x1  }
0x73: {  	v15 =	vbroadcast v15, $0xF  }
0x74: {  	p0 =	por $0x1, $0x1;
	vm2 =	vmmov vm1  }
0x75: {  	vm2 =	vmneg @p0 vm2;
	vm3 =	vge.f32 v16, v15  }
0x76: {  	vm2 =	vmand vm2, vm3  }
0x77: {  	v16 =	vmpcnt.ones.xlane vm2;
	_ =	sdelay $0x1  }
0x78: {  	v16 =	vcvt.s32.f32 v16;
	_ =	sdelay $0x1  }
0x79: {  	(xrf0) =	vmax.scan.msk.f32 $0xffff, v16;
	_ =	sdelay $0x5  }
0x7a: {  	v16, _, _ =	vpop (xrf0)  }
0x7b: {  	(v2sf) =	vpush v16, $0xF;
	_ =	sdelay $0xc  }
0x7c: {  	v16 =	vor.u32 s0, v4  }
0x7d: {  	s3 =	simm.s32 $0x10;
	[tilespmem:s0+$0x2080] =	vst.msk vm2, v16  }
0x7e: {  	s9 =	simm.s32 $0x20;
	s10 =	simm.s32 $0x10;
	v16 =	vld [tilespmem:s3+$0x0];
	s21 =	spop (v2sf)  }
.LBB2_7:
0x7f: {  	p0 =	seq.s32 s9, $0x1FF0;
	s21 =	scvt.f32.s32 s21;
	_ =	sdelay $0x1  }
0x80: {  	s0 =	sadd.s32 s21, s0  }
0x81: {  	vm3 =	vmmov vm1;
	p1 =	slt.s32 s0, $0x1F0  }
0x82: {  	vm2 =	vge.f32 v16, v15;
	vm3 =	vmneg @p1 vm3  }
0x83: {  	v16 =	vor.u32 s3, v4;
	s3 =	smov.u32 s9;
	vm2 =	vmand vm3, vm2  }
0x84: {  	[tilespmem:s0+$0x2080] =	vst.msk vm2, v16;
	v16 =	vmpcnt.ones.xlane vm2;
	_ =	sdelay $0x1  }
0x85: {  	v16 =	vcvt.s32.f32 v16;
	_ =	sdelay $0x1  }
0x86: {  	(xrf0) =	vmax.scan.msk.f32 $0xffff, v16;
	_ =	sdelay $0x5  }
0x87: {  	v16, _, _ =	vpop (xrf0)  }
0x88: {  	(v2sf) =	vpush v16, $0xF;
	_ =	sdelay $0xa  }
.Ltmp5:
0x89: {  	(pc) =	sbr.rel @!p0 .LBB2_7-.Ltmp5, $3  }
0x8a: {  	_ =	sdelay $0x1  }
0x8b: {  	s10 =	sadd.s32 $0x10, s10  }
0x8c: {  	s9 =	sadd.s32 $0x10, s9;
	v16 =	vld [tilespmem:s10+$0x0];
	s21 =	spop (v2sf)  }
0x8d: {  	s9 =	scvt.f32.s32 s21;
	_ =	sdelay $0x1  }
0x8e: {  	s0 =	sadd.s32 s9, s0  }
0x8f: {  	vm2 =	vmmov vm1;
	p0 =	slt.s32 s0, $0x1F0  }
0x90: {  	vm3 =	vge.f32 v16, v15;
	vm2 =	vmneg @p0 vm2  }
0x91: {  	vm2 =	vmand vm2, vm3  }
0x92: {  	v16 =	vmpcnt.ones.xlane vm2;
	_ =	sdelay $0x1  }
0x93: {  	v16 =	vcvt.s32.f32 v16;
	_ =	sdelay $0x1  }
0x94: {  	(xrf0) =	vmax.scan.msk.f32 $0xffff, v16;
	_ =	sdelay $0x5  }
0x95: {  	v16, _, _ =	vpop (xrf0)  }
0x96: {  	(v2sf) =	vpush v16, $0xF;
	_ =	sdelay $0xd  }
0x97: {  	v16 =	vor.u32 s3, v4  }
0x98: {  	s10 =	simm.s32 $0x2080;
	[tilespmem:s0+$0x2080] =	vst.msk vm2, v16;
	s26 =	spop (v2sf)  }
0x99: {  	v17 =	vld [tilespmem:s10+$0x0];
	s9 =	scvt.f32.s32 s26;
	_ =	sdelay $0x1  }
0x9a: {  	s28 =	simm.s32 $0x0;
	s0 =	sadd.s32 s9, s0  }
0x9b: {  	v18 =	vor.u32 s28, v4;
	v16 =	vmov s0  }
0x9c: {  	vm2 =	vlt.s32 v18, v16  }
0x9d: {  	v17 =	vnsel vm2, $0x0, v17  }
0x9e: {  	s3 =	simm.s32 $0x2280;
	v17 =	vadd.s32 v2, v17  }
0x9f: {  	s9 =	simm.s32 $0x2090;
	[tilespmem:s3+$0x0] =	vst v17  }
0xa0: {  	s21 =	simm.s32 $0x20;
	s10 =	simm.s32 $0x10;
	v17 =	vld [tilespmem:s9+$0x0]  }
.LBB2_9:
0xa1: {  	p0 =	sne.s32 s21, $0x1F0;
	_ =	sdelay $0x1  }
0xa2: {  	v18 =	vor.u32 s10, v4;
	s10 =	smov.u32 s21  }
.Ltmp6:
0xa3: {  	vm2 =	vlt.s32 v18, v16;
	(pc) =	sbr.rel @p0 .LBB2_9-.Ltmp6, $4  }
0xa4: {  	v17 =	vnsel vm2, $0x0, v17  }
0xa5: {  	s3 =	sadd.s32 $0x10, s3;
	v17 =	vadd.s32 v2, v17  }
0xa6: {  	s9 =	sadd.s32 $0x10, s9;
	[tilespmem:s3+$0x0] =	vst v17  }
0xa7: {  	s21 =	sadd.s32 $0x10, s21;
	v17 =	vld [tilespmem:s9+$0x0]  }
0xa8: {  	_ = 	snop  }
0xa9: {  	p0 =	slt.s32 s0, $0x1  }
.Ltmp7:
0xaa: {  	v18 =	vor.u32 s10, v4;
	(pc) =	sbr.rel @p0 .LBB2_29-.Ltmp7, $4  }
0xab: {  	vm2 =	vlt.s32 v18, v16  }
0xac: {  	v16 =	vnsel vm2, $0x0, v17  }
0xad: {  	s3 =	sadd.s32 $0x10, s3;
	v16 =	vadd.s32 v2, v16  }
0xae: {  	s28 =	simm.s32 $0x0;
	[tilespmem:s3+$0x0] =	vst v16;
	s3 =	simm.s32 $0x0  }
0xaf: {  	s3 =	simm.s32 $0x2280  }
0xb0: {  	[tilespmem:s22], [sflag:$0x1] =	stream.indirect.gather [hbm4b:s4+s17], $0x80, s3, s17, $0xb8;
	[tilespmem:$0xB180] =	vst v63  }
0xb1: {  	_ =	swait.ge [sflag:s23], $0x4000  }
0xb2: {  	[sflag:s23] =	ssyncset.done $0x0  }
0xb3: {  	s3 =	simm.s32 $0x24C0;
	[sflag:s23] =	ssyncadd.s32 $0xFFFFC000  }
0xb4: {  	v17 =	vld [tilespmem:s3+$0xFFFFFFC0];
	_ =	sdelay $0x3  }
0xb5: {  	p0 =	sgt.s32 s0, $0x0;
	vm2 =	vmmov vm1  }
0xb6: {  	vm2 =	vmneg @p0 vm2;
	vm3 =	vge.f32 v17, v15  }
0xb7: {  	vm3 =	vmand vm2, vm3  }
0xb8: {  	v16 =	vmpcnt.ones.xlane vm3;
	_ =	sdelay $0x1  }
0xb9: {  	vm4 =	vlt.s32 v16, $0x11  }
0xba: {  	v18 =	vnsel vm4, $0x0, v16  }
0xbb: {  	v16 =	vcvt.s32.f32 v18;
	_ =	sdelay $0x1  }
0xbc: {  	s26 =	simm.s32 $0x0;
	(xrf0) =	vmax.scan.msk.f32 $0xffff, v16  }
0xbd: {  	v16 =	vmov s26;
	_ =	sdelay $0x4  }
0xbe: {  	v16 =	vld.idx.msk [tilespmem:v16+s24+$0x0], $0xffff;
	v19, _, _ =	vpop (xrf0)  }
0xbf: {  	(v2sf) =	vpush v19, $0xF;
	_ =	sdelay $0x3  }
0xc0: {  	vm3 =	vmand vm3, vm4;
	v16 =	vshll.u32 v16, $0x7  }
0xc1: {  	[tilespmem:s15+$0x0] =	vst.msk vm3, v17;
	v17 =	vor.u32 v4, v16  }
0xc2: {  	[tilespmem:s16+$0x0] =	vst.msk vm3, v17  }
0xc3: {  	v17 =	vld [tilespmem:s3+$0xFFFFFFD0];
	_ =	sdelay $0x4  }
0xc4: {  	vm3 =	vge.f32 v17, v15  }
0xc5: {  	vm3 =	vmand vm2, vm3  }
0xc6: {  	v19 =	vmpcnt.ones.xlane vm3  }
0xc7: {  	s9 =	spop (v2sf)  }
0xc8: {  	v20 =	vadd.s32 v18, v19;
	s9 =	scvt.f32.s32 s9  }
0xc9: {  	vm10 =	vlt.s32 v20, $0x11  }
0xca: {  	vm3 =	vmand vm3, vm10;
	v19 =	vnsel vm10, $0x0, v19;
	s9 =	sadd.s32 $0x0, s9  }
0xcb: {  	v18 =	vadd.s32 v18, v19;
	[tilespmem:s9+$0x6480] =	vst.msk vm3, v17;
	v17 =	vor.u32 v8, v16  }
0xcc: {  	[tilespmem:s9+$0x8500] =	vst.msk vm3, v17;
	v17 =	vcvt.s32.f32 v18  }
0xcd: {  	v19 =	vld [tilespmem:s3+$0xFFFFFFE0]  }
0xce: {  	(xrf0) =	vmax.scan.msk.f32 $0xffff, v17;
	_ =	sdelay $0x3  }
0xcf: {  	vm3 =	vge.f32 v19, v15  }
0xd0: {  	vm3 =	vmand vm2, vm3  }
0xd1: {  	v17 =	vmpcnt.ones.xlane vm3;
	v56, _, _ =	vpop (xrf0)  }
0xd2: {  	(v2sf) =	vpush v56, $0xF  }
0xd3: {  	v57 =	vadd.s32 v17, v18  }
0xd4: {  	vm11 =	vlt.s32 v57, $0x11  }
0xd5: {  	v17 =	vnsel vm11, $0x0, v17  }
0xd6: {  	v17 =	vadd.s32 v18, v17  }
0xd7: {  	v18 =	vcvt.s32.f32 v17;
	_ =	sdelay $0x1  }
0xd8: {  	(xrf0) =	vmax.scan.msk.f32 $0xffff, v18;
	_ =	sdelay $0x5  }
0xd9: {  	v18, _, _ =	vpop (xrf0)  }
0xda: {  	(v2sf) =	vpush v18, $0xF  }
0xdb: {  	s21 =	spop (v2sf)  }
0xdc: {  	s9 =	scvt.f32.s32 s21;
	_ =	sdelay $0x1  }
0xdd: {  	vm3 =	vmand vm3, vm11;
	s9 =	sadd.s32 $0x0, s9  }
0xde: {  	v18 =	vor.u32 v9, v16;
	[tilespmem:s9+$0x6480] =	vst.msk vm3, v19  }
0xdf: {  	[tilespmem:s9+$0x8500] =	vst.msk vm3, v18  }
0xe0: {  	v18 =	vld [tilespmem:s3+$0xFFFFFFF0];
	_ =	sdelay $0x4  }
0xe1: {  	vm3 =	vge.f32 v18, v15  }
0xe2: {  	vm3 =	vmand vm2, vm3  }
0xe3: {  	v19 =	vmpcnt.ones.xlane vm3  }
0xe4: {  	s25 =	spop (v2sf)  }
0xe5: {  	v58 =	vadd.s32 v19, v17;
	s9 =	scvt.f32.s32 s25  }
0xe6: {  	vm12 =	vlt.s32 v58, $0x11  }
0xe7: {  	vm3 =	vmand vm3, vm12;
	v19 =	vnsel vm12, $0x0, v19;
	s9 =	sadd.s32 $0x0, s9  }
0xe8: {  	[tilespmem:s9+$0x6480] =	vst.msk vm3, v18;
	v18 =	vor.u32 v10, v16;
	v17 =	vadd.s32 v17, v19  }
0xe9: {  	[tilespmem:s9+$0x8500] =	vst.msk vm3, v18;
	v18 =	vcvt.s32.f32 v17  }
0xea: {  	v19 =	vld [tilespmem:s3+$0x0]  }
0xeb: {  	(xrf0) =	vmax.scan.msk.f32 $0xffff, v18;
	_ =	sdelay $0x3  }
0xec: {  	vm3 =	vge.f32 v19, v15  }
0xed: {  	vm3 =	vmand vm2, vm3  }
0xee: {  	v18 =	vmpcnt.ones.xlane vm3;
	v59, _, _ =	vpop (xrf0)  }
0xef: {  	(v2sf) =	vpush v59, $0xF  }
0xf0: {  	v60 =	vadd.s32 v18, v17  }
0xf1: {  	vm13 =	vlt.s32 v60, $0x11  }
0xf2: {  	v18 =	vnsel vm13, $0x0, v18  }
0xf3: {  	v17 =	vadd.s32 v17, v18  }
0xf4: {  	v18 =	vcvt.s32.f32 v17;
	_ =	sdelay $0x1  }
0xf5: {  	(xrf0) =	vmax.scan.msk.f32 $0xffff, v18;
	_ =	sdelay $0x5  }
0xf6: {  	v18, _, _ =	vpop (xrf0)  }
0xf7: {  	(v2sf) =	vpush v18, $0xF  }
0xf8: {  	s10 =	spop (v2sf)  }
0xf9: {  	s9 =	scvt.f32.s32 s10;
	_ =	sdelay $0x1  }
0xfa: {  	vm3 =	vmand vm3, vm13;
	s9 =	sadd.s32 $0x0, s9  }
0xfb: {  	v18 =	vor.u32 v11, v16;
	[tilespmem:s9+$0x6480] =	vst.msk vm3, v19  }
0xfc: {  	[tilespmem:s9+$0x8500] =	vst.msk vm3, v18  }
0xfd: {  	v18 =	vld [tilespmem:s3+$0x10];
	_ =	sdelay $0x4  }
0xfe: {  	vm3 =	vge.f32 v18, v15  }
0xff: {  	vm3 =	vmand vm2, vm3  }
0x100: {  	v19 =	vmpcnt.ones.xlane vm3  }
0x101: {  	s13 =	spop (v2sf)  }
0x102: {  	v61 =	vadd.s32 v19, v17;
	s9 =	scvt.f32.s32 s13  }
0x103: {  	vm14 =	vlt.s32 v61, $0x11  }
0x104: {  	vm3 =	vmand vm3, vm14;
	v19 =	vnsel vm14, $0x0, v19;
	s9 =	sadd.s32 $0x0, s9  }
0x105: {  	[tilespmem:s9+$0x6480] =	vst.msk vm3, v18;
	v18 =	vor.u32 v12, v16;
	v17 =	vadd.s32 v17, v19  }
0x106: {  	[tilespmem:s9+$0x8500] =	vst.msk vm3, v18;
	v18 =	vcvt.s32.f32 v17  }
0x107: {  	v19 =	vld [tilespmem:s3+$0x20]  }
0x108: {  	(xrf0) =	vmax.scan.msk.f32 $0xffff, v18;
	_ =	sdelay $0x3  }
0x109: {  	vm3 =	vge.f32 v19, v15  }
0x10a: {  	vm3 =	vmand vm2, vm3  }
0x10b: {  	v18 =	vmpcnt.ones.xlane vm3;
	v62, _, _ =	vpop (xrf0)  }
0x10c: {  	(v2sf) =	vpush v62, $0xF  }
0x10d: {  	v63 =	vadd.s32 v18, v17  }
0x10e: {  	vm15 =	vlt.s32 v63, $0x11  }
0x10f: {  	v18 =	vnsel vm15, $0x0, v18  }
0x110: {  	v17 =	vadd.s32 v17, v18  }
0x111: {  	v18 =	vcvt.s32.f32 v17;
	_ =	sdelay $0x1  }
0x112: {  	(xrf0) =	vmax.scan.msk.f32 $0xffff, v18;
	_ =	sdelay $0x5  }
0x113: {  	v18, _, _ =	vpop (xrf0)  }
0x114: {  	(v2sf) =	vpush v18, $0xF  }
0x115: {  	s21 =	spop (v2sf)  }
0x116: {  	s9 =	scvt.f32.s32 s21;
	_ =	sdelay $0x1  }
0x117: {  	vm3 =	vmand vm3, vm15;
	s9 =	sadd.s32 $0x0, s9  }
0x118: {  	v18 =	vor.u32 v13, v16;
	[tilespmem:s9+$0x6480] =	vst.msk vm3, v19  }
0x119: {  	[tilespmem:s9+$0x8500] =	vst.msk vm3, v18  }
0x11a: {  	v18 =	vld [tilespmem:s3+$0x30];
	_ =	sdelay $0x4  }
0x11b: {  	vm3 =	vge.f32 v18, v15  }
0x11c: {  	vm2 =	vmand vm2, vm3  }
0x11d: {  	v19 =	vmpcnt.ones.xlane vm2  }
0x11e: {  	s25 =	spop (v2sf)  }
0x11f: {  	v17 =	vadd.s32 v19, v17;
	s3 =	scvt.f32.s32 s25  }
0x120: {  	vm3 =	vlt.s32 v17, $0x11  }
0x121: {  	s10 =	smov.u32 s16;
	vm2 =	vmand vm2, vm3;
	s21 =	sadd.s32 $0x0, s3  }
0x122: {  	v16 =	vor.u32 v14, v16;
	s9 =	smov.u32 s15;
	s25 =	simm.s32 $0x2540;
	s3 =	simm.s32 $0x10;
	[tilespmem:s21+$0x6480] =	vst.msk vm2, v18  }
.LBB2_12:
0x123: {  	[tilespmem:s21+$0x8500] =	vst.msk vm2, v16;
	s26 =	sadd.s32 $0x1, s26;
	s9 =	sadd.s32 $0x10, s9;
	s10 =	sadd.s32 $0x10, s10  }
0x124: {  	p0 =	sne.s32 s3, $0x7F0;
	s21 =	smov.u32 s3;
	s3 =	sadd.s32 $0x10, s3;
	v17 =	vld [tilespmem:s25+$0xFFFFFFC0]  }
0x125: {  	_ =	sdelay $0x2  }
0x126: {  	vm2 =	vmmov vm1;
	p1 =	slt.s32 s26, s0  }
0x127: {  	vm2 =	vmneg @p1 vm2;
	vm3 =	vge.f32 v17, v15  }
0x128: {  	vm3 =	vmand vm2, vm3  }
0x129: {  	v16 =	vmpcnt.ones.xlane vm3;
	_ =	sdelay $0x1  }
0x12a: {  	vm4 =	vlt.s32 v16, $0x11  }
0x12b: {  	vm3 =	vmand vm3, vm4;
	v18 =	vnsel vm4, $0x0, v16  }
0x12c: {  	v16 =	vcvt.s32.f32 v18;
	_ =	sdelay $0x1  }
0x12d: {  	v19 =	vmov s26;
	(xrf0) =	vmax.scan.msk.f32 $0xffff, v16;
	_ =	sdelay $0x4  }
0x12e: {  	v16 =	vld.idx.msk [tilespmem:v19+s24+$0x0], $0xffff  }
0x12f: {  	v19, _, _ =	vpop (xrf0)  }
0x130: {  	(v2sf) =	vpush v19, $0xF;
	_ =	sdelay $0x3  }
0x131: {  	v16 =	vshll.u32 v16, $0x7  }
0x132: {  	[tilespmem:s9+$0x0] =	vst.msk vm3, v17;
	v17 =	vor.u32 v4, v16  }
0x133: {  	[tilespmem:s10+$0x0] =	vst.msk vm3, v17  }
0x134: {  	v17 =	vld [tilespmem:s25+$0xFFFFFFD0];
	_ =	sdelay $0x4  }
0x135: {  	vm3 =	vge.f32 v17, v15  }
0x136: {  	vm3 =	vmand vm2, vm3  }
0x137: {  	v19 =	vmpcnt.ones.xlane vm3  }
0x138: {  	s13 =	spop (v2sf)  }
0x139: {  	v20 =	vadd.s32 v18, v19;
	s13 =	scvt.f32.s32 s13  }
0x13a: {  	vm4 =	vlt.s32 v20, $0x11  }
0x13b: {  	vm3 =	vmand vm3, vm4;
	v19 =	vnsel vm4, $0x0, v19;
	s13 =	sadd.s32 s13, s21  }
0x13c: {  	[tilespmem:s13+$0x6480] =	vst.msk vm3, v17;
	v17 =	vor.u32 v8, v16;
	v18 =	vadd.s32 v18, v19  }
0x13d: {  	[tilespmem:s13+$0x8500] =	vst.msk vm3, v17;
	v17 =	vcvt.s32.f32 v18  }
0x13e: {  	v19 =	vld [tilespmem:s25+$0xFFFFFFE0]  }
0x13f: {  	(xrf0) =	vmax.scan.msk.f32 $0xffff, v17;
	_ =	sdelay $0x3  }
0x140: {  	vm3 =	vge.f32 v19, v15  }
0x141: {  	vm3 =	vmand vm2, vm3  }
0x142: {  	v17 =	vmpcnt.ones.xlane vm3;
	v20, _, _ =	vpop (xrf0)  }
0x143: {  	(v2sf) =	vpush v20, $0xF  }
0x144: {  	v20 =	vadd.s32 v17, v18  }
0x145: {  	vm4 =	vlt.s32 v20, $0x11  }
0x146: {  	v17 =	vnsel vm4, $0x0, v17  }
0x147: {  	v17 =	vadd.s32 v18, v17  }
0x148: {  	v18 =	vcvt.s32.f32 v17;
	_ =	sdelay $0x1  }
0x149: {  	(xrf0) =	vmax.scan.msk.f32 $0xffff, v18;
	_ =	sdelay $0x5  }
0x14a: {  	v18, _, _ =	vpop (xrf0)  }
0x14b: {  	(v2sf) =	vpush v18, $0xF  }
0x14c: {  	s13 =	spop (v2sf)  }
0x14d: {  	s13 =	scvt.f32.s32 s13;
	_ =	sdelay $0x1  }
0x14e: {  	vm3 =	vmand vm3, vm4;
	s13 =	sadd.s32 s13, s21  }
0x14f: {  	v18 =	vor.u32 v9, v16;
	[tilespmem:s13+$0x6480] =	vst.msk vm3, v19  }
0x150: {  	[tilespmem:s13+$0x8500] =	vst.msk vm3, v18  }
0x151: {  	v18 =	vld [tilespmem:s25+$0xFFFFFFF0];
	_ =	sdelay $0x4  }
0x152: {  	vm3 =	vge.f32 v18, v15  }
0x153: {  	vm3 =	vmand vm2, vm3  }
0x154: {  	v19 =	vmpcnt.ones.xlane vm3  }
0x155: {  	s13 =	spop (v2sf)  }
0x156: {  	v20 =	vadd.s32 v19, v17;
	s13 =	scvt.f32.s32 s13  }
0x157: {  	vm4 =	vlt.s32 v20, $0x11  }
0x158: {  	vm3 =	vmand vm3, vm4;
	v19 =	vnsel vm4, $0x0, v19;
	s13 =	sadd.s32 s13, s21  }
0x159: {  	[tilespmem:s13+$0x6480] =	vst.msk vm3, v18;
	v18 =	vor.u32 v10, v16;
	v17 =	vadd.s32 v17, v19  }
0x15a: {  	[tilespmem:s13+$0x8500] =	vst.msk vm3, v18;
	v18 =	vcvt.s32.f32 v17  }
0x15b: {  	v19 =	vld [tilespmem:s25+$0x0]  }
0x15c: {  	(xrf0) =	vmax.scan.msk.f32 $0xffff, v18;
	_ =	sdelay $0x3  }
0x15d: {  	vm3 =	vge.f32 v19, v15  }
0x15e: {  	vm3 =	vmand vm2, vm3  }
0x15f: {  	v18 =	vmpcnt.ones.xlane vm3;
	v20, _, _ =	vpop (xrf0)  }
0x160: {  	(v2sf) =	vpush v20, $0xF  }
0x161: {  	v20 =	vadd.s32 v18, v17  }
0x162: {  	vm4 =	vlt.s32 v20, $0x11  }
0x163: {  	v18 =	vnsel vm4, $0x0, v18  }
0x164: {  	v17 =	vadd.s32 v17, v18  }
0x165: {  	v18 =	vcvt.s32.f32 v17;
	_ =	sdelay $0x1  }
0x166: {  	(xrf0) =	vmax.scan.msk.f32 $0xffff, v18;
	_ =	sdelay $0x5  }
0x167: {  	v18, _, _ =	vpop (xrf0)  }
0x168: {  	(v2sf) =	vpush v18, $0xF  }
0x169: {  	s13 =	spop (v2sf)  }
0x16a: {  	s13 =	scvt.f32.s32 s13;
	_ =	sdelay $0x1  }
0x16b: {  	vm3 =	vmand vm3, vm4;
	s13 =	sadd.s32 s13, s21  }
0x16c: {  	v18 =	vor.u32 v11, v16;
	[tilespmem:s13+$0x6480] =	vst.msk vm3, v19  }
0x16d: {  	[tilespmem:s13+$0x8500] =	vst.msk vm3, v18  }
0x16e: {  	v18 =	vld [tilespmem:s25+$0x10];
	_ =	sdelay $0x4  }
0x16f: {  	vm3 =	vge.f32 v18, v15  }
0x170: {  	vm3 =	vmand vm2, vm3  }
0x171: {  	v19 =	vmpcnt.ones.xlane vm3  }
0x172: {  	s13 =	spop (v2sf)  }
0x173: {  	v20 =	vadd.s32 v19, v17;
	s13 =	scvt.f32.s32 s13  }
0x174: {  	vm4 =	vlt.s32 v20, $0x11  }
0x175: {  	vm3 =	vmand vm3, vm4;
	v19 =	vnsel vm4, $0x0, v19;
	s13 =	sadd.s32 s13, s21  }
0x176: {  	[tilespmem:s13+$0x6480] =	vst.msk vm3, v18;
	v18 =	vor.u32 v12, v16;
	v17 =	vadd.s32 v17, v19  }
0x177: {  	[tilespmem:s13+$0x8500] =	vst.msk vm3, v18;
	v18 =	vcvt.s32.f32 v17  }
0x178: {  	v19 =	vld [tilespmem:s25+$0x20]  }
0x179: {  	(xrf0) =	vmax.scan.msk.f32 $0xffff, v18;
	_ =	sdelay $0x3  }
0x17a: {  	vm3 =	vge.f32 v19, v15  }
0x17b: {  	vm3 =	vmand vm2, vm3  }
0x17c: {  	v18 =	vmpcnt.ones.xlane vm3;
	v20, _, _ =	vpop (xrf0)  }
0x17d: {  	(v2sf) =	vpush v20, $0xF  }
0x17e: {  	v20 =	vadd.s32 v18, v17  }
0x17f: {  	vm4 =	vlt.s32 v20, $0x11  }
0x180: {  	v18 =	vnsel vm4, $0x0, v18  }
0x181: {  	v17 =	vadd.s32 v17, v18  }
0x182: {  	v18 =	vcvt.s32.f32 v17;
	_ =	sdelay $0x1  }
0x183: {  	(xrf0) =	vmax.scan.msk.f32 $0xffff, v18;
	_ =	sdelay $0x5  }
0x184: {  	v18, _, _ =	vpop (xrf0)  }
0x185: {  	(v2sf) =	vpush v18, $0xF  }
0x186: {  	s13 =	spop (v2sf)  }
0x187: {  	s13 =	scvt.f32.s32 s13;
	_ =	sdelay $0x1  }
0x188: {  	vm3 =	vmand vm3, vm4;
	s13 =	sadd.s32 s13, s21  }
0x189: {  	v18 =	vor.u32 v13, v16;
	[tilespmem:s13+$0x6480] =	vst.msk vm3, v19  }
0x18a: {  	[tilespmem:s13+$0x8500] =	vst.msk vm3, v18  }
0x18b: {  	v18 =	vld [tilespmem:s25+$0x30];
	_ =	sdelay $0x4  }
0x18c: {  	vm3 =	vge.f32 v18, v15  }
0x18d: {  	vm2 =	vmand vm2, vm3  }
0x18e: {  	v19 =	vmpcnt.ones.xlane vm2  }
.Ltmp8:
0x18f: {  	s13 =	spop (v2sf);
	(pc) =	sbr.rel @p0 .LBB2_12-.Ltmp8, $4  }
0x190: {  	v17 =	vadd.s32 v19, v17;
	s13 =	scvt.f32.s32 s13  }
0x191: {  	vm3 =	vlt.s32 v17, $0x11  }
0x192: {  	vm2 =	vmand vm2, vm3;
	s21 =	sadd.s32 s13, s21  }
0x193: {  	v16 =	vor.u32 v14, v16;
	s25 =	sadd.s32 $0x80, s25;
	[tilespmem:s21+$0x6480] =	vst.msk vm2, v18  }
0x194: {  	p0 =	slt.u32 s0, $0x81  }
.Ltmp9:
0x195: {  	_ = 	snop;
	(pc) =	sbr.rel @p0 .LBB2_23-.Ltmp9, $2  }
0x196: {  	_ =	sdelay $0x2  }
0x197: {  	[tilespmem:s21+$0x8500] =	vst.msk vm2, v16  }
0x198: {  	s26 =	simm.s32 $0x80;
	s3 =	simm.s32 $0x2300  }
0x199: {  	[tilespmem:s22], [sflag:$0x1] =	stream.indirect.gather [hbm4b:s4+s26], $0x80, s3, s26, $0xb8;
	[tilespmem:$0xB180] =	vst v63  }
0x19a: {  	_ =	swait.ge [sflag:s23], $0x4000  }
0x19b: {  	[sflag:s23] =	ssyncset.done $0x0  }
0x19c: {  	s3 =	simm.s32 $0x24C0;
	[sflag:s23] =	ssyncadd.s32 $0xFFFFC000  }
0x19d: {  	v17 =	vld [tilespmem:s3+$0xFFFFFFC0];
	_ =	sdelay $0x3  }
0x19e: {  	p0 =	sgt.s32 s0, $0x80;
	vm2 =	vmmov vm1  }
0x19f: {  	vm2 =	vmneg @p0 vm2;
	vm3 =	vge.f32 v17, v15  }
0x1a0: {  	vm3 =	vmand vm2, vm3  }
0x1a1: {  	v16 =	vmpcnt.ones.xlane vm3;
	_ =	sdelay $0x1  }
0x1a2: {  	vm4 =	vlt.s32 v16, $0x11  }
0x1a3: {  	v18 =	vnsel vm4, $0x0, v16  }
0x1a4: {  	v16 =	vcvt.s32.f32 v18;
	_ =	sdelay $0x1  }
0x1a5: {  	(xrf0) =	vmax.scan.msk.f32 $0xffff, v16  }
0x1a6: {  	v16 =	vmov s26;
	_ =	sdelay $0x4  }
0x1a7: {  	v16 =	vld.idx.msk [tilespmem:v16+s24+$0x0], $0xffff;
	v19, _, _ =	vpop (xrf0)  }
0x1a8: {  	(v2sf) =	vpush v19, $0xF;
	_ =	sdelay $0x3  }
0x1a9: {  	vm3 =	vmand vm3, vm4;
	v16 =	vshll.u32 v16, $0x7  }
0x1aa: {  	[tilespmem:s11+$0x0] =	vst.msk vm3, v17;
	v17 =	vor.u32 v4, v16  }
0x1ab: {  	[tilespmem:s12+$0x0] =	vst.msk vm3, v17  }
0x1ac: {  	v17 =	vld [tilespmem:s3+$0xFFFFFFD0];
	_ =	sdelay $0x4  }
0x1ad: {  	vm3 =	vge.f32 v17, v15  }
0x1ae: {  	vm3 =	vmand vm2, vm3  }
0x1af: {  	v19 =	vmpcnt.ones.xlane vm3  }
0x1b0: {  	s9 =	spop (v2sf)  }
0x1b1: {  	v20 =	vadd.s32 v18, v19;
	s9 =	scvt.f32.s32 s9  }
0x1b2: {  	vm10 =	vlt.s32 v20, $0x11  }
0x1b3: {  	vm3 =	vmand vm3, vm10;
	v19 =	vnsel vm10, $0x0, v19;
	s9 =	sadd.s32 $0x800, s9  }
0x1b4: {  	v18 =	vadd.s32 v18, v19;
	[tilespmem:s9+$0x6480] =	vst.msk vm3, v17;
	v17 =	vor.u32 v8, v16  }
0x1b5: {  	[tilespmem:s9+$0x8500] =	vst.msk vm3, v17;
	v17 =	vcvt.s32.f32 v18  }
0x1b6: {  	v19 =	vld [tilespmem:s3+$0xFFFFFFE0]  }
0x1b7: {  	(xrf0) =	vmax.scan.msk.f32 $0xffff, v17;
	_ =	sdelay $0x3  }
0x1b8: {  	vm3 =	vge.f32 v19, v15  }
0x1b9: {  	vm3 =	vmand vm2, vm3  }
0x1ba: {  	v17 =	vmpcnt.ones.xlane vm3;
	v56, _, _ =	vpop (xrf0)  }
0x1bb: {  	(v2sf) =	vpush v56, $0xF  }
0x1bc: {  	v57 =	vadd.s32 v17, v18  }
0x1bd: {  	vm11 =	vlt.s32 v57, $0x11  }
0x1be: {  	v17 =	vnsel vm11, $0x0, v17  }
0x1bf: {  	v17 =	vadd.s32 v18, v17  }
0x1c0: {  	v18 =	vcvt.s32.f32 v17;
	_ =	sdelay $0x1  }
0x1c1: {  	(xrf0) =	vmax.scan.msk.f32 $0xffff, v18;
	_ =	sdelay $0x5  }
0x1c2: {  	v18, _, _ =	vpop (xrf0)  }
0x1c3: {  	(v2sf) =	vpush v18, $0xF  }
0x1c4: {  	s21 =	spop (v2sf)  }
0x1c5: {  	s9 =	scvt.f32.s32 s21;
	_ =	sdelay $0x1  }
0x1c6: {  	vm3 =	vmand vm3, vm11;
	s9 =	sadd.s32 $0x800, s9  }
0x1c7: {  	v18 =	vor.u32 v9, v16;
	[tilespmem:s9+$0x6480] =	vst.msk vm3, v19  }
0x1c8: {  	[tilespmem:s9+$0x8500] =	vst.msk vm3, v18  }
0x1c9: {  	v18 =	vld [tilespmem:s3+$0xFFFFFFF0];
	_ =	sdelay $0x4  }
0x1ca: {  	vm3 =	vge.f32 v18, v15  }
0x1cb: {  	vm3 =	vmand vm2, vm3  }
0x1cc: {  	v19 =	vmpcnt.ones.xlane vm3  }
0x1cd: {  	s25 =	spop (v2sf)  }
0x1ce: {  	v58 =	vadd.s32 v19, v17;
	s9 =	scvt.f32.s32 s25  }
0x1cf: {  	vm12 =	vlt.s32 v58, $0x11  }
0x1d0: {  	vm3 =	vmand vm3, vm12;
	v19 =	vnsel vm12, $0x0, v19;
	s9 =	sadd.s32 $0x800, s9  }
0x1d1: {  	[tilespmem:s9+$0x6480] =	vst.msk vm3, v18;
	v18 =	vor.u32 v10, v16;
	v17 =	vadd.s32 v17, v19  }
0x1d2: {  	[tilespmem:s9+$0x8500] =	vst.msk vm3, v18;
	v18 =	vcvt.s32.f32 v17  }
0x1d3: {  	v19 =	vld [tilespmem:s3+$0x0]  }
0x1d4: {  	(xrf0) =	vmax.scan.msk.f32 $0xffff, v18;
	_ =	sdelay $0x3  }
0x1d5: {  	vm3 =	vge.f32 v19, v15  }
0x1d6: {  	vm3 =	vmand vm2, vm3  }
0x1d7: {  	v18 =	vmpcnt.ones.xlane vm3;
	v59, _, _ =	vpop (xrf0)  }
0x1d8: {  	(v2sf) =	vpush v59, $0xF  }
0x1d9: {  	v60 =	vadd.s32 v18, v17  }
0x1da: {  	vm13 =	vlt.s32 v60, $0x11  }
0x1db: {  	v18 =	vnsel vm13, $0x0, v18  }
0x1dc: {  	v17 =	vadd.s32 v17, v18  }
0x1dd: {  	v18 =	vcvt.s32.f32 v17;
	_ =	sdelay $0x1  }
0x1de: {  	(xrf0) =	vmax.scan.msk.f32 $0xffff, v18;
	_ =	sdelay $0x5  }
0x1df: {  	v18, _, _ =	vpop (xrf0)  }
0x1e0: {  	(v2sf) =	vpush v18, $0xF  }
0x1e1: {  	s10 =	spop (v2sf)  }
0x1e2: {  	s9 =	scvt.f32.s32 s10;
	_ =	sdelay $0x1  }
0x1e3: {  	vm3 =	vmand vm3, vm13;
	s9 =	sadd.s32 $0x800, s9  }
0x1e4: {  	v18 =	vor.u32 v11, v16;
	[tilespmem:s9+$0x6480] =	vst.msk vm3, v19  }
0x1e5: {  	[tilespmem:s9+$0x8500] =	vst.msk vm3, v18  }
0x1e6: {  	v18 =	vld [tilespmem:s3+$0x10];
	_ =	sdelay $0x4  }
0x1e7: {  	vm3 =	vge.f32 v18, v15  }
0x1e8: {  	vm3 =	vmand vm2, vm3  }
0x1e9: {  	v19 =	vmpcnt.ones.xlane vm3  }
0x1ea: {  	s13 =	spop (v2sf)  }
0x1eb: {  	v61 =	vadd.s32 v19, v17;
	s9 =	scvt.f32.s32 s13  }
0x1ec: {  	vm14 =	vlt.s32 v61, $0x11  }
0x1ed: {  	vm3 =	vmand vm3, vm14;
	v19 =	vnsel vm14, $0x0, v19;
	s9 =	sadd.s32 $0x800, s9  }
0x1ee: {  	[tilespmem:s9+$0x6480] =	vst.msk vm3, v18;
	v18 =	vor.u32 v12, v16;
	v17 =	vadd.s32 v17, v19  }
0x1ef: {  	[tilespmem:s9+$0x8500] =	vst.msk vm3, v18;
	v18 =	vcvt.s32.f32 v17  }
0x1f0: {  	v19 =	vld [tilespmem:s3+$0x20]  }
0x1f1: {  	(xrf0) =	vmax.scan.msk.f32 $0xffff, v18;
	_ =	sdelay $0x3  }
0x1f2: {  	vm3 =	vge.f32 v19, v15  }
0x1f3: {  	vm3 =	vmand vm2, vm3  }
0x1f4: {  	v18 =	vmpcnt.ones.xlane vm3;
	v62, _, _ =	vpop (xrf0)  }
0x1f5: {  	(v2sf) =	vpush v62, $0xF  }
0x1f6: {  	v63 =	vadd.s32 v18, v17  }
0x1f7: {  	vm15 =	vlt.s32 v63, $0x11  }
0x1f8: {  	v18 =	vnsel vm15, $0x0, v18  }
0x1f9: {  	v17 =	vadd.s32 v17, v18  }
0x1fa: {  	v18 =	vcvt.s32.f32 v17;
	_ =	sdelay $0x1  }
0x1fb: {  	(xrf0) =	vmax.scan.msk.f32 $0xffff, v18;
	_ =	sdelay $0x5  }
0x1fc: {  	v18, _, _ =	vpop (xrf0)  }
0x1fd: {  	(v2sf) =	vpush v18, $0xF  }
0x1fe: {  	s21 =	spop (v2sf)  }
0x1ff: {  	s9 =	scvt.f32.s32 s21;
	_ =	sdelay $0x1  }
0x200: {  	vm3 =	vmand vm3, vm15;
	s9 =	sadd.s32 $0x800, s9  }
0x201: {  	v18 =	vor.u32 v13, v16;
	[tilespmem:s9+$0x6480] =	vst.msk vm3, v19  }
0x202: {  	[tilespmem:s9+$0x8500] =	vst.msk vm3, v18  }
0x203: {  	v18 =	vld [tilespmem:s3+$0x30];
	_ =	sdelay $0x4  }
0x204: {  	vm3 =	vge.f32 v18, v15  }
0x205: {  	vm2 =	vmand vm2, vm3  }
0x206: {  	v19 =	vmpcnt.ones.xlane vm2  }
0x207: {  	s25 =	spop (v2sf)  }
0x208: {  	v17 =	vadd.s32 v19, v17;
	s3 =	scvt.f32.s32 s25  }
0x209: {  	vm3 =	vlt.s32 v17, $0x11  }
0x20a: {  	s10 =	smov.u32 s12;
	vm2 =	vmand vm2, vm3;
	s21 =	sadd.s32 $0x800, s3  }
0x20b: {  	v16 =	vor.u32 v14, v16;
	s9 =	smov.u32 s11;
	s25 =	simm.s32 $0x2540;
	s3 =	simm.s32 $0x810;
	[tilespmem:s21+$0x6480] =	vst.msk vm2, v18  }
.LBB2_15:
0x20c: {  	[tilespmem:s21+$0x8500] =	vst.msk vm2, v16;
	s26 =	sadd.s32 $0x1, s26;
	s9 =	sadd.s32 $0x10, s9;
	s10 =	sadd.s32 $0x10, s10  }
0x20d: {  	p0 =	sne.s32 s3, $0xFF0;
	s21 =	smov.u32 s3;
	s3 =	sadd.s32 $0x10, s3;
	v17 =	vld [tilespmem:s25+$0xFFFFFFC0]  }
0x20e: {  	_ =	sdelay $0x2  }
0x20f: {  	vm2 =	vmmov vm1;
	p1 =	slt.s32 s26, s0  }
0x210: {  	vm2 =	vmneg @p1 vm2;
	vm3 =	vge.f32 v17, v15  }
0x211: {  	vm3 =	vmand vm2, vm3  }
0x212: {  	v16 =	vmpcnt.ones.xlane vm3;
	_ =	sdelay $0x1  }
0x213: {  	vm4 =	vlt.s32 v16, $0x11  }
0x214: {  	vm3 =	vmand vm3, vm4;
	v18 =	vnsel vm4, $0x0, v16  }
0x215: {  	v16 =	vcvt.s32.f32 v18;
	_ =	sdelay $0x1  }
0x216: {  	v19 =	vmov s26;
	(xrf0) =	vmax.scan.msk.f32 $0xffff, v16;
	_ =	sdelay $0x4  }
0x217: {  	v16 =	vld.idx.msk [tilespmem:v19+s24+$0x0], $0xffff  }
0x218: {  	v19, _, _ =	vpop (xrf0)  }
0x219: {  	(v2sf) =	vpush v19, $0xF;
	_ =	sdelay $0x3  }
0x21a: {  	v16 =	vshll.u32 v16, $0x7  }
0x21b: {  	[tilespmem:s9+$0x0] =	vst.msk vm3, v17;
	v17 =	vor.u32 v4, v16  }
0x21c: {  	[tilespmem:s10+$0x0] =	vst.msk vm3, v17  }
0x21d: {  	v17 =	vld [tilespmem:s25+$0xFFFFFFD0];
	_ =	sdelay $0x4  }
0x21e: {  	vm3 =	vge.f32 v17, v15  }
0x21f: {  	vm3 =	vmand vm2, vm3  }
0x220: {  	v19 =	vmpcnt.ones.xlane vm3  }
0x221: {  	s13 =	spop (v2sf)  }
0x222: {  	v20 =	vadd.s32 v18, v19;
	s13 =	scvt.f32.s32 s13  }
0x223: {  	vm4 =	vlt.s32 v20, $0x11  }
0x224: {  	vm3 =	vmand vm3, vm4;
	v19 =	vnsel vm4, $0x0, v19;
	s13 =	sadd.s32 s13, s21  }
0x225: {  	[tilespmem:s13+$0x6480] =	vst.msk vm3, v17;
	v17 =	vor.u32 v8, v16;
	v18 =	vadd.s32 v18, v19  }
0x226: {  	[tilespmem:s13+$0x8500] =	vst.msk vm3, v17;
	v17 =	vcvt.s32.f32 v18  }
0x227: {  	v19 =	vld [tilespmem:s25+$0xFFFFFFE0]  }
0x228: {  	(xrf0) =	vmax.scan.msk.f32 $0xffff, v17;
	_ =	sdelay $0x3  }
0x229: {  	vm3 =	vge.f32 v19, v15  }
0x22a: {  	vm3 =	vmand vm2, vm3  }
0x22b: {  	v17 =	vmpcnt.ones.xlane vm3;
	v20, _, _ =	vpop (xrf0)  }
0x22c: {  	(v2sf) =	vpush v20, $0xF  }
0x22d: {  	v20 =	vadd.s32 v17, v18  }
0x22e: {  	vm4 =	vlt.s32 v20, $0x11  }
0x22f: {  	v17 =	vnsel vm4, $0x0, v17  }
0x230: {  	v17 =	vadd.s32 v18, v17  }
0x231: {  	v18 =	vcvt.s32.f32 v17;
	_ =	sdelay $0x1  }
0x232: {  	(xrf0) =	vmax.scan.msk.f32 $0xffff, v18;
	_ =	sdelay $0x5  }
0x233: {  	v18, _, _ =	vpop (xrf0)  }
0x234: {  	(v2sf) =	vpush v18, $0xF  }
0x235: {  	s13 =	spop (v2sf)  }
0x236: {  	s13 =	scvt.f32.s32 s13;
	_ =	sdelay $0x1  }
0x237: {  	vm3 =	vmand vm3, vm4;
	s13 =	sadd.s32 s13, s21  }
0x238: {  	v18 =	vor.u32 v9, v16;
	[tilespmem:s13+$0x6480] =	vst.msk vm3, v19  }
0x239: {  	[tilespmem:s13+$0x8500] =	vst.msk vm3, v18  }
0x23a: {  	v18 =	vld [tilespmem:s25+$0xFFFFFFF0];
	_ =	sdelay $0x4  }
0x23b: {  	vm3 =	vge.f32 v18, v15  }
0x23c: {  	vm3 =	vmand vm2, vm3  }
0x23d: {  	v19 =	vmpcnt.ones.xlane vm3  }
0x23e: {  	s13 =	spop (v2sf)  }
0x23f: {  	v20 =	vadd.s32 v19, v17;
	s13 =	scvt.f32.s32 s13  }
0x240: {  	vm4 =	vlt.s32 v20, $0x11  }
0x241: {  	vm3 =	vmand vm3, vm4;
	v19 =	vnsel vm4, $0x0, v19;
	s13 =	sadd.s32 s13, s21  }
0x242: {  	[tilespmem:s13+$0x6480] =	vst.msk vm3, v18;
	v18 =	vor.u32 v10, v16;
	v17 =	vadd.s32 v17, v19  }
0x243: {  	[tilespmem:s13+$0x8500] =	vst.msk vm3, v18;
	v18 =	vcvt.s32.f32 v17  }
0x244: {  	v19 =	vld [tilespmem:s25+$0x0]  }
0x245: {  	(xrf0) =	vmax.scan.msk.f32 $0xffff, v18;
	_ =	sdelay $0x3  }
0x246: {  	vm3 =	vge.f32 v19, v15  }
0x247: {  	vm3 =	vmand vm2, vm3  }
0x248: {  	v18 =	vmpcnt.ones.xlane vm3;
	v20, _, _ =	vpop (xrf0)  }
0x249: {  	(v2sf) =	vpush v20, $0xF  }
0x24a: {  	v20 =	vadd.s32 v18, v17  }
0x24b: {  	vm4 =	vlt.s32 v20, $0x11  }
0x24c: {  	v18 =	vnsel vm4, $0x0, v18  }
0x24d: {  	v17 =	vadd.s32 v17, v18  }
0x24e: {  	v18 =	vcvt.s32.f32 v17;
	_ =	sdelay $0x1  }
0x24f: {  	(xrf0) =	vmax.scan.msk.f32 $0xffff, v18;
	_ =	sdelay $0x5  }
0x250: {  	v18, _, _ =	vpop (xrf0)  }
0x251: {  	(v2sf) =	vpush v18, $0xF  }
0x252: {  	s13 =	spop (v2sf)  }
0x253: {  	s13 =	scvt.f32.s32 s13;
	_ =	sdelay $0x1  }
0x254: {  	vm3 =	vmand vm3, vm4;
	s13 =	sadd.s32 s13, s21  }
0x255: {  	v18 =	vor.u32 v11, v16;
	[tilespmem:s13+$0x6480] =	vst.msk vm3, v19  }
0x256: {  	[tilespmem:s13+$0x8500] =	vst.msk vm3, v18  }
0x257: {  	v18 =	vld [tilespmem:s25+$0x10];
	_ =	sdelay $0x4  }
0x258: {  	vm3 =	vge.f32 v18, v15  }
0x259: {  	vm3 =	vmand vm2, vm3  }
0x25a: {  	v19 =	vmpcnt.ones.xlane vm3  }
0x25b: {  	s13 =	spop (v2sf)  }
0x25c: {  	v20 =	vadd.s32 v19, v17;
	s13 =	scvt.f32.s32 s13  }
0x25d: {  	vm4 =	vlt.s32 v20, $0x11  }
0x25e: {  	vm3 =	vmand vm3, vm4;
	v19 =	vnsel vm4, $0x0, v19;
	s13 =	sadd.s32 s13, s21  }
0x25f: {  	[tilespmem:s13+$0x6480] =	vst.msk vm3, v18;
	v18 =	vor.u32 v12, v16;
	v17 =	vadd.s32 v17, v19  }
0x260: {  	[tilespmem:s13+$0x8500] =	vst.msk vm3, v18;
	v18 =	vcvt.s32.f32 v17  }
0x261: {  	v19 =	vld [tilespmem:s25+$0x20]  }
0x262: {  	(xrf0) =	vmax.scan.msk.f32 $0xffff, v18;
	_ =	sdelay $0x3  }
0x263: {  	vm3 =	vge.f32 v19, v15  }
0x264: {  	vm3 =	vmand vm2, vm3  }
0x265: {  	v18 =	vmpcnt.ones.xlane vm3;
	v20, _, _ =	vpop (xrf0)  }
0x266: {  	(v2sf) =	vpush v20, $0xF  }
0x267: {  	v20 =	vadd.s32 v18, v17  }
0x268: {  	vm4 =	vlt.s32 v20, $0x11  }
0x269: {  	v18 =	vnsel vm4, $0x0, v18  }
0x26a: {  	v17 =	vadd.s32 v17, v18  }
0x26b: {  	v18 =	vcvt.s32.f32 v17;
	_ =	sdelay $0x1  }
0x26c: {  	(xrf0) =	vmax.scan.msk.f32 $0xffff, v18;
	_ =	sdelay $0x5  }
0x26d: {  	v18, _, _ =	vpop (xrf0)  }
0x26e: {  	(v2sf) =	vpush v18, $0xF  }
0x26f: {  	s13 =	spop (v2sf)  }
0x270: {  	s13 =	scvt.f32.s32 s13;
	_ =	sdelay $0x1  }
0x271: {  	vm3 =	vmand vm3, vm4;
	s13 =	sadd.s32 s13, s21  }
0x272: {  	v18 =	vor.u32 v13, v16;
	[tilespmem:s13+$0x6480] =	vst.msk vm3, v19  }
0x273: {  	[tilespmem:s13+$0x8500] =	vst.msk vm3, v18  }
0x274: {  	v18 =	vld [tilespmem:s25+$0x30];
	_ =	sdelay $0x4  }
0x275: {  	vm3 =	vge.f32 v18, v15  }
0x276: {  	vm2 =	vmand vm2, vm3  }
0x277: {  	v19 =	vmpcnt.ones.xlane vm2  }
.Ltmp10:
0x278: {  	s13 =	spop (v2sf);
	(pc) =	sbr.rel @p0 .LBB2_15-.Ltmp10, $4  }
0x279: {  	v17 =	vadd.s32 v19, v17;
	s13 =	scvt.f32.s32 s13  }
0x27a: {  	vm3 =	vlt.s32 v17, $0x11  }
0x27b: {  	vm2 =	vmand vm2, vm3;
	s21 =	sadd.s32 s13, s21  }
0x27c: {  	v16 =	vor.u32 v14, v16;
	s25 =	sadd.s32 $0x80, s25;
	[tilespmem:s21+$0x6480] =	vst.msk vm2, v18  }
0x27d: {  	p0 =	slt.u32 s0, $0x101  }
.Ltmp11:
0x27e: {  	_ = 	snop;
	(pc) =	sbr.rel @p0 .LBB2_23-.Ltmp11, $2  }
0x27f: {  	_ =	sdelay $0x2  }
0x280: {  	[tilespmem:s21+$0x8500] =	vst.msk vm2, v16  }
0x281: {  	s3 =	simm.s32 $0x2380  }
0x282: {  	[tilespmem:s22], [sflag:$0x1] =	stream.indirect.gather [hbm4b:s4+s17], $0x80, s3, s17, $0xb8;
	[tilespmem:$0xB180] =	vst v63  }
0x283: {  	_ =	swait.ge [sflag:s23], $0x4000  }
0x284: {  	[sflag:s23] =	ssyncset.done $0x0  }
0x285: {  	s3 =	simm.s32 $0x24C0;
	[sflag:s23] =	ssyncadd.s32 $0xFFFFC000  }
0x286: {  	v17 =	vld [tilespmem:s3+$0xFFFFFFC0];
	_ =	sdelay $0x3  }
0x287: {  	p0 =	sgt.s32 s0, $0x100;
	vm2 =	vmmov vm1  }
0x288: {  	vm2 =	vmneg @p0 vm2;
	vm3 =	vge.f32 v17, v15  }
0x289: {  	vm3 =	vmand vm2, vm3  }
0x28a: {  	v16 =	vmpcnt.ones.xlane vm3;
	_ =	sdelay $0x1  }
0x28b: {  	vm4 =	vlt.s32 v16, $0x11  }
0x28c: {  	v18 =	vnsel vm4, $0x0, v16  }
0x28d: {  	v16 =	vcvt.s32.f32 v18;
	_ =	sdelay $0x1  }
0x28e: {  	s26 =	simm.s32 $0x100;
	(xrf0) =	vmax.scan.msk.f32 $0xffff, v16  }
0x28f: {  	v16 =	vmov s26;
	_ =	sdelay $0x4  }
0x290: {  	v16 =	vld.idx.msk [tilespmem:v16+s24+$0x0], $0xffff;
	v19, _, _ =	vpop (xrf0)  }
0x291: {  	(v2sf) =	vpush v19, $0xF;
	_ =	sdelay $0x3  }
0x292: {  	s10 =	rddreg [dreg:$0x4];
	vm3 =	vmand vm3, vm4;
	v16 =	vshll.u32 v16, $0x7  }
0x293: {  	[tilespmem:s10+$0x0] =	vst.msk vm3, v17;
	v17 =	vor.u32 v4, v16  }
0x294: {  	[tilespmem:s14+$0x0] =	vst.msk vm3, v17  }
0x295: {  	v17 =	vld [tilespmem:s3+$0xFFFFFFD0];
	_ =	sdelay $0x4  }
0x296: {  	vm3 =	vge.f32 v17, v15  }
0x297: {  	vm3 =	vmand vm2, vm3  }
0x298: {  	v19 =	vmpcnt.ones.xlane vm3  }
0x299: {  	s9 =	spop (v2sf)  }
0x29a: {  	v20 =	vadd.s32 v18, v19;
	s9 =	scvt.f32.s32 s9  }
0x29b: {  	vm10 =	vlt.s32 v20, $0x11  }
0x29c: {  	vm3 =	vmand vm3, vm10;
	v19 =	vnsel vm10, $0x0, v19;
	s9 =	sadd.s32 $0x1000, s9  }
0x29d: {  	v18 =	vadd.s32 v18, v19;
	[tilespmem:s9+$0x6480] =	vst.msk vm3, v17;
	v17 =	vor.u32 v8, v16  }
0x29e: {  	[tilespmem:s9+$0x8500] =	vst.msk vm3, v17;
	v17 =	vcvt.s32.f32 v18  }
0x29f: {  	v19 =	vld [tilespmem:s3+$0xFFFFFFE0]  }
0x2a0: {  	(xrf0) =	vmax.scan.msk.f32 $0xffff, v17;
	_ =	sdelay $0x3  }
0x2a1: {  	vm3 =	vge.f32 v19, v15  }
0x2a2: {  	vm3 =	vmand vm2, vm3  }
0x2a3: {  	v17 =	vmpcnt.ones.xlane vm3;
	v56, _, _ =	vpop (xrf0)  }
0x2a4: {  	(v2sf) =	vpush v56, $0xF  }
0x2a5: {  	v57 =	vadd.s32 v17, v18  }
0x2a6: {  	vm11 =	vlt.s32 v57, $0x11  }
0x2a7: {  	v17 =	vnsel vm11, $0x0, v17  }
0x2a8: {  	v17 =	vadd.s32 v18, v17  }
0x2a9: {  	v18 =	vcvt.s32.f32 v17;
	_ =	sdelay $0x1  }
0x2aa: {  	(xrf0) =	vmax.scan.msk.f32 $0xffff, v18;
	_ =	sdelay $0x5  }
0x2ab: {  	v18, _, _ =	vpop (xrf0)  }
0x2ac: {  	(v2sf) =	vpush v18, $0xF  }
0x2ad: {  	s13 =	spop (v2sf)  }
0x2ae: {  	s9 =	scvt.f32.s32 s13;
	_ =	sdelay $0x1  }
0x2af: {  	vm3 =	vmand vm3, vm11;
	s9 =	sadd.s32 $0x1000, s9  }
0x2b0: {  	v18 =	vor.u32 v9, v16;
	[tilespmem:s9+$0x6480] =	vst.msk vm3, v19  }
0x2b1: {  	[tilespmem:s9+$0x8500] =	vst.msk vm3, v18  }
0x2b2: {  	v18 =	vld [tilespmem:s3+$0xFFFFFFF0];
	_ =	sdelay $0x4  }
0x2b3: {  	vm3 =	vge.f32 v18, v15  }
0x2b4: {  	vm3 =	vmand vm2, vm3  }
0x2b5: {  	v19 =	vmpcnt.ones.xlane vm3  }
0x2b6: {  	s21 =	spop (v2sf)  }
0x2b7: {  	v58 =	vadd.s32 v19, v17;
	s9 =	scvt.f32.s32 s21  }
0x2b8: {  	vm12 =	vlt.s32 v58, $0x11  }
0x2b9: {  	vm3 =	vmand vm3, vm12;
	v19 =	vnsel vm12, $0x0, v19;
	s9 =	sadd.s32 $0x1000, s9  }
0x2ba: {  	[tilespmem:s9+$0x6480] =	vst.msk vm3, v18;
	v18 =	vor.u32 v10, v16;
	v17 =	vadd.s32 v17, v19  }
0x2bb: {  	[tilespmem:s9+$0x8500] =	vst.msk vm3, v18;
	v18 =	vcvt.s32.f32 v17  }
0x2bc: {  	v19 =	vld [tilespmem:s3+$0x0]  }
0x2bd: {  	(xrf0) =	vmax.scan.msk.f32 $0xffff, v18;
	_ =	sdelay $0x3  }
0x2be: {  	vm3 =	vge.f32 v19, v15  }
0x2bf: {  	vm3 =	vmand vm2, vm3  }
0x2c0: {  	v18 =	vmpcnt.ones.xlane vm3;
	v59, _, _ =	vpop (xrf0)  }
0x2c1: {  	(v2sf) =	vpush v59, $0xF  }
0x2c2: {  	v60 =	vadd.s32 v18, v17  }
0x2c3: {  	vm13 =	vlt.s32 v60, $0x11  }
0x2c4: {  	v18 =	vnsel vm13, $0x0, v18  }
0x2c5: {  	v17 =	vadd.s32 v17, v18  }
0x2c6: {  	v18 =	vcvt.s32.f32 v17;
	_ =	sdelay $0x1  }
0x2c7: {  	(xrf0) =	vmax.scan.msk.f32 $0xffff, v18;
	_ =	sdelay $0x5  }
0x2c8: {  	v18, _, _ =	vpop (xrf0)  }
0x2c9: {  	(v2sf) =	vpush v18, $0xF  }
0x2ca: {  	s25 =	spop (v2sf)  }
0x2cb: {  	s9 =	scvt.f32.s32 s25;
	_ =	sdelay $0x1  }
0x2cc: {  	vm3 =	vmand vm3, vm13;
	s9 =	sadd.s32 $0x1000, s9  }
0x2cd: {  	v18 =	vor.u32 v11, v16;
	[tilespmem:s9+$0x6480] =	vst.msk vm3, v19  }
0x2ce: {  	[tilespmem:s9+$0x8500] =	vst.msk vm3, v18  }
0x2cf: {  	v18 =	vld [tilespmem:s3+$0x10];
	_ =	sdelay $0x4  }
0x2d0: {  	vm3 =	vge.f32 v18, v15  }
0x2d1: {  	vm3 =	vmand vm2, vm3  }
0x2d2: {  	v19 =	vmpcnt.ones.xlane vm3  }
0x2d3: {  	s13 =	spop (v2sf)  }
0x2d4: {  	v61 =	vadd.s32 v19, v17;
	s9 =	scvt.f32.s32 s13  }
0x2d5: {  	vm14 =	vlt.s32 v61, $0x11  }
0x2d6: {  	vm3 =	vmand vm3, vm14;
	v19 =	vnsel vm14, $0x0, v19;
	s9 =	sadd.s32 $0x1000, s9  }
0x2d7: {  	[tilespmem:s9+$0x6480] =	vst.msk vm3, v18;
	v18 =	vor.u32 v12, v16;
	v17 =	vadd.s32 v17, v19  }
0x2d8: {  	[tilespmem:s9+$0x8500] =	vst.msk vm3, v18;
	v18 =	vcvt.s32.f32 v17  }
0x2d9: {  	v19 =	vld [tilespmem:s3+$0x20]  }
0x2da: {  	(xrf0) =	vmax.scan.msk.f32 $0xffff, v18;
	_ =	sdelay $0x3  }
0x2db: {  	vm3 =	vge.f32 v19, v15  }
0x2dc: {  	vm3 =	vmand vm2, vm3  }
0x2dd: {  	v18 =	vmpcnt.ones.xlane vm3;
	v62, _, _ =	vpop (xrf0)  }
0x2de: {  	(v2sf) =	vpush v62, $0xF  }
0x2df: {  	v63 =	vadd.s32 v18, v17  }
0x2e0: {  	vm15 =	vlt.s32 v63, $0x11  }
0x2e1: {  	v18 =	vnsel vm15, $0x0, v18  }
0x2e2: {  	v17 =	vadd.s32 v17, v18  }
0x2e3: {  	v18 =	vcvt.s32.f32 v17;
	_ =	sdelay $0x1  }
0x2e4: {  	(xrf0) =	vmax.scan.msk.f32 $0xffff, v18;
	_ =	sdelay $0x5  }
0x2e5: {  	v18, _, _ =	vpop (xrf0)  }
0x2e6: {  	(v2sf) =	vpush v18, $0xF  }
0x2e7: {  	s21 =	spop (v2sf)  }
0x2e8: {  	s9 =	scvt.f32.s32 s21;
	_ =	sdelay $0x1  }
0x2e9: {  	vm3 =	vmand vm3, vm15;
	s9 =	sadd.s32 $0x1000, s9  }
0x2ea: {  	v18 =	vor.u32 v13, v16;
	[tilespmem:s9+$0x6480] =	vst.msk vm3, v19  }
0x2eb: {  	[tilespmem:s9+$0x8500] =	vst.msk vm3, v18  }
0x2ec: {  	v18 =	vld [tilespmem:s3+$0x30];
	_ =	sdelay $0x4  }
0x2ed: {  	vm3 =	vge.f32 v18, v15  }
0x2ee: {  	vm2 =	vmand vm2, vm3  }
0x2ef: {  	v19 =	vmpcnt.ones.xlane vm2  }
0x2f0: {  	s25 =	spop (v2sf)  }
0x2f1: {  	v17 =	vadd.s32 v19, v17;
	s3 =	scvt.f32.s32 s25  }
0x2f2: {  	vm3 =	vlt.s32 v17, $0x11  }
0x2f3: {  	s9 =	smov.u32 s10;
	vm2 =	vmand vm2, vm3;
	s21 =	sadd.s32 $0x1000, s3  }
0x2f4: {  	v16 =	vor.u32 v14, v16;
	s10 =	smov.u32 s14;
	s25 =	simm.s32 $0x2540;
	s3 =	simm.s32 $0x1010;
	[tilespmem:s21+$0x6480] =	vst.msk vm2, v18  }
.LBB2_18:
0x2f5: {  	[tilespmem:s21+$0x8500] =	vst.msk vm2, v16;
	s26 =	sadd.s32 $0x1, s26;
	s9 =	sadd.s32 $0x10, s9;
	s10 =	sadd.s32 $0x10, s10  }
0x2f6: {  	p0 =	sne.s32 s3, $0x17F0;
	s21 =	smov.u32 s3;
	s3 =	sadd.s32 $0x10, s3;
	v17 =	vld [tilespmem:s25+$0xFFFFFFC0]  }
0x2f7: {  	_ =	sdelay $0x2  }
0x2f8: {  	vm2 =	vmmov vm1;
	p1 =	slt.s32 s26, s0  }
0x2f9: {  	vm2 =	vmneg @p1 vm2;
	vm3 =	vge.f32 v17, v15  }
0x2fa: {  	vm3 =	vmand vm2, vm3  }
0x2fb: {  	v16 =	vmpcnt.ones.xlane vm3;
	_ =	sdelay $0x1  }
0x2fc: {  	vm4 =	vlt.s32 v16, $0x11  }
0x2fd: {  	vm3 =	vmand vm3, vm4;
	v18 =	vnsel vm4, $0x0, v16  }
0x2fe: {  	v16 =	vcvt.s32.f32 v18;
	_ =	sdelay $0x1  }
0x2ff: {  	v19 =	vmov s26;
	(xrf0) =	vmax.scan.msk.f32 $0xffff, v16;
	_ =	sdelay $0x4  }
0x300: {  	v16 =	vld.idx.msk [tilespmem:v19+s24+$0x0], $0xffff  }
0x301: {  	v19, _, _ =	vpop (xrf0)  }
0x302: {  	(v2sf) =	vpush v19, $0xF;
	_ =	sdelay $0x3  }
0x303: {  	v16 =	vshll.u32 v16, $0x7  }
0x304: {  	[tilespmem:s9+$0x0] =	vst.msk vm3, v17;
	v17 =	vor.u32 v4, v16  }
0x305: {  	[tilespmem:s10+$0x0] =	vst.msk vm3, v17  }
0x306: {  	v17 =	vld [tilespmem:s25+$0xFFFFFFD0];
	_ =	sdelay $0x4  }
0x307: {  	vm3 =	vge.f32 v17, v15  }
0x308: {  	vm3 =	vmand vm2, vm3  }
0x309: {  	v19 =	vmpcnt.ones.xlane vm3  }
0x30a: {  	s13 =	spop (v2sf)  }
0x30b: {  	v20 =	vadd.s32 v18, v19;
	s13 =	scvt.f32.s32 s13  }
0x30c: {  	vm4 =	vlt.s32 v20, $0x11  }
0x30d: {  	vm3 =	vmand vm3, vm4;
	v19 =	vnsel vm4, $0x0, v19;
	s13 =	sadd.s32 s13, s21  }
0x30e: {  	[tilespmem:s13+$0x6480] =	vst.msk vm3, v17;
	v17 =	vor.u32 v8, v16;
	v18 =	vadd.s32 v18, v19  }
0x30f: {  	[tilespmem:s13+$0x8500] =	vst.msk vm3, v17;
	v17 =	vcvt.s32.f32 v18  }
0x310: {  	v19 =	vld [tilespmem:s25+$0xFFFFFFE0]  }
0x311: {  	(xrf0) =	vmax.scan.msk.f32 $0xffff, v17;
	_ =	sdelay $0x3  }
0x312: {  	vm3 =	vge.f32 v19, v15  }
0x313: {  	vm3 =	vmand vm2, vm3  }
0x314: {  	v17 =	vmpcnt.ones.xlane vm3;
	v20, _, _ =	vpop (xrf0)  }
0x315: {  	(v2sf) =	vpush v20, $0xF  }
0x316: {  	v20 =	vadd.s32 v17, v18  }
0x317: {  	vm4 =	vlt.s32 v20, $0x11  }
0x318: {  	v17 =	vnsel vm4, $0x0, v17  }
0x319: {  	v17 =	vadd.s32 v18, v17  }
0x31a: {  	v18 =	vcvt.s32.f32 v17;
	_ =	sdelay $0x1  }
0x31b: {  	(xrf0) =	vmax.scan.msk.f32 $0xffff, v18;
	_ =	sdelay $0x5  }
0x31c: {  	v18, _, _ =	vpop (xrf0)  }
0x31d: {  	(v2sf) =	vpush v18, $0xF  }
0x31e: {  	s13 =	spop (v2sf)  }
0x31f: {  	s13 =	scvt.f32.s32 s13;
	_ =	sdelay $0x1  }
0x320: {  	vm3 =	vmand vm3, vm4;
	s13 =	sadd.s32 s13, s21  }
0x321: {  	v18 =	vor.u32 v9, v16;
	[tilespmem:s13+$0x6480] =	vst.msk vm3, v19  }
0x322: {  	[tilespmem:s13+$0x8500] =	vst.msk vm3, v18  }
0x323: {  	v18 =	vld [tilespmem:s25+$0xFFFFFFF0];
	_ =	sdelay $0x4  }
0x324: {  	vm3 =	vge.f32 v18, v15  }
0x325: {  	vm3 =	vmand vm2, vm3  }
0x326: {  	v19 =	vmpcnt.ones.xlane vm3  }
0x327: {  	s13 =	spop (v2sf)  }
0x328: {  	v20 =	vadd.s32 v19, v17;
	s13 =	scvt.f32.s32 s13  }
0x329: {  	vm4 =	vlt.s32 v20, $0x11  }
0x32a: {  	vm3 =	vmand vm3, vm4;
	v19 =	vnsel vm4, $0x0, v19;
	s13 =	sadd.s32 s13, s21  }
0x32b: {  	[tilespmem:s13+$0x6480] =	vst.msk vm3, v18;
	v18 =	vor.u32 v10, v16;
	v17 =	vadd.s32 v17, v19  }
0x32c: {  	[tilespmem:s13+$0x8500] =	vst.msk vm3, v18;
	v18 =	vcvt.s32.f32 v17  }
0x32d: {  	v19 =	vld [tilespmem:s25+$0x0]  }
0x32e: {  	(xrf0) =	vmax.scan.msk.f32 $0xffff, v18;
	_ =	sdelay $0x3  }
0x32f: {  	vm3 =	vge.f32 v19, v15  }
0x330: {  	vm3 =	vmand vm2, vm3  }
0x331: {  	v18 =	vmpcnt.ones.xlane vm3;
	v20, _, _ =	vpop (xrf0)  }
0x332: {  	(v2sf) =	vpush v20, $0xF  }
0x333: {  	v20 =	vadd.s32 v18, v17  }
0x334: {  	vm4 =	vlt.s32 v20, $0x11  }
0x335: {  	v18 =	vnsel vm4, $0x0, v18  }
0x336: {  	v17 =	vadd.s32 v17, v18  }
0x337: {  	v18 =	vcvt.s32.f32 v17;
	_ =	sdelay $0x1  }
0x338: {  	(xrf0) =	vmax.scan.msk.f32 $0xffff, v18;
	_ =	sdelay $0x5  }
0x339: {  	v18, _, _ =	vpop (xrf0)  }
0x33a: {  	(v2sf) =	vpush v18, $0xF  }
0x33b: {  	s13 =	spop (v2sf)  }
0x33c: {  	s13 =	scvt.f32.s32 s13;
	_ =	sdelay $0x1  }
0x33d: {  	vm3 =	vmand vm3, vm4;
	s13 =	sadd.s32 s13, s21  }
0x33e: {  	v18 =	vor.u32 v11, v16;
	[tilespmem:s13+$0x6480] =	vst.msk vm3, v19  }
0x33f: {  	[tilespmem:s13+$0x8500] =	vst.msk vm3, v18  }
0x340: {  	v18 =	vld [tilespmem:s25+$0x10];
	_ =	sdelay $0x4  }
0x341: {  	vm3 =	vge.f32 v18, v15  }
0x342: {  	vm3 =	vmand vm2, vm3  }
0x343: {  	v19 =	vmpcnt.ones.xlane vm3  }
0x344: {  	s13 =	spop (v2sf)  }
0x345: {  	v20 =	vadd.s32 v19, v17;
	s13 =	scvt.f32.s32 s13  }
0x346: {  	vm4 =	vlt.s32 v20, $0x11  }
0x347: {  	vm3 =	vmand vm3, vm4;
	v19 =	vnsel vm4, $0x0, v19;
	s13 =	sadd.s32 s13, s21  }
0x348: {  	[tilespmem:s13+$0x6480] =	vst.msk vm3, v18;
	v18 =	vor.u32 v12, v16;
	v17 =	vadd.s32 v17, v19  }
0x349: {  	[tilespmem:s13+$0x8500] =	vst.msk vm3, v18;
	v18 =	vcvt.s32.f32 v17  }
0x34a: {  	v19 =	vld [tilespmem:s25+$0x20]  }
0x34b: {  	(xrf0) =	vmax.scan.msk.f32 $0xffff, v18;
	_ =	sdelay $0x3  }
0x34c: {  	vm3 =	vge.f32 v19, v15  }
0x34d: {  	vm3 =	vmand vm2, vm3  }
0x34e: {  	v18 =	vmpcnt.ones.xlane vm3;
	v20, _, _ =	vpop (xrf0)  }
0x34f: {  	(v2sf) =	vpush v20, $0xF  }
0x350: {  	v20 =	vadd.s32 v18, v17  }
0x351: {  	vm4 =	vlt.s32 v20, $0x11  }
0x352: {  	v18 =	vnsel vm4, $0x0, v18  }
0x353: {  	v17 =	vadd.s32 v17, v18  }
0x354: {  	v18 =	vcvt.s32.f32 v17;
	_ =	sdelay $0x1  }
0x355: {  	(xrf0) =	vmax.scan.msk.f32 $0xffff, v18;
	_ =	sdelay $0x5  }
0x356: {  	v18, _, _ =	vpop (xrf0)  }
0x357: {  	(v2sf) =	vpush v18, $0xF  }
0x358: {  	s13 =	spop (v2sf)  }
0x359: {  	s13 =	scvt.f32.s32 s13;
	_ =	sdelay $0x1  }
0x35a: {  	vm3 =	vmand vm3, vm4;
	s13 =	sadd.s32 s13, s21  }
0x35b: {  	v18 =	vor.u32 v13, v16;
	[tilespmem:s13+$0x6480] =	vst.msk vm3, v19  }
0x35c: {  	[tilespmem:s13+$0x8500] =	vst.msk vm3, v18  }
0x35d: {  	v18 =	vld [tilespmem:s25+$0x30];
	_ =	sdelay $0x4  }
0x35e: {  	vm3 =	vge.f32 v18, v15  }
0x35f: {  	vm2 =	vmand vm2, vm3  }
0x360: {  	v19 =	vmpcnt.ones.xlane vm2  }
.Ltmp12:
0x361: {  	s13 =	spop (v2sf);
	(pc) =	sbr.rel @p0 .LBB2_18-.Ltmp12, $4  }
0x362: {  	v17 =	vadd.s32 v19, v17;
	s13 =	scvt.f32.s32 s13  }
0x363: {  	vm3 =	vlt.s32 v17, $0x11  }
0x364: {  	vm2 =	vmand vm2, vm3;
	s21 =	sadd.s32 s13, s21  }
0x365: {  	v16 =	vor.u32 v14, v16;
	s25 =	sadd.s32 $0x80, s25;
	[tilespmem:s21+$0x6480] =	vst.msk vm2, v18  }
0x366: {  	p0 =	slt.u32 s0, $0x181  }
.Ltmp13:
0x367: {  	_ = 	snop;
	(pc) =	sbr.rel @p0 .LBB2_23-.Ltmp13, $2  }
0x368: {  	_ =	sdelay $0x2  }
0x369: {  	[tilespmem:s21+$0x8500] =	vst.msk vm2, v16  }
0x36a: {  	s3 =	simm.s32 $0x2400  }
0x36b: {  	[tilespmem:s22], [sflag:$0x1] =	stream.indirect.gather [hbm4b:s4+s17], $0x80, s3, s17, $0xb8;
	[tilespmem:$0xB180] =	vst v63  }
0x36c: {  	_ =	swait.ge [sflag:s23], $0x4000  }
0x36d: {  	[sflag:s23] =	ssyncset.done $0x0  }
0x36e: {  	s3 =	simm.s32 $0x24C0;
	[sflag:s23] =	ssyncadd.s32 $0xFFFFC000  }
0x36f: {  	v17 =	vld [tilespmem:s3+$0xFFFFFFC0];
	_ =	sdelay $0x3  }
0x370: {  	p0 =	sgt.s32 s0, $0x180;
	vm2 =	vmmov vm1  }
0x371: {  	vm2 =	vmneg @p0 vm2;
	vm3 =	vge.f32 v17, v15  }
0x372: {  	vm3 =	vmand vm2, vm3  }
0x373: {  	v16 =	vmpcnt.ones.xlane vm3;
	_ =	sdelay $0x1  }
0x374: {  	vm4 =	vlt.s32 v16, $0x11  }
0x375: {  	v18 =	vnsel vm4, $0x0, v16  }
0x376: {  	v16 =	vcvt.s32.f32 v18;
	_ =	sdelay $0x1  }
0x377: {  	s26 =	simm.s32 $0x180;
	(xrf0) =	vmax.scan.msk.f32 $0xffff, v16  }
0x378: {  	v16 =	vmov s26;
	_ =	sdelay $0x4  }
0x379: {  	v16 =	vld.idx.msk [tilespmem:v16+s24+$0x0], $0xffff;
	v19, _, _ =	vpop (xrf0)  }
0x37a: {  	(v2sf) =	vpush v19, $0xF;
	_ =	sdelay $0x3  }
0x37b: {  	s10 =	rddreg [dreg:$0x5];
	vm3 =	vmand vm3, vm4;
	v16 =	vshll.u32 v16, $0x7  }
0x37c: {  	s13 =	rddreg [dreg:$0x6];
	[tilespmem:s10+$0x0] =	vst.msk vm3, v17;
	v17 =	vor.u32 v4, v16  }
0x37d: {  	[tilespmem:s13+$0x0] =	vst.msk vm3, v17  }
0x37e: {  	v17 =	vld [tilespmem:s3+$0xFFFFFFD0];
	_ =	sdelay $0x4  }
0x37f: {  	vm3 =	vge.f32 v17, v15  }
0x380: {  	vm3 =	vmand vm2, vm3  }
0x381: {  	v19 =	vmpcnt.ones.xlane vm3  }
0x382: {  	s9 =	spop (v2sf)  }
0x383: {  	v20 =	vadd.s32 v18, v19;
	s9 =	scvt.f32.s32 s9  }
0x384: {  	vm10 =	vlt.s32 v20, $0x11  }
0x385: {  	vm3 =	vmand vm3, vm10;
	v19 =	vnsel vm10, $0x0, v19;
	s9 =	sadd.s32 $0x1800, s9  }
0x386: {  	v18 =	vadd.s32 v18, v19;
	[tilespmem:s9+$0x6480] =	vst.msk vm3, v17;
	v17 =	vor.u32 v8, v16  }
0x387: {  	[tilespmem:s9+$0x8500] =	vst.msk vm3, v17;
	v17 =	vcvt.s32.f32 v18  }
0x388: {  	v19 =	vld [tilespmem:s3+$0xFFFFFFE0]  }
0x389: {  	(xrf0) =	vmax.scan.msk.f32 $0xffff, v17;
	_ =	sdelay $0x3  }
0x38a: {  	vm3 =	vge.f32 v19, v15  }
0x38b: {  	vm3 =	vmand vm2, vm3  }
0x38c: {  	v17 =	vmpcnt.ones.xlane vm3;
	v56, _, _ =	vpop (xrf0)  }
0x38d: {  	(v2sf) =	vpush v56, $0xF  }
0x38e: {  	v57 =	vadd.s32 v17, v18  }
0x38f: {  	vm11 =	vlt.s32 v57, $0x11  }
0x390: {  	v17 =	vnsel vm11, $0x0, v17  }
0x391: {  	v17 =	vadd.s32 v18, v17  }
0x392: {  	v18 =	vcvt.s32.f32 v17;
	_ =	sdelay $0x1  }
0x393: {  	(xrf0) =	vmax.scan.msk.f32 $0xffff, v18;
	_ =	sdelay $0x5  }
0x394: {  	v18, _, _ =	vpop (xrf0)  }
0x395: {  	(v2sf) =	vpush v18, $0xF  }
0x396: {  	s21 =	spop (v2sf)  }
0x397: {  	s9 =	scvt.f32.s32 s21;
	_ =	sdelay $0x1  }
0x398: {  	vm3 =	vmand vm3, vm11;
	s9 =	sadd.s32 $0x1800, s9  }
0x399: {  	v18 =	vor.u32 v9, v16;
	[tilespmem:s9+$0x6480] =	vst.msk vm3, v19  }
0x39a: {  	[tilespmem:s9+$0x8500] =	vst.msk vm3, v18  }
0x39b: {  	v18 =	vld [tilespmem:s3+$0xFFFFFFF0];
	_ =	sdelay $0x4  }
0x39c: {  	vm3 =	vge.f32 v18, v15  }
0x39d: {  	vm3 =	vmand vm2, vm3  }
0x39e: {  	v19 =	vmpcnt.ones.xlane vm3  }
0x39f: {  	s25 =	spop (v2sf)  }
0x3a0: {  	v58 =	vadd.s32 v19, v17;
	s9 =	scvt.f32.s32 s25  }
0x3a1: {  	vm12 =	vlt.s32 v58, $0x11  }
0x3a2: {  	vm3 =	vmand vm3, vm12;
	v19 =	vnsel vm12, $0x0, v19;
	s9 =	sadd.s32 $0x1800, s9  }
0x3a3: {  	[tilespmem:s9+$0x6480] =	vst.msk vm3, v18;
	v18 =	vor.u32 v10, v16;
	v17 =	vadd.s32 v17, v19  }
0x3a4: {  	[tilespmem:s9+$0x8500] =	vst.msk vm3, v18;
	v18 =	vcvt.s32.f32 v17  }
0x3a5: {  	v19 =	vld [tilespmem:s3+$0x0]  }
0x3a6: {  	(xrf0) =	vmax.scan.msk.f32 $0xffff, v18;
	_ =	sdelay $0x3  }
0x3a7: {  	vm3 =	vge.f32 v19, v15  }
0x3a8: {  	vm3 =	vmand vm2, vm3  }
0x3a9: {  	v18 =	vmpcnt.ones.xlane vm3;
	v59, _, _ =	vpop (xrf0)  }
0x3aa: {  	(v2sf) =	vpush v59, $0xF  }
0x3ab: {  	v60 =	vadd.s32 v18, v17  }
0x3ac: {  	vm13 =	vlt.s32 v60, $0x11  }
0x3ad: {  	v18 =	vnsel vm13, $0x0, v18  }
0x3ae: {  	v17 =	vadd.s32 v17, v18  }
0x3af: {  	v18 =	vcvt.s32.f32 v17;
	_ =	sdelay $0x1  }
0x3b0: {  	(xrf0) =	vmax.scan.msk.f32 $0xffff, v18;
	_ =	sdelay $0x5  }
0x3b1: {  	v18, _, _ =	vpop (xrf0)  }
0x3b2: {  	(v2sf) =	vpush v18, $0xF  }
0x3b3: {  	s21 =	spop (v2sf)  }
0x3b4: {  	s9 =	scvt.f32.s32 s21;
	_ =	sdelay $0x1  }
0x3b5: {  	vm3 =	vmand vm3, vm13;
	s9 =	sadd.s32 $0x1800, s9  }
0x3b6: {  	v18 =	vor.u32 v11, v16;
	[tilespmem:s9+$0x6480] =	vst.msk vm3, v19  }
0x3b7: {  	[tilespmem:s9+$0x8500] =	vst.msk vm3, v18  }
0x3b8: {  	v18 =	vld [tilespmem:s3+$0x10];
	_ =	sdelay $0x4  }
0x3b9: {  	vm3 =	vge.f32 v18, v15  }
0x3ba: {  	vm3 =	vmand vm2, vm3  }
0x3bb: {  	v19 =	vmpcnt.ones.xlane vm3  }
0x3bc: {  	s25 =	spop (v2sf)  }
0x3bd: {  	v61 =	vadd.s32 v19, v17;
	s9 =	scvt.f32.s32 s25  }
0x3be: {  	vm14 =	vlt.s32 v61, $0x11  }
0x3bf: {  	vm3 =	vmand vm3, vm14;
	v19 =	vnsel vm14, $0x0, v19;
	s9 =	sadd.s32 $0x1800, s9  }
0x3c0: {  	[tilespmem:s9+$0x6480] =	vst.msk vm3, v18;
	v18 =	vor.u32 v12, v16;
	v17 =	vadd.s32 v17, v19  }
0x3c1: {  	[tilespmem:s9+$0x8500] =	vst.msk vm3, v18;
	v18 =	vcvt.s32.f32 v17  }
0x3c2: {  	v19 =	vld [tilespmem:s3+$0x20]  }
0x3c3: {  	(xrf0) =	vmax.scan.msk.f32 $0xffff, v18;
	_ =	sdelay $0x3  }
0x3c4: {  	vm3 =	vge.f32 v19, v15  }
0x3c5: {  	vm3 =	vmand vm2, vm3  }
0x3c6: {  	v18 =	vmpcnt.ones.xlane vm3;
	v62, _, _ =	vpop (xrf0)  }
0x3c7: {  	(v2sf) =	vpush v62, $0xF  }
0x3c8: {  	v63 =	vadd.s32 v18, v17  }
0x3c9: {  	vm15 =	vlt.s32 v63, $0x11  }
0x3ca: {  	v18 =	vnsel vm15, $0x0, v18  }
0x3cb: {  	v17 =	vadd.s32 v17, v18  }
0x3cc: {  	v18 =	vcvt.s32.f32 v17;
	_ =	sdelay $0x1  }
0x3cd: {  	(xrf0) =	vmax.scan.msk.f32 $0xffff, v18;
	_ =	sdelay $0x5  }
0x3ce: {  	v18, _, _ =	vpop (xrf0)  }
0x3cf: {  	(v2sf) =	vpush v18, $0xF  }
0x3d0: {  	s21 =	spop (v2sf)  }
0x3d1: {  	s9 =	scvt.f32.s32 s21;
	_ =	sdelay $0x1  }
0x3d2: {  	vm3 =	vmand vm3, vm15;
	s9 =	sadd.s32 $0x1800, s9  }
0x3d3: {  	v18 =	vor.u32 v13, v16;
	[tilespmem:s9+$0x6480] =	vst.msk vm3, v19  }
0x3d4: {  	[tilespmem:s9+$0x8500] =	vst.msk vm3, v18  }
0x3d5: {  	v18 =	vld [tilespmem:s3+$0x30];
	_ =	sdelay $0x4  }
0x3d6: {  	vm3 =	vge.f32 v18, v15  }
0x3d7: {  	vm2 =	vmand vm2, vm3  }
0x3d8: {  	v19 =	vmpcnt.ones.xlane vm2  }
0x3d9: {  	s25 =	spop (v2sf)  }
0x3da: {  	v17 =	vadd.s32 v19, v17;
	s3 =	scvt.f32.s32 s25  }
0x3db: {  	vm3 =	vlt.s32 v17, $0x11  }
0x3dc: {  	s9 =	smov.u32 s10;
	vm2 =	vmand vm2, vm3;
	s21 =	sadd.s32 $0x1800, s3  }
0x3dd: {  	v16 =	vor.u32 v14, v16;
	s10 =	smov.u32 s13;
	s25 =	simm.s32 $0x2540;
	s3 =	simm.s32 $0x1810;
	[tilespmem:s21+$0x6480] =	vst.msk vm2, v18  }
.LBB2_21:
0x3de: {  	[tilespmem:s21+$0x8500] =	vst.msk vm2, v16;
	s26 =	sadd.s32 $0x1, s26;
	s9 =	sadd.s32 $0x10, s9;
	s10 =	sadd.s32 $0x10, s10  }
0x3df: {  	p0 =	sne.s32 s3, $0x1FF0;
	s21 =	smov.u32 s3;
	s3 =	sadd.s32 $0x10, s3;
	v17 =	vld [tilespmem:s25+$0xFFFFFFC0]  }
0x3e0: {  	_ =	sdelay $0x2  }
0x3e1: {  	vm2 =	vmmov vm1;
	p1 =	slt.s32 s26, s0  }
0x3e2: {  	vm2 =	vmneg @p1 vm2;
	vm3 =	vge.f32 v17, v15  }
0x3e3: {  	vm3 =	vmand vm2, vm3  }
0x3e4: {  	v16 =	vmpcnt.ones.xlane vm3;
	_ =	sdelay $0x1  }
0x3e5: {  	vm4 =	vlt.s32 v16, $0x11  }
0x3e6: {  	vm3 =	vmand vm3, vm4;
	v18 =	vnsel vm4, $0x0, v16  }
0x3e7: {  	v16 =	vcvt.s32.f32 v18;
	_ =	sdelay $0x1  }
0x3e8: {  	v19 =	vmov s26;
	(xrf0) =	vmax.scan.msk.f32 $0xffff, v16;
	_ =	sdelay $0x4  }
0x3e9: {  	v16 =	vld.idx.msk [tilespmem:v19+s24+$0x0], $0xffff  }
0x3ea: {  	v19, _, _ =	vpop (xrf0)  }
0x3eb: {  	(v2sf) =	vpush v19, $0xF;
	_ =	sdelay $0x3  }
0x3ec: {  	v16 =	vshll.u32 v16, $0x7  }
0x3ed: {  	[tilespmem:s9+$0x0] =	vst.msk vm3, v17;
	v17 =	vor.u32 v4, v16  }
0x3ee: {  	[tilespmem:s10+$0x0] =	vst.msk vm3, v17  }
0x3ef: {  	v17 =	vld [tilespmem:s25+$0xFFFFFFD0];
	_ =	sdelay $0x4  }
0x3f0: {  	vm3 =	vge.f32 v17, v15  }
0x3f1: {  	vm3 =	vmand vm2, vm3  }
0x3f2: {  	v19 =	vmpcnt.ones.xlane vm3  }
0x3f3: {  	s13 =	spop (v2sf)  }
0x3f4: {  	v20 =	vadd.s32 v18, v19;
	s13 =	scvt.f32.s32 s13  }
0x3f5: {  	vm4 =	vlt.s32 v20, $0x11  }
0x3f6: {  	vm3 =	vmand vm3, vm4;
	v19 =	vnsel vm4, $0x0, v19;
	s13 =	sadd.s32 s13, s21  }
0x3f7: {  	[tilespmem:s13+$0x6480] =	vst.msk vm3, v17;
	v17 =	vor.u32 v8, v16;
	v18 =	vadd.s32 v18, v19  }
0x3f8: {  	[tilespmem:s13+$0x8500] =	vst.msk vm3, v17;
	v17 =	vcvt.s32.f32 v18  }
0x3f9: {  	v19 =	vld [tilespmem:s25+$0xFFFFFFE0]  }
0x3fa: {  	(xrf0) =	vmax.scan.msk.f32 $0xffff, v17;
	_ =	sdelay $0x3  }
0x3fb: {  	vm3 =	vge.f32 v19, v15  }
0x3fc: {  	vm3 =	vmand vm2, vm3  }
0x3fd: {  	v17 =	vmpcnt.ones.xlane vm3;
	v20, _, _ =	vpop (xrf0)  }
0x3fe: {  	(v2sf) =	vpush v20, $0xF  }
0x3ff: {  	v20 =	vadd.s32 v17, v18  }
0x400: {  	vm4 =	vlt.s32 v20, $0x11  }
0x401: {  	v17 =	vnsel vm4, $0x0, v17  }
0x402: {  	v17 =	vadd.s32 v18, v17  }
0x403: {  	v18 =	vcvt.s32.f32 v17;
	_ =	sdelay $0x1  }
0x404: {  	(xrf0) =	vmax.scan.msk.f32 $0xffff, v18;
	_ =	sdelay $0x5  }
0x405: {  	v18, _, _ =	vpop (xrf0)  }
0x406: {  	(v2sf) =	vpush v18, $0xF  }
0x407: {  	s13 =	spop (v2sf)  }
0x408: {  	s13 =	scvt.f32.s32 s13;
	_ =	sdelay $0x1  }
0x409: {  	vm3 =	vmand vm3, vm4;
	s13 =	sadd.s32 s13, s21  }
0x40a: {  	v18 =	vor.u32 v9, v16;
	[tilespmem:s13+$0x6480] =	vst.msk vm3, v19  }
0x40b: {  	[tilespmem:s13+$0x8500] =	vst.msk vm3, v18  }
0x40c: {  	v18 =	vld [tilespmem:s25+$0xFFFFFFF0];
	_ =	sdelay $0x4  }
0x40d: {  	vm3 =	vge.f32 v18, v15  }
0x40e: {  	vm3 =	vmand vm2, vm3  }
0x40f: {  	v19 =	vmpcnt.ones.xlane vm3  }
0x410: {  	s13 =	spop (v2sf)  }
0x411: {  	v20 =	vadd.s32 v19, v17;
	s13 =	scvt.f32.s32 s13  }
0x412: {  	vm4 =	vlt.s32 v20, $0x11  }
0x413: {  	vm3 =	vmand vm3, vm4;
	v19 =	vnsel vm4, $0x0, v19;
	s13 =	sadd.s32 s13, s21  }
0x414: {  	[tilespmem:s13+$0x6480] =	vst.msk vm3, v18;
	v18 =	vor.u32 v10, v16;
	v17 =	vadd.s32 v17, v19  }
0x415: {  	[tilespmem:s13+$0x8500] =	vst.msk vm3, v18;
	v18 =	vcvt.s32.f32 v17  }
0x416: {  	v19 =	vld [tilespmem:s25+$0x0]  }
0x417: {  	(xrf0) =	vmax.scan.msk.f32 $0xffff, v18;
	_ =	sdelay $0x3  }
0x418: {  	vm3 =	vge.f32 v19, v15  }
0x419: {  	vm3 =	vmand vm2, vm3  }
0x41a: {  	v18 =	vmpcnt.ones.xlane vm3;
	v20, _, _ =	vpop (xrf0)  }
0x41b: {  	(v2sf) =	vpush v20, $0xF  }
0x41c: {  	v20 =	vadd.s32 v18, v17  }
0x41d: {  	vm4 =	vlt.s32 v20, $0x11  }
0x41e: {  	v18 =	vnsel vm4, $0x0, v18  }
0x41f: {  	v17 =	vadd.s32 v17, v18  }
0x420: {  	v18 =	vcvt.s32.f32 v17;
	_ =	sdelay $0x1  }
0x421: {  	(xrf0) =	vmax.scan.msk.f32 $0xffff, v18;
	_ =	sdelay $0x5  }
0x422: {  	v18, _, _ =	vpop (xrf0)  }
0x423: {  	(v2sf) =	vpush v18, $0xF  }
0x424: {  	s13 =	spop (v2sf)  }
0x425: {  	s13 =	scvt.f32.s32 s13;
	_ =	sdelay $0x1  }
0x426: {  	vm3 =	vmand vm3, vm4;
	s13 =	sadd.s32 s13, s21  }
0x427: {  	v18 =	vor.u32 v11, v16;
	[tilespmem:s13+$0x6480] =	vst.msk vm3, v19  }
0x428: {  	[tilespmem:s13+$0x8500] =	vst.msk vm3, v18  }
0x429: {  	v18 =	vld [tilespmem:s25+$0x10];
	_ =	sdelay $0x4  }
0x42a: {  	vm3 =	vge.f32 v18, v15  }
0x42b: {  	vm3 =	vmand vm2, vm3  }
0x42c: {  	v19 =	vmpcnt.ones.xlane vm3  }
0x42d: {  	s13 =	spop (v2sf)  }
0x42e: {  	v20 =	vadd.s32 v19, v17;
	s13 =	scvt.f32.s32 s13  }
0x42f: {  	vm4 =	vlt.s32 v20, $0x11  }
0x430: {  	vm3 =	vmand vm3, vm4;
	v19 =	vnsel vm4, $0x0, v19;
	s13 =	sadd.s32 s13, s21  }
0x431: {  	[tilespmem:s13+$0x6480] =	vst.msk vm3, v18;
	v18 =	vor.u32 v12, v16;
	v17 =	vadd.s32 v17, v19  }
0x432: {  	[tilespmem:s13+$0x8500] =	vst.msk vm3, v18;
	v18 =	vcvt.s32.f32 v17  }
0x433: {  	v19 =	vld [tilespmem:s25+$0x20]  }
0x434: {  	(xrf0) =	vmax.scan.msk.f32 $0xffff, v18;
	_ =	sdelay $0x3  }
0x435: {  	vm3 =	vge.f32 v19, v15  }
0x436: {  	vm3 =	vmand vm2, vm3  }
0x437: {  	v18 =	vmpcnt.ones.xlane vm3;
	v20, _, _ =	vpop (xrf0)  }
0x438: {  	(v2sf) =	vpush v20, $0xF  }
0x439: {  	v20 =	vadd.s32 v18, v17  }
0x43a: {  	vm4 =	vlt.s32 v20, $0x11  }
0x43b: {  	v18 =	vnsel vm4, $0x0, v18  }
0x43c: {  	v17 =	vadd.s32 v17, v18  }
0x43d: {  	v18 =	vcvt.s32.f32 v17;
	_ =	sdelay $0x1  }
0x43e: {  	(xrf0) =	vmax.scan.msk.f32 $0xffff, v18;
	_ =	sdelay $0x5  }
0x43f: {  	v18, _, _ =	vpop (xrf0)  }
0x440: {  	(v2sf) =	vpush v18, $0xF  }
0x441: {  	s13 =	spop (v2sf)  }
0x442: {  	s13 =	scvt.f32.s32 s13;
	_ =	sdelay $0x1  }
0x443: {  	vm3 =	vmand vm3, vm4;
	s13 =	sadd.s32 s13, s21  }
0x444: {  	v18 =	vor.u32 v13, v16;
	[tilespmem:s13+$0x6480] =	vst.msk vm3, v19  }
0x445: {  	[tilespmem:s13+$0x8500] =	vst.msk vm3, v18  }
0x446: {  	v18 =	vld [tilespmem:s25+$0x30];
	_ =	sdelay $0x4  }
0x447: {  	vm3 =	vge.f32 v18, v15  }
0x448: {  	vm2 =	vmand vm2, vm3  }
0x449: {  	v19 =	vmpcnt.ones.xlane vm2  }
.Ltmp14:
0x44a: {  	s13 =	spop (v2sf);
	(pc) =	sbr.rel @p0 .LBB2_21-.Ltmp14, $4  }
0x44b: {  	v17 =	vadd.s32 v19, v17;
	s13 =	scvt.f32.s32 s13  }
0x44c: {  	vm3 =	vlt.s32 v17, $0x11  }
0x44d: {  	vm2 =	vmand vm2, vm3;
	s21 =	sadd.s32 s13, s21  }
0x44e: {  	v16 =	vor.u32 v14, v16;
	s25 =	sadd.s32 $0x80, s25;
	[tilespmem:s21+$0x6480] =	vst.msk vm2, v18  }
0x44f: {  	[tilespmem:s21+$0x8500] =	vst.msk vm2, v16  }
.LBB2_23:
0x450: {  	s3 =	smin.u32 s0, $0x200  }
0x451: {  	p1 =	sne.s32 s3, $0x1  }
.Ltmp15:
0x452: {  	_ = 	snop;
	(pc) =	sbr.rel @!p1 .LBB2_24-.Ltmp15, $4  }
0x453: {  	_ = 	snop  }
0x454: {  	s26 =	simm.s32 $0x8500  }
0x455: {  	s10 =	simm.s32 $0x6480;
	v15 =	vld [tilespmem:s26+$0x0]  }
0x456: {  	s0 =	simm.s32 $0x0;
	p0 =	por $0x0, $0x0;
	s9 =	sadd.s32 $0xFFFFFFFF, s3;
	v16 =	vld [tilespmem:s10+$0x0]  }
0x457: {  	_ =	sdelay $0x3  }
0x458: {  	p0 =	por $0x1, $0x1;
	vm4 =	vmmov vm1;
	vm2 =	vlt.f32 v16, $-Inf;
	vm3 =	vgt.f32 v16, $-Inf  }
0x459: {  	vm4 =	vmneg @p0 vm4;
	vm2 =	vmor vm3, vm2  }
0x45a: {  	vm2 =	vmand vm4, vm2  }
0x45b: {  	v17 =	vmpcnt.ones.xlane vm2;
	_ =	sdelay $0x1  }
0x45c: {  	v17 =	vcvt.s32.f32 v17;
	_ =	sdelay $0x1  }
0x45d: {  	(xrf0) =	vmax.scan.msk.f32 $0xffff, v17;
	_ =	sdelay $0x5  }
0x45e: {  	v17, _, _ =	vpop (xrf0)  }
0x45f: {  	(v2sf) =	vpush v17, $0xF;
	_ =	sdelay $0xa  }
0x460: {  	p1 =	sne.s32 s9, $0x1  }
.Ltmp16:
0x461: {  	[tilespmem:s0+$0xA580] =	vst.msk vm2, v16;
	(pc) =	sbr.rel @!p1 .LBB2_26-.Ltmp16, $4  }
0x462: {  	s21 =	simm.s32 $0x6490;
	[tilespmem:s0+$0xAA00] =	vst.msk vm2, v15  }
0x463: {  	v16 =	vld [tilespmem:s21+$0x0]  }
0x464: {  	s3 =	simm.s32 $0x8510;
	s9 =	sadd.s32 $0xFFFFFFFF, s9;
	s10 =	spop (v2sf)  }
0x465: {  	p0 =	por $0x1, $0x1;
	v15 =	vld [tilespmem:s3+$0x0];
	s25 =	scvt.f32.s32 s10;
	s10 =	simm.s32 $0x0  }
.LBB2_27:
0x466: {  	_ =	sdelay $0x1  }
0x467: {  	p1 =	sne.s32 s9, $0x1;
	s9 =	sadd.s32 $0xFFFFFFFF, s9;
	s10 =	sadd.s32 s25, s10;
	vm2 =	vlt.f32 v16, $-Inf;
	vm3 =	vgt.f32 v16, $-Inf  }
0x468: {  	p2 =	slt.s32 s10, $0x3F0;
	vm2 =	vmor vm3, vm2;
	vm3 =	vmmov vm1  }
0x469: {  	vm3 =	vmneg @p2 vm3  }
0x46a: {  	vm2 =	vmand vm3, vm2  }
0x46b: {  	[tilespmem:s10+$0xA580] =	vst.msk vm2, v16;
	v16 =	vmpcnt.ones.xlane vm2  }
0x46c: {  	s3 =	sadd.s32 $0x10, s3;
	[tilespmem:s10+$0xAA00] =	vst.msk vm2, v15  }
0x46d: {  	v15 =	vld [tilespmem:s3+$0x0];
	v16 =	vcvt.s32.f32 v16;
	_ =	sdelay $0x1  }
0x46e: {  	(xrf0) =	vmax.scan.msk.f32 $0xffff, v16;
	_ =	sdelay $0x5  }
0x46f: {  	v16, _, _ =	vpop (xrf0)  }
0x470: {  	(v2sf) =	vpush v16, $0xF;
	_ =	sdelay $0xb  }
.Ltmp17:
0x471: {  	(pc) =	sbr.rel @p1 .LBB2_27-.Ltmp17, $4  }
0x472: {  	s21 =	sadd.s32 $0x10, s21  }
0x473: {  	v16 =	vld [tilespmem:s21+$0x0]  }
0x474: {  	s13 =	spop (v2sf)  }
0x475: {  	s25 =	scvt.f32.s32 s13  }
.LBB2_28:
0x476: {  	_ = 	snop  }
0x477: {  	s3 =	sadd.s32 @p0 s25, s10  }
0x478: {  	s0 =	smov.u32 @p0 s3  }
0x479: {  	vm4 =	vmmov vm1;
	vm2 =	vlt.f32 v16, $-Inf;
	vm3 =	vgt.f32 v16, $-Inf;
	p0 =	slt.s32 s0, $0x3F0  }
0x47a: {  	vm2 =	vmor vm3, vm2;
	vm4 =	vmneg @p0 vm4  }
0x47b: {  	vm2 =	vmand vm4, vm2  }
0x47c: {  	v17 =	vmpcnt.ones.xlane vm2;
	_ =	sdelay $0x1  }
0x47d: {  	v17 =	vcvt.s32.f32 v17;
	_ =	sdelay $0x1  }
0x47e: {  	(xrf0) =	vmax.scan.msk.f32 $0xffff, v17;
	_ =	sdelay $0x5  }
0x47f: {  	v17, _, _ =	vpop (xrf0)  }
0x480: {  	(v2sf) =	vpush v17, $0xF;
	_ =	sdelay $0xe  }
0x481: {  	s26 =	spop (v2sf)  }
0x482: {  	s3 =	scvt.f32.s32 s26;
	_ =	sdelay $0x1  }
0x483: {  	s3 =	sadd.s32 s3, s0  }
0x484: {  	[tilespmem:s0+$0xA580] =	vst.msk vm2, v16;
	s3 =	sadd.s32 $0xF, s3  }
0x485: {  	[tilespmem:s0+$0xAA00] =	vst.msk vm2, v15;
	s3 =	sshra.s32 s3, $0x4  }
.LBB2_29:
.Ltmp18:
0x486: {  	(pc) =	sbr.rel .LBB2_30-.Ltmp18, $2  }
0x487: {  	_ =	sdelay $0x2  }
0x488: {  	p0 =	slt.s32 s3, $0x1  }
.LBB2_40:
0x489: {  	vm2 =	veq.f32 v17, v15;
	vm3 =	veq.s32 v18, v16  }
0x48a: {  	vm2 =	vmand vm2, vm3  }
0x48b: {  	v15 =	vsel vm2, $0xFF800000, v17  }
0x48c: {  	[tilespmem:s0+$0x0] =	vst v15  }
.LBB2_41:
0x48d: {  	s28 =	sadd.s32 $0x1, s28  }
0x48e: {  	p1 =	sne.s32 s28, $0x64  }
.Ltmp19:
0x48f: {  	_ = 	snop;
	(pc) =	sbr.rel @!p1 .LBB2_42-.Ltmp19, $1  }
0x490: {  	_ =	sdelay $0x3  }
.LBB2_30:
.Ltmp20:
0x491: {  	(pc) =	sbr.rel @p0 .LBB2_31-.Ltmp20, $1  }
0x492: {  	_ =	sdelay $0x3  }
0x493: {  	p1 =	sne.s32 s3, $0x1  }
.Ltmp21:
0x494: {  	_ = 	snop;
	(pc) =	sbr.rel @!p1 .LBB2_34-.Ltmp21, $3  }
0x495: {  	_ =	sdelay $0x1  }
0x496: {  	s0 =	simm.s32 $0xA580  }
0x497: {  	v15 =	vimm.f32 $-Inf;
	s9 =	sadd.s32 $0xFFFFFFFF, s3;
	s10 =	simm.s32 $0xA580;
	v16 =	vld [tilespmem:s0+$0x0]  }
.LBB2_33:
0x498: {  	p2 =	sne.s32 s9, $0x1  }
.Ltmp22:
0x499: {  	_ = 	snop;
	(pc) =	sbr.rel @p2 .LBB2_33-.Ltmp22, $3  }
0x49a: {  	_ =	sdelay $0x1  }
0x49b: {  	s9 =	sadd.s32 $0xFFFFFFFF, s9;
	s10 =	sadd.s32 $0x10, s10;
	v15 =	vmax.f32 v15, v16  }
0x49c: {  	v16 =	vld [tilespmem:s10+$0x0]  }
.LBB2_34:
0x49d: {  	_ =	sdelay $0x3  }
0x49e: {  	v15 =	vmax.f32 v15, v16  }
0x49f: {  	(xrf0) =	vmax.scan.msk.f32 $0xffff, v15;
	_ =	sdelay $0x1  }
0x4a0: {  	s9 =	simm.s32 $0xAA00  }
0x4a1: {  	v18 =	vld [tilespmem:s9+$0x0]  }
.Ltmp23:
0x4a2: {  	v17 =	vld [tilespmem:s0+$0x0];
	(pc) =	sbr.rel @!p1 .LBB2_36-.Ltmp23, $4  }
0x4a3: {  	_ = 	snop  }
0x4a4: {  	v15, _, _ =	vpop (xrf0)  }
0x4a5: {  	v15 =	vbroadcast v15, $0xF  }
0x4a6: {  	s10 =	simm.s32 $0xAA10;
	s9 =	sadd.s32 $0xFFFFFFFF, s3;
	v16 =	vimm.f32 $1.073741820e+09;
	v18 =	vcvt.s32.f32 v18  }
.LBB2_35:
0x4a7: {  	v19 =	vld [tilespmem:s10+$0x0];
	p1 =	sne.s32 s9, $0x1;
	s9 =	sadd.s32 $0xFFFFFFFF, s9;
	vm2 =	veq.f32 v17, v15;
	s0 =	sadd.s32 $0x10, s0  }
.Ltmp24:
0x4a8: {  	v17 =	vld [tilespmem:s0+$0x0];
	v18 =	vnsel vm2, $0x4E800000, v18;
	(pc) =	sbr.rel @p1 .LBB2_35-.Ltmp24, $2  }
0x4a9: {  	v16 =	vmin.f32 v16, v18;
	_ =	sdelay $0x2  }
0x4aa: {  	s10 =	sadd.s32 $0x10, s10;
	v18 =	vcvt.s32.f32 v19  }
.LBB2_36:
.Ltmp25:
0x4ab: {  	(pc) =	sbr.rel .LBB2_37-.Ltmp25, $4  }
0x4ac: {  	_ = 	snop  }
0x4ad: {  	vm2 =	veq.f32 v17, v15  }
0x4ae: {  	v17 =	vnsel vm2, $0x4E800000, v18  }
0x4af: {  	v16 =	vmin.f32 v16, v17  }
.LBB2_31:
0x4b0: {  	v16 =	vimm.f32 $1.073741820e+09;
	v15 =	vmov v5  }
.LBB2_37:
0x4b1: {  	(xrf0) =	vmin.scan.msk.f32 $0xffff, v16;
	_ =	sdelay $0x5  }
0x4b2: {  	v16, _, _ =	vpop (xrf0)  }
0x4b3: {  	(v2sf) =	vpush v16, $0xF;
	_ =	sdelay $0xa  }
0x4b4: {  	s0 =	sand.u32 $0x70, s28  }
0x4b5: {  	v16 =	vld [tilespmem:s0+$0xAE80]  }
0x4b6: {  	v17 =	vld [tilespmem:s0+$0xAF00]  }
0x4b7: {  	s9 =	sand.u32 $0xF, s28  }
.Ltmp26:
0x4b8: {  	v18 =	vmov s9;
	s10 =	spop (v2sf);
	(pc) =	sbr.rel @p0 .LBB2_41-.Ltmp26, $4  }
0x4b9: {  	vm2 =	veq.s32 v18, v4;
	s10 =	scvt.f32.s32 s10  }
0x4ba: {  	v16 =	vsel vm2, v15, v16  }
0x4bb: {  	[tilespmem:s0+$0xAE80] =	vst v16;
	v16 =	vsel vm2, s10, v17  }
0x4bc: {  	[tilespmem:s0+$0xAF00] =	vst v16  }
0x4bd: {  	s0 =	simm.s32 $0xA580  }
0x4be: {  	s9 =	simm.s32 $0xAA00;
	p1 =	sne.s32 s3, $0x1;
	v17 =	vld [tilespmem:s0+$0x0]  }
.Ltmp27:
0x4bf: {  	v18 =	vld [tilespmem:s9+$0x0];
	(pc) =	sbr.rel @!p1 .LBB2_40-.Ltmp27, $2  }
0x4c0: {  	_ =	sdelay $0x2  }
0x4c1: {  	v16 =	vmov s10;
	s10 =	sadd.s32 $0xFFFFFFFF, s3  }
.LBB2_39:
0x4c2: {  	p1 =	sne.s32 s10, $0x1;
	_ =	sdelay $0x3  }
0x4c3: {  	vm2 =	veq.f32 v17, v15;
	vm3 =	veq.s32 v18, v16  }
.Ltmp28:
0x4c4: {  	vm2 =	vmand vm2, vm3;
	(pc) =	sbr.rel @p1 .LBB2_39-.Ltmp28, $4  }
0x4c5: {  	v17 =	vsel vm2, $0xFF800000, v17  }
0x4c6: {  	[tilespmem:s0+$0x0] =	vst v17;
	s0 =	sadd.s32 $0x10, s0  }
0x4c7: {  	s9 =	sadd.s32 $0x10, s9;
	v17 =	vld [tilespmem:s0+$0x0]  }
0x4c8: {  	s10 =	sadd.s32 $0xFFFFFFFF, s10;
	v18 =	vld [tilespmem:s9+$0x0]  }
.Ltmp29:
0x4c9: {  	_ = 	snop;
	(pc) =	sbr.rel .LBB2_40-.Ltmp29, $1  }
0x4ca: {  	_ =	sdelay $0x3  }
.LBB2_24:
.Ltmp30:
0x4cb: {  	(pc) =	sbr.rel .LBB2_28-.Ltmp30, $2  }
0x4cc: {  	_ =	sdelay $0x2  }
0x4cd: {  	s10 =	simm.s32 $0x0  }
.LBB2_26:
.Ltmp31:
0x4ce: {  	(pc) =	sbr.rel .LBB2_28-.Ltmp31, $2  }
0x4cf: {  	_ =	sdelay $0x2  }
0x4d0: {  	s10 =	simm.s32 $0x0  }
.LBB2_43:
0x4d1: {  	_ =	sfence.sel $0x180000  }
0x4d2: {  	[bflag:$0x0] =	sbarrier.arrive $0xFFFF  }
0x4d3: {  	_ =	strace $0x90000047  }
0x4d4: {  	s0 =	stileid.u32;
	[bflag:$0x2] =	sbarrier.arrive $0xFFFF  }
0x4d5: {  	p0 =	sne.s32 s0, $0x0;
	s0 =	rddreg [dreg:$0x3]  }
0x4d6: {  	s0 =	sadd.s32 @!p0 $0x100000, s0  }
0x4d7: {  	[sflag:s0] =	ssyncadd.tile.s32 @!p0 $0x1;
	_ =	shalt  }
.Lfunc_end2:
_tile_overlayer_lowered:
.L_overlay_start_2:
0x4d8: {  	(tag) =	ssettag $0x2  }
0x4d9: {  	s0 =	rddreg [dreg:$0x0];
	s2 =	stileid.u32  }
0x4da: {  	s1 =	rddreg [dreg:$0x1];
	p0 =	sne.s32 s2, $0x0  }
0x4db: {  	s3 =	rddreg [dreg:$0x2];
	[bflag:$0x3] =	sbarrier.arrive $0xFFFF;
	s2 =	simm.s32 @!p0 $0x1C02  }
0x4dc: {  	[timem:s3], [sflag:s2] =	dma.local @!p0 [hbm:s0], s1  }
0x4dd: {  	s0 =	simm.s32 @!p0 $0x2  }
0x4de: {  	_ =	swait.ge @!p0 [sflag:s0], s1  }
0x4df: {  	s1 =	ssub.s32 @!p0 $0x0, s1;
	[sflag:s0] =	ssyncset.done @!p0 $0x0  }
0x4e0: {  	[sflag:s0] =	ssyncadd.s32 @!p0 s1  }
0x4e1: {  	[bflag:$0x3] =	sbarrier.arrive $0xFFFF  }
0x4e2: {  	_ =	shalt  }

</sc_bundles>
